<compile_context>
chip_gen: v7x
topology: tpu7x:2x2x1
jax: 0.10.2.dev20260603
libtpu: 0.0.44.dev20260713+nightly
codegen_flags: <defaults>
</compile_context>

<pallas_src>
import jax
import jax.numpy as jnp
from jax import lax
from jax.experimental import pallas as pl
from jax.experimental.pallas import tpu as pltpu
from jax.experimental.pallas import tpu_sc as plsc

N = 10000
E = 320000
D = 128
EPS = 1e-5

NC, NS = 2, 16
NW = NC * NS
K = 128
CH = 80
TE = K * CH
EP = NW * TE
NPAD = 10240
STRIPE = NPAD // NS
DUMMY = N
R = 4
CH0 = 80
CH1 = 80


def _sc_body(x_hbm, src_hbm, dst_hbm, zrow_hbm, z1d_hbm,
             agg_out, deg_out,
             agg_sh, sring, dring, rows_v, hist_v,
             gsem, ssem, isems, isemd):
    cid = lax.axis_index("c")
    sid = lax.axis_index("s")
    wid = cid * NS + sid
    chw = jnp.where(cid == 0, CH0, CH1)

    pltpu.sync_copy(z1d_hbm, hist_v)
    pltpu.sync_copy(zrow_hbm, rows_v.at[0])
    base = sid * STRIPE
    for k in range(STRIPE // K):
        pltpu.sync_copy(rows_v.at[0], agg_sh.at[pl.ds(base + k * K, K)])

    plsc.subcore_barrier()

    ones16 = jnp.ones((16,), jnp.float32)

    def stage(j, r):
        pltpu.async_copy(src_hbm.at[wid, j], sring.at[r], isems.at[r])
        pltpu.async_copy(dst_hbm.at[wid, j], dring.at[r], isemd.at[r])

    def iwait(r):
        pltpu.make_async_copy(src_hbm.at[wid, 0], sring.at[r],
                              isems.at[r]).wait()
        pltpu.make_async_copy(dst_hbm.at[wid, 0], dring.at[r],
                              isemd.at[r]).wait()

    def gather(r, b):
        pltpu.async_copy(x_hbm.at[sring.at[r]], rows_v.at[b], gsem.at[b])

    def gwait(b):
        pltpu.make_async_copy(x_hbm.at[sring.at[0]], rows_v.at[b],
                              gsem.at[b]).wait()

    def scat(r, b):
        pltpu.async_copy(rows_v.at[b], agg_sh.at[dring.at[r]], ssem.at[b],
                         add=True)

    def swait(b):
        pltpu.make_async_copy(rows_v.at[b], agg_sh.at[dring.at[0]],
                              ssem.at[b]).wait()

    def hist(r):
        for s in range(K // 16):
            idx = dring[r, pl.ds(s * 16, 16)]
            plsc.addupdate_scatter(hist_v, [lax.shift_right_logical(idx, 7),
                                            lax.bitwise_and(idx, 127)], ones16)

    for r in range(R):
        stage(r, r)
    iwait(0)
    gather(0, 0)
    iwait(1)
    gather(1, 1)

    def body(q, carry):
        for p in range(2):
            for b in range(2):
                u = 2 * p + b
                gwait(b)
                scat(u, b)
                hist(u)
            for b in range(2):
                u = 2 * p + b
                swait(b)
                stage(4 * q + u + 4, u)
                iwait((u + 2) % R)
                gather((u + 2) % R, b)
        return carry

    lax.fori_loop(0, (chw - 4) // 4, body, 0)

    for p in range(2):
        for b in range(2):
            u = 2 * p + b
            gwait(b)
            scat(u, b)
            hist(u)
        for b in range(2):
            swait(b)
            if p == 0:
                u = 2 * p + b
                iwait((u + 2) % R)
                gather((u + 2) % R, b)

    plsc.subcore_barrier()

    for k in range(STRIPE // K):
        pltpu.sync_copy(agg_sh.at[pl.ds(base + k * K, K)], rows_v.at[0])
        pltpu.sync_copy(rows_v.at[0], agg_out.at[cid, pl.ds(base + k * K, K)])
    pltpu.sync_copy(hist_v, deg_out.at[wid])


_sc_agg = pl.kernel(
    _sc_body,
    out_type=(jax.ShapeDtypeStruct((NC, NPAD, D), jnp.float32),
              jax.ShapeDtypeStruct((NW, NPAD // K, K), jnp.float32)),
    mesh=plsc.VectorSubcoreMesh(core_axis_name="c", subcore_axis_name="s",
                                num_cores=NC, num_subcores=NS),
    compiler_params=pltpu.CompilerParams(needs_layout_passes=False),
    scratch_types=[
        pltpu.VMEM_SHARED((NPAD, D), jnp.float32),
        pltpu.VMEM((R, K), jnp.int32),
        pltpu.VMEM((R, K), jnp.int32),
        pltpu.VMEM((2, K, D), jnp.float32),
        pltpu.VMEM((NPAD // K, K), jnp.float32),
        pltpu.SemaphoreType.DMA((2,)),
        pltpu.SemaphoreType.DMA((2,)),
        pltpu.SemaphoreType.DMA((R,)),
        pltpu.SemaphoreType.DMA((R,)),
    ],
)


def _finish_body(agg_ref, deg_ref, w_ref, out_ref):
    A = agg_ref[0, :N, :] + agg_ref[1, :N, :]
    d = jnp.sum(deg_ref[...], axis=0).reshape(NPAD)[:N]
    H = jnp.dot(A, w_ref[...], preferred_element_type=jnp.float32)
    G = H * (1.0 / jnp.maximum(d, 1.0))[:, None]
    mu = jnp.mean(G, axis=0, keepdims=True)
    var = jnp.mean((G - mu) ** 2, axis=0, keepdims=True)
    out_ref[...] = jnp.maximum((G - mu) * lax.rsqrt(var + EPS), 0.0)


_tc_finish = pl.pallas_call(
    _finish_body,
    out_shape=jax.ShapeDtypeStruct((N, D), jnp.float32),
)


def kernel(x, edge_index, W):
    src = edge_index[0]
    dst = edge_index[1]
    pad = EP - E
    pad_dst = DUMMY + jnp.arange(pad, dtype=jnp.int32) % (NPAD - N)
    pad_src = jnp.arange(pad, dtype=jnp.int32) % N
    srcf = jnp.concatenate([src, pad_src]).reshape(-1, K)
    dstf = jnp.concatenate([dst, pad_dst]).reshape(-1, K)

    def slabs(e):
        a = e[:NS * CH0].reshape(NS, CH0, K)
        b = e[NS * CH0:].reshape(NS, CH1, K)
        b = jnp.pad(b, ((0, 0), (0, CH0 - CH1), (0, 0)))
        return jnp.concatenate([a, b], axis=0)

    zrow = jnp.zeros((K, D), jnp.float32)
    z1d = jnp.zeros((NPAD // K, K), jnp.float32)
    agg, deg = _sc_agg(x, slabs(srcf), slabs(dstf), zrow, z1d)
    return _tc_finish(agg, deg, W)

# --- scband reference (transcript-rebuilt; emitter-appended) ---
"""Pipeline reference for scband-propagation-block-4243427689050 (READ-ONLY COPY).

The authoritative reference and input builder live on the scoring server;
editing this copy changes nothing except your own understanding.
"""

import jax, jax.numpy as jnp
import numpy as np

N_NODES = 10000
N_EDGES = 320000
D_IN = 128
D_OUT = 128
EPS = 1e-5


def setup_inputs(seed: int = 0) -> dict:
    key = jax.random.key(seed)
    k1, k2, k3 = jax.random.split(key, 3)
    x = jax.random.normal(k1, (N_NODES, D_IN), dtype=jnp.float32)
    edge_index = jax.random.randint(k2, (2, N_EDGES), 0, N_NODES, dtype=jnp.int32)
    W = jax.random.normal(k3, (D_IN, D_OUT), dtype=jnp.float32) / np.sqrt(D_IN)
    return {"x": x, "edge_index": edge_index, "W": W}


def reference(x, edge_index, W):
    # KernelPropagation: gather neighbor features, apply kernel weight,
    # aggregate (mean) onto destination nodes.
    src = edge_index[0]
    dst = edge_index[1]
    msgs = jnp.take(x, src, axis=0) @ W  # [E, D_OUT]
    agg = jax.ops.segment_sum(msgs, dst, num_segments=N_NODES)  # [N, D_OUT]
    deg = jax.ops.segment_sum(jnp.ones((msgs.shape[0],), jnp.float32), dst,
                              num_segments=N_NODES)
    agg = agg / jnp.clip(deg, 1.0)[:, None]
    # InstanceNorm (affine=False): per-channel normalization over points
    mean = jnp.mean(agg, axis=0, keepdims=True)
    var = jnp.var(agg, axis=0, keepdims=True)
    feat = (agg - mean) / jnp.sqrt(var + EPS)
    # activation = relu
    feat = jax.nn.relu(feat)
    return feat

if __name__ == "__main__":
    import jax
    _d = setup_inputs()
    print(jax.jit(kernel)(*tuple(_d.values())))

</pallas_src>

<mosaic_0001>
#map = affine_map<(d0, d1) -> (0, 0)>
#map1 = affine_map<(d0, d1) -> (0, 0, 0)>
module attributes {stable_mosaic.version = 14 : i64} {
  func.func @_sc_body(%arg0: i32, %arg1: i32, %arg2: memref<10000x128xf32, #tpu.memory_space<hbm>>, %arg3: memref<32x80x128xi32, #tpu.memory_space<hbm>>, %arg4: memref<32x80x128xi32, #tpu.memory_space<hbm>>, %arg5: memref<128x128xf32, #tpu.memory_space<hbm>>, %arg6: memref<80x128xf32, #tpu.memory_space<hbm>>, %arg7: memref<2x10240x128xf32, #tpu.memory_space<hbm>>, %arg8: memref<32x80x128xf32, #tpu.memory_space<hbm>>, %arg9: memref<10240x128xf32, #tpu.memory_space<vmem_shared>>, %arg10: memref<4x128xi32, #tpu.memory_space<vmem>>, %arg11: memref<4x128xi32, #tpu.memory_space<vmem>>, %arg12: memref<2x128x128xf32, #tpu.memory_space<vmem>>, %arg13: memref<80x128xf32, #tpu.memory_space<vmem>>, %arg14: memref<2x!tpu.dma_semaphore, #tpu.memory_space<semaphore_mem>>, %arg15: memref<2x!tpu.dma_semaphore, #tpu.memory_space<semaphore_mem>>, %arg16: memref<4x!tpu.dma_semaphore, #tpu.memory_space<semaphore_mem>>, %arg17: memref<4x!tpu.dma_semaphore, #tpu.memory_space<semaphore_mem>>) attributes {dimension_semantics = [#tpu.dimension_semantics<core_parallel>, #tpu.dimension_semantics<subcore_parallel>], iteration_bounds = array<i64: 2, 16>, scalar_prefetch = 0 : i64, scratch_operands = 9 : i64, tpu.core_type = #tpu.core_type<sc_vector_subcore>, window_params = [{transform_indices = #map}, {transform_indices = #map1}, {transform_indices = #map1}, {transform_indices = #map}, {transform_indices = #map}, {transform_indices = #map1}, {transform_indices = #map1}]} {
    %mul3A = arith.constant 16 : i32
    %mul3A_0 = arith.muli %arg0, %mul3A : i32
    %add3A = arith.addi %mul3A_0, %arg1 : i32
    %eq3A = arith.constant 0 : i32
    %eq3A_1 = arith.cmpi eq, %arg0, %eq3A : i32
    %jit3A = arith.constant 80 : i32
    %jit3A_2 = arith.constant 80 : i32
    %select_n3A = arith.select %eq3A_1, %jit3A, %jit3A_2 : i32
    "tpu.region"() ({
      %run_scoped3A_909 = tpu.sem_alloc : memref<!tpu.dma_semaphore, #tpu.memory_space<semaphore_mem>>
      tpu.enqueue_dma source(%arg6 : memref<80x128xf32, #tpu.memory_space<hbm>>) target(%arg13 : memref<80x128xf32, #tpu.memory_space<vmem>>) target_semaphore(%run_scoped3A_909 : memref<!tpu.dma_semaphore, #tpu.memory_space<semaphore_mem>>)
      tpu.wait_dma2 semaphore(%run_scoped3A_909 : memref<!tpu.dma_semaphore, #tpu.memory_space<semaphore_mem>>) src(%arg6 : memref<80x128xf32, #tpu.memory_space<hbm>>) dst(%arg13 : memref<80x128xf32, #tpu.memory_space<vmem>>)
      tpu.yield
    }) : () -> ()
    %run_scoped3A = arith.constant 0 : i32
    "tpu.region"() ({
      %run_scoped3A_909 = tpu.sem_alloc : memref<!tpu.dma_semaphore, #tpu.memory_space<semaphore_mem>>
      %dma_start3A_910 = arith.constant 0 : i32
      %dma_start3A_911 = arith.constant 0 : i32
      %dma_start3A_912 = tpu.memref_slice %arg12[%run_scoped3A, %dma_start3A_910, %dma_start3A_911] : memref<2x128x128xf32, #tpu.memory_space<vmem>> -> memref<1x128x128xf32, #tpu.memory_space<vmem>>
      %dma_start3A_913 = tpu.memref_squeeze %dma_start3A_912 : memref<1x128x128xf32, #tpu.memory_space<vmem>> -> memref<128x128xf32, #tpu.memory_space<vmem>>
      %dma_start3A_914 = arith.constant 0 : i32
      %dma_start3A_915 = arith.constant 0 : i32
      %dma_start3A_916 = tpu.memref_slice %arg12[%run_scoped3A, %dma_start3A_914, %dma_start3A_915] : memref<2x128x128xf32, #tpu.memory_space<vmem>> -> memref<1x128x128xf32, #tpu.memory_space<vmem>>
      %dma_start3A_917 = tpu.memref_squeeze %dma_start3A_916 : memref<1x128x128xf32, #tpu.memory_space<vmem>> -> memref<128x128xf32, #tpu.memory_space<vmem>>
      tpu.enqueue_dma source(%arg5 : memref<128x128xf32, #tpu.memory_space<hbm>>) target(%dma_start3A_917 : memref<128x128xf32, #tpu.memory_space<vmem>>) target_semaphore(%run_scoped3A_909 : memref<!tpu.dma_semaphore, #tpu.memory_space<semaphore_mem>>)
      %dma_wait3A_918 = arith.constant 0 : i32
      %dma_wait3A_919 = arith.constant 0 : i32
      %dma_wait3A_920 = tpu.memref_slice %arg12[%run_scoped3A, %dma_wait3A_918, %dma_wait3A_919] : memref<2x128x128xf32, #tpu.memory_space<vmem>> -> memref<1x128x128xf32, #tpu.memory_space<vmem>>
      %dma_wait3A_921 = tpu.memref_squeeze %dma_wait3A_920 : memref<1x128x128xf32, #tpu.memory_space<vmem>> -> memref<128x128xf32, #tpu.memory_space<vmem>>
      %dma_wait3A_922 = arith.constant 0 : i32
      %dma_wait3A_923 = arith.constant 0 : i32
      %dma_wait3A_924 = tpu.memref_slice %arg12[%run_scoped3A, %dma_wait3A_922, %dma_wait3A_923] : memref<2x128x128xf32, #tpu.memory_space<vmem>> -> memref<1x128x128xf32, #tpu.memory_space<vmem>>
      %dma_wait3A_925 = tpu.memref_squeeze %dma_wait3A_924 : memref<1x128x128xf32, #tpu.memory_space<vmem>> -> memref<128x128xf32, #tpu.memory_space<vmem>>
      tpu.wait_dma2 semaphore(%run_scoped3A_909 : memref<!tpu.dma_semaphore, #tpu.memory_space<semaphore_mem>>) src(%arg5 : memref<128x128xf32, #tpu.memory_space<hbm>>) dst(%dma_wait3A_925 : memref<128x128xf32, #tpu.memory_space<vmem>>)
      tpu.yield
    }) : () -> ()
    %mul3A_3 = arith.constant 640 : i32
    %mul3A_4 = arith.muli %arg1, %mul3A_3 : i32
    %add3A_5 = arith.constant 0 : i32
    %add3A_6 = arith.addi %mul3A_4, %add3A_5 : i32
    %run_scoped3A_7 = arith.constant 0 : i32
    "tpu.region"() ({
      %run_scoped3A_909 = tpu.sem_alloc : memref<!tpu.dma_semaphore, #tpu.memory_space<semaphore_mem>>
      %dma_start3A_910 = arith.constant 0 : i32
      %dma_start3A_911 = arith.constant 0 : i32
      %dma_start3A_912 = tpu.memref_slice %arg12[%run_scoped3A_7, %dma_start3A_910, %dma_start3A_911] : memref<2x128x128xf32, #tpu.memory_space<vmem>> -> memref<1x128x128xf32, #tpu.memory_space<vmem>>
      %dma_start3A_913 = tpu.memref_squeeze %dma_start3A_912 : memref<1x128x128xf32, #tpu.memory_space<vmem>> -> memref<128x128xf32, #tpu.memory_space<vmem>>
      %dma_start3A_914 = arith.constant 0 : i32
      %dma_start3A_915 = tpu.memref_slice %arg9[%add3A_6, %dma_start3A_914] : memref<10240x128xf32, #tpu.memory_space<vmem_shared>> -> memref<128x128xf32, #tpu.memory_space<vmem_shared>>
      %dma_start3A_916 = arith.constant 0 : i32
      %dma_start3A_917 = tpu.memref_slice %arg9[%add3A_6, %dma_start3A_916] : memref<10240x128xf32, #tpu.memory_space<vmem_shared>> -> memref<128x128xf32, #tpu.memory_space<vmem_shared>>
      %dma_start3A_918 = arith.constant 0 : i32
      %dma_start3A_919 = arith.constant 0 : i32
      %dma_start3A_920 = tpu.memref_slice %arg12[%run_scoped3A_7, %dma_start3A_918, %dma_start3A_919] : memref<2x128x128xf32, #tpu.memory_space<vmem>> -> memref<1x128x128xf32, #tpu.memory_space<vmem>>
      %dma_start3A_921 = tpu.memref_squeeze %dma_start3A_920 : memref<1x128x128xf32, #tpu.memory_space<vmem>> -> memref<128x128xf32, #tpu.memory_space<vmem>>
      tpu.enqueue_dma source(%dma_start3A_921 : memref<128x128xf32, #tpu.memory_space<vmem>>) target(%dma_start3A_917 : memref<128x128xf32, #tpu.memory_space<vmem_shared>>) target_semaphore(%run_scoped3A_909 : memref<!tpu.dma_semaphore, #tpu.memory_space<semaphore_mem>>)
      %dma_wait3A_922 = arith.constant 0 : i32
      %dma_wait3A_923 = arith.constant 0 : i32
      %dma_wait3A_924 = tpu.memref_slice %arg12[%run_scoped3A_7, %dma_wait3A_922, %dma_wait3A_923] : memref<2x128x128xf32, #tpu.memory_space<vmem>> -> memref<1x128x128xf32, #tpu.memory_space<vmem>>
      %dma_wait3A_925 = tpu.memref_squeeze %dma_wait3A_924 : memref<1x128x128xf32, #tpu.memory_space<vmem>> -> memref<128x128xf32, #tpu.memory_space<vmem>>
      %dma_wait3A_926 = arith.constant 0 : i32
      %dma_wait3A_927 = tpu.memref_slice %arg9[%add3A_6, %dma_wait3A_926] : memref<10240x128xf32, #tpu.memory_space<vmem_shared>> -> memref<128x128xf32, #tpu.memory_space<vmem_shared>>
      %dma_wait3A_928 = arith.constant 0 : i32
      %dma_wait3A_929 = tpu.memref_slice %arg9[%add3A_6, %dma_wait3A_928] : memref<10240x128xf32, #tpu.memory_space<vmem_shared>> -> memref<128x128xf32, #tpu.memory_space<vmem_shared>>
      %dma_wait3A_930 = arith.constant 0 : i32
      %dma_wait3A_931 = arith.constant 0 : i32
      %dma_wait3A_932 = tpu.memref_slice %arg12[%run_scoped3A_7, %dma_wait3A_930, %dma_wait3A_931] : memref<2x128x128xf32, #tpu.memory_space<vmem>> -> memref<1x128x128xf32, #tpu.memory_space<vmem>>
      %dma_wait3A_933 = tpu.memref_squeeze %dma_wait3A_932 : memref<1x128x128xf32, #tpu.memory_space<vmem>> -> memref<128x128xf32, #tpu.memory_space<vmem>>
      tpu.wait_dma2 semaphore(%run_scoped3A_909 : memref<!tpu.dma_semaphore, #tpu.memory_space<semaphore_mem>>) src(%dma_wait3A_933 : memref<128x128xf32, #tpu.memory_space<vmem>>) dst(%dma_wait3A_929 : memref<128x128xf32, #tpu.memory_space<vmem_shared>>)
      tpu.yield
    }) : () -> ()
    %add3A_8 = arith.constant 128 : i32
    %add3A_9 = arith.addi %mul3A_4, %add3A_8 : i32
    %run_scoped3A_10 = arith.constant 0 : i32
    "tpu.region"() ({
      %run_scoped3A_909 = tpu.sem_alloc : memref<!tpu.dma_semaphore, #tpu.memory_space<semaphore_mem>>
      %dma_start3A_910 = arith.constant 0 : i32
      %dma_start3A_911 = arith.constant 0 : i32
      %dma_start3A_912 = tpu.memref_slice %arg12[%run_scoped3A_10, %dma_start3A_910, %dma_start3A_911] : memref<2x128x128xf32, #tpu.memory_space<vmem>> -> memref<1x128x128xf32, #tpu.memory_space<vmem>>
      %dma_start3A_913 = tpu.memref_squeeze %dma_start3A_912 : memref<1x128x128xf32, #tpu.memory_space<vmem>> -> memref<128x128xf32, #tpu.memory_space<vmem>>
      %dma_start3A_914 = arith.constant 0 : i32
      %dma_start3A_915 = tpu.memref_slice %arg9[%add3A_9, %dma_start3A_914] : memref<10240x128xf32, #tpu.memory_space<vmem_shared>> -> memref<128x128xf32, #tpu.memory_space<vmem_shared>>
      %dma_start3A_916 = arith.constant 0 : i32
      %dma_start3A_917 = tpu.memref_slice %arg9[%add3A_9, %dma_start3A_916] : memref<10240x128xf32, #tpu.memory_space<vmem_shared>> -> memref<128x128xf32, #tpu.memory_space<vmem_shared>>
      %dma_start3A_918 = arith.constant 0 : i32
      %dma_start3A_919 = arith.constant 0 : i32
      %dma_start3A_920 = tpu.memref_slice %arg12[%run_scoped3A_10, %dma_start3A_918, %dma_start3A_919] : memref<2x128x128xf32, #tpu.memory_space<vmem>> -> memref<1x128x128xf32, #tpu.memory_space<vmem>>
      %dma_start3A_921 = tpu.memref_squeeze %dma_start3A_920 : memref<1x128x128xf32, #tpu.memory_space<vmem>> -> memref<128x128xf32, #tpu.memory_space<vmem>>
      tpu.enqueue_dma source(%dma_start3A_921 : memref<128x128xf32, #tpu.memory_space<vmem>>) target(%dma_start3A_917 : memref<128x128xf32, #tpu.memory_space<vmem_shared>>) target_semaphore(%run_scoped3A_909 : memref<!tpu.dma_semaphore, #tpu.memory_space<semaphore_mem>>)
      %dma_wait3A_922 = arith.constant 0 : i32
      %dma_wait3A_923 = arith.constant 0 : i32
      %dma_wait3A_924 = tpu.memref_slice %arg12[%run_scoped3A_10, %dma_wait3A_922, %dma_wait3A_923] : memref<2x128x128xf32, #tpu.memory_space<vmem>> -> memref<1x128x128xf32, #tpu.memory_space<vmem>>
      %dma_wait3A_925 = tpu.memref_squeeze %dma_wait3A_924 : memref<1x128x128xf32, #tpu.memory_space<vmem>> -> memref<128x128xf32, #tpu.memory_space<vmem>>
      %dma_wait3A_926 = arith.constant 0 : i32
      %dma_wait3A_927 = tpu.memref_slice %arg9[%add3A_9, %dma_wait3A_926] : memref<10240x128xf32, #tpu.memory_space<vmem_shared>> -> memref<128x128xf32, #tpu.memory_space<vmem_shared>>
      %dma_wait3A_928 = arith.constant 0 : i32
      %dma_wait3A_929 = tpu.memref_slice %arg9[%add3A_9, %dma_wait3A_928] : memref<10240x128xf32, #tpu.memory_space<vmem_shared>> -> memref<128x128xf32, #tpu.memory_space<vmem_shared>>
      %dma_wait3A_930 = arith.constant 0 : i32
      %dma_wait3A_931 = arith.constant 0 : i32
      %dma_wait3A_932 = tpu.memref_slice %arg12[%run_scoped3A_10, %dma_wait3A_930, %dma_wait3A_931] : memref<2x128x128xf32, #tpu.memory_space<vmem>> -> memref<1x128x128xf32, #tpu.memory_space<vmem>>
      %dma_wait3A_933 = tpu.memref_squeeze %dma_wait3A_932 : memref<1x128x128xf32, #tpu.memory_space<vmem>> -> memref<128x128xf32, #tpu.memory_space<vmem>>
      tpu.wait_dma2 semaphore(%run_scoped3A_909 : memref<!tpu.dma_semaphore, #tpu.memory_space<semaphore_mem>>) src(%dma_wait3A_933 : memref<128x128xf32, #tpu.memory_space<vmem>>) dst(%dma_wait3A_929 : memref<128x128xf32, #tpu.memory_space<vmem_shared>>)
      tpu.yield
    }) : () -> ()
    %add3A_11 = arith.constant 256 : i32
    %add3A_12 = arith.addi %mul3A_4, %add3A_11 : i32
    %run_scoped3A_13 = arith.constant 0 : i32
    "tpu.region"() ({
      %run_scoped3A_909 = tpu.sem_alloc : memref<!tpu.dma_semaphore, #tpu.memory_space<semaphore_mem>>
      %dma_start3A_910 = arith.constant 0 : i32
      %dma_start3A_911 = arith.constant 0 : i32
      %dma_start3A_912 = tpu.memref_slice %arg12[%run_scoped3A_13, %dma_start3A_910, %dma_start3A_911] : memref<2x128x128xf32, #tpu.memory_space<vmem>> -> memref<1x128x128xf32, #tpu.memory_space<vmem>>
      %dma_start3A_913 = tpu.memref_squeeze %dma_start3A_912 : memref<1x128x128xf32, #tpu.memory_space<vmem>> -> memref<128x128xf32, #tpu.memory_space<vmem>>
      %dma_start3A_914 = arith.constant 0 : i32
      %dma_start3A_915 = tpu.memref_slice %arg9[%add3A_12, %dma_start3A_914] : memref<10240x128xf32, #tpu.memory_space<vmem_shared>> -> memref<128x128xf32, #tpu.memory_space<vmem_shared>>
      %dma_start3A_916 = arith.constant 0 : i32
      %dma_start3A_917 = tpu.memref_slice %arg9[%add3A_12, %dma_start3A_916] : memref<10240x128xf32, #tpu.memory_space<vmem_shared>> -> memref<128x128xf32, #tpu.memory_space<vmem_shared>>
      %dma_start3A_918 = arith.constant 0 : i32
      %dma_start3A_919 = arith.constant 0 : i32
      %dma_start3A_920 = tpu.memref_slice %arg12[%run_scoped3A_13, %dma_start3A_918, %dma_start3A_919] : memref<2x128x128xf32, #tpu.memory_space<vmem>> -> memref<1x128x128xf32, #tpu.memory_space<vmem>>
      %dma_start3A_921 = tpu.memref_squeeze %dma_start3A_920 : memref<1x128x128xf32, #tpu.memory_space<vmem>> -> memref<128x128xf32, #tpu.memory_space<vmem>>
      tpu.enqueue_dma source(%dma_start3A_921 : memref<128x128xf32, #tpu.memory_space<vmem>>) target(%dma_start3A_917 : memref<128x128xf32, #tpu.memory_space<vmem_shared>>) target_semaphore(%run_scoped3A_909 : memref<!tpu.dma_semaphore, #tpu.memory_space<semaphore_mem>>)
      %dma_wait3A_922 = arith.constant 0 : i32
      %dma_wait3A_923 = arith.constant 0 : i32
      %dma_wait3A_924 = tpu.memref_slice %arg12[%run_scoped3A_13, %dma_wait3A_922, %dma_wait3A_923] : memref<2x128x128xf32, #tpu.memory_space<vmem>> -> memref<1x128x128xf32, #tpu.memory_space<vmem>>
      %dma_wait3A_925 = tpu.memref_squeeze %dma_wait3A_924 : memref<1x128x128xf32, #tpu.memory_space<vmem>> -> memref<128x128xf32, #tpu.memory_space<vmem>>
      %dma_wait3A_926 = arith.constant 0 : i32
      %dma_wait3A_927 = tpu.memref_slice %arg9[%add3A_12, %dma_wait3A_926] : memref<10240x128xf32, #tpu.memory_space<vmem_shared>> -> memref<128x128xf32, #tpu.memory_space<vmem_shared>>
      %dma_wait3A_928 = arith.constant 0 : i32
      %dma_wait3A_929 = tpu.memref_slice %arg9[%add3A_12, %dma_wait3A_928] : memref<10240x128xf32, #tpu.memory_space<vmem_shared>> -> memref<128x128xf32, #tpu.memory_space<vmem_shared>>
      %dma_wait3A_930 = arith.constant 0 : i32
      %dma_wait3A_931 = arith.constant 0 : i32
      %dma_wait3A_932 = tpu.memref_slice %arg12[%run_scoped3A_13, %dma_wait3A_930, %dma_wait3A_931] : memref<2x128x128xf32, #tpu.memory_space<vmem>> -> memref<1x128x128xf32, #tpu.memory_space<vmem>>
      %dma_wait3A_933 = tpu.memref_squeeze %dma_wait3A_932 : memref<1x128x128xf32, #tpu.memory_space<vmem>> -> memref<128x128xf32, #tpu.memory_space<vmem>>
      tpu.wait_dma2 semaphore(%run_scoped3A_909 : memref<!tpu.dma_semaphore, #tpu.memory_space<semaphore_mem>>) src(%dma_wait3A_933 : memref<128x128xf32, #tpu.memory_space<vmem>>) dst(%dma_wait3A_929 : memref<128x128xf32, #tpu.memory_space<vmem_shared>>)
      tpu.yield
    }) : () -> ()
    %add3A_14 = arith.constant 384 : i32
    %add3A_15 = arith.addi %mul3A_4, %add3A_14 : i32
    %run_scoped3A_16 = arith.constant 0 : i32
    "tpu.region"() ({
      %run_scoped3A_909 = tpu.sem_alloc : memref<!tpu.dma_semaphore, #tpu.memory_space<semaphore_mem>>
      %dma_start3A_910 = arith.constant 0 : i32
      %dma_start3A_911 = arith.constant 0 : i32
      %dma_start3A_912 = tpu.memref_slice %arg12[%run_scoped3A_16, %dma_start3A_910, %dma_start3A_911] : memref<2x128x128xf32, #tpu.memory_space<vmem>> -> memref<1x128x128xf32, #tpu.memory_space<vmem>>
      %dma_start3A_913 = tpu.memref_squeeze %dma_start3A_912 : memref<1x128x128xf32, #tpu.memory_space<vmem>> -> memref<128x128xf32, #tpu.memory_space<vmem>>
      %dma_start3A_914 = arith.constant 0 : i32
      %dma_start3A_915 = tpu.memref_slice %arg9[%add3A_15, %dma_start3A_914] : memref<10240x128xf32, #tpu.memory_space<vmem_shared>> -> memref<128x128xf32, #tpu.memory_space<vmem_shared>>
      %dma_start3A_916 = arith.constant 0 : i32
      %dma_start3A_917 = tpu.memref_slice %arg9[%add3A_15, %dma_start3A_916] : memref<10240x128xf32, #tpu.memory_space<vmem_shared>> -> memref<128x128xf32, #tpu.memory_space<vmem_shared>>
      %dma_start3A_918 = arith.constant 0 : i32
      %dma_start3A_919 = arith.constant 0 : i32
      %dma_start3A_920 = tpu.memref_slice %arg12[%run_scoped3A_16, %dma_start3A_918, %dma_start3A_919] : memref<2x128x128xf32, #tpu.memory_space<vmem>> -> memref<1x128x128xf32, #tpu.memory_space<vmem>>
      %dma_start3A_921 = tpu.memref_squeeze %dma_start3A_920 : memref<1x128x128xf32, #tpu.memory_space<vmem>> -> memref<128x128xf32, #tpu.memory_space<vmem>>
      tpu.enqueue_dma source(%dma_start3A_921 : memref<128x128xf32, #tpu.memory_space<vmem>>) target(%dma_start3A_917 : memref<128x128xf32, #tpu.memory_space<vmem_shared>>) target_semaphore(%run_scoped3A_909 : memref<!tpu.dma_semaphore, #tpu.memory_space<semaphore_mem>>)
      %dma_wait3A_922 = arith.constant 0 : i32
      %dma_wait3A_923 = arith.constant 0 : i32
      %dma_wait3A_924 = tpu.memref_slice %arg12[%run_scoped3A_16, %dma_wait3A_922, %dma_wait3A_923] : memref<2x128x128xf32, #tpu.memory_space<vmem>> -> memref<1x128x128xf32, #tpu.memory_space<vmem>>
      %dma_wait3A_925 = tpu.memref_squeeze %dma_wait3A_924 : memref<1x128x128xf32, #tpu.memory_space<vmem>> -> memref<128x128xf32, #tpu.memory_space<vmem>>
      %dma_wait3A_926 = arith.constant 0 : i32
      %dma_wait3A_927 = tpu.memref_slice %arg9[%add3A_15, %dma_wait3A_926] : memref<10240x128xf32, #tpu.memory_space<vmem_shared>> -> memref<128x128xf32, #tpu.memory_space<vmem_shared>>
      %dma_wait3A_928 = arith.constant 0 : i32
      %dma_wait3A_929 = tpu.memref_slice %arg9[%add3A_15, %dma_wait3A_928] : memref<10240x128xf32, #tpu.memory_space<vmem_shared>> -> memref<128x128xf32, #tpu.memory_space<vmem_shared>>
      %dma_wait3A_930 = arith.constant 0 : i32
      %dma_wait3A_931 = arith.constant 0 : i32
      %dma_wait3A_932 = tpu.memref_slice %arg12[%run_scoped3A_16, %dma_wait3A_930, %dma_wait3A_931] : memref<2x128x128xf32, #tpu.memory_space<vmem>> -> memref<1x128x128xf32, #tpu.memory_space<vmem>>
      %dma_wait3A_933 = tpu.memref_squeeze %dma_wait3A_932 : memref<1x128x128xf32, #tpu.memory_space<vmem>> -> memref<128x128xf32, #tpu.memory_space<vmem>>
      tpu.wait_dma2 semaphore(%run_scoped3A_909 : memref<!tpu.dma_semaphore, #tpu.memory_space<semaphore_mem>>) src(%dma_wait3A_933 : memref<128x128xf32, #tpu.memory_space<vmem>>) dst(%dma_wait3A_929 : memref<128x128xf32, #tpu.memory_space<vmem_shared>>)
      tpu.yield
    }) : () -> ()
    %add3A_17 = arith.constant 512 : i32
    %add3A_18 = arith.addi %mul3A_4, %add3A_17 : i32
    %run_scoped3A_19 = arith.constant 0 : i32
    "tpu.region"() ({
      %run_scoped3A_909 = tpu.sem_alloc : memref<!tpu.dma_semaphore, #tpu.memory_space<semaphore_mem>>
      %dma_start3A_910 = arith.constant 0 : i32
      %dma_start3A_911 = arith.constant 0 : i32
      %dma_start3A_912 = tpu.memref_slice %arg12[%run_scoped3A_19, %dma_start3A_910, %dma_start3A_911] : memref<2x128x128xf32, #tpu.memory_space<vmem>> -> memref<1x128x128xf32, #tpu.memory_space<vmem>>
      %dma_start3A_913 = tpu.memref_squeeze %dma_start3A_912 : memref<1x128x128xf32, #tpu.memory_space<vmem>> -> memref<128x128xf32, #tpu.memory_space<vmem>>
      %dma_start3A_914 = arith.constant 0 : i32
      %dma_start3A_915 = tpu.memref_slice %arg9[%add3A_18, %dma_start3A_914] : memref<10240x128xf32, #tpu.memory_space<vmem_shared>> -> memref<128x128xf32, #tpu.memory_space<vmem_shared>>
      %dma_start3A_916 = arith.constant 0 : i32
      %dma_start3A_917 = tpu.memref_slice %arg9[%add3A_18, %dma_start3A_916] : memref<10240x128xf32, #tpu.memory_space<vmem_shared>> -> memref<128x128xf32, #tpu.memory_space<vmem_shared>>
      %dma_start3A_918 = arith.constant 0 : i32
      %dma_start3A_919 = arith.constant 0 : i32
      %dma_start3A_920 = tpu.memref_slice %arg12[%run_scoped3A_19, %dma_start3A_918, %dma_start3A_919] : memref<2x128x128xf32, #tpu.memory_space<vmem>> -> memref<1x128x128xf32, #tpu.memory_space<vmem>>
      %dma_start3A_921 = tpu.memref_squeeze %dma_start3A_920 : memref<1x128x128xf32, #tpu.memory_space<vmem>> -> memref<128x128xf32, #tpu.memory_space<vmem>>
      tpu.enqueue_dma source(%dma_start3A_921 : memref<128x128xf32, #tpu.memory_space<vmem>>) target(%dma_start3A_917 : memref<128x128xf32, #tpu.memory_space<vmem_shared>>) target_semaphore(%run_scoped3A_909 : memref<!tpu.dma_semaphore, #tpu.memory_space<semaphore_mem>>)
      %dma_wait3A_922 = arith.constant 0 : i32
      %dma_wait3A_923 = arith.constant 0 : i32
      %dma_wait3A_924 = tpu.memref_slice %arg12[%run_scoped3A_19, %dma_wait3A_922, %dma_wait3A_923] : memref<2x128x128xf32, #tpu.memory_space<vmem>> -> memref<1x128x128xf32, #tpu.memory_space<vmem>>
      %dma_wait3A_925 = tpu.memref_squeeze %dma_wait3A_924 : memref<1x128x128xf32, #tpu.memory_space<vmem>> -> memref<128x128xf32, #tpu.memory_space<vmem>>
      %dma_wait3A_926 = arith.constant 0 : i32
      %dma_wait3A_927 = tpu.memref_slice %arg9[%add3A_18, %dma_wait3A_926] : memref<10240x128xf32, #tpu.memory_space<vmem_shared>> -> memref<128x128xf32, #tpu.memory_space<vmem_shared>>
      %dma_wait3A_928 = arith.constant 0 : i32
      %dma_wait3A_929 = tpu.memref_slice %arg9[%add3A_18, %dma_wait3A_928] : memref<10240x128xf32, #tpu.memory_space<vmem_shared>> -> memref<128x128xf32, #tpu.memory_space<vmem_shared>>
      %dma_wait3A_930 = arith.constant 0 : i32
      %dma_wait3A_931 = arith.constant 0 : i32
      %dma_wait3A_932 = tpu.memref_slice %arg12[%run_scoped3A_19, %dma_wait3A_930, %dma_wait3A_931] : memref<2x128x128xf32, #tpu.memory_space<vmem>> -> memref<1x128x128xf32, #tpu.memory_space<vmem>>
      %dma_wait3A_933 = tpu.memref_squeeze %dma_wait3A_932 : memref<1x128x128xf32, #tpu.memory_space<vmem>> -> memref<128x128xf32, #tpu.memory_space<vmem>>
      tpu.wait_dma2 semaphore(%run_scoped3A_909 : memref<!tpu.dma_semaphore, #tpu.memory_space<semaphore_mem>>) src(%dma_wait3A_933 : memref<128x128xf32, #tpu.memory_space<vmem>>) dst(%dma_wait3A_929 : memref<128x128xf32, #tpu.memory_space<vmem_shared>>)
      tpu.yield
    }) : () -> ()
    %barrier3A = arith.constant 0 : index
    tpu.barrier barrier_id(%barrier3A)
    %broadcast_in_dim3A = arith.constant 1.000000e+00 : f32
    %broadcast_in_dim3A_20 = vector.broadcast %broadcast_in_dim3A : f32 to vector<16xf32>
    %dma_start3A = arith.constant 0 : i32
    %dma_start3A_21 = arith.constant 0 : i32
    %dma_start3A_22 = arith.constant 0 : i32
    %dma_start3A_23 = arith.constant 0 : i32
    %dma_start3A_24 = tpu.memref_slice %arg10[%dma_start3A_21, %dma_start3A_23] : memref<4x128xi32, #tpu.memory_space<vmem>> -> memref<1x128xi32, #tpu.memory_space<vmem>>
    %dma_start3A_25 = tpu.memref_squeeze %dma_start3A_24 : memref<1x128xi32, #tpu.memory_space<vmem>> -> memref<128xi32, #tpu.memory_space<vmem>>
    %dma_start3A_26 = arith.constant 0 : i32
    %dma_start3A_27 = tpu.memref_slice %arg3[%add3A, %dma_start3A, %dma_start3A_26] : memref<32x80x128xi32, #tpu.memory_space<hbm>> -> memref<1x1x128xi32, #tpu.memory_space<hbm>>
    %dma_start3A_28 = tpu.memref_squeeze %dma_start3A_27 : memref<1x1x128xi32, #tpu.memory_space<hbm>> -> memref<128xi32, #tpu.memory_space<hbm>>
    %dma_start3A_29 = tpu.memref_slice %arg16[%dma_start3A_22] : memref<4x!tpu.dma_semaphore, #tpu.memory_space<semaphore_mem>> -> memref<1x!tpu.dma_semaphore, #tpu.memory_space<semaphore_mem>>
    %dma_start3A_30 = tpu.memref_squeeze %dma_start3A_29 : memref<1x!tpu.dma_semaphore, #tpu.memory_space<semaphore_mem>> -> memref<!tpu.dma_semaphore, #tpu.memory_space<semaphore_mem>>
    %dma_start3A_31 = arith.constant 0 : i32
    %dma_start3A_32 = tpu.memref_slice %arg10[%dma_start3A_21, %dma_start3A_31] : memref<4x128xi32, #tpu.memory_space<vmem>> -> memref<1x128xi32, #tpu.memory_space<vmem>>
    %dma_start3A_33 = tpu.memref_squeeze %dma_start3A_32 : memref<1x128xi32, #tpu.memory_space<vmem>> -> memref<128xi32, #tpu.memory_space<vmem>>
    %dma_start3A_34 = arith.constant 0 : i32
    %dma_start3A_35 = tpu.memref_slice %arg3[%add3A, %dma_start3A, %dma_start3A_34] : memref<32x80x128xi32, #tpu.memory_space<hbm>> -> memref<1x1x128xi32, #tpu.memory_space<hbm>>
    %dma_start3A_36 = tpu.memref_squeeze %dma_start3A_35 : memref<1x1x128xi32, #tpu.memory_space<hbm>> -> memref<128xi32, #tpu.memory_space<hbm>>
    tpu.enqueue_dma source(%dma_start3A_36 : memref<128xi32, #tpu.memory_space<hbm>>) target(%dma_start3A_33 : memref<128xi32, #tpu.memory_space<vmem>>) target_semaphore(%dma_start3A_30 : memref<!tpu.dma_semaphore, #tpu.memory_space<semaphore_mem>>)
    %dma_start3A_37 = arith.constant 0 : i32
    %dma_start3A_38 = arith.constant 0 : i32
    %dma_start3A_39 = arith.constant 0 : i32
    %dma_start3A_40 = arith.constant 0 : i32
    %dma_start3A_41 = tpu.memref_slice %arg11[%dma_start3A_38, %dma_start3A_40] : memref<4x128xi32, #tpu.memory_space<vmem>> -> memref<1x128xi32, #tpu.memory_space<vmem>>
    %dma_start3A_42 = tpu.memref_squeeze %dma_start3A_41 : memref<1x128xi32, #tpu.memory_space<vmem>> -> memref<128xi32, #tpu.memory_space<vmem>>
    %dma_start3A_43 = arith.constant 0 : i32
    %dma_start3A_44 = tpu.memref_slice %arg4[%add3A, %dma_start3A_37, %dma_start3A_43] : memref<32x80x128xi32, #tpu.memory_space<hbm>> -> memref<1x1x128xi32, #tpu.memory_space<hbm>>
    %dma_start3A_45 = tpu.memref_squeeze %dma_start3A_44 : memref<1x1x128xi32, #tpu.memory_space<hbm>> -> memref<128xi32, #tpu.memory_space<hbm>>
    %dma_start3A_46 = tpu.memref_slice %arg17[%dma_start3A_39] : memref<4x!tpu.dma_semaphore, #tpu.memory_space<semaphore_mem>> -> memref<1x!tpu.dma_semaphore, #tpu.memory_space<semaphore_mem>>
    %dma_start3A_47 = tpu.memref_squeeze %dma_start3A_46 : memref<1x!tpu.dma_semaphore, #tpu.memory_space<semaphore_mem>> -> memref<!tpu.dma_semaphore, #tpu.memory_space<semaphore_mem>>
    %dma_start3A_48 = arith.constant 0 : i32
    %dma_start3A_49 = tpu.memref_slice %arg11[%dma_start3A_38, %dma_start3A_48] : memref<4x128xi32, #tpu.memory_space<vmem>> -> memref<1x128xi32, #tpu.memory_space<vmem>>
    %dma_start3A_50 = tpu.memref_squeeze %dma_start3A_49 : memref<1x128xi32, #tpu.memory_space<vmem>> -> memref<128xi32, #tpu.memory_space<vmem>>
    %dma_start3A_51 = arith.constant 0 : i32
    %dma_start3A_52 = tpu.memref_slice %arg4[%add3A, %dma_start3A_37, %dma_start3A_51] : memref<32x80x128xi32, #tpu.memory_space<hbm>> -> memref<1x1x128xi32, #tpu.memory_space<hbm>>
    %dma_start3A_53 = tpu.memref_squeeze %dma_start3A_52 : memref<1x1x128xi32, #tpu.memory_space<hbm>> -> memref<128xi32, #tpu.memory_space<hbm>>
    tpu.enqueue_dma source(%dma_start3A_53 : memref<128xi32, #tpu.memory_space<hbm>>) target(%dma_start3A_50 : memref<128xi32, #tpu.memory_space<vmem>>) target_semaphore(%dma_start3A_47 : memref<!tpu.dma_semaphore, #tpu.memory_space<semaphore_mem>>)
    %dma_start3A_54 = arith.constant 1 : i32
    %dma_start3A_55 = arith.constant 1 : i32
    %dma_start3A_56 = arith.constant 1 : i32
    %dma_start3A_57 = arith.constant 0 : i32
    %dma_start3A_58 = tpu.memref_slice %arg10[%dma_start3A_55, %dma_start3A_57] : memref<4x128xi32, #tpu.memory_space<vmem>> -> memref<1x128xi32, #tpu.memory_space<vmem>>
    %dma_start3A_59 = tpu.memref_squeeze %dma_start3A_58 : memref<1x128xi32, #tpu.memory_space<vmem>> -> memref<128xi32, #tpu.memory_space<vmem>>
    %dma_start3A_60 = arith.constant 0 : i32
    %dma_start3A_61 = tpu.memref_slice %arg3[%add3A, %dma_start3A_54, %dma_start3A_60] : memref<32x80x128xi32, #tpu.memory_space<hbm>> -> memref<1x1x128xi32, #tpu.memory_space<hbm>>
    %dma_start3A_62 = tpu.memref_squeeze %dma_start3A_61 : memref<1x1x128xi32, #tpu.memory_space<hbm>> -> memref<128xi32, #tpu.memory_space<hbm>>
    %dma_start3A_63 = tpu.memref_slice %arg16[%dma_start3A_56] : memref<4x!tpu.dma_semaphore, #tpu.memory_space<semaphore_mem>> -> memref<1x!tpu.dma_semaphore, #tpu.memory_space<semaphore_mem>>
    %dma_start3A_64 = tpu.memref_squeeze %dma_start3A_63 : memref<1x!tpu.dma_semaphore, #tpu.memory_space<semaphore_mem>> -> memref<!tpu.dma_semaphore, #tpu.memory_space<semaphore_mem>>
    %dma_start3A_65 = arith.constant 0 : i32
    %dma_start3A_66 = tpu.memref_slice %arg10[%dma_start3A_55, %dma_start3A_65] : memref<4x128xi32, #tpu.memory_space<vmem>> -> memref<1x128xi32, #tpu.memory_space<vmem>>
    %dma_start3A_67 = tpu.memref_squeeze %dma_start3A_66 : memref<1x128xi32, #tpu.memory_space<vmem>> -> memref<128xi32, #tpu.memory_space<vmem>>
    %dma_start3A_68 = arith.constant 0 : i32
    %dma_start3A_69 = tpu.memref_slice %arg3[%add3A, %dma_start3A_54, %dma_start3A_68] : memref<32x80x128xi32, #tpu.memory_space<hbm>> -> memref<1x1x128xi32, #tpu.memory_space<hbm>>
    %dma_start3A_70 = tpu.memref_squeeze %dma_start3A_69 : memref<1x1x128xi32, #tpu.memory_space<hbm>> -> memref<128xi32, #tpu.memory_space<hbm>>
    tpu.enqueue_dma source(%dma_start3A_70 : memref<128xi32, #tpu.memory_space<hbm>>) target(%dma_start3A_67 : memref<128xi32, #tpu.memory_space<vmem>>) target_semaphore(%dma_start3A_64 : memref<!tpu.dma_semaphore, #tpu.memory_space<semaphore_mem>>)
    %dma_start3A_71 = arith.constant 1 : i32
    %dma_start3A_72 = arith.constant 1 : i32
    %dma_start3A_73 = arith.constant 1 : i32
    %dma_start3A_74 = arith.constant 0 : i32
    %dma_start3A_75 = tpu.memref_slice %arg11[%dma_start3A_72, %dma_start3A_74] : memref<4x128xi32, #tpu.memory_space<vmem>> -> memref<1x128xi32, #tpu.memory_space<vmem>>
    %dma_start3A_76 = tpu.memref_squeeze %dma_start3A_75 : memref<1x128xi32, #tpu.memory_space<vmem>> -> memref<128xi32, #tpu.memory_space<vmem>>
    %dma_start3A_77 = arith.constant 0 : i32
    %dma_start3A_78 = tpu.memref_slice %arg4[%add3A, %dma_start3A_71, %dma_start3A_77] : memref<32x80x128xi32, #tpu.memory_space<hbm>> -> memref<1x1x128xi32, #tpu.memory_space<hbm>>
    %dma_start3A_79 = tpu.memref_squeeze %dma_start3A_78 : memref<1x1x128xi32, #tpu.memory_space<hbm>> -> memref<128xi32, #tpu.memory_space<hbm>>
    %dma_start3A_80 = tpu.memref_slice %arg17[%dma_start3A_73] : memref<4x!tpu.dma_semaphore, #tpu.memory_space<semaphore_mem>> -> memref<1x!tpu.dma_semaphore, #tpu.memory_space<semaphore_mem>>
    %dma_start3A_81 = tpu.memref_squeeze %dma_start3A_80 : memref<1x!tpu.dma_semaphore, #tpu.memory_space<semaphore_mem>> -> memref<!tpu.dma_semaphore, #tpu.memory_space<semaphore_mem>>
    %dma_start3A_82 = arith.constant 0 : i32
    %dma_start3A_83 = tpu.memref_slice %arg11[%dma_start3A_72, %dma_start3A_82] : memref<4x128xi32, #tpu.memory_space<vmem>> -> memref<1x128xi32, #tpu.memory_space<vmem>>
    %dma_start3A_84 = tpu.memref_squeeze %dma_start3A_83 : memref<1x128xi32, #tpu.memory_space<vmem>> -> memref<128xi32, #tpu.memory_space<vmem>>
    %dma_start3A_85 = arith.constant 0 : i32
    %dma_start3A_86 = tpu.memref_slice %arg4[%add3A, %dma_start3A_71, %dma_start3A_85] : memref<32x80x128xi32, #tpu.memory_space<hbm>> -> memref<1x1x128xi32, #tpu.memory_space<hbm>>
    %dma_start3A_87 = tpu.memref_squeeze %dma_start3A_86 : memref<1x1x128xi32, #tpu.memory_space<hbm>> -> memref<128xi32, #tpu.memory_space<hbm>>
    tpu.enqueue_dma source(%dma_start3A_87 : memref<128xi32, #tpu.memory_space<hbm>>) target(%dma_start3A_84 : memref<128xi32, #tpu.memory_space<vmem>>) target_semaphore(%dma_start3A_81 : memref<!tpu.dma_semaphore, #tpu.memory_space<semaphore_mem>>)
    %dma_start3A_88 = arith.constant 2 : i32
    %dma_start3A_89 = arith.constant 2 : i32
    %dma_start3A_90 = arith.constant 2 : i32
    %dma_start3A_91 = arith.constant 0 : i32
    %dma_start3A_92 = tpu.memref_slice %arg10[%dma_start3A_89, %dma_start3A_91] : memref<4x128xi32, #tpu.memory_space<vmem>> -> memref<1x128xi32, #tpu.memory_space<vmem>>
    %dma_start3A_93 = tpu.memref_squeeze %dma_start3A_92 : memref<1x128xi32, #tpu.memory_space<vmem>> -> memref<128xi32, #tpu.memory_space<vmem>>
    %dma_start3A_94 = arith.constant 0 : i32
    %dma_start3A_95 = tpu.memref_slice %arg3[%add3A, %dma_start3A_88, %dma_start3A_94] : memref<32x80x128xi32, #tpu.memory_space<hbm>> -> memref<1x1x128xi32, #tpu.memory_space<hbm>>
    %dma_start3A_96 = tpu.memref_squeeze %dma_start3A_95 : memref<1x1x128xi32, #tpu.memory_space<hbm>> -> memref<128xi32, #tpu.memory_space<hbm>>
    %dma_start3A_97 = tpu.memref_slice %arg16[%dma_start3A_90] : memref<4x!tpu.dma_semaphore, #tpu.memory_space<semaphore_mem>> -> memref<1x!tpu.dma_semaphore, #tpu.memory_space<semaphore_mem>>
    %dma_start3A_98 = tpu.memref_squeeze %dma_start3A_97 : memref<1x!tpu.dma_semaphore, #tpu.memory_space<semaphore_mem>> -> memref<!tpu.dma_semaphore, #tpu.memory_space<semaphore_mem>>
    %dma_start3A_99 = arith.constant 0 : i32
    %dma_start3A_100 = tpu.memref_slice %arg10[%dma_start3A_89, %dma_start3A_99] : memref<4x128xi32, #tpu.memory_space<vmem>> -> memref<1x128xi32, #tpu.memory_space<vmem>>
    %dma_start3A_101 = tpu.memref_squeeze %dma_start3A_100 : memref<1x128xi32, #tpu.memory_space<vmem>> -> memref<128xi32, #tpu.memory_space<vmem>>
    %dma_start3A_102 = arith.constant 0 : i32
    %dma_start3A_103 = tpu.memref_slice %arg3[%add3A, %dma_start3A_88, %dma_start3A_102] : memref<32x80x128xi32, #tpu.memory_space<hbm>> -> memref<1x1x128xi32, #tpu.memory_space<hbm>>
    %dma_start3A_104 = tpu.memref_squeeze %dma_start3A_103 : memref<1x1x128xi32, #tpu.memory_space<hbm>> -> memref<128xi32, #tpu.memory_space<hbm>>
    tpu.enqueue_dma source(%dma_start3A_104 : memref<128xi32, #tpu.memory_space<hbm>>) target(%dma_start3A_101 : memref<128xi32, #tpu.memory_space<vmem>>) target_semaphore(%dma_start3A_98 : memref<!tpu.dma_semaphore, #tpu.memory_space<semaphore_mem>>)
    %dma_start3A_105 = arith.constant 2 : i32
    %dma_start3A_106 = arith.constant 2 : i32
    %dma_start3A_107 = arith.constant 2 : i32
    %dma_start3A_108 = arith.constant 0 : i32
    %dma_start3A_109 = tpu.memref_slice %arg11[%dma_start3A_106, %dma_start3A_108] : memref<4x128xi32, #tpu.memory_space<vmem>> -> memref<1x128xi32, #tpu.memory_space<vmem>>
    %dma_start3A_110 = tpu.memref_squeeze %dma_start3A_109 : memref<1x128xi32, #tpu.memory_space<vmem>> -> memref<128xi32, #tpu.memory_space<vmem>>
    %dma_start3A_111 = arith.constant 0 : i32
    %dma_start3A_112 = tpu.memref_slice %arg4[%add3A, %dma_start3A_105, %dma_start3A_111] : memref<32x80x128xi32, #tpu.memory_space<hbm>> -> memref<1x1x128xi32, #tpu.memory_space<hbm>>
    %dma_start3A_113 = tpu.memref_squeeze %dma_start3A_112 : memref<1x1x128xi32, #tpu.memory_space<hbm>> -> memref<128xi32, #tpu.memory_space<hbm>>
    %dma_start3A_114 = tpu.memref_slice %arg17[%dma_start3A_107] : memref<4x!tpu.dma_semaphore, #tpu.memory_space<semaphore_mem>> -> memref<1x!tpu.dma_semaphore, #tpu.memory_space<semaphore_mem>>
    %dma_start3A_115 = tpu.memref_squeeze %dma_start3A_114 : memref<1x!tpu.dma_semaphore, #tpu.memory_space<semaphore_mem>> -> memref<!tpu.dma_semaphore, #tpu.memory_space<semaphore_mem>>
    %dma_start3A_116 = arith.constant 0 : i32
    %dma_start3A_117 = tpu.memref_slice %arg11[%dma_start3A_106, %dma_start3A_116] : memref<4x128xi32, #tpu.memory_space<vmem>> -> memref<1x128xi32, #tpu.memory_space<vmem>>
    %dma_start3A_118 = tpu.memref_squeeze %dma_start3A_117 : memref<1x128xi32, #tpu.memory_space<vmem>> -> memref<128xi32, #tpu.memory_space<vmem>>
    %dma_start3A_119 = arith.constant 0 : i32
    %dma_start3A_120 = tpu.memref_slice %arg4[%add3A, %dma_start3A_105, %dma_start3A_119] : memref<32x80x128xi32, #tpu.memory_space<hbm>> -> memref<1x1x128xi32, #tpu.memory_space<hbm>>
    %dma_start3A_121 = tpu.memref_squeeze %dma_start3A_120 : memref<1x1x128xi32, #tpu.memory_space<hbm>> -> memref<128xi32, #tpu.memory_space<hbm>>
    tpu.enqueue_dma source(%dma_start3A_121 : memref<128xi32, #tpu.memory_space<hbm>>) target(%dma_start3A_118 : memref<128xi32, #tpu.memory_space<vmem>>) target_semaphore(%dma_start3A_115 : memref<!tpu.dma_semaphore, #tpu.memory_space<semaphore_mem>>)
    %dma_start3A_122 = arith.constant 3 : i32
    %dma_start3A_123 = arith.constant 3 : i32
    %dma_start3A_124 = arith.constant 3 : i32
    %dma_start3A_125 = arith.constant 0 : i32
    %dma_start3A_126 = tpu.memref_slice %arg10[%dma_start3A_123, %dma_start3A_125] : memref<4x128xi32, #tpu.memory_space<vmem>> -> memref<1x128xi32, #tpu.memory_space<vmem>>
    %dma_start3A_127 = tpu.memref_squeeze %dma_start3A_126 : memref<1x128xi32, #tpu.memory_space<vmem>> -> memref<128xi32, #tpu.memory_space<vmem>>
    %dma_start3A_128 = arith.constant 0 : i32
    %dma_start3A_129 = tpu.memref_slice %arg3[%add3A, %dma_start3A_122, %dma_start3A_128] : memref<32x80x128xi32, #tpu.memory_space<hbm>> -> memref<1x1x128xi32, #tpu.memory_space<hbm>>
    %dma_start3A_130 = tpu.memref_squeeze %dma_start3A_129 : memref<1x1x128xi32, #tpu.memory_space<hbm>> -> memref<128xi32, #tpu.memory_space<hbm>>
    %dma_start3A_131 = tpu.memref_slice %arg16[%dma_start3A_124] : memref<4x!tpu.dma_semaphore, #tpu.memory_space<semaphore_mem>> -> memref<1x!tpu.dma_semaphore, #tpu.memory_space<semaphore_mem>>
    %dma_start3A_132 = tpu.memref_squeeze %dma_start3A_131 : memref<1x!tpu.dma_semaphore, #tpu.memory_space<semaphore_mem>> -> memref<!tpu.dma_semaphore, #tpu.memory_space<semaphore_mem>>
    %dma_start3A_133 = arith.constant 0 : i32
    %dma_start3A_134 = tpu.memref_slice %arg10[%dma_start3A_123, %dma_start3A_133] : memref<4x128xi32, #tpu.memory_space<vmem>> -> memref<1x128xi32, #tpu.memory_space<vmem>>
    %dma_start3A_135 = tpu.memref_squeeze %dma_start3A_134 : memref<1x128xi32, #tpu.memory_space<vmem>> -> memref<128xi32, #tpu.memory_space<vmem>>
    %dma_start3A_136 = arith.constant 0 : i32
    %dma_start3A_137 = tpu.memref_slice %arg3[%add3A, %dma_start3A_122, %dma_start3A_136] : memref<32x80x128xi32, #tpu.memory_space<hbm>> -> memref<1x1x128xi32, #tpu.memory_space<hbm>>
    %dma_start3A_138 = tpu.memref_squeeze %dma_start3A_137 : memref<1x1x128xi32, #tpu.memory_space<hbm>> -> memref<128xi32, #tpu.memory_space<hbm>>
    tpu.enqueue_dma source(%dma_start3A_138 : memref<128xi32, #tpu.memory_space<hbm>>) target(%dma_start3A_135 : memref<128xi32, #tpu.memory_space<vmem>>) target_semaphore(%dma_start3A_132 : memref<!tpu.dma_semaphore, #tpu.memory_space<semaphore_mem>>)
    %dma_start3A_139 = arith.constant 3 : i32
    %dma_start3A_140 = arith.constant 3 : i32
    %dma_start3A_141 = arith.constant 3 : i32
    %dma_start3A_142 = arith.constant 0 : i32
    %dma_start3A_143 = tpu.memref_slice %arg11[%dma_start3A_140, %dma_start3A_142] : memref<4x128xi32, #tpu.memory_space<vmem>> -> memref<1x128xi32, #tpu.memory_space<vmem>>
    %dma_start3A_144 = tpu.memref_squeeze %dma_start3A_143 : memref<1x128xi32, #tpu.memory_space<vmem>> -> memref<128xi32, #tpu.memory_space<vmem>>
    %dma_start3A_145 = arith.constant 0 : i32
    %dma_start3A_146 = tpu.memref_slice %arg4[%add3A, %dma_start3A_139, %dma_start3A_145] : memref<32x80x128xi32, #tpu.memory_space<hbm>> -> memref<1x1x128xi32, #tpu.memory_space<hbm>>
    %dma_start3A_147 = tpu.memref_squeeze %dma_start3A_146 : memref<1x1x128xi32, #tpu.memory_space<hbm>> -> memref<128xi32, #tpu.memory_space<hbm>>
    %dma_start3A_148 = tpu.memref_slice %arg17[%dma_start3A_141] : memref<4x!tpu.dma_semaphore, #tpu.memory_space<semaphore_mem>> -> memref<1x!tpu.dma_semaphore, #tpu.memory_space<semaphore_mem>>
    %dma_start3A_149 = tpu.memref_squeeze %dma_start3A_148 : memref<1x!tpu.dma_semaphore, #tpu.memory_space<semaphore_mem>> -> memref<!tpu.dma_semaphore, #tpu.memory_space<semaphore_mem>>
    %dma_start3A_150 = arith.constant 0 : i32
    %dma_start3A_151 = tpu.memref_slice %arg11[%dma_start3A_140, %dma_start3A_150] : memref<4x128xi32, #tpu.memory_space<vmem>> -> memref<1x128xi32, #tpu.memory_space<vmem>>
    %dma_start3A_152 = tpu.memref_squeeze %dma_start3A_151 : memref<1x128xi32, #tpu.memory_space<vmem>> -> memref<128xi32, #tpu.memory_space<vmem>>
    %dma_start3A_153 = arith.constant 0 : i32
    %dma_start3A_154 = tpu.memref_slice %arg4[%add3A, %dma_start3A_139, %dma_start3A_153] : memref<32x80x128xi32, #tpu.memory_space<hbm>> -> memref<1x1x128xi32, #tpu.memory_space<hbm>>
    %dma_start3A_155 = tpu.memref_squeeze %dma_start3A_154 : memref<1x1x128xi32, #tpu.memory_space<hbm>> -> memref<128xi32, #tpu.memory_space<hbm>>
    tpu.enqueue_dma source(%dma_start3A_155 : memref<128xi32, #tpu.memory_space<hbm>>) target(%dma_start3A_152 : memref<128xi32, #tpu.memory_space<vmem>>) target_semaphore(%dma_start3A_149 : memref<!tpu.dma_semaphore, #tpu.memory_space<semaphore_mem>>)
    %dma_wait3A = arith.constant 0 : i32
    %dma_wait3A_156 = arith.constant 0 : i32
    %dma_wait3A_157 = arith.constant 0 : i32
    %dma_wait3A_158 = arith.constant 0 : i32
    %dma_wait3A_159 = tpu.memref_slice %arg10[%dma_wait3A_156, %dma_wait3A_158] : memref<4x128xi32, #tpu.memory_space<vmem>> -> memref<1x128xi32, #tpu.memory_space<vmem>>
    %dma_wait3A_160 = tpu.memref_squeeze %dma_wait3A_159 : memref<1x128xi32, #tpu.memory_space<vmem>> -> memref<128xi32, #tpu.memory_space<vmem>>
    %dma_wait3A_161 = arith.constant 0 : i32
    %dma_wait3A_162 = tpu.memref_slice %arg3[%add3A, %dma_wait3A, %dma_wait3A_161] : memref<32x80x128xi32, #tpu.memory_space<hbm>> -> memref<1x1x128xi32, #tpu.memory_space<hbm>>
    %dma_wait3A_163 = tpu.memref_squeeze %dma_wait3A_162 : memref<1x1x128xi32, #tpu.memory_space<hbm>> -> memref<128xi32, #tpu.memory_space<hbm>>
    %dma_wait3A_164 = tpu.memref_slice %arg16[%dma_wait3A_157] : memref<4x!tpu.dma_semaphore, #tpu.memory_space<semaphore_mem>> -> memref<1x!tpu.dma_semaphore, #tpu.memory_space<semaphore_mem>>
    %dma_wait3A_165 = tpu.memref_squeeze %dma_wait3A_164 : memref<1x!tpu.dma_semaphore, #tpu.memory_space<semaphore_mem>> -> memref<!tpu.dma_semaphore, #tpu.memory_space<semaphore_mem>>
    %dma_wait3A_166 = arith.constant 0 : i32
    %dma_wait3A_167 = tpu.memref_slice %arg10[%dma_wait3A_156, %dma_wait3A_166] : memref<4x128xi32, #tpu.memory_space<vmem>> -> memref<1x128xi32, #tpu.memory_space<vmem>>
    %dma_wait3A_168 = tpu.memref_squeeze %dma_wait3A_167 : memref<1x128xi32, #tpu.memory_space<vmem>> -> memref<128xi32, #tpu.memory_space<vmem>>
    %dma_wait3A_169 = arith.constant 0 : i32
    %dma_wait3A_170 = tpu.memref_slice %arg3[%add3A, %dma_wait3A, %dma_wait3A_169] : memref<32x80x128xi32, #tpu.memory_space<hbm>> -> memref<1x1x128xi32, #tpu.memory_space<hbm>>
    %dma_wait3A_171 = tpu.memref_squeeze %dma_wait3A_170 : memref<1x1x128xi32, #tpu.memory_space<hbm>> -> memref<128xi32, #tpu.memory_space<hbm>>
    tpu.wait_dma2 semaphore(%dma_wait3A_165 : memref<!tpu.dma_semaphore, #tpu.memory_space<semaphore_mem>>) src(%dma_wait3A_171 : memref<128xi32, #tpu.memory_space<hbm>>) dst(%dma_wait3A_168 : memref<128xi32, #tpu.memory_space<vmem>>)
    %dma_wait3A_172 = arith.constant 0 : i32
    %dma_wait3A_173 = arith.constant 0 : i32
    %dma_wait3A_174 = arith.constant 0 : i32
    %dma_wait3A_175 = arith.constant 0 : i32
    %dma_wait3A_176 = tpu.memref_slice %arg11[%dma_wait3A_173, %dma_wait3A_175] : memref<4x128xi32, #tpu.memory_space<vmem>> -> memref<1x128xi32, #tpu.memory_space<vmem>>
    %dma_wait3A_177 = tpu.memref_squeeze %dma_wait3A_176 : memref<1x128xi32, #tpu.memory_space<vmem>> -> memref<128xi32, #tpu.memory_space<vmem>>
    %dma_wait3A_178 = arith.constant 0 : i32
    %dma_wait3A_179 = tpu.memref_slice %arg4[%add3A, %dma_wait3A_172, %dma_wait3A_178] : memref<32x80x128xi32, #tpu.memory_space<hbm>> -> memref<1x1x128xi32, #tpu.memory_space<hbm>>
    %dma_wait3A_180 = tpu.memref_squeeze %dma_wait3A_179 : memref<1x1x128xi32, #tpu.memory_space<hbm>> -> memref<128xi32, #tpu.memory_space<hbm>>
    %dma_wait3A_181 = tpu.memref_slice %arg17[%dma_wait3A_174] : memref<4x!tpu.dma_semaphore, #tpu.memory_space<semaphore_mem>> -> memref<1x!tpu.dma_semaphore, #tpu.memory_space<semaphore_mem>>
    %dma_wait3A_182 = tpu.memref_squeeze %dma_wait3A_181 : memref<1x!tpu.dma_semaphore, #tpu.memory_space<semaphore_mem>> -> memref<!tpu.dma_semaphore, #tpu.memory_space<semaphore_mem>>
    %dma_wait3A_183 = arith.constant 0 : i32
    %dma_wait3A_184 = tpu.memref_slice %arg11[%dma_wait3A_173, %dma_wait3A_183] : memref<4x128xi32, #tpu.memory_space<vmem>> -> memref<1x128xi32, #tpu.memory_space<vmem>>
    %dma_wait3A_185 = tpu.memref_squeeze %dma_wait3A_184 : memref<1x128xi32, #tpu.memory_space<vmem>> -> memref<128xi32, #tpu.memory_space<vmem>>
    %dma_wait3A_186 = arith.constant 0 : i32
    %dma_wait3A_187 = tpu.memref_slice %arg4[%add3A, %dma_wait3A_172, %dma_wait3A_186] : memref<32x80x128xi32, #tpu.memory_space<hbm>> -> memref<1x1x128xi32, #tpu.memory_space<hbm>>
    %dma_wait3A_188 = tpu.memref_squeeze %dma_wait3A_187 : memref<1x1x128xi32, #tpu.memory_space<hbm>> -> memref<128xi32, #tpu.memory_space<hbm>>
    tpu.wait_dma2 semaphore(%dma_wait3A_182 : memref<!tpu.dma_semaphore, #tpu.memory_space<semaphore_mem>>) src(%dma_wait3A_188 : memref<128xi32, #tpu.memory_space<hbm>>) dst(%dma_wait3A_185 : memref<128xi32, #tpu.memory_space<vmem>>)
    %dma_start3A_189 = arith.constant 0 : i32
    %dma_start3A_190 = arith.constant 0 : i32
    %dma_start3A_191 = arith.constant 0 : i32
    %dma_start3A_192 = arith.constant 0 : i32
    %dma_start3A_193 = arith.constant 0 : i32
    %dma_start3A_194 = tpu.memref_slice %arg12[%dma_start3A_190, %dma_start3A_192, %dma_start3A_193] : memref<2x128x128xf32, #tpu.memory_space<vmem>> -> memref<1x128x128xf32, #tpu.memory_space<vmem>>
    %dma_start3A_195 = tpu.memref_squeeze %dma_start3A_194 : memref<1x128x128xf32, #tpu.memory_space<vmem>> -> memref<128x128xf32, #tpu.memory_space<vmem>>
    %dma_start3A_196 = arith.constant 0 : i32
    %dma_start3A_197 = tpu.memref_slice %arg10[%dma_start3A_189, %dma_start3A_196] : memref<4x128xi32, #tpu.memory_space<vmem>> -> memref<1x128xi32, #tpu.memory_space<vmem>>
    %dma_start3A_198 = tpu.memref_squeeze %dma_start3A_197 : memref<1x128xi32, #tpu.memory_space<vmem>> -> memref<128xi32, #tpu.memory_space<vmem>>
    %dma_start3A_199 = arith.constant 0 : i32
    %dma_start3A_200 = arith.constant 0 : i32
    %dma_start3A_201 = tpu.memref_slice %arg2[%dma_start3A_199, %dma_start3A_200] : memref<10000x128xf32, #tpu.memory_space<hbm>> -> memref<10000x128xf32, #tpu.memory_space<hbm>>
    %dma_start3A_202 = tpu.memref_slice %arg14[%dma_start3A_191] : memref<2x!tpu.dma_semaphore, #tpu.memory_space<semaphore_mem>> -> memref<1x!tpu.dma_semaphore, #tpu.memory_space<semaphore_mem>>
    %dma_start3A_203 = tpu.memref_squeeze %dma_start3A_202 : memref<1x!tpu.dma_semaphore, #tpu.memory_space<semaphore_mem>> -> memref<!tpu.dma_semaphore, #tpu.memory_space<semaphore_mem>>
    tpu.enqueue_indirect_dma source(%dma_start3A_201 : memref<10000x128xf32, #tpu.memory_space<hbm>>) target(%dma_start3A_195 : memref<128x128xf32, #tpu.memory_space<vmem>>) offsets(%dma_start3A_198 : memref<128xi32, #tpu.memory_space<vmem>>) semaphore(%dma_start3A_203 : memref<!tpu.dma_semaphore, #tpu.memory_space<semaphore_mem>>)
    %dma_wait3A_204 = arith.constant 0 : i32
    %dma_wait3A_205 = arith.constant 1 : i32
    %dma_wait3A_206 = arith.constant 1 : i32
    %dma_wait3A_207 = arith.constant 0 : i32
    %dma_wait3A_208 = tpu.memref_slice %arg10[%dma_wait3A_205, %dma_wait3A_207] : memref<4x128xi32, #tpu.memory_space<vmem>> -> memref<1x128xi32, #tpu.memory_space<vmem>>
    %dma_wait3A_209 = tpu.memref_squeeze %dma_wait3A_208 : memref<1x128xi32, #tpu.memory_space<vmem>> -> memref<128xi32, #tpu.memory_space<vmem>>
    %dma_wait3A_210 = arith.constant 0 : i32
    %dma_wait3A_211 = tpu.memref_slice %arg3[%add3A, %dma_wait3A_204, %dma_wait3A_210] : memref<32x80x128xi32, #tpu.memory_space<hbm>> -> memref<1x1x128xi32, #tpu.memory_space<hbm>>
    %dma_wait3A_212 = tpu.memref_squeeze %dma_wait3A_211 : memref<1x1x128xi32, #tpu.memory_space<hbm>> -> memref<128xi32, #tpu.memory_space<hbm>>
    %dma_wait3A_213 = tpu.memref_slice %arg16[%dma_wait3A_206] : memref<4x!tpu.dma_semaphore, #tpu.memory_space<semaphore_mem>> -> memref<1x!tpu.dma_semaphore, #tpu.memory_space<semaphore_mem>>
    %dma_wait3A_214 = tpu.memref_squeeze %dma_wait3A_213 : memref<1x!tpu.dma_semaphore, #tpu.memory_space<semaphore_mem>> -> memref<!tpu.dma_semaphore, #tpu.memory_space<semaphore_mem>>
    %dma_wait3A_215 = arith.constant 0 : i32
    %dma_wait3A_216 = tpu.memref_slice %arg10[%dma_wait3A_205, %dma_wait3A_215] : memref<4x128xi32, #tpu.memory_space<vmem>> -> memref<1x128xi32, #tpu.memory_space<vmem>>
    %dma_wait3A_217 = tpu.memref_squeeze %dma_wait3A_216 : memref<1x128xi32, #tpu.memory_space<vmem>> -> memref<128xi32, #tpu.memory_space<vmem>>
    %dma_wait3A_218 = arith.constant 0 : i32
    %dma_wait3A_219 = tpu.memref_slice %arg3[%add3A, %dma_wait3A_204, %dma_wait3A_218] : memref<32x80x128xi32, #tpu.memory_space<hbm>> -> memref<1x1x128xi32, #tpu.memory_space<hbm>>
    %dma_wait3A_220 = tpu.memref_squeeze %dma_wait3A_219 : memref<1x1x128xi32, #tpu.memory_space<hbm>> -> memref<128xi32, #tpu.memory_space<hbm>>
    tpu.wait_dma2 semaphore(%dma_wait3A_214 : memref<!tpu.dma_semaphore, #tpu.memory_space<semaphore_mem>>) src(%dma_wait3A_220 : memref<128xi32, #tpu.memory_space<hbm>>) dst(%dma_wait3A_217 : memref<128xi32, #tpu.memory_space<vmem>>)
    %dma_wait3A_221 = arith.constant 0 : i32
    %dma_wait3A_222 = arith.constant 1 : i32
    %dma_wait3A_223 = arith.constant 1 : i32
    %dma_wait3A_224 = arith.constant 0 : i32
    %dma_wait3A_225 = tpu.memref_slice %arg11[%dma_wait3A_222, %dma_wait3A_224] : memref<4x128xi32, #tpu.memory_space<vmem>> -> memref<1x128xi32, #tpu.memory_space<vmem>>
    %dma_wait3A_226 = tpu.memref_squeeze %dma_wait3A_225 : memref<1x128xi32, #tpu.memory_space<vmem>> -> memref<128xi32, #tpu.memory_space<vmem>>
    %dma_wait3A_227 = arith.constant 0 : i32
    %dma_wait3A_228 = tpu.memref_slice %arg4[%add3A, %dma_wait3A_221, %dma_wait3A_227] : memref<32x80x128xi32, #tpu.memory_space<hbm>> -> memref<1x1x128xi32, #tpu.memory_space<hbm>>
    %dma_wait3A_229 = tpu.memref_squeeze %dma_wait3A_228 : memref<1x1x128xi32, #tpu.memory_space<hbm>> -> memref<128xi32, #tpu.memory_space<hbm>>
    %dma_wait3A_230 = tpu.memref_slice %arg17[%dma_wait3A_223] : memref<4x!tpu.dma_semaphore, #tpu.memory_space<semaphore_mem>> -> memref<1x!tpu.dma_semaphore, #tpu.memory_space<semaphore_mem>>
    %dma_wait3A_231 = tpu.memref_squeeze %dma_wait3A_230 : memref<1x!tpu.dma_semaphore, #tpu.memory_space<semaphore_mem>> -> memref<!tpu.dma_semaphore, #tpu.memory_space<semaphore_mem>>
    %dma_wait3A_232 = arith.constant 0 : i32
    %dma_wait3A_233 = tpu.memref_slice %arg11[%dma_wait3A_222, %dma_wait3A_232] : memref<4x128xi32, #tpu.memory_space<vmem>> -> memref<1x128xi32, #tpu.memory_space<vmem>>
    %dma_wait3A_234 = tpu.memref_squeeze %dma_wait3A_233 : memref<1x128xi32, #tpu.memory_space<vmem>> -> memref<128xi32, #tpu.memory_space<vmem>>
    %dma_wait3A_235 = arith.constant 0 : i32
    %dma_wait3A_236 = tpu.memref_slice %arg4[%add3A, %dma_wait3A_221, %dma_wait3A_235] : memref<32x80x128xi32, #tpu.memory_space<hbm>> -> memref<1x1x128xi32, #tpu.memory_space<hbm>>
    %dma_wait3A_237 = tpu.memref_squeeze %dma_wait3A_236 : memref<1x1x128xi32, #tpu.memory_space<hbm>> -> memref<128xi32, #tpu.memory_space<hbm>>
    tpu.wait_dma2 semaphore(%dma_wait3A_231 : memref<!tpu.dma_semaphore, #tpu.memory_space<semaphore_mem>>) src(%dma_wait3A_237 : memref<128xi32, #tpu.memory_space<hbm>>) dst(%dma_wait3A_234 : memref<128xi32, #tpu.memory_space<vmem>>)
    %dma_start3A_238 = arith.constant 1 : i32
    %dma_start3A_239 = arith.constant 1 : i32
    %dma_start3A_240 = arith.constant 1 : i32
    %dma_start3A_241 = arith.constant 0 : i32
    %dma_start3A_242 = arith.constant 0 : i32
    %dma_start3A_243 = tpu.memref_slice %arg12[%dma_start3A_239, %dma_start3A_241, %dma_start3A_242] : memref<2x128x128xf32, #tpu.memory_space<vmem>> -> memref<1x128x128xf32, #tpu.memory_space<vmem>>
    %dma_start3A_244 = tpu.memref_squeeze %dma_start3A_243 : memref<1x128x128xf32, #tpu.memory_space<vmem>> -> memref<128x128xf32, #tpu.memory_space<vmem>>
    %dma_start3A_245 = arith.constant 0 : i32
    %dma_start3A_246 = tpu.memref_slice %arg10[%dma_start3A_238, %dma_start3A_245] : memref<4x128xi32, #tpu.memory_space<vmem>> -> memref<1x128xi32, #tpu.memory_space<vmem>>
    %dma_start3A_247 = tpu.memref_squeeze %dma_start3A_246 : memref<1x128xi32, #tpu.memory_space<vmem>> -> memref<128xi32, #tpu.memory_space<vmem>>
    %dma_start3A_248 = arith.constant 0 : i32
    %dma_start3A_249 = arith.constant 0 : i32
    %dma_start3A_250 = tpu.memref_slice %arg2[%dma_start3A_248, %dma_start3A_249] : memref<10000x128xf32, #tpu.memory_space<hbm>> -> memref<10000x128xf32, #tpu.memory_space<hbm>>
    %dma_start3A_251 = tpu.memref_slice %arg14[%dma_start3A_240] : memref<2x!tpu.dma_semaphore, #tpu.memory_space<semaphore_mem>> -> memref<1x!tpu.dma_semaphore, #tpu.memory_space<semaphore_mem>>
    %dma_start3A_252 = tpu.memref_squeeze %dma_start3A_251 : memref<1x!tpu.dma_semaphore, #tpu.memory_space<semaphore_mem>> -> memref<!tpu.dma_semaphore, #tpu.memory_space<semaphore_mem>>
    tpu.enqueue_indirect_dma source(%dma_start3A_250 : memref<10000x128xf32, #tpu.memory_space<hbm>>) target(%dma_start3A_244 : memref<128x128xf32, #tpu.memory_space<vmem>>) offsets(%dma_start3A_247 : memref<128xi32, #tpu.memory_space<vmem>>) semaphore(%dma_start3A_252 : memref<!tpu.dma_semaphore, #tpu.memory_space<semaphore_mem>>)
    %sub3A = arith.constant 4 : i32
    %sub3A_253 = arith.subi %select_n3A, %sub3A : i32
    %jit3A_254 = arith.constant 4 : i32
    %div3A = arith.divsi %sub3A_253, %jit3A_254 : i32
    %sign3A = arith.constant 0 : i32
    %sign3A_255 = arith.cmpi sgt, %sub3A_253, %sign3A : i32
    %sign3A_256 = arith.extui %sign3A_255 : i1 to i32
    %sign3A_257 = arith.constant 0 : i32
    %sign3A_258 = arith.cmpi slt, %sub3A_253, %sign3A_257 : i32
    %sign3A_259 = arith.extui %sign3A_258 : i1 to i32
    %sign3A_260 = arith.subi %sign3A_256, %sign3A_259 : i32
    %sign3A_261 = arith.constant 0 : i32
    %sign3A_262 = arith.cmpi sgt, %jit3A_254, %sign3A_261 : i32
    %sign3A_263 = arith.extui %sign3A_262 : i1 to i32
    %sign3A_264 = arith.constant 0 : i32
    %sign3A_265 = arith.cmpi slt, %jit3A_254, %sign3A_264 : i32
    %sign3A_266 = arith.extui %sign3A_265 : i1 to i32
    %sign3A_267 = arith.subi %sign3A_263, %sign3A_266 : i32
    %ne3A = arith.cmpi ne, %sign3A_260, %sign3A_267 : i32
    %rem3A = arith.remsi %sub3A_253, %jit3A_254 : i32
    %ne3A_268 = arith.constant 0 : i32
    %ne3A_269 = arith.cmpi ne, %rem3A, %ne3A_268 : i32
    %and3A = arith.andi %ne3A, %ne3A_269 : i1
    %sub3A_270 = arith.constant 1 : i32
    %sub3A_271 = arith.subi %div3A, %sub3A_270 : i32
    %select_n3A_272 = arith.select %and3A, %sub3A_271, %div3A : i32
    %while3A = arith.constant 0 : i32
    %while3A_273 = arith.constant 0 : i32
    %while3A_274 = arith.subi %select_n3A_272, %while3A_273 : i32
    %while3A_275 = arith.addi %while3A_273, %while3A_274 : i32
    %while3A_276 = arith.constant 1 : i32
    %while3A_277 = arith.divsi %while3A_274, %while3A_276 : i32
    %while3A_278 = arith.muli %while3A_277, %while3A_276 : i32
    %while3A_279 = arith.addi %while3A_273, %while3A_278 : i32
    %while3A_280 = arith.constant 1 : i32
    scf.for %while3A_909 = %while3A_273 to %while3A_279 step %while3A_280  : i32 {
      %dma_wait3A_910 = arith.constant 0 : i32
      %dma_wait3A_911 = arith.constant 0 : i32
      %dma_wait3A_912 = arith.constant 0 : i32
      %dma_wait3A_913 = arith.constant 0 : i32
      %dma_wait3A_914 = arith.constant 0 : i32
      %dma_wait3A_915 = tpu.memref_slice %arg12[%dma_wait3A_911, %dma_wait3A_913, %dma_wait3A_914] : memref<2x128x128xf32, #tpu.memory_space<vmem>> -> memref<1x128x128xf32, #tpu.memory_space<vmem>>
      %dma_wait3A_916 = tpu.memref_squeeze %dma_wait3A_915 : memref<1x128x128xf32, #tpu.memory_space<vmem>> -> memref<128x128xf32, #tpu.memory_space<vmem>>
      %dma_wait3A_917 = arith.constant 0 : i32
      %dma_wait3A_918 = tpu.memref_slice %arg10[%dma_wait3A_910, %dma_wait3A_917] : memref<4x128xi32, #tpu.memory_space<vmem>> -> memref<1x128xi32, #tpu.memory_space<vmem>>
      %dma_wait3A_919 = tpu.memref_squeeze %dma_wait3A_918 : memref<1x128xi32, #tpu.memory_space<vmem>> -> memref<128xi32, #tpu.memory_space<vmem>>
      %dma_wait3A_920 = arith.constant 0 : i32
      %dma_wait3A_921 = arith.constant 0 : i32
      %dma_wait3A_922 = tpu.memref_slice %arg2[%dma_wait3A_920, %dma_wait3A_921] : memref<10000x128xf32, #tpu.memory_space<hbm>> -> memref<10000x128xf32, #tpu.memory_space<hbm>>
      %dma_wait3A_923 = tpu.memref_slice %arg14[%dma_wait3A_912] : memref<2x!tpu.dma_semaphore, #tpu.memory_space<semaphore_mem>> -> memref<1x!tpu.dma_semaphore, #tpu.memory_space<semaphore_mem>>
      %dma_wait3A_924 = tpu.memref_squeeze %dma_wait3A_923 : memref<1x!tpu.dma_semaphore, #tpu.memory_space<semaphore_mem>> -> memref<!tpu.dma_semaphore, #tpu.memory_space<semaphore_mem>>
      tpu.wait_indirect_dma semaphore(%dma_wait3A_924 : memref<!tpu.dma_semaphore, #tpu.memory_space<semaphore_mem>>) src(%dma_wait3A_922 : memref<10000x128xf32, #tpu.memory_space<hbm>>) dst(%dma_wait3A_916 : memref<128x128xf32, #tpu.memory_space<vmem>>)
      %dma_start3A_925 = arith.constant 0 : i32
      %dma_start3A_926 = arith.constant 0 : i32
      %dma_start3A_927 = arith.constant 0 : i32
      %dma_start3A_928 = arith.constant 0 : i32
      %dma_start3A_929 = arith.constant 0 : i32
      %dma_start3A_930 = tpu.memref_slice %arg12[%dma_start3A_925, %dma_start3A_928, %dma_start3A_929] : memref<2x128x128xf32, #tpu.memory_space<vmem>> -> memref<1x128x128xf32, #tpu.memory_space<vmem>>
      %dma_start3A_931 = tpu.memref_squeeze %dma_start3A_930 : memref<1x128x128xf32, #tpu.memory_space<vmem>> -> memref<128x128xf32, #tpu.memory_space<vmem>>
      %dma_start3A_932 = arith.constant 0 : i32
      %dma_start3A_933 = tpu.memref_slice %arg11[%dma_start3A_926, %dma_start3A_932] : memref<4x128xi32, #tpu.memory_space<vmem>> -> memref<1x128xi32, #tpu.memory_space<vmem>>
      %dma_start3A_934 = tpu.memref_squeeze %dma_start3A_933 : memref<1x128xi32, #tpu.memory_space<vmem>> -> memref<128xi32, #tpu.memory_space<vmem>>
      %dma_start3A_935 = arith.constant 0 : i32
      %dma_start3A_936 = arith.constant 0 : i32
      %dma_start3A_937 = tpu.memref_slice %arg9[%dma_start3A_935, %dma_start3A_936] : memref<10240x128xf32, #tpu.memory_space<vmem_shared>> -> memref<10240x128xf32, #tpu.memory_space<vmem_shared>>
      %dma_start3A_938 = tpu.memref_slice %arg15[%dma_start3A_927] : memref<2x!tpu.dma_semaphore, #tpu.memory_space<semaphore_mem>> -> memref<1x!tpu.dma_semaphore, #tpu.memory_space<semaphore_mem>>
      %dma_start3A_939 = tpu.memref_squeeze %dma_start3A_938 : memref<1x!tpu.dma_semaphore, #tpu.memory_space<semaphore_mem>> -> memref<!tpu.dma_semaphore, #tpu.memory_space<semaphore_mem>>
      tpu.enqueue_indirect_dma source(%dma_start3A_931 : memref<128x128xf32, #tpu.memory_space<vmem>>) target(%dma_start3A_937 : memref<10240x128xf32, #tpu.memory_space<vmem_shared>>) offsets(%dma_start3A_934 : memref<128xi32, #tpu.memory_space<vmem>>) semaphore(%dma_start3A_939 : memref<!tpu.dma_semaphore, #tpu.memory_space<semaphore_mem>>) {add = true}
      %get3A_940 = arith.constant 0 : i32
      %get3A_941 = arith.index_cast %get3A_940 : i32 to index
      %get3A_942 = arith.constant 0 : index
      %get3A_943 = tpu.vector_load %arg11[%get3A_941, %get3A_942] {strides = array<i32>} : memref<4x128xi32, #tpu.memory_space<vmem>>, vector<16xi32>,
      %shift_right_logical3A_944 = arith.constant 7 : i32
      %shift_right_logical3A_945 = vector.broadcast %shift_right_logical3A_944 : i32 to vector<16xi32>
      %shift_right_logical3A_946 = arith.shrui %get3A_943, %shift_right_logical3A_945 : vector<16xi32>
      %and3A_947 = arith.constant 127 : i32
      %and3A_948 = vector.broadcast %and3A_947 : i32 to vector<16xi32>
      %and3A_949 = arith.andi %get3A_943, %and3A_948 : vector<16xi32>
      tpu.vector_store_idx %arg13[%shift_right_logical3A_946, %and3A_949], %broadcast_in_dim3A_20 {add = true} : memref<80x128xf32, #tpu.memory_space<vmem>>[vector<16xi32>, vector<16xi32>], vector<16xf32>,
      %get3A_950 = arith.constant 0 : i32
      %get3A_951 = arith.index_cast %get3A_950 : i32 to index
      %get3A_952 = arith.constant 16 : index
      %get3A_953 = tpu.vector_load %arg11[%get3A_951, %get3A_952] {strides = array<i32>} : memref<4x128xi32, #tpu.memory_space<vmem>>, vector<16xi32>,
      %shift_right_logical3A_954 = arith.constant 7 : i32
      %shift_right_logical3A_955 = vector.broadcast %shift_right_logical3A_954 : i32 to vector<16xi32>
      %shift_right_logical3A_956 = arith.shrui %get3A_953, %shift_right_logical3A_955 : vector<16xi32>
      %and3A_957 = arith.constant 127 : i32
      %and3A_958 = vector.broadcast %and3A_957 : i32 to vector<16xi32>
      %and3A_959 = arith.andi %get3A_953, %and3A_958 : vector<16xi32>
      tpu.vector_store_idx %arg13[%shift_right_logical3A_956, %and3A_959], %broadcast_in_dim3A_20 {add = true} : memref<80x128xf32, #tpu.memory_space<vmem>>[vector<16xi32>, vector<16xi32>], vector<16xf32>,
      %get3A_960 = arith.constant 0 : i32
      %get3A_961 = arith.index_cast %get3A_960 : i32 to index
      %get3A_962 = arith.constant 32 : index
      %get3A_963 = tpu.vector_load %arg11[%get3A_961, %get3A_962] {strides = array<i32>} : memref<4x128xi32, #tpu.memory_space<vmem>>, vector<16xi32>,
      %shift_right_logical3A_964 = arith.constant 7 : i32
      %shift_right_logical3A_965 = vector.broadcast %shift_right_logical3A_964 : i32 to vector<16xi32>
      %shift_right_logical3A_966 = arith.shrui %get3A_963, %shift_right_logical3A_965 : vector<16xi32>
      %and3A_967 = arith.constant 127 : i32
      %and3A_968 = vector.broadcast %and3A_967 : i32 to vector<16xi32>
      %and3A_969 = arith.andi %get3A_963, %and3A_968 : vector<16xi32>
      tpu.vector_store_idx %arg13[%shift_right_logical3A_966, %and3A_969], %broadcast_in_dim3A_20 {add = true} : memref<80x128xf32, #tpu.memory_space<vmem>>[vector<16xi32>, vector<16xi32>], vector<16xf32>,
      %get3A_970 = arith.constant 0 : i32
      %get3A_971 = arith.index_cast %get3A_970 : i32 to index
      %get3A_972 = arith.constant 48 : index
      %get3A_973 = tpu.vector_load %arg11[%get3A_971, %get3A_972] {strides = array<i32>} : memref<4x128xi32, #tpu.memory_space<vmem>>, vector<16xi32>,
      %shift_right_logical3A_974 = arith.constant 7 : i32
      %shift_right_logical3A_975 = vector.broadcast %shift_right_logical3A_974 : i32 to vector<16xi32>
      %shift_right_logical3A_976 = arith.shrui %get3A_973, %shift_right_logical3A_975 : vector<16xi32>
      %and3A_977 = arith.constant 127 : i32
      %and3A_978 = vector.broadcast %and3A_977 : i32 to vector<16xi32>
      %and3A_979 = arith.andi %get3A_973, %and3A_978 : vector<16xi32>
      tpu.vector_store_idx %arg13[%shift_right_logical3A_976, %and3A_979], %broadcast_in_dim3A_20 {add = true} : memref<80x128xf32, #tpu.memory_space<vmem>>[vector<16xi32>, vector<16xi32>], vector<16xf32>,
      %get3A_980 = arith.constant 0 : i32
      %get3A_981 = arith.index_cast %get3A_980 : i32 to index
      %get3A_982 = arith.constant 64 : index
      %get3A_983 = tpu.vector_load %arg11[%get3A_981, %get3A_982] {strides = array<i32>} : memref<4x128xi32, #tpu.memory_space<vmem>>, vector<16xi32>,
      %shift_right_logical3A_984 = arith.constant 7 : i32
      %shift_right_logical3A_985 = vector.broadcast %shift_right_logical3A_984 : i32 to vector<16xi32>
      %shift_right_logical3A_986 = arith.shrui %get3A_983, %shift_right_logical3A_985 : vector<16xi32>
      %and3A_987 = arith.constant 127 : i32
      %and3A_988 = vector.broadcast %and3A_987 : i32 to vector<16xi32>
      %and3A_989 = arith.andi %get3A_983, %and3A_988 : vector<16xi32>
      tpu.vector_store_idx %arg13[%shift_right_logical3A_986, %and3A_989], %broadcast_in_dim3A_20 {add = true} : memref<80x128xf32, #tpu.memory_space<vmem>>[vector<16xi32>, vector<16xi32>], vector<16xf32>,
      %get3A_990 = arith.constant 0 : i32
      %get3A_991 = arith.index_cast %get3A_990 : i32 to index
      %get3A_992 = arith.constant 80 : index
      %get3A_993 = tpu.vector_load %arg11[%get3A_991, %get3A_992] {strides = array<i32>} : memref<4x128xi32, #tpu.memory_space<vmem>>, vector<16xi32>,
      %shift_right_logical3A_994 = arith.constant 7 : i32
      %shift_right_logical3A_995 = vector.broadcast %shift_right_logical3A_994 : i32 to vector<16xi32>
      %shift_right_logical3A_996 = arith.shrui %get3A_993, %shift_right_logical3A_995 : vector<16xi32>
      %and3A_997 = arith.constant 127 : i32
      %and3A_998 = vector.broadcast %and3A_997 : i32 to vector<16xi32>
      %and3A_999 = arith.andi %get3A_993, %and3A_998 : vector<16xi32>
      tpu.vector_store_idx %arg13[%shift_right_logical3A_996, %and3A_999], %broadcast_in_dim3A_20 {add = true} : memref<80x128xf32, #tpu.memory_space<vmem>>[vector<16xi32>, vector<16xi32>], vector<16xf32>,
      %get3A_1000 = arith.constant 0 : i32
      %get3A_1001 = arith.index_cast %get3A_1000 : i32 to index
      %get3A_1002 = arith.constant 96 : index
      %get3A_1003 = tpu.vector_load %arg11[%get3A_1001, %get3A_1002] {strides = array<i32>} : memref<4x128xi32, #tpu.memory_space<vmem>>, vector<16xi32>,
      %shift_right_logical3A_1004 = arith.constant 7 : i32
      %shift_right_logical3A_1005 = vector.broadcast %shift_right_logical3A_1004 : i32 to vector<16xi32>
      %shift_right_logical3A_1006 = arith.shrui %get3A_1003, %shift_right_logical3A_1005 : vector<16xi32>
      %and3A_1007 = arith.constant 127 : i32
      %and3A_1008 = vector.broadcast %and3A_1007 : i32 to vector<16xi32>
      %and3A_1009 = arith.andi %get3A_1003, %and3A_1008 : vector<16xi32>
      tpu.vector_store_idx %arg13[%shift_right_logical3A_1006, %and3A_1009], %broadcast_in_dim3A_20 {add = true} : memref<80x128xf32, #tpu.memory_space<vmem>>[vector<16xi32>, vector<16xi32>], vector<16xf32>,
      %get3A_1010 = arith.constant 0 : i32
      %get3A_1011 = arith.index_cast %get3A_1010 : i32 to index
      %get3A_1012 = arith.constant 112 : index
      %get3A_1013 = tpu.vector_load %arg11[%get3A_1011, %get3A_1012] {strides = array<i32>} : memref<4x128xi32, #tpu.memory_space<vmem>>, vector<16xi32>,
      %shift_right_logical3A_1014 = arith.constant 7 : i32
      %shift_right_logical3A_1015 = vector.broadcast %shift_right_logical3A_1014 : i32 to vector<16xi32>
      %shift_right_logical3A_1016 = arith.shrui %get3A_1013, %shift_right_logical3A_1015 : vector<16xi32>
      %and3A_1017 = arith.constant 127 : i32
      %and3A_1018 = vector.broadcast %and3A_1017 : i32 to vector<16xi32>
      %and3A_1019 = arith.andi %get3A_1013, %and3A_1018 : vector<16xi32>
      tpu.vector_store_idx %arg13[%shift_right_logical3A_1016, %and3A_1019], %broadcast_in_dim3A_20 {add = true} : memref<80x128xf32, #tpu.memory_space<vmem>>[vector<16xi32>, vector<16xi32>], vector<16xf32>,
      %dma_wait3A_1020 = arith.constant 0 : i32
      %dma_wait3A_1021 = arith.constant 1 : i32
      %dma_wait3A_1022 = arith.constant 1 : i32
      %dma_wait3A_1023 = arith.constant 0 : i32
      %dma_wait3A_1024 = arith.constant 0 : i32
      %dma_wait3A_1025 = tpu.memref_slice %arg12[%dma_wait3A_1021, %dma_wait3A_1023, %dma_wait3A_1024] : memref<2x128x128xf32, #tpu.memory_space<vmem>> -> memref<1x128x128xf32, #tpu.memory_space<vmem>>
      %dma_wait3A_1026 = tpu.memref_squeeze %dma_wait3A_1025 : memref<1x128x128xf32, #tpu.memory_space<vmem>> -> memref<128x128xf32, #tpu.memory_space<vmem>>
      %dma_wait3A_1027 = arith.constant 0 : i32
      %dma_wait3A_1028 = tpu.memref_slice %arg10[%dma_wait3A_1020, %dma_wait3A_1027] : memref<4x128xi32, #tpu.memory_space<vmem>> -> memref<1x128xi32, #tpu.memory_space<vmem>>
      %dma_wait3A_1029 = tpu.memref_squeeze %dma_wait3A_1028 : memref<1x128xi32, #tpu.memory_space<vmem>> -> memref<128xi32, #tpu.memory_space<vmem>>
      %dma_wait3A_1030 = arith.constant 0 : i32
      %dma_wait3A_1031 = arith.constant 0 : i32
      %dma_wait3A_1032 = tpu.memref_slice %arg2[%dma_wait3A_1030, %dma_wait3A_1031] : memref<10000x128xf32, #tpu.memory_space<hbm>> -> memref<10000x128xf32, #tpu.memory_space<hbm>>
      %dma_wait3A_1033 = tpu.memref_slice %arg14[%dma_wait3A_1022] : memref<2x!tpu.dma_semaphore, #tpu.memory_space<semaphore_mem>> -> memref<1x!tpu.dma_semaphore, #tpu.memory_space<semaphore_mem>>
      %dma_wait3A_1034 = tpu.memref_squeeze %dma_wait3A_1033 : memref<1x!tpu.dma_semaphore, #tpu.memory_space<semaphore_mem>> -> memref<!tpu.dma_semaphore, #tpu.memory_space<semaphore_mem>>
      tpu.wait_indirect_dma semaphore(%dma_wait3A_1034 : memref<!tpu.dma_semaphore, #tpu.memory_space<semaphore_mem>>) src(%dma_wait3A_1032 : memref<10000x128xf32, #tpu.memory_space<hbm>>) dst(%dma_wait3A_1026 : memref<128x128xf32, #tpu.memory_space<vmem>>)
      %dma_start3A_1035 = arith.constant 1 : i32
      %dma_start3A_1036 = arith.constant 1 : i32
      %dma_start3A_1037 = arith.constant 1 : i32
      %dma_start3A_1038 = arith.constant 0 : i32
      %dma_start3A_1039 = arith.constant 0 : i32
      %dma_start3A_1040 = tpu.memref_slice %arg12[%dma_start3A_1035, %dma_start3A_1038, %dma_start3A_1039] : memref<2x128x128xf32, #tpu.memory_space<vmem>> -> memref<1x128x128xf32, #tpu.memory_space<vmem>>
      %dma_start3A_1041 = tpu.memref_squeeze %dma_start3A_1040 : memref<1x128x128xf32, #tpu.memory_space<vmem>> -> memref<128x128xf32, #tpu.memory_space<vmem>>
      %dma_start3A_1042 = arith.constant 0 : i32
      %dma_start3A_1043 = tpu.memref_slice %arg11[%dma_start3A_1036, %dma_start3A_1042] : memref<4x128xi32, #tpu.memory_space<vmem>> -> memref<1x128xi32, #tpu.memory_space<vmem>>
      %dma_start3A_1044 = tpu.memref_squeeze %dma_start3A_1043 : memref<1x128xi32, #tpu.memory_space<vmem>> -> memref<128xi32, #tpu.memory_space<vmem>>
      %dma_start3A_1045 = arith.constant 0 : i32
      %dma_start3A_1046 = arith.constant 0 : i32
      %dma_start3A_1047 = tpu.memref_slice %arg9[%dma_start3A_1045, %dma_start3A_1046] : memref<10240x128xf32, #tpu.memory_space<vmem_shared>> -> memref<10240x128xf32, #tpu.memory_space<vmem_shared>>
      %dma_start3A_1048 = tpu.memref_slice %arg15[%dma_start3A_1037] : memref<2x!tpu.dma_semaphore, #tpu.memory_space<semaphore_mem>> -> memref<1x!tpu.dma_semaphore, #tpu.memory_space<semaphore_mem>>
      %dma_start3A_1049 = tpu.memref_squeeze %dma_start3A_1048 : memref<1x!tpu.dma_semaphore, #tpu.memory_space<semaphore_mem>> -> memref<!tpu.dma_semaphore, #tpu.memory_space<semaphore_mem>>
      tpu.enqueue_indirect_dma source(%dma_start3A_1041 : memref<128x128xf32, #tpu.memory_space<vmem>>) target(%dma_start3A_1047 : memref<10240x128xf32, #tpu.memory_space<vmem_shared>>) offsets(%dma_start3A_1044 : memref<128xi32, #tpu.memory_space<vmem>>) semaphore(%dma_start3A_1049 : memref<!tpu.dma_semaphore, #tpu.memory_space<semaphore_mem>>) {add = true}
      %get3A_1050 = arith.constant 1 : i32
      %get3A_1051 = arith.index_cast %get3A_1050 : i32 to index
      %get3A_1052 = arith.constant 0 : index
      %get3A_1053 = tpu.vector_load %arg11[%get3A_1051, %get3A_1052] {strides = array<i32>} : memref<4x128xi32, #tpu.memory_space<vmem>>, vector<16xi32>,
      %shift_right_logical3A_1054 = arith.constant 7 : i32
      %shift_right_logical3A_1055 = vector.broadcast %shift_right_logical3A_1054 : i32 to vector<16xi32>
      %shift_right_logical3A_1056 = arith.shrui %get3A_1053, %shift_right_logical3A_1055 : vector<16xi32>
      %and3A_1057 = arith.constant 127 : i32
      %and3A_1058 = vector.broadcast %and3A_1057 : i32 to vector<16xi32>
      %and3A_1059 = arith.andi %get3A_1053, %and3A_1058 : vector<16xi32>
      tpu.vector_store_idx %arg13[%shift_right_logical3A_1056, %and3A_1059], %broadcast_in_dim3A_20 {add = true} : memref<80x128xf32, #tpu.memory_space<vmem>>[vector<16xi32>, vector<16xi32>], vector<16xf32>,
      %get3A_1060 = arith.constant 1 : i32
      %get3A_1061 = arith.index_cast %get3A_1060 : i32 to index
      %get3A_1062 = arith.constant 16 : index
      %get3A_1063 = tpu.vector_load %arg11[%get3A_1061, %get3A_1062] {strides = array<i32>} : memref<4x128xi32, #tpu.memory_space<vmem>>, vector<16xi32>,
      %shift_right_logical3A_1064 = arith.constant 7 : i32
      %shift_right_logical3A_1065 = vector.broadcast %shift_right_logical3A_1064 : i32 to vector<16xi32>
      %shift_right_logical3A_1066 = arith.shrui %get3A_1063, %shift_right_logical3A_1065 : vector<16xi32>
      %and3A_1067 = arith.constant 127 : i32
      %and3A_1068 = vector.broadcast %and3A_1067 : i32 to vector<16xi32>
      %and3A_1069 = arith.andi %get3A_1063, %and3A_1068 : vector<16xi32>
      tpu.vector_store_idx %arg13[%shift_right_logical3A_1066, %and3A_1069], %broadcast_in_dim3A_20 {add = true} : memref<80x128xf32, #tpu.memory_space<vmem>>[vector<16xi32>, vector<16xi32>], vector<16xf32>,
      %get3A_1070 = arith.constant 1 : i32
      %get3A_1071 = arith.index_cast %get3A_1070 : i32 to index
      %get3A_1072 = arith.constant 32 : index
      %get3A_1073 = tpu.vector_load %arg11[%get3A_1071, %get3A_1072] {strides = array<i32>} : memref<4x128xi32, #tpu.memory_space<vmem>>, vector<16xi32>,
      %shift_right_logical3A_1074 = arith.constant 7 : i32
      %shift_right_logical3A_1075 = vector.broadcast %shift_right_logical3A_1074 : i32 to vector<16xi32>
      %shift_right_logical3A_1076 = arith.shrui %get3A_1073, %shift_right_logical3A_1075 : vector<16xi32>
      %and3A_1077 = arith.constant 127 : i32
      %and3A_1078 = vector.broadcast %and3A_1077 : i32 to vector<16xi32>
      %and3A_1079 = arith.andi %get3A_1073, %and3A_1078 : vector<16xi32>
      tpu.vector_store_idx %arg13[%shift_right_logical3A_1076, %and3A_1079], %broadcast_in_dim3A_20 {add = true} : memref<80x128xf32, #tpu.memory_space<vmem>>[vector<16xi32>, vector<16xi32>], vector<16xf32>,
      %get3A_1080 = arith.constant 1 : i32
      %get3A_1081 = arith.index_cast %get3A_1080 : i32 to index
      %get3A_1082 = arith.constant 48 : index
      %get3A_1083 = tpu.vector_load %arg11[%get3A_1081, %get3A_1082] {strides = array<i32>} : memref<4x128xi32, #tpu.memory_space<vmem>>, vector<16xi32>,
      %shift_right_logical3A_1084 = arith.constant 7 : i32
      %shift_right_logical3A_1085 = vector.broadcast %shift_right_logical3A_1084 : i32 to vector<16xi32>
      %shift_right_logical3A_1086 = arith.shrui %get3A_1083, %shift_right_logical3A_1085 : vector<16xi32>
      %and3A_1087 = arith.constant 127 : i32
      %and3A_1088 = vector.broadcast %and3A_1087 : i32 to vector<16xi32>
      %and3A_1089 = arith.andi %get3A_1083, %and3A_1088 : vector<16xi32>
      tpu.vector_store_idx %arg13[%shift_right_logical3A_1086, %and3A_1089], %broadcast_in_dim3A_20 {add = true} : memref<80x128xf32, #tpu.memory_space<vmem>>[vector<16xi32>, vector<16xi32>], vector<16xf32>,
      %get3A_1090 = arith.constant 1 : i32
      %get3A_1091 = arith.index_cast %get3A_1090 : i32 to index
      %get3A_1092 = arith.constant 64 : index
      %get3A_1093 = tpu.vector_load %arg11[%get3A_1091, %get3A_1092] {strides = array<i32>} : memref<4x128xi32, #tpu.memory_space<vmem>>, vector<16xi32>,
      %shift_right_logical3A_1094 = arith.constant 7 : i32
      %shift_right_logical3A_1095 = vector.broadcast %shift_right_logical3A_1094 : i32 to vector<16xi32>
      %shift_right_logical3A_1096 = arith.shrui %get3A_1093, %shift_right_logical3A_1095 : vector<16xi32>
      %and3A_1097 = arith.constant 127 : i32
      %and3A_1098 = vector.broadcast %and3A_1097 : i32 to vector<16xi32>
      %and3A_1099 = arith.andi %get3A_1093, %and3A_1098 : vector<16xi32>
      tpu.vector_store_idx %arg13[%shift_right_logical3A_1096, %and3A_1099], %broadcast_in_dim3A_20 {add = true} : memref<80x128xf32, #tpu.memory_space<vmem>>[vector<16xi32>, vector<16xi32>], vector<16xf32>,
      %get3A_1100 = arith.constant 1 : i32
      %get3A_1101 = arith.index_cast %get3A_1100 : i32 to index
      %get3A_1102 = arith.constant 80 : index
      %get3A_1103 = tpu.vector_load %arg11[%get3A_1101, %get3A_1102] {strides = array<i32>} : memref<4x128xi32, #tpu.memory_space<vmem>>, vector<16xi32>,
      %shift_right_logical3A_1104 = arith.constant 7 : i32
      %shift_right_logical3A_1105 = vector.broadcast %shift_right_logical3A_1104 : i32 to vector<16xi32>
      %shift_right_logical3A_1106 = arith.shrui %get3A_1103, %shift_right_logical3A_1105 : vector<16xi32>
      %and3A_1107 = arith.constant 127 : i32
      %and3A_1108 = vector.broadcast %and3A_1107 : i32 to vector<16xi32>
      %and3A_1109 = arith.andi %get3A_1103, %and3A_1108 : vector<16xi32>
      tpu.vector_store_idx %arg13[%shift_right_logical3A_1106, %and3A_1109], %broadcast_in_dim3A_20 {add = true} : memref<80x128xf32, #tpu.memory_space<vmem>>[vector<16xi32>, vector<16xi32>], vector<16xf32>,
      %get3A_1110 = arith.constant 1 : i32
      %get3A_1111 = arith.index_cast %get3A_1110 : i32 to index
      %get3A_1112 = arith.constant 96 : index
      %get3A_1113 = tpu.vector_load %arg11[%get3A_1111, %get3A_1112] {strides = array<i32>} : memref<4x128xi32, #tpu.memory_space<vmem>>, vector<16xi32>,
      %shift_right_logical3A_1114 = arith.constant 7 : i32
      %shift_right_logical3A_1115 = vector.broadcast %shift_right_logical3A_1114 : i32 to vector<16xi32>
      %shift_right_logical3A_1116 = arith.shrui %get3A_1113, %shift_right_logical3A_1115 : vector<16xi32>
      %and3A_1117 = arith.constant 127 : i32
      %and3A_1118 = vector.broadcast %and3A_1117 : i32 to vector<16xi32>
      %and3A_1119 = arith.andi %get3A_1113, %and3A_1118 : vector<16xi32>
      tpu.vector_store_idx %arg13[%shift_right_logical3A_1116, %and3A_1119], %broadcast_in_dim3A_20 {add = true} : memref<80x128xf32, #tpu.memory_space<vmem>>[vector<16xi32>, vector<16xi32>], vector<16xf32>,
      %get3A_1120 = arith.constant 1 : i32
      %get3A_1121 = arith.index_cast %get3A_1120 : i32 to index
      %get3A_1122 = arith.constant 112 : index
      %get3A_1123 = tpu.vector_load %arg11[%get3A_1121, %get3A_1122] {strides = array<i32>} : memref<4x128xi32, #tpu.memory_space<vmem>>, vector<16xi32>,
      %shift_right_logical3A_1124 = arith.constant 7 : i32
      %shift_right_logical3A_1125 = vector.broadcast %shift_right_logical3A_1124 : i32 to vector<16xi32>
      %shift_right_logical3A_1126 = arith.shrui %get3A_1123, %shift_right_logical3A_1125 : vector<16xi32>
      %and3A_1127 = arith.constant 127 : i32
      %and3A_1128 = vector.broadcast %and3A_1127 : i32 to vector<16xi32>
      %and3A_1129 = arith.andi %get3A_1123, %and3A_1128 : vector<16xi32>
      tpu.vector_store_idx %arg13[%shift_right_logical3A_1126, %and3A_1129], %broadcast_in_dim3A_20 {add = true} : memref<80x128xf32, #tpu.memory_space<vmem>>[vector<16xi32>, vector<16xi32>], vector<16xf32>,
      %dma_wait3A_1130 = arith.constant 0 : i32
      %dma_wait3A_1131 = arith.constant 0 : i32
      %dma_wait3A_1132 = arith.constant 0 : i32
      %dma_wait3A_1133 = arith.constant 0 : i32
      %dma_wait3A_1134 = arith.constant 0 : i32
      %dma_wait3A_1135 = tpu.memref_slice %arg12[%dma_wait3A_1130, %dma_wait3A_1133, %dma_wait3A_1134] : memref<2x128x128xf32, #tpu.memory_space<vmem>> -> memref<1x128x128xf32, #tpu.memory_space<vmem>>
      %dma_wait3A_1136 = tpu.memref_squeeze %dma_wait3A_1135 : memref<1x128x128xf32, #tpu.memory_space<vmem>> -> memref<128x128xf32, #tpu.memory_space<vmem>>
      %dma_wait3A_1137 = arith.constant 0 : i32
      %dma_wait3A_1138 = tpu.memref_slice %arg11[%dma_wait3A_1131, %dma_wait3A_1137] : memref<4x128xi32, #tpu.memory_space<vmem>> -> memref<1x128xi32, #tpu.memory_space<vmem>>
      %dma_wait3A_1139 = tpu.memref_squeeze %dma_wait3A_1138 : memref<1x128xi32, #tpu.memory_space<vmem>> -> memref<128xi32, #tpu.memory_space<vmem>>
      %dma_wait3A_1140 = arith.constant 0 : i32
      %dma_wait3A_1141 = arith.constant 0 : i32
      %dma_wait3A_1142 = tpu.memref_slice %arg9[%dma_wait3A_1140, %dma_wait3A_1141] : memref<10240x128xf32, #tpu.memory_space<vmem_shared>> -> memref<10240x128xf32, #tpu.memory_space<vmem_shared>>
      %dma_wait3A_1143 = tpu.memref_slice %arg15[%dma_wait3A_1132] : memref<2x!tpu.dma_semaphore, #tpu.memory_space<semaphore_mem>> -> memref<1x!tpu.dma_semaphore, #tpu.memory_space<semaphore_mem>>
      %dma_wait3A_1144 = tpu.memref_squeeze %dma_wait3A_1143 : memref<1x!tpu.dma_semaphore, #tpu.memory_space<semaphore_mem>> -> memref<!tpu.dma_semaphore, #tpu.memory_space<semaphore_mem>>
      tpu.wait_indirect_dma semaphore(%dma_wait3A_1144 : memref<!tpu.dma_semaphore, #tpu.memory_space<semaphore_mem>>) src(%dma_wait3A_1136 : memref<128x128xf32, #tpu.memory_space<vmem>>) dst(%dma_wait3A_1142 : memref<10240x128xf32, #tpu.memory_space<vmem_shared>>)
      %mul3A_1145 = arith.constant 4 : i32
      %mul3A_1146 = arith.muli %mul3A_1145, %while3A_909 : i32
      %add3A_1147 = arith.constant 0 : i32
      %add3A_1148 = arith.addi %mul3A_1146, %add3A_1147 : i32
      %add3A_1149 = arith.constant 4 : i32
      %add3A_1150 = arith.addi %add3A_1148, %add3A_1149 : i32
      %dma_start3A_1151 = arith.constant 0 : i32
      %dma_start3A_1152 = arith.constant 0 : i32
      %dma_start3A_1153 = arith.constant 0 : i32
      %dma_start3A_1154 = tpu.memref_slice %arg10[%dma_start3A_1151, %dma_start3A_1153] : memref<4x128xi32, #tpu.memory_space<vmem>> -> memref<1x128xi32, #tpu.memory_space<vmem>>
      %dma_start3A_1155 = tpu.memref_squeeze %dma_start3A_1154 : memref<1x128xi32, #tpu.memory_space<vmem>> -> memref<128xi32, #tpu.memory_space<vmem>>
      %dma_start3A_1156 = arith.constant 0 : i32
      %dma_start3A_1157 = tpu.memref_slice %arg3[%add3A, %add3A_1150, %dma_start3A_1156] : memref<32x80x128xi32, #tpu.memory_space<hbm>> -> memref<1x1x128xi32, #tpu.memory_space<hbm>>
      %dma_start3A_1158 = tpu.memref_squeeze %dma_start3A_1157 : memref<1x1x128xi32, #tpu.memory_space<hbm>> -> memref<128xi32, #tpu.memory_space<hbm>>
      %dma_start3A_1159 = tpu.memref_slice %arg16[%dma_start3A_1152] : memref<4x!tpu.dma_semaphore, #tpu.memory_space<semaphore_mem>> -> memref<1x!tpu.dma_semaphore, #tpu.memory_space<semaphore_mem>>
      %dma_start3A_1160 = tpu.memref_squeeze %dma_start3A_1159 : memref<1x!tpu.dma_semaphore, #tpu.memory_space<semaphore_mem>> -> memref<!tpu.dma_semaphore, #tpu.memory_space<semaphore_mem>>
      %dma_start3A_1161 = arith.constant 0 : i32
      %dma_start3A_1162 = tpu.memref_slice %arg10[%dma_start3A_1151, %dma_start3A_1161] : memref<4x128xi32, #tpu.memory_space<vmem>> -> memref<1x128xi32, #tpu.memory_space<vmem>>
      %dma_start3A_1163 = tpu.memref_squeeze %dma_start3A_1162 : memref<1x128xi32, #tpu.memory_space<vmem>> -> memref<128xi32, #tpu.memory_space<vmem>>
      %dma_start3A_1164 = arith.constant 0 : i32
      %dma_start3A_1165 = tpu.memref_slice %arg3[%add3A, %add3A_1150, %dma_start3A_1164] : memref<32x80x128xi32, #tpu.memory_space<hbm>> -> memref<1x1x128xi32, #tpu.memory_space<hbm>>
      %dma_start3A_1166 = tpu.memref_squeeze %dma_start3A_1165 : memref<1x1x128xi32, #tpu.memory_space<hbm>> -> memref<128xi32, #tpu.memory_space<hbm>>
      tpu.enqueue_dma source(%dma_start3A_1166 : memref<128xi32, #tpu.memory_space<hbm>>) target(%dma_start3A_1163 : memref<128xi32, #tpu.memory_space<vmem>>) target_semaphore(%dma_start3A_1160 : memref<!tpu.dma_semaphore, #tpu.memory_space<semaphore_mem>>)
      %dma_start3A_1167 = arith.constant 0 : i32
      %dma_start3A_1168 = arith.constant 0 : i32
      %dma_start3A_1169 = arith.constant 0 : i32
      %dma_start3A_1170 = tpu.memref_slice %arg11[%dma_start3A_1167, %dma_start3A_1169] : memref<4x128xi32, #tpu.memory_space<vmem>> -> memref<1x128xi32, #tpu.memory_space<vmem>>
      %dma_start3A_1171 = tpu.memref_squeeze %dma_start3A_1170 : memref<1x128xi32, #tpu.memory_space<vmem>> -> memref<128xi32, #tpu.memory_space<vmem>>
      %dma_start3A_1172 = arith.constant 0 : i32
      %dma_start3A_1173 = tpu.memref_slice %arg4[%add3A, %add3A_1150, %dma_start3A_1172] : memref<32x80x128xi32, #tpu.memory_space<hbm>> -> memref<1x1x128xi32, #tpu.memory_space<hbm>>
      %dma_start3A_1174 = tpu.memref_squeeze %dma_start3A_1173 : memref<1x1x128xi32, #tpu.memory_space<hbm>> -> memref<128xi32, #tpu.memory_space<hbm>>
      %dma_start3A_1175 = tpu.memref_slice %arg17[%dma_start3A_1168] : memref<4x!tpu.dma_semaphore, #tpu.memory_space<semaphore_mem>> -> memref<1x!tpu.dma_semaphore, #tpu.memory_space<semaphore_mem>>
      %dma_start3A_1176 = tpu.memref_squeeze %dma_start3A_1175 : memref<1x!tpu.dma_semaphore, #tpu.memory_space<semaphore_mem>> -> memref<!tpu.dma_semaphore, #tpu.memory_space<semaphore_mem>>
      %dma_start3A_1177 = arith.constant 0 : i32
      %dma_start3A_1178 = tpu.memref_slice %arg11[%dma_start3A_1167, %dma_start3A_1177] : memref<4x128xi32, #tpu.memory_space<vmem>> -> memref<1x128xi32, #tpu.memory_space<vmem>>
      %dma_start3A_1179 = tpu.memref_squeeze %dma_start3A_1178 : memref<1x128xi32, #tpu.memory_space<vmem>> -> memref<128xi32, #tpu.memory_space<vmem>>
      %dma_start3A_1180 = arith.constant 0 : i32
      %dma_start3A_1181 = tpu.memref_slice %arg4[%add3A, %add3A_1150, %dma_start3A_1180] : memref<32x80x128xi32, #tpu.memory_space<hbm>> -> memref<1x1x128xi32, #tpu.memory_space<hbm>>
      %dma_start3A_1182 = tpu.memref_squeeze %dma_start3A_1181 : memref<1x1x128xi32, #tpu.memory_space<hbm>> -> memref<128xi32, #tpu.memory_space<hbm>>
      tpu.enqueue_dma source(%dma_start3A_1182 : memref<128xi32, #tpu.memory_space<hbm>>) target(%dma_start3A_1179 : memref<128xi32, #tpu.memory_space<vmem>>) target_semaphore(%dma_start3A_1176 : memref<!tpu.dma_semaphore, #tpu.memory_space<semaphore_mem>>)
      %dma_wait3A_1183 = arith.constant 0 : i32
      %dma_wait3A_1184 = arith.constant 2 : i32
      %dma_wait3A_1185 = arith.constant 2 : i32
      %dma_wait3A_1186 = arith.constant 0 : i32
      %dma_wait3A_1187 = tpu.memref_slice %arg10[%dma_wait3A_1184, %dma_wait3A_1186] : memref<4x128xi32, #tpu.memory_space<vmem>> -> memref<1x128xi32, #tpu.memory_space<vmem>>
      %dma_wait3A_1188 = tpu.memref_squeeze %dma_wait3A_1187 : memref<1x128xi32, #tpu.memory_space<vmem>> -> memref<128xi32, #tpu.memory_space<vmem>>
      %dma_wait3A_1189 = arith.constant 0 : i32
      %dma_wait3A_1190 = tpu.memref_slice %arg3[%add3A, %dma_wait3A_1183, %dma_wait3A_1189] : memref<32x80x128xi32, #tpu.memory_space<hbm>> -> memref<1x1x128xi32, #tpu.memory_space<hbm>>
      %dma_wait3A_1191 = tpu.memref_squeeze %dma_wait3A_1190 : memref<1x1x128xi32, #tpu.memory_space<hbm>> -> memref<128xi32, #tpu.memory_space<hbm>>
      %dma_wait3A_1192 = tpu.memref_slice %arg16[%dma_wait3A_1185] : memref<4x!tpu.dma_semaphore, #tpu.memory_space<semaphore_mem>> -> memref<1x!tpu.dma_semaphore, #tpu.memory_space<semaphore_mem>>
      %dma_wait3A_1193 = tpu.memref_squeeze %dma_wait3A_1192 : memref<1x!tpu.dma_semaphore, #tpu.memory_space<semaphore_mem>> -> memref<!tpu.dma_semaphore, #tpu.memory_space<semaphore_mem>>
      %dma_wait3A_1194 = arith.constant 0 : i32
      %dma_wait3A_1195 = tpu.memref_slice %arg10[%dma_wait3A_1184, %dma_wait3A_1194] : memref<4x128xi32, #tpu.memory_space<vmem>> -> memref<1x128xi32, #tpu.memory_space<vmem>>
      %dma_wait3A_1196 = tpu.memref_squeeze %dma_wait3A_1195 : memref<1x128xi32, #tpu.memory_space<vmem>> -> memref<128xi32, #tpu.memory_space<vmem>>
      %dma_wait3A_1197 = arith.constant 0 : i32
      %dma_wait3A_1198 = tpu.memref_slice %arg3[%add3A, %dma_wait3A_1183, %dma_wait3A_1197] : memref<32x80x128xi32, #tpu.memory_space<hbm>> -> memref<1x1x128xi32, #tpu.memory_space<hbm>>
      %dma_wait3A_1199 = tpu.memref_squeeze %dma_wait3A_1198 : memref<1x1x128xi32, #tpu.memory_space<hbm>> -> memref<128xi32, #tpu.memory_space<hbm>>
      tpu.wait_dma2 semaphore(%dma_wait3A_1193 : memref<!tpu.dma_semaphore, #tpu.memory_space<semaphore_mem>>) src(%dma_wait3A_1199 : memref<128xi32, #tpu.memory_space<hbm>>) dst(%dma_wait3A_1196 : memref<128xi32, #tpu.memory_space<vmem>>)
      %dma_wait3A_1200 = arith.constant 0 : i32
      %dma_wait3A_1201 = arith.constant 2 : i32
      %dma_wait3A_1202 = arith.constant 2 : i32
      %dma_wait3A_1203 = arith.constant 0 : i32
      %dma_wait3A_1204 = tpu.memref_slice %arg11[%dma_wait3A_1201, %dma_wait3A_1203] : memref<4x128xi32, #tpu.memory_space<vmem>> -> memref<1x128xi32, #tpu.memory_space<vmem>>
      %dma_wait3A_1205 = tpu.memref_squeeze %dma_wait3A_1204 : memref<1x128xi32, #tpu.memory_space<vmem>> -> memref<128xi32, #tpu.memory_space<vmem>>
      %dma_wait3A_1206 = arith.constant 0 : i32
      %dma_wait3A_1207 = tpu.memref_slice %arg4[%add3A, %dma_wait3A_1200, %dma_wait3A_1206] : memref<32x80x128xi32, #tpu.memory_space<hbm>> -> memref<1x1x128xi32, #tpu.memory_space<hbm>>
      %dma_wait3A_1208 = tpu.memref_squeeze %dma_wait3A_1207 : memref<1x1x128xi32, #tpu.memory_space<hbm>> -> memref<128xi32, #tpu.memory_space<hbm>>
      %dma_wait3A_1209 = tpu.memref_slice %arg17[%dma_wait3A_1202] : memref<4x!tpu.dma_semaphore, #tpu.memory_space<semaphore_mem>> -> memref<1x!tpu.dma_semaphore, #tpu.memory_space<semaphore_mem>>
      %dma_wait3A_1210 = tpu.memref_squeeze %dma_wait3A_1209 : memref<1x!tpu.dma_semaphore, #tpu.memory_space<semaphore_mem>> -> memref<!tpu.dma_semaphore, #tpu.memory_space<semaphore_mem>>
      %dma_wait3A_1211 = arith.constant 0 : i32
      %dma_wait3A_1212 = tpu.memref_slice %arg11[%dma_wait3A_1201, %dma_wait3A_1211] : memref<4x128xi32, #tpu.memory_space<vmem>> -> memref<1x128xi32, #tpu.memory_space<vmem>>
      %dma_wait3A_1213 = tpu.memref_squeeze %dma_wait3A_1212 : memref<1x128xi32, #tpu.memory_space<vmem>> -> memref<128xi32, #tpu.memory_space<vmem>>
      %dma_wait3A_1214 = arith.constant 0 : i32
      %dma_wait3A_1215 = tpu.memref_slice %arg4[%add3A, %dma_wait3A_1200, %dma_wait3A_1214] : memref<32x80x128xi32, #tpu.memory_space<hbm>> -> memref<1x1x128xi32, #tpu.memory_space<hbm>>
      %dma_wait3A_1216 = tpu.memref_squeeze %dma_wait3A_1215 : memref<1x1x128xi32, #tpu.memory_space<hbm>> -> memref<128xi32, #tpu.memory_space<hbm>>
      tpu.wait_dma2 semaphore(%dma_wait3A_1210 : memref<!tpu.dma_semaphore, #tpu.memory_space<semaphore_mem>>) src(%dma_wait3A_1216 : memref<128xi32, #tpu.memory_space<hbm>>) dst(%dma_wait3A_1213 : memref<128xi32, #tpu.memory_space<vmem>>)
      %dma_start3A_1217 = arith.constant 2 : i32
      %dma_start3A_1218 = arith.constant 0 : i32
      %dma_start3A_1219 = arith.constant 0 : i32
      %dma_start3A_1220 = arith.constant 0 : i32
      %dma_start3A_1221 = arith.constant 0 : i32
      %dma_start3A_1222 = tpu.memref_slice %arg12[%dma_start3A_1218, %dma_start3A_1220, %dma_start3A_1221] : memref<2x128x128xf32, #tpu.memory_space<vmem>> -> memref<1x128x128xf32, #tpu.memory_space<vmem>>
      %dma_start3A_1223 = tpu.memref_squeeze %dma_start3A_1222 : memref<1x128x128xf32, #tpu.memory_space<vmem>> -> memref<128x128xf32, #tpu.memory_space<vmem>>
      %dma_start3A_1224 = arith.constant 0 : i32
      %dma_start3A_1225 = tpu.memref_slice %arg10[%dma_start3A_1217, %dma_start3A_1224] : memref<4x128xi32, #tpu.memory_space<vmem>> -> memref<1x128xi32, #tpu.memory_space<vmem>>
      %dma_start3A_1226 = tpu.memref_squeeze %dma_start3A_1225 : memref<1x128xi32, #tpu.memory_space<vmem>> -> memref<128xi32, #tpu.memory_space<vmem>>
      %dma_start3A_1227 = arith.constant 0 : i32
      %dma_start3A_1228 = arith.constant 0 : i32
      %dma_start3A_1229 = tpu.memref_slice %arg2[%dma_start3A_1227, %dma_start3A_1228] : memref<10000x128xf32, #tpu.memory_space<hbm>> -> memref<10000x128xf32, #tpu.memory_space<hbm>>
      %dma_start3A_1230 = tpu.memref_slice %arg14[%dma_start3A_1219] : memref<2x!tpu.dma_semaphore, #tpu.memory_space<semaphore_mem>> -> memref<1x!tpu.dma_semaphore, #tpu.memory_space<semaphore_mem>>
      %dma_start3A_1231 = tpu.memref_squeeze %dma_start3A_1230 : memref<1x!tpu.dma_semaphore, #tpu.memory_space<semaphore_mem>> -> memref<!tpu.dma_semaphore, #tpu.memory_space<semaphore_mem>>
      tpu.enqueue_indirect_dma source(%dma_start3A_1229 : memref<10000x128xf32, #tpu.memory_space<hbm>>) target(%dma_start3A_1223 : memref<128x128xf32, #tpu.memory_space<vmem>>) offsets(%dma_start3A_1226 : memref<128xi32, #tpu.memory_space<vmem>>) semaphore(%dma_start3A_1231 : memref<!tpu.dma_semaphore, #tpu.memory_space<semaphore_mem>>)
      %dma_wait3A_1232 = arith.constant 1 : i32
      %dma_wait3A_1233 = arith.constant 0 : i32
      %dma_wait3A_1234 = arith.constant 1 : i32
      %dma_wait3A_1235 = arith.constant 0 : i32
      %dma_wait3A_1236 = arith.constant 0 : i32
      %dma_wait3A_1237 = tpu.memref_slice %arg12[%dma_wait3A_1232, %dma_wait3A_1235, %dma_wait3A_1236] : memref<2x128x128xf32, #tpu.memory_space<vmem>> -> memref<1x128x128xf32, #tpu.memory_space<vmem>>
      %dma_wait3A_1238 = tpu.memref_squeeze %dma_wait3A_1237 : memref<1x128x128xf32, #tpu.memory_space<vmem>> -> memref<128x128xf32, #tpu.memory_space<vmem>>
      %dma_wait3A_1239 = arith.constant 0 : i32
      %dma_wait3A_1240 = tpu.memref_slice %arg11[%dma_wait3A_1233, %dma_wait3A_1239] : memref<4x128xi32, #tpu.memory_space<vmem>> -> memref<1x128xi32, #tpu.memory_space<vmem>>
      %dma_wait3A_1241 = tpu.memref_squeeze %dma_wait3A_1240 : memref<1x128xi32, #tpu.memory_space<vmem>> -> memref<128xi32, #tpu.memory_space<vmem>>
      %dma_wait3A_1242 = arith.constant 0 : i32
      %dma_wait3A_1243 = arith.constant 0 : i32
      %dma_wait3A_1244 = tpu.memref_slice %arg9[%dma_wait3A_1242, %dma_wait3A_1243] : memref<10240x128xf32, #tpu.memory_space<vmem_shared>> -> memref<10240x128xf32, #tpu.memory_space<vmem_shared>>
      %dma_wait3A_1245 = tpu.memref_slice %arg15[%dma_wait3A_1234] : memref<2x!tpu.dma_semaphore, #tpu.memory_space<semaphore_mem>> -> memref<1x!tpu.dma_semaphore, #tpu.memory_space<semaphore_mem>>
      %dma_wait3A_1246 = tpu.memref_squeeze %dma_wait3A_1245 : memref<1x!tpu.dma_semaphore, #tpu.memory_space<semaphore_mem>> -> memref<!tpu.dma_semaphore, #tpu.memory_space<semaphore_mem>>
      tpu.wait_indirect_dma semaphore(%dma_wait3A_1246 : memref<!tpu.dma_semaphore, #tpu.memory_space<semaphore_mem>>) src(%dma_wait3A_1238 : memref<128x128xf32, #tpu.memory_space<vmem>>) dst(%dma_wait3A_1244 : memref<10240x128xf32, #tpu.memory_space<vmem_shared>>)
      %mul3A_1247 = arith.constant 4 : i32
      %mul3A_1248 = arith.muli %mul3A_1247, %while3A_909 : i32
      %add3A_1249 = arith.constant 1 : i32
      %add3A_1250 = arith.addi %mul3A_1248, %add3A_1249 : i32
      %add3A_1251 = arith.constant 4 : i32
      %add3A_1252 = arith.addi %add3A_1250, %add3A_1251 : i32
      %dma_start3A_1253 = arith.constant 1 : i32
      %dma_start3A_1254 = arith.constant 1 : i32
      %dma_start3A_1255 = arith.constant 0 : i32
      %dma_start3A_1256 = tpu.memref_slice %arg10[%dma_start3A_1253, %dma_start3A_1255] : memref<4x128xi32, #tpu.memory_space<vmem>> -> memref<1x128xi32, #tpu.memory_space<vmem>>
      %dma_start3A_1257 = tpu.memref_squeeze %dma_start3A_1256 : memref<1x128xi32, #tpu.memory_space<vmem>> -> memref<128xi32, #tpu.memory_space<vmem>>
      %dma_start3A_1258 = arith.constant 0 : i32
      %dma_start3A_1259 = tpu.memref_slice %arg3[%add3A, %add3A_1252, %dma_start3A_1258] : memref<32x80x128xi32, #tpu.memory_space<hbm>> -> memref<1x1x128xi32, #tpu.memory_space<hbm>>
      %dma_start3A_1260 = tpu.memref_squeeze %dma_start3A_1259 : memref<1x1x128xi32, #tpu.memory_space<hbm>> -> memref<128xi32, #tpu.memory_space<hbm>>
      %dma_start3A_1261 = tpu.memref_slice %arg16[%dma_start3A_1254] : memref<4x!tpu.dma_semaphore, #tpu.memory_space<semaphore_mem>> -> memref<1x!tpu.dma_semaphore, #tpu.memory_space<semaphore_mem>>
      %dma_start3A_1262 = tpu.memref_squeeze %dma_start3A_1261 : memref<1x!tpu.dma_semaphore, #tpu.memory_space<semaphore_mem>> -> memref<!tpu.dma_semaphore, #tpu.memory_space<semaphore_mem>>
      %dma_start3A_1263 = arith.constant 0 : i32
      %dma_start3A_1264 = tpu.memref_slice %arg10[%dma_start3A_1253, %dma_start3A_1263] : memref<4x128xi32, #tpu.memory_space<vmem>> -> memref<1x128xi32, #tpu.memory_space<vmem>>
      %dma_start3A_1265 = tpu.memref_squeeze %dma_start3A_1264 : memref<1x128xi32, #tpu.memory_space<vmem>> -> memref<128xi32, #tpu.memory_space<vmem>>
      %dma_start3A_1266 = arith.constant 0 : i32
      %dma_start3A_1267 = tpu.memref_slice %arg3[%add3A, %add3A_1252, %dma_start3A_1266] : memref<32x80x128xi32, #tpu.memory_space<hbm>> -> memref<1x1x128xi32, #tpu.memory_space<hbm>>
      %dma_start3A_1268 = tpu.memref_squeeze %dma_start3A_1267 : memref<1x1x128xi32, #tpu.memory_space<hbm>> -> memref<128xi32, #tpu.memory_space<hbm>>
      tpu.enqueue_dma source(%dma_start3A_1268 : memref<128xi32, #tpu.memory_space<hbm>>) target(%dma_start3A_1265 : memref<128xi32, #tpu.memory_space<vmem>>) target_semaphore(%dma_start3A_1262 : memref<!tpu.dma_semaphore, #tpu.memory_space<semaphore_mem>>)
      %dma_start3A_1269 = arith.constant 1 : i32
      %dma_start3A_1270 = arith.constant 1 : i32
      %dma_start3A_1271 = arith.constant 0 : i32
      %dma_start3A_1272 = tpu.memref_slice %arg11[%dma_start3A_1269, %dma_start3A_1271] : memref<4x128xi32, #tpu.memory_space<vmem>> -> memref<1x128xi32, #tpu.memory_space<vmem>>
      %dma_start3A_1273 = tpu.memref_squeeze %dma_start3A_1272 : memref<1x128xi32, #tpu.memory_space<vmem>> -> memref<128xi32, #tpu.memory_space<vmem>>
      %dma_start3A_1274 = arith.constant 0 : i32
      %dma_start3A_1275 = tpu.memref_slice %arg4[%add3A, %add3A_1252, %dma_start3A_1274] : memref<32x80x128xi32, #tpu.memory_space<hbm>> -> memref<1x1x128xi32, #tpu.memory_space<hbm>>
      %dma_start3A_1276 = tpu.memref_squeeze %dma_start3A_1275 : memref<1x1x128xi32, #tpu.memory_space<hbm>> -> memref<128xi32, #tpu.memory_space<hbm>>
      %dma_start3A_1277 = tpu.memref_slice %arg17[%dma_start3A_1270] : memref<4x!tpu.dma_semaphore, #tpu.memory_space<semaphore_mem>> -> memref<1x!tpu.dma_semaphore, #tpu.memory_space<semaphore_mem>>
      %dma_start3A_1278 = tpu.memref_squeeze %dma_start3A_1277 : memref<1x!tpu.dma_semaphore, #tpu.memory_space<semaphore_mem>> -> memref<!tpu.dma_semaphore, #tpu.memory_space<semaphore_mem>>
      %dma_start3A_1279 = arith.constant 0 : i32
      %dma_start3A_1280 = tpu.memref_slice %arg11[%dma_start3A_1269, %dma_start3A_1279] : memref<4x128xi32, #tpu.memory_space<vmem>> -> memref<1x128xi32, #tpu.memory_space<vmem>>
      %dma_start3A_1281 = tpu.memref_squeeze %dma_start3A_1280 : memref<1x128xi32, #tpu.memory_space<vmem>> -> memref<128xi32, #tpu.memory_space<vmem>>
      %dma_start3A_1282 = arith.constant 0 : i32
      %dma_start3A_1283 = tpu.memref_slice %arg4[%add3A, %add3A_1252, %dma_start3A_1282] : memref<32x80x128xi32, #tpu.memory_space<hbm>> -> memref<1x1x128xi32, #tpu.memory_space<hbm>>
      %dma_start3A_1284 = tpu.memref_squeeze %dma_start3A_1283 : memref<1x1x128xi32, #tpu.memory_space<hbm>> -> memref<128xi32, #tpu.memory_space<hbm>>
      tpu.enqueue_dma source(%dma_start3A_1284 : memref<128xi32, #tpu.memory_space<hbm>>) target(%dma_start3A_1281 : memref<128xi32, #tpu.memory_space<vmem>>) target_semaphore(%dma_start3A_1278 : memref<!tpu.dma_semaphore, #tpu.memory_space<semaphore_mem>>)
      %dma_wait3A_1285 = arith.constant 0 : i32
      %dma_wait3A_1286 = arith.constant 3 : i32
      %dma_wait3A_1287 = arith.constant 3 : i32
      %dma_wait3A_1288 = arith.constant 0 : i32
      %dma_wait3A_1289 = tpu.memref_slice %arg10[%dma_wait3A_1286, %dma_wait3A_1288] : memref<4x128xi32, #tpu.memory_space<vmem>> -> memref<1x128xi32, #tpu.memory_space<vmem>>
      %dma_wait3A_1290 = tpu.memref_squeeze %dma_wait3A_1289 : memref<1x128xi32, #tpu.memory_space<vmem>> -> memref<128xi32, #tpu.memory_space<vmem>>
      %dma_wait3A_1291 = arith.constant 0 : i32
      %dma_wait3A_1292 = tpu.memref_slice %arg3[%add3A, %dma_wait3A_1285, %dma_wait3A_1291] : memref<32x80x128xi32, #tpu.memory_space<hbm>> -> memref<1x1x128xi32, #tpu.memory_space<hbm>>
      %dma_wait3A_1293 = tpu.memref_squeeze %dma_wait3A_1292 : memref<1x1x128xi32, #tpu.memory_space<hbm>> -> memref<128xi32, #tpu.memory_space<hbm>>
      %dma_wait3A_1294 = tpu.memref_slice %arg16[%dma_wait3A_1287] : memref<4x!tpu.dma_semaphore, #tpu.memory_space<semaphore_mem>> -> memref<1x!tpu.dma_semaphore, #tpu.memory_space<semaphore_mem>>
      %dma_wait3A_1295 = tpu.memref_squeeze %dma_wait3A_1294 : memref<1x!tpu.dma_semaphore, #tpu.memory_space<semaphore_mem>> -> memref<!tpu.dma_semaphore, #tpu.memory_space<semaphore_mem>>
      %dma_wait3A_1296 = arith.constant 0 : i32
      %dma_wait3A_1297 = tpu.memref_slice %arg10[%dma_wait3A_1286, %dma_wait3A_1296] : memref<4x128xi32, #tpu.memory_space<vmem>> -> memref<1x128xi32, #tpu.memory_space<vmem>>
      %dma_wait3A_1298 = tpu.memref_squeeze %dma_wait3A_1297 : memref<1x128xi32, #tpu.memory_space<vmem>> -> memref<128xi32, #tpu.memory_space<vmem>>
      %dma_wait3A_1299 = arith.constant 0 : i32
      %dma_wait3A_1300 = tpu.memref_slice %arg3[%add3A, %dma_wait3A_1285, %dma_wait3A_1299] : memref<32x80x128xi32, #tpu.memory_space<hbm>> -> memref<1x1x128xi32, #tpu.memory_space<hbm>>
      %dma_wait3A_1301 = tpu.memref_squeeze %dma_wait3A_1300 : memref<1x1x128xi32, #tpu.memory_space<hbm>> -> memref<128xi32, #tpu.memory_space<hbm>>
      tpu.wait_dma2 semaphore(%dma_wait3A_1295 : memref<!tpu.dma_semaphore, #tpu.memory_space<semaphore_mem>>) src(%dma_wait3A_1301 : memref<128xi32, #tpu.memory_space<hbm>>) dst(%dma_wait3A_1298 : memref<128xi32, #tpu.memory_space<vmem>>)
      %dma_wait3A_1302 = arith.constant 0 : i32
      %dma_wait3A_1303 = arith.constant 3 : i32
      %dma_wait3A_1304 = arith.constant 3 : i32
      %dma_wait3A_1305 = arith.constant 0 : i32
      %dma_wait3A_1306 = tpu.memref_slice %arg11[%dma_wait3A_1303, %dma_wait3A_1305] : memref<4x128xi32, #tpu.memory_space<vmem>> -> memref<1x128xi32, #tpu.memory_space<vmem>>
      %dma_wait3A_1307 = tpu.memref_squeeze %dma_wait3A_1306 : memref<1x128xi32, #tpu.memory_space<vmem>> -> memref<128xi32, #tpu.memory_space<vmem>>
      %dma_wait3A_1308 = arith.constant 0 : i32
      %dma_wait3A_1309 = tpu.memref_slice %arg4[%add3A, %dma_wait3A_1302, %dma_wait3A_1308] : memref<32x80x128xi32, #tpu.memory_space<hbm>> -> memref<1x1x128xi32, #tpu.memory_space<hbm>>
      %dma_wait3A_1310 = tpu.memref_squeeze %dma_wait3A_1309 : memref<1x1x128xi32, #tpu.memory_space<hbm>> -> memref<128xi32, #tpu.memory_space<hbm>>
      %dma_wait3A_1311 = tpu.memref_slice %arg17[%dma_wait3A_1304] : memref<4x!tpu.dma_semaphore, #tpu.memory_space<semaphore_mem>> -> memref<1x!tpu.dma_semaphore, #tpu.memory_space<semaphore_mem>>
      %dma_wait3A_1312 = tpu.memref_squeeze %dma_wait3A_1311 : memref<1x!tpu.dma_semaphore, #tpu.memory_space<semaphore_mem>> -> memref<!tpu.dma_semaphore, #tpu.memory_space<semaphore_mem>>
      %dma_wait3A_1313 = arith.constant 0 : i32
      %dma_wait3A_1314 = tpu.memref_slice %arg11[%dma_wait3A_1303, %dma_wait3A_1313] : memref<4x128xi32, #tpu.memory_space<vmem>> -> memref<1x128xi32, #tpu.memory_space<vmem>>
      %dma_wait3A_1315 = tpu.memref_squeeze %dma_wait3A_1314 : memref<1x128xi32, #tpu.memory_space<vmem>> -> memref<128xi32, #tpu.memory_space<vmem>>
      %dma_wait3A_1316 = arith.constant 0 : i32
      %dma_wait3A_1317 = tpu.memref_slice %arg4[%add3A, %dma_wait3A_1302, %dma_wait3A_1316] : memref<32x80x128xi32, #tpu.memory_space<hbm>> -> memref<1x1x128xi32, #tpu.memory_space<hbm>>
      %dma_wait3A_1318 = tpu.memref_squeeze %dma_wait3A_1317 : memref<1x1x128xi32, #tpu.memory_space<hbm>> -> memref<128xi32, #tpu.memory_space<hbm>>
      tpu.wait_dma2 semaphore(%dma_wait3A_1312 : memref<!tpu.dma_semaphore, #tpu.memory_space<semaphore_mem>>) src(%dma_wait3A_1318 : memref<128xi32, #tpu.memory_space<hbm>>) dst(%dma_wait3A_1315 : memref<128xi32, #tpu.memory_space<vmem>>)
      %dma_start3A_1319 = arith.constant 3 : i32
      %dma_start3A_1320 = arith.constant 1 : i32
      %dma_start3A_1321 = arith.constant 1 : i32
      %dma_start3A_1322 = arith.constant 0 : i32
      %dma_start3A_1323 = arith.constant 0 : i32
      %dma_start3A_1324 = tpu.memref_slice %arg12[%dma_start3A_1320, %dma_start3A_1322, %dma_start3A_1323] : memref<2x128x128xf32, #tpu.memory_space<vmem>> -> memref<1x128x128xf32, #tpu.memory_space<vmem>>
      %dma_start3A_1325 = tpu.memref_squeeze %dma_start3A_1324 : memref<1x128x128xf32, #tpu.memory_space<vmem>> -> memref<128x128xf32, #tpu.memory_space<vmem>>
      %dma_start3A_1326 = arith.constant 0 : i32
      %dma_start3A_1327 = tpu.memref_slice %arg10[%dma_start3A_1319, %dma_start3A_1326] : memref<4x128xi32, #tpu.memory_space<vmem>> -> memref<1x128xi32, #tpu.memory_space<vmem>>
      %dma_start3A_1328 = tpu.memref_squeeze %dma_start3A_1327 : memref<1x128xi32, #tpu.memory_space<vmem>> -> memref<128xi32, #tpu.memory_space<vmem>>
      %dma_start3A_1329 = arith.constant 0 : i32
      %dma_start3A_1330 = arith.constant 0 : i32
      %dma_start3A_1331 = tpu.memref_slice %arg2[%dma_start3A_1329, %dma_start3A_1330] : memref<10000x128xf32, #tpu.memory_space<hbm>> -> memref<10000x128xf32, #tpu.memory_space<hbm>>
      %dma_start3A_1332 = tpu.memref_slice %arg14[%dma_start3A_1321] : memref<2x!tpu.dma_semaphore, #tpu.memory_space<semaphore_mem>> -> memref<1x!tpu.dma_semaphore, #tpu.memory_space<semaphore_mem>>
      %dma_start3A_1333 = tpu.memref_squeeze %dma_start3A_1332 : memref<1x!tpu.dma_semaphore, #tpu.memory_space<semaphore_mem>> -> memref<!tpu.dma_semaphore, #tpu.memory_space<semaphore_mem>>
      tpu.enqueue_indirect_dma source(%dma_start3A_1331 : memref<10000x128xf32, #tpu.memory_space<hbm>>) target(%dma_start3A_1325 : memref<128x128xf32, #tpu.memory_space<vmem>>) offsets(%dma_start3A_1328 : memref<128xi32, #tpu.memory_space<vmem>>) semaphore(%dma_start3A_1333 : memref<!tpu.dma_semaphore, #tpu.memory_space<semaphore_mem>>)
      %dma_wait3A_1334 = arith.constant 0 : i32
      %dma_wait3A_1335 = arith.constant 0 : i32
      %dma_wait3A_1336 = arith.constant 0 : i32
      %dma_wait3A_1337 = arith.constant 0 : i32
      %dma_wait3A_1338 = arith.constant 0 : i32
      %dma_wait3A_1339 = tpu.memref_slice %arg12[%dma_wait3A_1335, %dma_wait3A_1337, %dma_wait3A_1338] : memref<2x128x128xf32, #tpu.memory_space<vmem>> -> memref<1x128x128xf32, #tpu.memory_space<vmem>>
      %dma_wait3A_1340 = tpu.memref_squeeze %dma_wait3A_1339 : memref<1x128x128xf32, #tpu.memory_space<vmem>> -> memref<128x128xf32, #tpu.memory_space<vmem>>
      %dma_wait3A_1341 = arith.constant 0 : i32
      %dma_wait3A_1342 = tpu.memref_slice %arg10[%dma_wait3A_1334, %dma_wait3A_1341] : memref<4x128xi32, #tpu.memory_space<vmem>> -> memref<1x128xi32, #tpu.memory_space<vmem>>
      %dma_wait3A_1343 = tpu.memref_squeeze %dma_wait3A_1342 : memref<1x128xi32, #tpu.memory_space<vmem>> -> memref<128xi32, #tpu.memory_space<vmem>>
      %dma_wait3A_1344 = arith.constant 0 : i32
      %dma_wait3A_1345 = arith.constant 0 : i32
      %dma_wait3A_1346 = tpu.memref_slice %arg2[%dma_wait3A_1344, %dma_wait3A_1345] : memref<10000x128xf32, #tpu.memory_space<hbm>> -> memref<10000x128xf32, #tpu.memory_space<hbm>>
      %dma_wait3A_1347 = tpu.memref_slice %arg14[%dma_wait3A_1336] : memref<2x!tpu.dma_semaphore, #tpu.memory_space<semaphore_mem>> -> memref<1x!tpu.dma_semaphore, #tpu.memory_space<semaphore_mem>>
      %dma_wait3A_1348 = tpu.memref_squeeze %dma_wait3A_1347 : memref<1x!tpu.dma_semaphore, #tpu.memory_space<semaphore_mem>> -> memref<!tpu.dma_semaphore, #tpu.memory_space<semaphore_mem>>
      tpu.wait_indirect_dma semaphore(%dma_wait3A_1348 : memref<!tpu.dma_semaphore, #tpu.memory_space<semaphore_mem>>) src(%dma_wait3A_1346 : memref<10000x128xf32, #tpu.memory_space<hbm>>) dst(%dma_wait3A_1340 : memref<128x128xf32, #tpu.memory_space<vmem>>)
      %dma_start3A_1349 = arith.constant 0 : i32
      %dma_start3A_1350 = arith.constant 2 : i32
      %dma_start3A_1351 = arith.constant 0 : i32
      %dma_start3A_1352 = arith.constant 0 : i32
      %dma_start3A_1353 = arith.constant 0 : i32
      %dma_start3A_1354 = tpu.memref_slice %arg12[%dma_start3A_1349, %dma_start3A_1352, %dma_start3A_1353] : memref<2x128x128xf32, #tpu.memory_space<vmem>> -> memref<1x128x128xf32, #tpu.memory_space<vmem>>
      %dma_start3A_1355 = tpu.memref_squeeze %dma_start3A_1354 : memref<1x128x128xf32, #tpu.memory_space<vmem>> -> memref<128x128xf32, #tpu.memory_space<vmem>>
      %dma_start3A_1356 = arith.constant 0 : i32
      %dma_start3A_1357 = tpu.memref_slice %arg11[%dma_start3A_1350, %dma_start3A_1356] : memref<4x128xi32, #tpu.memory_space<vmem>> -> memref<1x128xi32, #tpu.memory_space<vmem>>
      %dma_start3A_1358 = tpu.memref_squeeze %dma_start3A_1357 : memref<1x128xi32, #tpu.memory_space<vmem>> -> memref<128xi32, #tpu.memory_space<vmem>>
      %dma_start3A_1359 = arith.constant 0 : i32
      %dma_start3A_1360 = arith.constant 0 : i32
      %dma_start3A_1361 = tpu.memref_slice %arg9[%dma_start3A_1359, %dma_start3A_1360] : memref<10240x128xf32, #tpu.memory_space<vmem_shared>> -> memref<10240x128xf32, #tpu.memory_space<vmem_shared>>
      %dma_start3A_1362 = tpu.memref_slice %arg15[%dma_start3A_1351] : memref<2x!tpu.dma_semaphore, #tpu.memory_space<semaphore_mem>> -> memref<1x!tpu.dma_semaphore, #tpu.memory_space<semaphore_mem>>
      %dma_start3A_1363 = tpu.memref_squeeze %dma_start3A_1362 : memref<1x!tpu.dma_semaphore, #tpu.memory_space<semaphore_mem>> -> memref<!tpu.dma_semaphore, #tpu.memory_space<semaphore_mem>>
      tpu.enqueue_indirect_dma source(%dma_start3A_1355 : memref<128x128xf32, #tpu.memory_space<vmem>>) target(%dma_start3A_1361 : memref<10240x128xf32, #tpu.memory_space<vmem_shared>>) offsets(%dma_start3A_1358 : memref<128xi32, #tpu.memory_space<vmem>>) semaphore(%dma_start3A_1363 : memref<!tpu.dma_semaphore, #tpu.memory_space<semaphore_mem>>) {add = true}
      %get3A_1364 = arith.constant 2 : i32
      %get3A_1365 = arith.index_cast %get3A_1364 : i32 to index
      %get3A_1366 = arith.constant 0 : index
      %get3A_1367 = tpu.vector_load %arg11[%get3A_1365, %get3A_1366] {strides = array<i32>} : memref<4x128xi32, #tpu.memory_space<vmem>>, vector<16xi32>,
      %shift_right_logical3A_1368 = arith.constant 7 : i32
      %shift_right_logical3A_1369 = vector.broadcast %shift_right_logical3A_1368 : i32 to vector<16xi32>
      %shift_right_logical3A_1370 = arith.shrui %get3A_1367, %shift_right_logical3A_1369 : vector<16xi32>
      %and3A_1371 = arith.constant 127 : i32
      %and3A_1372 = vector.broadcast %and3A_1371 : i32 to vector<16xi32>
      %and3A_1373 = arith.andi %get3A_1367, %and3A_1372 : vector<16xi32>
      tpu.vector_store_idx %arg13[%shift_right_logical3A_1370, %and3A_1373], %broadcast_in_dim3A_20 {add = true} : memref<80x128xf32, #tpu.memory_space<vmem>>[vector<16xi32>, vector<16xi32>], vector<16xf32>,
      %get3A_1374 = arith.constant 2 : i32
      %get3A_1375 = arith.index_cast %get3A_1374 : i32 to index
      %get3A_1376 = arith.constant 16 : index
      %get3A_1377 = tpu.vector_load %arg11[%get3A_1375, %get3A_1376] {strides = array<i32>} : memref<4x128xi32, #tpu.memory_space<vmem>>, vector<16xi32>,
      %shift_right_logical3A_1378 = arith.constant 7 : i32
      %shift_right_logical3A_1379 = vector.broadcast %shift_right_logical3A_1378 : i32 to vector<16xi32>
      %shift_right_logical3A_1380 = arith.shrui %get3A_1377, %shift_right_logical3A_1379 : vector<16xi32>
      %and3A_1381 = arith.constant 127 : i32
      %and3A_1382 = vector.broadcast %and3A_1381 : i32 to vector<16xi32>
      %and3A_1383 = arith.andi %get3A_1377, %and3A_1382 : vector<16xi32>
      tpu.vector_store_idx %arg13[%shift_right_logical3A_1380, %and3A_1383], %broadcast_in_dim3A_20 {add = true} : memref<80x128xf32, #tpu.memory_space<vmem>>[vector<16xi32>, vector<16xi32>], vector<16xf32>,
      %get3A_1384 = arith.constant 2 : i32
      %get3A_1385 = arith.index_cast %get3A_1384 : i32 to index
      %get3A_1386 = arith.constant 32 : index
      %get3A_1387 = tpu.vector_load %arg11[%get3A_1385, %get3A_1386] {strides = array<i32>} : memref<4x128xi32, #tpu.memory_space<vmem>>, vector<16xi32>,
      %shift_right_logical3A_1388 = arith.constant 7 : i32
      %shift_right_logical3A_1389 = vector.broadcast %shift_right_logical3A_1388 : i32 to vector<16xi32>
      %shift_right_logical3A_1390 = arith.shrui %get3A_1387, %shift_right_logical3A_1389 : vector<16xi32>
      %and3A_1391 = arith.constant 127 : i32
      %and3A_1392 = vector.broadcast %and3A_1391 : i32 to vector<16xi32>
      %and3A_1393 = arith.andi %get3A_1387, %and3A_1392 : vector<16xi32>
      tpu.vector_store_idx %arg13[%shift_right_logical3A_1390, %and3A_1393], %broadcast_in_dim3A_20 {add = true} : memref<80x128xf32, #tpu.memory_space<vmem>>[vector<16xi32>, vector<16xi32>], vector<16xf32>,
      %get3A_1394 = arith.constant 2 : i32
      %get3A_1395 = arith.index_cast %get3A_1394 : i32 to index
      %get3A_1396 = arith.constant 48 : index
      %get3A_1397 = tpu.vector_load %arg11[%get3A_1395, %get3A_1396] {strides = array<i32>} : memref<4x128xi32, #tpu.memory_space<vmem>>, vector<16xi32>,
      %shift_right_logical3A_1398 = arith.constant 7 : i32
      %shift_right_logical3A_1399 = vector.broadcast %shift_right_logical3A_1398 : i32 to vector<16xi32>
      %shift_right_logical3A_1400 = arith.shrui %get3A_1397, %shift_right_logical3A_1399 : vector<16xi32>
      %and3A_1401 = arith.constant 127 : i32
      %and3A_1402 = vector.broadcast %and3A_1401 : i32 to vector<16xi32>
      %and3A_1403 = arith.andi %get3A_1397, %and3A_1402 : vector<16xi32>
      tpu.vector_store_idx %arg13[%shift_right_logical3A_1400, %and3A_1403], %broadcast_in_dim3A_20 {add = true} : memref<80x128xf32, #tpu.memory_space<vmem>>[vector<16xi32>, vector<16xi32>], vector<16xf32>,
      %get3A_1404 = arith.constant 2 : i32
      %get3A_1405 = arith.index_cast %get3A_1404 : i32 to index
      %get3A_1406 = arith.constant 64 : index
      %get3A_1407 = tpu.vector_load %arg11[%get3A_1405, %get3A_1406] {strides = array<i32>} : memref<4x128xi32, #tpu.memory_space<vmem>>, vector<16xi32>,
      %shift_right_logical3A_1408 = arith.constant 7 : i32
      %shift_right_logical3A_1409 = vector.broadcast %shift_right_logical3A_1408 : i32 to vector<16xi32>
      %shift_right_logical3A_1410 = arith.shrui %get3A_1407, %shift_right_logical3A_1409 : vector<16xi32>
      %and3A_1411 = arith.constant 127 : i32
      %and3A_1412 = vector.broadcast %and3A_1411 : i32 to vector<16xi32>
      %and3A_1413 = arith.andi %get3A_1407, %and3A_1412 : vector<16xi32>
      tpu.vector_store_idx %arg13[%shift_right_logical3A_1410, %and3A_1413], %broadcast_in_dim3A_20 {add = true} : memref<80x128xf32, #tpu.memory_space<vmem>>[vector<16xi32>, vector<16xi32>], vector<16xf32>,
      %get3A_1414 = arith.constant 2 : i32
      %get3A_1415 = arith.index_cast %get3A_1414 : i32 to index
      %get3A_1416 = arith.constant 80 : index
      %get3A_1417 = tpu.vector_load %arg11[%get3A_1415, %get3A_1416] {strides = array<i32>} : memref<4x128xi32, #tpu.memory_space<vmem>>, vector<16xi32>,
      %shift_right_logical3A_1418 = arith.constant 7 : i32
      %shift_right_logical3A_1419 = vector.broadcast %shift_right_logical3A_1418 : i32 to vector<16xi32>
      %shift_right_logical3A_1420 = arith.shrui %get3A_1417, %shift_right_logical3A_1419 : vector<16xi32>
      %and3A_1421 = arith.constant 127 : i32
      %and3A_1422 = vector.broadcast %and3A_1421 : i32 to vector<16xi32>
      %and3A_1423 = arith.andi %get3A_1417, %and3A_1422 : vector<16xi32>
      tpu.vector_store_idx %arg13[%shift_right_logical3A_1420, %and3A_1423], %broadcast_in_dim3A_20 {add = true} : memref<80x128xf32, #tpu.memory_space<vmem>>[vector<16xi32>, vector<16xi32>], vector<16xf32>,
      %get3A_1424 = arith.constant 2 : i32
      %get3A_1425 = arith.index_cast %get3A_1424 : i32 to index
      %get3A_1426 = arith.constant 96 : index
      %get3A_1427 = tpu.vector_load %arg11[%get3A_1425, %get3A_1426] {strides = array<i32>} : memref<4x128xi32, #tpu.memory_space<vmem>>, vector<16xi32>,
      %shift_right_logical3A_1428 = arith.constant 7 : i32
      %shift_right_logical3A_1429 = vector.broadcast %shift_right_logical3A_1428 : i32 to vector<16xi32>
      %shift_right_logical3A_1430 = arith.shrui %get3A_1427, %shift_right_logical3A_1429 : vector<16xi32>
      %and3A_1431 = arith.constant 127 : i32
      %and3A_1432 = vector.broadcast %and3A_1431 : i32 to vector<16xi32>
      %and3A_1433 = arith.andi %get3A_1427, %and3A_1432 : vector<16xi32>
      tpu.vector_store_idx %arg13[%shift_right_logical3A_1430, %and3A_1433], %broadcast_in_dim3A_20 {add = true} : memref<80x128xf32, #tpu.memory_space<vmem>>[vector<16xi32>, vector<16xi32>], vector<16xf32>,
      %get3A_1434 = arith.constant 2 : i32
      %get3A_1435 = arith.index_cast %get3A_1434 : i32 to index
      %get3A_1436 = arith.constant 112 : index
      %get3A_1437 = tpu.vector_load %arg11[%get3A_1435, %get3A_1436] {strides = array<i32>} : memref<4x128xi32, #tpu.memory_space<vmem>>, vector<16xi32>,
      %shift_right_logical3A_1438 = arith.constant 7 : i32
      %shift_right_logical3A_1439 = vector.broadcast %shift_right_logical3A_1438 : i32 to vector<16xi32>
      %shift_right_logical3A_1440 = arith.shrui %get3A_1437, %shift_right_logical3A_1439 : vector<16xi32>
      %and3A_1441 = arith.constant 127 : i32
      %and3A_1442 = vector.broadcast %and3A_1441 : i32 to vector<16xi32>
      %and3A_1443 = arith.andi %get3A_1437, %and3A_1442 : vector<16xi32>
      tpu.vector_store_idx %arg13[%shift_right_logical3A_1440, %and3A_1443], %broadcast_in_dim3A_20 {add = true} : memref<80x128xf32, #tpu.memory_space<vmem>>[vector<16xi32>, vector<16xi32>], vector<16xf32>,
      %dma_wait3A_1444 = arith.constant 0 : i32
      %dma_wait3A_1445 = arith.constant 1 : i32
      %dma_wait3A_1446 = arith.constant 1 : i32
      %dma_wait3A_1447 = arith.constant 0 : i32
      %dma_wait3A_1448 = arith.constant 0 : i32
      %dma_wait3A_1449 = tpu.memref_slice %arg12[%dma_wait3A_1445, %dma_wait3A_1447, %dma_wait3A_1448] : memref<2x128x128xf32, #tpu.memory_space<vmem>> -> memref<1x128x128xf32, #tpu.memory_space<vmem>>
      %dma_wait3A_1450 = tpu.memref_squeeze %dma_wait3A_1449 : memref<1x128x128xf32, #tpu.memory_space<vmem>> -> memref<128x128xf32, #tpu.memory_space<vmem>>
      %dma_wait3A_1451 = arith.constant 0 : i32
      %dma_wait3A_1452 = tpu.memref_slice %arg10[%dma_wait3A_1444, %dma_wait3A_1451] : memref<4x128xi32, #tpu.memory_space<vmem>> -> memref<1x128xi32, #tpu.memory_space<vmem>>
      %dma_wait3A_1453 = tpu.memref_squeeze %dma_wait3A_1452 : memref<1x128xi32, #tpu.memory_space<vmem>> -> memref<128xi32, #tpu.memory_space<vmem>>
      %dma_wait3A_1454 = arith.constant 0 : i32
      %dma_wait3A_1455 = arith.constant 0 : i32
      %dma_wait3A_1456 = tpu.memref_slice %arg2[%dma_wait3A_1454, %dma_wait3A_1455] : memref<10000x128xf32, #tpu.memory_space<hbm>> -> memref<10000x128xf32, #tpu.memory_space<hbm>>
      %dma_wait3A_1457 = tpu.memref_slice %arg14[%dma_wait3A_1446] : memref<2x!tpu.dma_semaphore, #tpu.memory_space<semaphore_mem>> -> memref<1x!tpu.dma_semaphore, #tpu.memory_space<semaphore_mem>>
      %dma_wait3A_1458 = tpu.memref_squeeze %dma_wait3A_1457 : memref<1x!tpu.dma_semaphore, #tpu.memory_space<semaphore_mem>> -> memref<!tpu.dma_semaphore, #tpu.memory_space<semaphore_mem>>
      tpu.wait_indirect_dma semaphore(%dma_wait3A_1458 : memref<!tpu.dma_semaphore, #tpu.memory_space<semaphore_mem>>) src(%dma_wait3A_1456 : memref<10000x128xf32, #tpu.memory_space<hbm>>) dst(%dma_wait3A_1450 : memref<128x128xf32, #tpu.memory_space<vmem>>)
      %dma_start3A_1459 = arith.constant 1 : i32
      %dma_start3A_1460 = arith.constant 3 : i32
      %dma_start3A_1461 = arith.constant 1 : i32
      %dma_start3A_1462 = arith.constant 0 : i32
      %dma_start3A_1463 = arith.constant 0 : i32
      %dma_start3A_1464 = tpu.memref_slice %arg12[%dma_start3A_1459, %dma_start3A_1462, %dma_start3A_1463] : memref<2x128x128xf32, #tpu.memory_space<vmem>> -> memref<1x128x128xf32, #tpu.memory_space<vmem>>
      %dma_start3A_1465 = tpu.memref_squeeze %dma_start3A_1464 : memref<1x128x128xf32, #tpu.memory_space<vmem>> -> memref<128x128xf32, #tpu.memory_space<vmem>>
      %dma_start3A_1466 = arith.constant 0 : i32
      %dma_start3A_1467 = tpu.memref_slice %arg11[%dma_start3A_1460, %dma_start3A_1466] : memref<4x128xi32, #tpu.memory_space<vmem>> -> memref<1x128xi32, #tpu.memory_space<vmem>>
      %dma_start3A_1468 = tpu.memref_squeeze %dma_start3A_1467 : memref<1x128xi32, #tpu.memory_space<vmem>> -> memref<128xi32, #tpu.memory_space<vmem>>
      %dma_start3A_1469 = arith.constant 0 : i32
      %dma_start3A_1470 = arith.constant 0 : i32
      %dma_start3A_1471 = tpu.memref_slice %arg9[%dma_start3A_1469, %dma_start3A_1470] : memref<10240x128xf32, #tpu.memory_space<vmem_shared>> -> memref<10240x128xf32, #tpu.memory_space<vmem_shared>>
      %dma_start3A_1472 = tpu.memref_slice %arg15[%dma_start3A_1461] : memref<2x!tpu.dma_semaphore, #tpu.memory_space<semaphore_mem>> -> memref<1x!tpu.dma_semaphore, #tpu.memory_space<semaphore_mem>>
      %dma_start3A_1473 = tpu.memref_squeeze %dma_start3A_1472 : memref<1x!tpu.dma_semaphore, #tpu.memory_space<semaphore_mem>> -> memref<!tpu.dma_semaphore, #tpu.memory_space<semaphore_mem>>
      tpu.enqueue_indirect_dma source(%dma_start3A_1465 : memref<128x128xf32, #tpu.memory_space<vmem>>) target(%dma_start3A_1471 : memref<10240x128xf32, #tpu.memory_space<vmem_shared>>) offsets(%dma_start3A_1468 : memref<128xi32, #tpu.memory_space<vmem>>) semaphore(%dma_start3A_1473 : memref<!tpu.dma_semaphore, #tpu.memory_space<semaphore_mem>>) {add = true}
      %get3A_1474 = arith.constant 3 : i32
      %get3A_1475 = arith.index_cast %get3A_1474 : i32 to index
      %get3A_1476 = arith.constant 0 : index
      %get3A_1477 = tpu.vector_load %arg11[%get3A_1475, %get3A_1476] {strides = array<i32>} : memref<4x128xi32, #tpu.memory_space<vmem>>, vector<16xi32>,
      %shift_right_logical3A_1478 = arith.constant 7 : i32
      %shift_right_logical3A_1479 = vector.broadcast %shift_right_logical3A_1478 : i32 to vector<16xi32>
      %shift_right_logical3A_1480 = arith.shrui %get3A_1477, %shift_right_logical3A_1479 : vector<16xi32>
      %and3A_1481 = arith.constant 127 : i32
      %and3A_1482 = vector.broadcast %and3A_1481 : i32 to vector<16xi32>
      %and3A_1483 = arith.andi %get3A_1477, %and3A_1482 : vector<16xi32>
      tpu.vector_store_idx %arg13[%shift_right_logical3A_1480, %and3A_1483], %broadcast_in_dim3A_20 {add = true} : memref<80x128xf32, #tpu.memory_space<vmem>>[vector<16xi32>, vector<16xi32>], vector<16xf32>,
      %get3A_1484 = arith.constant 3 : i32
      %get3A_1485 = arith.index_cast %get3A_1484 : i32 to index
      %get3A_1486 = arith.constant 16 : index
      %get3A_1487 = tpu.vector_load %arg11[%get3A_1485, %get3A_1486] {strides = array<i32>} : memref<4x128xi32, #tpu.memory_space<vmem>>, vector<16xi32>,
      %shift_right_logical3A_1488 = arith.constant 7 : i32
      %shift_right_logical3A_1489 = vector.broadcast %shift_right_logical3A_1488 : i32 to vector<16xi32>
      %shift_right_logical3A_1490 = arith.shrui %get3A_1487, %shift_right_logical3A_1489 : vector<16xi32>
      %and3A_1491 = arith.constant 127 : i32
      %and3A_1492 = vector.broadcast %and3A_1491 : i32 to vector<16xi32>
      %and3A_1493 = arith.andi %get3A_1487, %and3A_1492 : vector<16xi32>
      tpu.vector_store_idx %arg13[%shift_right_logical3A_1490, %and3A_1493], %broadcast_in_dim3A_20 {add = true} : memref<80x128xf32, #tpu.memory_space<vmem>>[vector<16xi32>, vector<16xi32>], vector<16xf32>,
      %get3A_1494 = arith.constant 3 : i32
      %get3A_1495 = arith.index_cast %get3A_1494 : i32 to index
      %get3A_1496 = arith.constant 32 : index
      %get3A_1497 = tpu.vector_load %arg11[%get3A_1495, %get3A_1496] {strides = array<i32>} : memref<4x128xi32, #tpu.memory_space<vmem>>, vector<16xi32>,
      %shift_right_logical3A_1498 = arith.constant 7 : i32
      %shift_right_logical3A_1499 = vector.broadcast %shift_right_logical3A_1498 : i32 to vector<16xi32>
      %shift_right_logical3A_1500 = arith.shrui %get3A_1497, %shift_right_logical3A_1499 : vector<16xi32>
      %and3A_1501 = arith.constant 127 : i32
      %and3A_1502 = vector.broadcast %and3A_1501 : i32 to vector<16xi32>
      %and3A_1503 = arith.andi %get3A_1497, %and3A_1502 : vector<16xi32>
      tpu.vector_store_idx %arg13[%shift_right_logical3A_1500, %and3A_1503], %broadcast_in_dim3A_20 {add = true} : memref<80x128xf32, #tpu.memory_space<vmem>>[vector<16xi32>, vector<16xi32>], vector<16xf32>,
      %get3A_1504 = arith.constant 3 : i32
      %get3A_1505 = arith.index_cast %get3A_1504 : i32 to index
      %get3A_1506 = arith.constant 48 : index
      %get3A_1507 = tpu.vector_load %arg11[%get3A_1505, %get3A_1506] {strides = array<i32>} : memref<4x128xi32, #tpu.memory_space<vmem>>, vector<16xi32>,
      %shift_right_logical3A_1508 = arith.constant 7 : i32
      %shift_right_logical3A_1509 = vector.broadcast %shift_right_logical3A_1508 : i32 to vector<16xi32>
      %shift_right_logical3A_1510 = arith.shrui %get3A_1507, %shift_right_logical3A_1509 : vector<16xi32>
      %and3A_1511 = arith.constant 127 : i32
      %and3A_1512 = vector.broadcast %and3A_1511 : i32 to vector<16xi32>
      %and3A_1513 = arith.andi %get3A_1507, %and3A_1512 : vector<16xi32>
      tpu.vector_store_idx %arg13[%shift_right_logical3A_1510, %and3A_1513], %broadcast_in_dim3A_20 {add = true} : memref<80x128xf32, #tpu.memory_space<vmem>>[vector<16xi32>, vector<16xi32>], vector<16xf32>,
      %get3A_1514 = arith.constant 3 : i32
      %get3A_1515 = arith.index_cast %get3A_1514 : i32 to index
      %get3A_1516 = arith.constant 64 : index
      %get3A_1517 = tpu.vector_load %arg11[%get3A_1515, %get3A_1516] {strides = array<i32>} : memref<4x128xi32, #tpu.memory_space<vmem>>, vector<16xi32>,
      %shift_right_logical3A_1518 = arith.constant 7 : i32
      %shift_right_logical3A_1519 = vector.broadcast %shift_right_logical3A_1518 : i32 to vector<16xi32>
      %shift_right_logical3A_1520 = arith.shrui %get3A_1517, %shift_right_logical3A_1519 : vector<16xi32>
      %and3A_1521 = arith.constant 127 : i32
      %and3A_1522 = vector.broadcast %and3A_1521 : i32 to vector<16xi32>
      %and3A_1523 = arith.andi %get3A_1517, %and3A_1522 : vector<16xi32>
      tpu.vector_store_idx %arg13[%shift_right_logical3A_1520, %and3A_1523], %broadcast_in_dim3A_20 {add = true} : memref<80x128xf32, #tpu.memory_space<vmem>>[vector<16xi32>, vector<16xi32>], vector<16xf32>,
      %get3A_1524 = arith.constant 3 : i32
      %get3A_1525 = arith.index_cast %get3A_1524 : i32 to index
      %get3A_1526 = arith.constant 80 : index
      %get3A_1527 = tpu.vector_load %arg11[%get3A_1525, %get3A_1526] {strides = array<i32>} : memref<4x128xi32, #tpu.memory_space<vmem>>, vector<16xi32>,
      %shift_right_logical3A_1528 = arith.constant 7 : i32
      %shift_right_logical3A_1529 = vector.broadcast %shift_right_logical3A_1528 : i32 to vector<16xi32>
      %shift_right_logical3A_1530 = arith.shrui %get3A_1527, %shift_right_logical3A_1529 : vector<16xi32>
      %and3A_1531 = arith.constant 127 : i32
      %and3A_1532 = vector.broadcast %and3A_1531 : i32 to vector<16xi32>
      %and3A_1533 = arith.andi %get3A_1527, %and3A_1532 : vector<16xi32>
      tpu.vector_store_idx %arg13[%shift_right_logical3A_1530, %and3A_1533], %broadcast_in_dim3A_20 {add = true} : memref<80x128xf32, #tpu.memory_space<vmem>>[vector<16xi32>, vector<16xi32>], vector<16xf32>,
      %get3A_1534 = arith.constant 3 : i32
      %get3A_1535 = arith.index_cast %get3A_1534 : i32 to index
      %get3A_1536 = arith.constant 96 : index
      %get3A_1537 = tpu.vector_load %arg11[%get3A_1535, %get3A_1536] {strides = array<i32>} : memref<4x128xi32, #tpu.memory_space<vmem>>, vector<16xi32>,
      %shift_right_logical3A_1538 = arith.constant 7 : i32
      %shift_right_logical3A_1539 = vector.broadcast %shift_right_logical3A_1538 : i32 to vector<16xi32>
      %shift_right_logical3A_1540 = arith.shrui %get3A_1537, %shift_right_logical3A_1539 : vector<16xi32>
      %and3A_1541 = arith.constant 127 : i32
      %and3A_1542 = vector.broadcast %and3A_1541 : i32 to vector<16xi32>
      %and3A_1543 = arith.andi %get3A_1537, %and3A_1542 : vector<16xi32>
      tpu.vector_store_idx %arg13[%shift_right_logical3A_1540, %and3A_1543], %broadcast_in_dim3A_20 {add = true} : memref<80x128xf32, #tpu.memory_space<vmem>>[vector<16xi32>, vector<16xi32>], vector<16xf32>,
      %get3A_1544 = arith.constant 3 : i32
      %get3A_1545 = arith.index_cast %get3A_1544 : i32 to index
      %get3A_1546 = arith.constant 112 : index
      %get3A_1547 = tpu.vector_load %arg11[%get3A_1545, %get3A_1546] {strides = array<i32>} : memref<4x128xi32, #tpu.memory_space<vmem>>, vector<16xi32>,
      %shift_right_logical3A_1548 = arith.constant 7 : i32
      %shift_right_logical3A_1549 = vector.broadcast %shift_right_logical3A_1548 : i32 to vector<16xi32>
      %shift_right_logical3A_1550 = arith.shrui %get3A_1547, %shift_right_logical3A_1549 : vector<16xi32>
      %and3A_1551 = arith.constant 127 : i32
      %and3A_1552 = vector.broadcast %and3A_1551 : i32 to vector<16xi32>
      %and3A_1553 = arith.andi %get3A_1547, %and3A_1552 : vector<16xi32>
      tpu.vector_store_idx %arg13[%shift_right_logical3A_1550, %and3A_1553], %broadcast_in_dim3A_20 {add = true} : memref<80x128xf32, #tpu.memory_space<vmem>>[vector<16xi32>, vector<16xi32>], vector<16xf32>,
      %dma_wait3A_1554 = arith.constant 0 : i32
      %dma_wait3A_1555 = arith.constant 0 : i32
      %dma_wait3A_1556 = arith.constant 0 : i32
      %dma_wait3A_1557 = arith.constant 0 : i32
      %dma_wait3A_1558 = arith.constant 0 : i32
      %dma_wait3A_1559 = tpu.memref_slice %arg12[%dma_wait3A_1554, %dma_wait3A_1557, %dma_wait3A_1558] : memref<2x128x128xf32, #tpu.memory_space<vmem>> -> memref<1x128x128xf32, #tpu.memory_space<vmem>>
      %dma_wait3A_1560 = tpu.memref_squeeze %dma_wait3A_1559 : memref<1x128x128xf32, #tpu.memory_space<vmem>> -> memref<128x128xf32, #tpu.memory_space<vmem>>
      %dma_wait3A_1561 = arith.constant 0 : i32
      %dma_wait3A_1562 = tpu.memref_slice %arg11[%dma_wait3A_1555, %dma_wait3A_1561] : memref<4x128xi32, #tpu.memory_space<vmem>> -> memref<1x128xi32, #tpu.memory_space<vmem>>
      %dma_wait3A_1563 = tpu.memref_squeeze %dma_wait3A_1562 : memref<1x128xi32, #tpu.memory_space<vmem>> -> memref<128xi32, #tpu.memory_space<vmem>>
      %dma_wait3A_1564 = arith.constant 0 : i32
      %dma_wait3A_1565 = arith.constant 0 : i32
      %dma_wait3A_1566 = tpu.memref_slice %arg9[%dma_wait3A_1564, %dma_wait3A_1565] : memref<10240x128xf32, #tpu.memory_space<vmem_shared>> -> memref<10240x128xf32, #tpu.memory_space<vmem_shared>>
      %dma_wait3A_1567 = tpu.memref_slice %arg15[%dma_wait3A_1556] : memref<2x!tpu.dma_semaphore, #tpu.memory_space<semaphore_mem>> -> memref<1x!tpu.dma_semaphore, #tpu.memory_space<semaphore_mem>>
      %dma_wait3A_1568 = tpu.memref_squeeze %dma_wait3A_1567 : memref<1x!tpu.dma_semaphore, #tpu.memory_space<semaphore_mem>> -> memref<!tpu.dma_semaphore, #tpu.memory_space<semaphore_mem>>
      tpu.wait_indirect_dma semaphore(%dma_wait3A_1568 : memref<!tpu.dma_semaphore, #tpu.memory_space<semaphore_mem>>) src(%dma_wait3A_1560 : memref<128x128xf32, #tpu.memory_space<vmem>>) dst(%dma_wait3A_1566 : memref<10240x128xf32, #tpu.memory_space<vmem_shared>>)
      %mul3A_1569 = arith.constant 4 : i32
      %mul3A_1570 = arith.muli %mul3A_1569, %while3A_909 : i32
      %add3A_1571 = arith.constant 2 : i32
      %add3A_1572 = arith.addi %mul3A_1570, %add3A_1571 : i32
      %add3A_1573 = arith.constant 4 : i32
      %add3A_1574 = arith.addi %add3A_1572, %add3A_1573 : i32
      %dma_start3A_1575 = arith.constant 2 : i32
      %dma_start3A_1576 = arith.constant 2 : i32
      %dma_start3A_1577 = arith.constant 0 : i32
      %dma_start3A_1578 = tpu.memref_slice %arg10[%dma_start3A_1575, %dma_start3A_1577] : memref<4x128xi32, #tpu.memory_space<vmem>> -> memref<1x128xi32, #tpu.memory_space<vmem>>
      %dma_start3A_1579 = tpu.memref_squeeze %dma_start3A_1578 : memref<1x128xi32, #tpu.memory_space<vmem>> -> memref<128xi32, #tpu.memory_space<vmem>>
      %dma_start3A_1580 = arith.constant 0 : i32
      %dma_start3A_1581 = tpu.memref_slice %arg3[%add3A, %add3A_1574, %dma_start3A_1580] : memref<32x80x128xi32, #tpu.memory_space<hbm>> -> memref<1x1x128xi32, #tpu.memory_space<hbm>>
      %dma_start3A_1582 = tpu.memref_squeeze %dma_start3A_1581 : memref<1x1x128xi32, #tpu.memory_space<hbm>> -> memref<128xi32, #tpu.memory_space<hbm>>
      %dma_start3A_1583 = tpu.memref_slice %arg16[%dma_start3A_1576] : memref<4x!tpu.dma_semaphore, #tpu.memory_space<semaphore_mem>> -> memref<1x!tpu.dma_semaphore, #tpu.memory_space<semaphore_mem>>
      %dma_start3A_1584 = tpu.memref_squeeze %dma_start3A_1583 : memref<1x!tpu.dma_semaphore, #tpu.memory_space<semaphore_mem>> -> memref<!tpu.dma_semaphore, #tpu.memory_space<semaphore_mem>>
      %dma_start3A_1585 = arith.constant 0 : i32
      %dma_start3A_1586 = tpu.memref_slice %arg10[%dma_start3A_1575, %dma_start3A_1585] : memref<4x128xi32, #tpu.memory_space<vmem>> -> memref<1x128xi32, #tpu.memory_space<vmem>>
      %dma_start3A_1587 = tpu.memref_squeeze %dma_start3A_1586 : memref<1x128xi32, #tpu.memory_space<vmem>> -> memref<128xi32, #tpu.memory_space<vmem>>
      %dma_start3A_1588 = arith.constant 0 : i32
      %dma_start3A_1589 = tpu.memref_slice %arg3[%add3A, %add3A_1574, %dma_start3A_1588] : memref<32x80x128xi32, #tpu.memory_space<hbm>> -> memref<1x1x128xi32, #tpu.memory_space<hbm>>
      %dma_start3A_1590 = tpu.memref_squeeze %dma_start3A_1589 : memref<1x1x128xi32, #tpu.memory_space<hbm>> -> memref<128xi32, #tpu.memory_space<hbm>>
      tpu.enqueue_dma source(%dma_start3A_1590 : memref<128xi32, #tpu.memory_space<hbm>>) target(%dma_start3A_1587 : memref<128xi32, #tpu.memory_space<vmem>>) target_semaphore(%dma_start3A_1584 : memref<!tpu.dma_semaphore, #tpu.memory_space<semaphore_mem>>)
      %dma_start3A_1591 = arith.constant 2 : i32
      %dma_start3A_1592 = arith.constant 2 : i32
      %dma_start3A_1593 = arith.constant 0 : i32
      %dma_start3A_1594 = tpu.memref_slice %arg11[%dma_start3A_1591, %dma_start3A_1593] : memref<4x128xi32, #tpu.memory_space<vmem>> -> memref<1x128xi32, #tpu.memory_space<vmem>>
      %dma_start3A_1595 = tpu.memref_squeeze %dma_start3A_1594 : memref<1x128xi32, #tpu.memory_space<vmem>> -> memref<128xi32, #tpu.memory_space<vmem>>
      %dma_start3A_1596 = arith.constant 0 : i32
      %dma_start3A_1597 = tpu.memref_slice %arg4[%add3A, %add3A_1574, %dma_start3A_1596] : memref<32x80x128xi32, #tpu.memory_space<hbm>> -> memref<1x1x128xi32, #tpu.memory_space<hbm>>
      %dma_start3A_1598 = tpu.memref_squeeze %dma_start3A_1597 : memref<1x1x128xi32, #tpu.memory_space<hbm>> -> memref<128xi32, #tpu.memory_space<hbm>>
      %dma_start3A_1599 = tpu.memref_slice %arg17[%dma_start3A_1592] : memref<4x!tpu.dma_semaphore, #tpu.memory_space<semaphore_mem>> -> memref<1x!tpu.dma_semaphore, #tpu.memory_space<semaphore_mem>>
      %dma_start3A_1600 = tpu.memref_squeeze %dma_start3A_1599 : memref<1x!tpu.dma_semaphore, #tpu.memory_space<semaphore_mem>> -> memref<!tpu.dma_semaphore, #tpu.memory_space<semaphore_mem>>
      %dma_start3A_1601 = arith.constant 0 : i32
      %dma_start3A_1602 = tpu.memref_slice %arg11[%dma_start3A_1591, %dma_start3A_1601] : memref<4x128xi32, #tpu.memory_space<vmem>> -> memref<1x128xi32, #tpu.memory_space<vmem>>
      %dma_start3A_1603 = tpu.memref_squeeze %dma_start3A_1602 : memref<1x128xi32, #tpu.memory_space<vmem>> -> memref<128xi32, #tpu.memory_space<vmem>>
      %dma_start3A_1604 = arith.constant 0 : i32
      %dma_start3A_1605 = tpu.memref_slice %arg4[%add3A, %add3A_1574, %dma_start3A_1604] : memref<32x80x128xi32, #tpu.memory_space<hbm>> -> memref<1x1x128xi32, #tpu.memory_space<hbm>>
      %dma_start3A_1606 = tpu.memref_squeeze %dma_start3A_1605 : memref<1x1x128xi32, #tpu.memory_space<hbm>> -> memref<128xi32, #tpu.memory_space<hbm>>
      tpu.enqueue_dma source(%dma_start3A_1606 : memref<128xi32, #tpu.memory_space<hbm>>) target(%dma_start3A_1603 : memref<128xi32, #tpu.memory_space<vmem>>) target_semaphore(%dma_start3A_1600 : memref<!tpu.dma_semaphore, #tpu.memory_space<semaphore_mem>>)
      %dma_wait3A_1607 = arith.constant 0 : i32
      %dma_wait3A_1608 = arith.constant 0 : i32
      %dma_wait3A_1609 = arith.constant 0 : i32
      %dma_wait3A_1610 = arith.constant 0 : i32
      %dma_wait3A_1611 = tpu.memref_slice %arg10[%dma_wait3A_1608, %dma_wait3A_1610] : memref<4x128xi32, #tpu.memory_space<vmem>> -> memref<1x128xi32, #tpu.memory_space<vmem>>
      %dma_wait3A_1612 = tpu.memref_squeeze %dma_wait3A_1611 : memref<1x128xi32, #tpu.memory_space<vmem>> -> memref<128xi32, #tpu.memory_space<vmem>>
      %dma_wait3A_1613 = arith.constant 0 : i32
      %dma_wait3A_1614 = tpu.memref_slice %arg3[%add3A, %dma_wait3A_1607, %dma_wait3A_1613] : memref<32x80x128xi32, #tpu.memory_space<hbm>> -> memref<1x1x128xi32, #tpu.memory_space<hbm>>
      %dma_wait3A_1615 = tpu.memref_squeeze %dma_wait3A_1614 : memref<1x1x128xi32, #tpu.memory_space<hbm>> -> memref<128xi32, #tpu.memory_space<hbm>>
      %dma_wait3A_1616 = tpu.memref_slice %arg16[%dma_wait3A_1609] : memref<4x!tpu.dma_semaphore, #tpu.memory_space<semaphore_mem>> -> memref<1x!tpu.dma_semaphore, #tpu.memory_space<semaphore_mem>>
      %dma_wait3A_1617 = tpu.memref_squeeze %dma_wait3A_1616 : memref<1x!tpu.dma_semaphore, #tpu.memory_space<semaphore_mem>> -> memref<!tpu.dma_semaphore, #tpu.memory_space<semaphore_mem>>
      %dma_wait3A_1618 = arith.constant 0 : i32
      %dma_wait3A_1619 = tpu.memref_slice %arg10[%dma_wait3A_1608, %dma_wait3A_1618] : memref<4x128xi32, #tpu.memory_space<vmem>> -> memref<1x128xi32, #tpu.memory_space<vmem>>
      %dma_wait3A_1620 = tpu.memref_squeeze %dma_wait3A_1619 : memref<1x128xi32, #tpu.memory_space<vmem>> -> memref<128xi32, #tpu.memory_space<vmem>>
      %dma_wait3A_1621 = arith.constant 0 : i32
      %dma_wait3A_1622 = tpu.memref_slice %arg3[%add3A, %dma_wait3A_1607, %dma_wait3A_1621] : memref<32x80x128xi32, #tpu.memory_space<hbm>> -> memref<1x1x128xi32, #tpu.memory_space<hbm>>
      %dma_wait3A_1623 = tpu.memref_squeeze %dma_wait3A_1622 : memref<1x1x128xi32, #tpu.memory_space<hbm>> -> memref<128xi32, #tpu.memory_space<hbm>>
      tpu.wait_dma2 semaphore(%dma_wait3A_1617 : memref<!tpu.dma_semaphore, #tpu.memory_space<semaphore_mem>>) src(%dma_wait3A_1623 : memref<128xi32, #tpu.memory_space<hbm>>) dst(%dma_wait3A_1620 : memref<128xi32, #tpu.memory_space<vmem>>)
      %dma_wait3A_1624 = arith.constant 0 : i32
      %dma_wait3A_1625 = arith.constant 0 : i32
      %dma_wait3A_1626 = arith.constant 0 : i32
      %dma_wait3A_1627 = arith.constant 0 : i32
      %dma_wait3A_1628 = tpu.memref_slice %arg11[%dma_wait3A_1625, %dma_wait3A_1627] : memref<4x128xi32, #tpu.memory_space<vmem>> -> memref<1x128xi32, #tpu.memory_space<vmem>>
      %dma_wait3A_1629 = tpu.memref_squeeze %dma_wait3A_1628 : memref<1x128xi32, #tpu.memory_space<vmem>> -> memref<128xi32, #tpu.memory_space<vmem>>
      %dma_wait3A_1630 = arith.constant 0 : i32
      %dma_wait3A_1631 = tpu.memref_slice %arg4[%add3A, %dma_wait3A_1624, %dma_wait3A_1630] : memref<32x80x128xi32, #tpu.memory_space<hbm>> -> memref<1x1x128xi32, #tpu.memory_space<hbm>>
      %dma_wait3A_1632 = tpu.memref_squeeze %dma_wait3A_1631 : memref<1x1x128xi32, #tpu.memory_space<hbm>> -> memref<128xi32, #tpu.memory_space<hbm>>
      %dma_wait3A_1633 = tpu.memref_slice %arg17[%dma_wait3A_1626] : memref<4x!tpu.dma_semaphore, #tpu.memory_space<semaphore_mem>> -> memref<1x!tpu.dma_semaphore, #tpu.memory_space<semaphore_mem>>
      %dma_wait3A_1634 = tpu.memref_squeeze %dma_wait3A_1633 : memref<1x!tpu.dma_semaphore, #tpu.memory_space<semaphore_mem>> -> memref<!tpu.dma_semaphore, #tpu.memory_space<semaphore_mem>>
      %dma_wait3A_1635 = arith.constant 0 : i32
      %dma_wait3A_1636 = tpu.memref_slice %arg11[%dma_wait3A_1625, %dma_wait3A_1635] : memref<4x128xi32, #tpu.memory_space<vmem>> -> memref<1x128xi32, #tpu.memory_space<vmem>>
      %dma_wait3A_1637 = tpu.memref_squeeze %dma_wait3A_1636 : memref<1x128xi32, #tpu.memory_space<vmem>> -> memref<128xi32, #tpu.memory_space<vmem>>
      %dma_wait3A_1638 = arith.constant 0 : i32
      %dma_wait3A_1639 = tpu.memref_slice %arg4[%add3A, %dma_wait3A_1624, %dma_wait3A_1638] : memref<32x80x128xi32, #tpu.memory_space<hbm>> -> memref<1x1x128xi32, #tpu.memory_space<hbm>>
      %dma_wait3A_1640 = tpu.memref_squeeze %dma_wait3A_1639 : memref<1x1x128xi32, #tpu.memory_space<hbm>> -> memref<128xi32, #tpu.memory_space<hbm>>
      tpu.wait_dma2 semaphore(%dma_wait3A_1634 : memref<!tpu.dma_semaphore, #tpu.memory_space<semaphore_mem>>) src(%dma_wait3A_1640 : memref<128xi32, #tpu.memory_space<hbm>>) dst(%dma_wait3A_1637 : memref<128xi32, #tpu.memory_space<vmem>>)
      %dma_start3A_1641 = arith.constant 0 : i32
      %dma_start3A_1642 = arith.constant 0 : i32
      %dma_start3A_1643 = arith.constant 0 : i32
      %dma_start3A_1644 = arith.constant 0 : i32
      %dma_start3A_1645 = arith.constant 0 : i32
      %dma_start3A_1646 = tpu.memref_slice %arg12[%dma_start3A_1642, %dma_start3A_1644, %dma_start3A_1645] : memref<2x128x128xf32, #tpu.memory_space<vmem>> -> memref<1x128x128xf32, #tpu.memory_space<vmem>>
      %dma_start3A_1647 = tpu.memref_squeeze %dma_start3A_1646 : memref<1x128x128xf32, #tpu.memory_space<vmem>> -> memref<128x128xf32, #tpu.memory_space<vmem>>
      %dma_start3A_1648 = arith.constant 0 : i32
      %dma_start3A_1649 = tpu.memref_slice %arg10[%dma_start3A_1641, %dma_start3A_1648] : memref<4x128xi32, #tpu.memory_space<vmem>> -> memref<1x128xi32, #tpu.memory_space<vmem>>
      %dma_start3A_1650 = tpu.memref_squeeze %dma_start3A_1649 : memref<1x128xi32, #tpu.memory_space<vmem>> -> memref<128xi32, #tpu.memory_space<vmem>>
      %dma_start3A_1651 = arith.constant 0 : i32
      %dma_start3A_1652 = arith.constant 0 : i32
      %dma_start3A_1653 = tpu.memref_slice %arg2[%dma_start3A_1651, %dma_start3A_1652] : memref<10000x128xf32, #tpu.memory_space<hbm>> -> memref<10000x128xf32, #tpu.memory_space<hbm>>
      %dma_start3A_1654 = tpu.memref_slice %arg14[%dma_start3A_1643] : memref<2x!tpu.dma_semaphore, #tpu.memory_space<semaphore_mem>> -> memref<1x!tpu.dma_semaphore, #tpu.memory_space<semaphore_mem>>
      %dma_start3A_1655 = tpu.memref_squeeze %dma_start3A_1654 : memref<1x!tpu.dma_semaphore, #tpu.memory_space<semaphore_mem>> -> memref<!tpu.dma_semaphore, #tpu.memory_space<semaphore_mem>>
      tpu.enqueue_indirect_dma source(%dma_start3A_1653 : memref<10000x128xf32, #tpu.memory_space<hbm>>) target(%dma_start3A_1647 : memref<128x128xf32, #tpu.memory_space<vmem>>) offsets(%dma_start3A_1650 : memref<128xi32, #tpu.memory_space<vmem>>) semaphore(%dma_start3A_1655 : memref<!tpu.dma_semaphore, #tpu.memory_space<semaphore_mem>>)
      %dma_wait3A_1656 = arith.constant 1 : i32
      %dma_wait3A_1657 = arith.constant 0 : i32
      %dma_wait3A_1658 = arith.constant 1 : i32
      %dma_wait3A_1659 = arith.constant 0 : i32
      %dma_wait3A_1660 = arith.constant 0 : i32
      %dma_wait3A_1661 = tpu.memref_slice %arg12[%dma_wait3A_1656, %dma_wait3A_1659, %dma_wait3A_1660] : memref<2x128x128xf32, #tpu.memory_space<vmem>> -> memref<1x128x128xf32, #tpu.memory_space<vmem>>
      %dma_wait3A_1662 = tpu.memref_squeeze %dma_wait3A_1661 : memref<1x128x128xf32, #tpu.memory_space<vmem>> -> memref<128x128xf32, #tpu.memory_space<vmem>>
      %dma_wait3A_1663 = arith.constant 0 : i32
      %dma_wait3A_1664 = tpu.memref_slice %arg11[%dma_wait3A_1657, %dma_wait3A_1663] : memref<4x128xi32, #tpu.memory_space<vmem>> -> memref<1x128xi32, #tpu.memory_space<vmem>>
      %dma_wait3A_1665 = tpu.memref_squeeze %dma_wait3A_1664 : memref<1x128xi32, #tpu.memory_space<vmem>> -> memref<128xi32, #tpu.memory_space<vmem>>
      %dma_wait3A_1666 = arith.constant 0 : i32
      %dma_wait3A_1667 = arith.constant 0 : i32
      %dma_wait3A_1668 = tpu.memref_slice %arg9[%dma_wait3A_1666, %dma_wait3A_1667] : memref<10240x128xf32, #tpu.memory_space<vmem_shared>> -> memref<10240x128xf32, #tpu.memory_space<vmem_shared>>
      %dma_wait3A_1669 = tpu.memref_slice %arg15[%dma_wait3A_1658] : memref<2x!tpu.dma_semaphore, #tpu.memory_space<semaphore_mem>> -> memref<1x!tpu.dma_semaphore, #tpu.memory_space<semaphore_mem>>
      %dma_wait3A_1670 = tpu.memref_squeeze %dma_wait3A_1669 : memref<1x!tpu.dma_semaphore, #tpu.memory_space<semaphore_mem>> -> memref<!tpu.dma_semaphore, #tpu.memory_space<semaphore_mem>>
      tpu.wait_indirect_dma semaphore(%dma_wait3A_1670 : memref<!tpu.dma_semaphore, #tpu.memory_space<semaphore_mem>>) src(%dma_wait3A_1662 : memref<128x128xf32, #tpu.memory_space<vmem>>) dst(%dma_wait3A_1668 : memref<10240x128xf32, #tpu.memory_space<vmem_shared>>)
      %mul3A_1671 = arith.constant 4 : i32
      %mul3A_1672 = arith.muli %mul3A_1671, %while3A_909 : i32
      %add3A_1673 = arith.constant 3 : i32
      %add3A_1674 = arith.addi %mul3A_1672, %add3A_1673 : i32
      %add3A_1675 = arith.constant 4 : i32
      %add3A_1676 = arith.addi %add3A_1674, %add3A_1675 : i32
      %dma_start3A_1677 = arith.constant 3 : i32
      %dma_start3A_1678 = arith.constant 3 : i32
      %dma_start3A_1679 = arith.constant 0 : i32
      %dma_start3A_1680 = tpu.memref_slice %arg10[%dma_start3A_1677, %dma_start3A_1679] : memref<4x128xi32, #tpu.memory_space<vmem>> -> memref<1x128xi32, #tpu.memory_space<vmem>>
      %dma_start3A_1681 = tpu.memref_squeeze %dma_start3A_1680 : memref<1x128xi32, #tpu.memory_space<vmem>> -> memref<128xi32, #tpu.memory_space<vmem>>
      %dma_start3A_1682 = arith.constant 0 : i32
      %dma_start3A_1683 = tpu.memref_slice %arg3[%add3A, %add3A_1676, %dma_start3A_1682] : memref<32x80x128xi32, #tpu.memory_space<hbm>> -> memref<1x1x128xi32, #tpu.memory_space<hbm>>
      %dma_start3A_1684 = tpu.memref_squeeze %dma_start3A_1683 : memref<1x1x128xi32, #tpu.memory_space<hbm>> -> memref<128xi32, #tpu.memory_space<hbm>>
      %dma_start3A_1685 = tpu.memref_slice %arg16[%dma_start3A_1678] : memref<4x!tpu.dma_semaphore, #tpu.memory_space<semaphore_mem>> -> memref<1x!tpu.dma_semaphore, #tpu.memory_space<semaphore_mem>>
      %dma_start3A_1686 = tpu.memref_squeeze %dma_start3A_1685 : memref<1x!tpu.dma_semaphore, #tpu.memory_space<semaphore_mem>> -> memref<!tpu.dma_semaphore, #tpu.memory_space<semaphore_mem>>
      %dma_start3A_1687 = arith.constant 0 : i32
      %dma_start3A_1688 = tpu.memref_slice %arg10[%dma_start3A_1677, %dma_start3A_1687] : memref<4x128xi32, #tpu.memory_space<vmem>> -> memref<1x128xi32, #tpu.memory_space<vmem>>
      %dma_start3A_1689 = tpu.memref_squeeze %dma_start3A_1688 : memref<1x128xi32, #tpu.memory_space<vmem>> -> memref<128xi32, #tpu.memory_space<vmem>>
      %dma_start3A_1690 = arith.constant 0 : i32
      %dma_start3A_1691 = tpu.memref_slice %arg3[%add3A, %add3A_1676, %dma_start3A_1690] : memref<32x80x128xi32, #tpu.memory_space<hbm>> -> memref<1x1x128xi32, #tpu.memory_space<hbm>>
      %dma_start3A_1692 = tpu.memref_squeeze %dma_start3A_1691 : memref<1x1x128xi32, #tpu.memory_space<hbm>> -> memref<128xi32, #tpu.memory_space<hbm>>
      tpu.enqueue_dma source(%dma_start3A_1692 : memref<128xi32, #tpu.memory_space<hbm>>) target(%dma_start3A_1689 : memref<128xi32, #tpu.memory_space<vmem>>) target_semaphore(%dma_start3A_1686 : memref<!tpu.dma_semaphore, #tpu.memory_space<semaphore_mem>>)
      %dma_start3A_1693 = arith.constant 3 : i32
      %dma_start3A_1694 = arith.constant 3 : i32
      %dma_start3A_1695 = arith.constant 0 : i32
      %dma_start3A_1696 = tpu.memref_slice %arg11[%dma_start3A_1693, %dma_start3A_1695] : memref<4x128xi32, #tpu.memory_space<vmem>> -> memref<1x128xi32, #tpu.memory_space<vmem>>
      %dma_start3A_1697 = tpu.memref_squeeze %dma_start3A_1696 : memref<1x128xi32, #tpu.memory_space<vmem>> -> memref<128xi32, #tpu.memory_space<vmem>>
      %dma_start3A_1698 = arith.constant 0 : i32
      %dma_start3A_1699 = tpu.memref_slice %arg4[%add3A, %add3A_1676, %dma_start3A_1698] : memref<32x80x128xi32, #tpu.memory_space<hbm>> -> memref<1x1x128xi32, #tpu.memory_space<hbm>>
      %dma_start3A_1700 = tpu.memref_squeeze %dma_start3A_1699 : memref<1x1x128xi32, #tpu.memory_space<hbm>> -> memref<128xi32, #tpu.memory_space<hbm>>
      %dma_start3A_1701 = tpu.memref_slice %arg17[%dma_start3A_1694] : memref<4x!tpu.dma_semaphore, #tpu.memory_space<semaphore_mem>> -> memref<1x!tpu.dma_semaphore, #tpu.memory_space<semaphore_mem>>
      %dma_start3A_1702 = tpu.memref_squeeze %dma_start3A_1701 : memref<1x!tpu.dma_semaphore, #tpu.memory_space<semaphore_mem>> -> memref<!tpu.dma_semaphore, #tpu.memory_space<semaphore_mem>>
      %dma_start3A_1703 = arith.constant 0 : i32
      %dma_start3A_1704 = tpu.memref_slice %arg11[%dma_start3A_1693, %dma_start3A_1703] : memref<4x128xi32, #tpu.memory_space<vmem>> -> memref<1x128xi32, #tpu.memory_space<vmem>>
      %dma_start3A_1705 = tpu.memref_squeeze %dma_start3A_1704 : memref<1x128xi32, #tpu.memory_space<vmem>> -> memref<128xi32, #tpu.memory_space<vmem>>
      %dma_start3A_1706 = arith.constant 0 : i32
      %dma_start3A_1707 = tpu.memref_slice %arg4[%add3A, %add3A_1676, %dma_start3A_1706] : memref<32x80x128xi32, #tpu.memory_space<hbm>> -> memref<1x1x128xi32, #tpu.memory_space<hbm>>
      %dma_start3A_1708 = tpu.memref_squeeze %dma_start3A_1707 : memref<1x1x128xi32, #tpu.memory_space<hbm>> -> memref<128xi32, #tpu.memory_space<hbm>>
      tpu.enqueue_dma source(%dma_start3A_1708 : memref<128xi32, #tpu.memory_space<hbm>>) target(%dma_start3A_1705 : memref<128xi32, #tpu.memory_space<vmem>>) target_semaphore(%dma_start3A_1702 : memref<!tpu.dma_semaphore, #tpu.memory_space<semaphore_mem>>)
      %dma_wait3A_1709 = arith.constant 0 : i32
      %dma_wait3A_1710 = arith.constant 1 : i32
      %dma_wait3A_1711 = arith.constant 1 : i32
      %dma_wait3A_1712 = arith.constant 0 : i32
      %dma_wait3A_1713 = tpu.memref_slice %arg10[%dma_wait3A_1710, %dma_wait3A_1712] : memref<4x128xi32, #tpu.memory_space<vmem>> -> memref<1x128xi32, #tpu.memory_space<vmem>>
      %dma_wait3A_1714 = tpu.memref_squeeze %dma_wait3A_1713 : memref<1x128xi32, #tpu.memory_space<vmem>> -> memref<128xi32, #tpu.memory_space<vmem>>
      %dma_wait3A_1715 = arith.constant 0 : i32
      %dma_wait3A_1716 = tpu.memref_slice %arg3[%add3A, %dma_wait3A_1709, %dma_wait3A_1715] : memref<32x80x128xi32, #tpu.memory_space<hbm>> -> memref<1x1x128xi32, #tpu.memory_space<hbm>>
      %dma_wait3A_1717 = tpu.memref_squeeze %dma_wait3A_1716 : memref<1x1x128xi32, #tpu.memory_space<hbm>> -> memref<128xi32, #tpu.memory_space<hbm>>
      %dma_wait3A_1718 = tpu.memref_slice %arg16[%dma_wait3A_1711] : memref<4x!tpu.dma_semaphore, #tpu.memory_space<semaphore_mem>> -> memref<1x!tpu.dma_semaphore, #tpu.memory_space<semaphore_mem>>
      %dma_wait3A_1719 = tpu.memref_squeeze %dma_wait3A_1718 : memref<1x!tpu.dma_semaphore, #tpu.memory_space<semaphore_mem>> -> memref<!tpu.dma_semaphore, #tpu.memory_space<semaphore_mem>>
      %dma_wait3A_1720 = arith.constant 0 : i32
      %dma_wait3A_1721 = tpu.memref_slice %arg10[%dma_wait3A_1710, %dma_wait3A_1720] : memref<4x128xi32, #tpu.memory_space<vmem>> -> memref<1x128xi32, #tpu.memory_space<vmem>>
      %dma_wait3A_1722 = tpu.memref_squeeze %dma_wait3A_1721 : memref<1x128xi32, #tpu.memory_space<vmem>> -> memref<128xi32, #tpu.memory_space<vmem>>
      %dma_wait3A_1723 = arith.constant 0 : i32
      %dma_wait3A_1724 = tpu.memref_slice %arg3[%add3A, %dma_wait3A_1709, %dma_wait3A_1723] : memref<32x80x128xi32, #tpu.memory_space<hbm>> -> memref<1x1x128xi32, #tpu.memory_space<hbm>>
      %dma_wait3A_1725 = tpu.memref_squeeze %dma_wait3A_1724 : memref<1x1x128xi32, #tpu.memory_space<hbm>> -> memref<128xi32, #tpu.memory_space<hbm>>
      tpu.wait_dma2 semaphore(%dma_wait3A_1719 : memref<!tpu.dma_semaphore, #tpu.memory_space<semaphore_mem>>) src(%dma_wait3A_1725 : memref<128xi32, #tpu.memory_space<hbm>>) dst(%dma_wait3A_1722 : memref<128xi32, #tpu.memory_space<vmem>>)
      %dma_wait3A_1726 = arith.constant 0 : i32
      %dma_wait3A_1727 = arith.constant 1 : i32
      %dma_wait3A_1728 = arith.constant 1 : i32
      %dma_wait3A_1729 = arith.constant 0 : i32
      %dma_wait3A_1730 = tpu.memref_slice %arg11[%dma_wait3A_1727, %dma_wait3A_1729] : memref<4x128xi32, #tpu.memory_space<vmem>> -> memref<1x128xi32, #tpu.memory_space<vmem>>
      %dma_wait3A_1731 = tpu.memref_squeeze %dma_wait3A_1730 : memref<1x128xi32, #tpu.memory_space<vmem>> -> memref<128xi32, #tpu.memory_space<vmem>>
      %dma_wait3A_1732 = arith.constant 0 : i32
      %dma_wait3A_1733 = tpu.memref_slice %arg4[%add3A, %dma_wait3A_1726, %dma_wait3A_1732] : memref<32x80x128xi32, #tpu.memory_space<hbm>> -> memref<1x1x128xi32, #tpu.memory_space<hbm>>
      %dma_wait3A_1734 = tpu.memref_squeeze %dma_wait3A_1733 : memref<1x1x128xi32, #tpu.memory_space<hbm>> -> memref<128xi32, #tpu.memory_space<hbm>>
      %dma_wait3A_1735 = tpu.memref_slice %arg17[%dma_wait3A_1728] : memref<4x!tpu.dma_semaphore, #tpu.memory_space<semaphore_mem>> -> memref<1x!tpu.dma_semaphore, #tpu.memory_space<semaphore_mem>>
      %dma_wait3A_1736 = tpu.memref_squeeze %dma_wait3A_1735 : memref<1x!tpu.dma_semaphore, #tpu.memory_space<semaphore_mem>> -> memref<!tpu.dma_semaphore, #tpu.memory_space<semaphore_mem>>
      %dma_wait3A_1737 = arith.constant 0 : i32
      %dma_wait3A_1738 = tpu.memref_slice %arg11[%dma_wait3A_1727, %dma_wait3A_1737] : memref<4x128xi32, #tpu.memory_space<vmem>> -> memref<1x128xi32, #tpu.memory_space<vmem>>
      %dma_wait3A_1739 = tpu.memref_squeeze %dma_wait3A_1738 : memref<1x128xi32, #tpu.memory_space<vmem>> -> memref<128xi32, #tpu.memory_space<vmem>>
      %dma_wait3A_1740 = arith.constant 0 : i32
      %dma_wait3A_1741 = tpu.memref_slice %arg4[%add3A, %dma_wait3A_1726, %dma_wait3A_1740] : memref<32x80x128xi32, #tpu.memory_space<hbm>> -> memref<1x1x128xi32, #tpu.memory_space<hbm>>
      %dma_wait3A_1742 = tpu.memref_squeeze %dma_wait3A_1741 : memref<1x1x128xi32, #tpu.memory_space<hbm>> -> memref<128xi32, #tpu.memory_space<hbm>>
      tpu.wait_dma2 semaphore(%dma_wait3A_1736 : memref<!tpu.dma_semaphore, #tpu.memory_space<semaphore_mem>>) src(%dma_wait3A_1742 : memref<128xi32, #tpu.memory_space<hbm>>) dst(%dma_wait3A_1739 : memref<128xi32, #tpu.memory_space<vmem>>)
      %dma_start3A_1743 = arith.constant 1 : i32
      %dma_start3A_1744 = arith.constant 1 : i32
      %dma_start3A_1745 = arith.constant 1 : i32
      %dma_start3A_1746 = arith.constant 0 : i32
      %dma_start3A_1747 = arith.constant 0 : i32
      %dma_start3A_1748 = tpu.memref_slice %arg12[%dma_start3A_1744, %dma_start3A_1746, %dma_start3A_1747] : memref<2x128x128xf32, #tpu.memory_space<vmem>> -> memref<1x128x128xf32, #tpu.memory_space<vmem>>
      %dma_start3A_1749 = tpu.memref_squeeze %dma_start3A_1748 : memref<1x128x128xf32, #tpu.memory_space<vmem>> -> memref<128x128xf32, #tpu.memory_space<vmem>>
      %dma_start3A_1750 = arith.constant 0 : i32
      %dma_start3A_1751 = tpu.memref_slice %arg10[%dma_start3A_1743, %dma_start3A_1750] : memref<4x128xi32, #tpu.memory_space<vmem>> -> memref<1x128xi32, #tpu.memory_space<vmem>>
      %dma_start3A_1752 = tpu.memref_squeeze %dma_start3A_1751 : memref<1x128xi32, #tpu.memory_space<vmem>> -> memref<128xi32, #tpu.memory_space<vmem>>
      %dma_start3A_1753 = arith.constant 0 : i32
      %dma_start3A_1754 = arith.constant 0 : i32
      %dma_start3A_1755 = tpu.memref_slice %arg2[%dma_start3A_1753, %dma_start3A_1754] : memref<10000x128xf32, #tpu.memory_space<hbm>> -> memref<10000x128xf32, #tpu.memory_space<hbm>>
      %dma_start3A_1756 = tpu.memref_slice %arg14[%dma_start3A_1745] : memref<2x!tpu.dma_semaphore, #tpu.memory_space<semaphore_mem>> -> memref<1x!tpu.dma_semaphore, #tpu.memory_space<semaphore_mem>>
      %dma_start3A_1757 = tpu.memref_squeeze %dma_start3A_1756 : memref<1x!tpu.dma_semaphore, #tpu.memory_space<semaphore_mem>> -> memref<!tpu.dma_semaphore, #tpu.memory_space<semaphore_mem>>
      tpu.enqueue_indirect_dma source(%dma_start3A_1755 : memref<10000x128xf32, #tpu.memory_space<hbm>>) target(%dma_start3A_1749 : memref<128x128xf32, #tpu.memory_space<vmem>>) offsets(%dma_start3A_1752 : memref<128xi32, #tpu.memory_space<vmem>>) semaphore(%dma_start3A_1757 : memref<!tpu.dma_semaphore, #tpu.memory_space<semaphore_mem>>)
    }
    %while3A_281 = arith.constant 1 : i32
    scf.for %while3A_909 = %while3A_279 to %while3A_275 step %while3A_281  : i32 {
      %dma_wait3A_910 = arith.constant 0 : i32
      %dma_wait3A_911 = arith.constant 0 : i32
      %dma_wait3A_912 = arith.constant 0 : i32
      %dma_wait3A_913 = arith.constant 0 : i32
      %dma_wait3A_914 = arith.constant 0 : i32
      %dma_wait3A_915 = tpu.memref_slice %arg12[%dma_wait3A_911, %dma_wait3A_913, %dma_wait3A_914] : memref<2x128x128xf32, #tpu.memory_space<vmem>> -> memref<1x128x128xf32, #tpu.memory_space<vmem>>
      %dma_wait3A_916 = tpu.memref_squeeze %dma_wait3A_915 : memref<1x128x128xf32, #tpu.memory_space<vmem>> -> memref<128x128xf32, #tpu.memory_space<vmem>>
      %dma_wait3A_917 = arith.constant 0 : i32
      %dma_wait3A_918 = tpu.memref_slice %arg10[%dma_wait3A_910, %dma_wait3A_917] : memref<4x128xi32, #tpu.memory_space<vmem>> -> memref<1x128xi32, #tpu.memory_space<vmem>>
      %dma_wait3A_919 = tpu.memref_squeeze %dma_wait3A_918 : memref<1x128xi32, #tpu.memory_space<vmem>> -> memref<128xi32, #tpu.memory_space<vmem>>
      %dma_wait3A_920 = arith.constant 0 : i32
      %dma_wait3A_921 = arith.constant 0 : i32
      %dma_wait3A_922 = tpu.memref_slice %arg2[%dma_wait3A_920, %dma_wait3A_921] : memref<10000x128xf32, #tpu.memory_space<hbm>> -> memref<10000x128xf32, #tpu.memory_space<hbm>>
      %dma_wait3A_923 = tpu.memref_slice %arg14[%dma_wait3A_912] : memref<2x!tpu.dma_semaphore, #tpu.memory_space<semaphore_mem>> -> memref<1x!tpu.dma_semaphore, #tpu.memory_space<semaphore_mem>>
      %dma_wait3A_924 = tpu.memref_squeeze %dma_wait3A_923 : memref<1x!tpu.dma_semaphore, #tpu.memory_space<semaphore_mem>> -> memref<!tpu.dma_semaphore, #tpu.memory_space<semaphore_mem>>
      tpu.wait_indirect_dma semaphore(%dma_wait3A_924 : memref<!tpu.dma_semaphore, #tpu.memory_space<semaphore_mem>>) src(%dma_wait3A_922 : memref<10000x128xf32, #tpu.memory_space<hbm>>) dst(%dma_wait3A_916 : memref<128x128xf32, #tpu.memory_space<vmem>>)
      %dma_start3A_925 = arith.constant 0 : i32
      %dma_start3A_926 = arith.constant 0 : i32
      %dma_start3A_927 = arith.constant 0 : i32
      %dma_start3A_928 = arith.constant 0 : i32
      %dma_start3A_929 = arith.constant 0 : i32
      %dma_start3A_930 = tpu.memref_slice %arg12[%dma_start3A_925, %dma_start3A_928, %dma_start3A_929] : memref<2x128x128xf32, #tpu.memory_space<vmem>> -> memref<1x128x128xf32, #tpu.memory_space<vmem>>
      %dma_start3A_931 = tpu.memref_squeeze %dma_start3A_930 : memref<1x128x128xf32, #tpu.memory_space<vmem>> -> memref<128x128xf32, #tpu.memory_space<vmem>>
      %dma_start3A_932 = arith.constant 0 : i32
      %dma_start3A_933 = tpu.memref_slice %arg11[%dma_start3A_926, %dma_start3A_932] : memref<4x128xi32, #tpu.memory_space<vmem>> -> memref<1x128xi32, #tpu.memory_space<vmem>>
      %dma_start3A_934 = tpu.memref_squeeze %dma_start3A_933 : memref<1x128xi32, #tpu.memory_space<vmem>> -> memref<128xi32, #tpu.memory_space<vmem>>
      %dma_start3A_935 = arith.constant 0 : i32
      %dma_start3A_936 = arith.constant 0 : i32
      %dma_start3A_937 = tpu.memref_slice %arg9[%dma_start3A_935, %dma_start3A_936] : memref<10240x128xf32, #tpu.memory_space<vmem_shared>> -> memref<10240x128xf32, #tpu.memory_space<vmem_shared>>
      %dma_start3A_938 = tpu.memref_slice %arg15[%dma_start3A_927] : memref<2x!tpu.dma_semaphore, #tpu.memory_space<semaphore_mem>> -> memref<1x!tpu.dma_semaphore, #tpu.memory_space<semaphore_mem>>
      %dma_start3A_939 = tpu.memref_squeeze %dma_start3A_938 : memref<1x!tpu.dma_semaphore, #tpu.memory_space<semaphore_mem>> -> memref<!tpu.dma_semaphore, #tpu.memory_space<semaphore_mem>>
      tpu.enqueue_indirect_dma source(%dma_start3A_931 : memref<128x128xf32, #tpu.memory_space<vmem>>) target(%dma_start3A_937 : memref<10240x128xf32, #tpu.memory_space<vmem_shared>>) offsets(%dma_start3A_934 : memref<128xi32, #tpu.memory_space<vmem>>) semaphore(%dma_start3A_939 : memref<!tpu.dma_semaphore, #tpu.memory_space<semaphore_mem>>) {add = true}
      %get3A_940 = arith.constant 0 : i32
      %get3A_941 = arith.index_cast %get3A_940 : i32 to index
      %get3A_942 = arith.constant 0 : index
      %get3A_943 = tpu.vector_load %arg11[%get3A_941, %get3A_942] {strides = array<i32>} : memref<4x128xi32, #tpu.memory_space<vmem>>, vector<16xi32>,
      %shift_right_logical3A_944 = arith.constant 7 : i32
      %shift_right_logical3A_945 = vector.broadcast %shift_right_logical3A_944 : i32 to vector<16xi32>
      %shift_right_logical3A_946 = arith.shrui %get3A_943, %shift_right_logical3A_945 : vector<16xi32>
      %and3A_947 = arith.constant 127 : i32
      %and3A_948 = vector.broadcast %and3A_947 : i32 to vector<16xi32>
      %and3A_949 = arith.andi %get3A_943, %and3A_948 : vector<16xi32>
      tpu.vector_store_idx %arg13[%shift_right_logical3A_946, %and3A_949], %broadcast_in_dim3A_20 {add = true} : memref<80x128xf32, #tpu.memory_space<vmem>>[vector<16xi32>, vector<16xi32>], vector<16xf32>,
      %get3A_950 = arith.constant 0 : i32
      %get3A_951 = arith.index_cast %get3A_950 : i32 to index
      %get3A_952 = arith.constant 16 : index
      %get3A_953 = tpu.vector_load %arg11[%get3A_951, %get3A_952] {strides = array<i32>} : memref<4x128xi32, #tpu.memory_space<vmem>>, vector<16xi32>,
      %shift_right_logical3A_954 = arith.constant 7 : i32
      %shift_right_logical3A_955 = vector.broadcast %shift_right_logical3A_954 : i32 to vector<16xi32>
      %shift_right_logical3A_956 = arith.shrui %get3A_953, %shift_right_logical3A_955 : vector<16xi32>
      %and3A_957 = arith.constant 127 : i32
      %and3A_958 = vector.broadcast %and3A_957 : i32 to vector<16xi32>
      %and3A_959 = arith.andi %get3A_953, %and3A_958 : vector<16xi32>
      tpu.vector_store_idx %arg13[%shift_right_logical3A_956, %and3A_959], %broadcast_in_dim3A_20 {add = true} : memref<80x128xf32, #tpu.memory_space<vmem>>[vector<16xi32>, vector<16xi32>], vector<16xf32>,
      %get3A_960 = arith.constant 0 : i32
      %get3A_961 = arith.index_cast %get3A_960 : i32 to index
      %get3A_962 = arith.constant 32 : index
      %get3A_963 = tpu.vector_load %arg11[%get3A_961, %get3A_962] {strides = array<i32>} : memref<4x128xi32, #tpu.memory_space<vmem>>, vector<16xi32>,
      %shift_right_logical3A_964 = arith.constant 7 : i32
      %shift_right_logical3A_965 = vector.broadcast %shift_right_logical3A_964 : i32 to vector<16xi32>
      %shift_right_logical3A_966 = arith.shrui %get3A_963, %shift_right_logical3A_965 : vector<16xi32>
      %and3A_967 = arith.constant 127 : i32
      %and3A_968 = vector.broadcast %and3A_967 : i32 to vector<16xi32>
      %and3A_969 = arith.andi %get3A_963, %and3A_968 : vector<16xi32>
      tpu.vector_store_idx %arg13[%shift_right_logical3A_966, %and3A_969], %broadcast_in_dim3A_20 {add = true} : memref<80x128xf32, #tpu.memory_space<vmem>>[vector<16xi32>, vector<16xi32>], vector<16xf32>,
      %get3A_970 = arith.constant 0 : i32
      %get3A_971 = arith.index_cast %get3A_970 : i32 to index
      %get3A_972 = arith.constant 48 : index
      %get3A_973 = tpu.vector_load %arg11[%get3A_971, %get3A_972] {strides = array<i32>} : memref<4x128xi32, #tpu.memory_space<vmem>>, vector<16xi32>,
      %shift_right_logical3A_974 = arith.constant 7 : i32
      %shift_right_logical3A_975 = vector.broadcast %shift_right_logical3A_974 : i32 to vector<16xi32>
      %shift_right_logical3A_976 = arith.shrui %get3A_973, %shift_right_logical3A_975 : vector<16xi32>
      %and3A_977 = arith.constant 127 : i32
      %and3A_978 = vector.broadcast %and3A_977 : i32 to vector<16xi32>
      %and3A_979 = arith.andi %get3A_973, %and3A_978 : vector<16xi32>
      tpu.vector_store_idx %arg13[%shift_right_logical3A_976, %and3A_979], %broadcast_in_dim3A_20 {add = true} : memref<80x128xf32, #tpu.memory_space<vmem>>[vector<16xi32>, vector<16xi32>], vector<16xf32>,
      %get3A_980 = arith.constant 0 : i32
      %get3A_981 = arith.index_cast %get3A_980 : i32 to index
      %get3A_982 = arith.constant 64 : index
      %get3A_983 = tpu.vector_load %arg11[%get3A_981, %get3A_982] {strides = array<i32>} : memref<4x128xi32, #tpu.memory_space<vmem>>, vector<16xi32>,
      %shift_right_logical3A_984 = arith.constant 7 : i32
      %shift_right_logical3A_985 = vector.broadcast %shift_right_logical3A_984 : i32 to vector<16xi32>
      %shift_right_logical3A_986 = arith.shrui %get3A_983, %shift_right_logical3A_985 : vector<16xi32>
      %and3A_987 = arith.constant 127 : i32
      %and3A_988 = vector.broadcast %and3A_987 : i32 to vector<16xi32>
      %and3A_989 = arith.andi %get3A_983, %and3A_988 : vector<16xi32>
      tpu.vector_store_idx %arg13[%shift_right_logical3A_986, %and3A_989], %broadcast_in_dim3A_20 {add = true} : memref<80x128xf32, #tpu.memory_space<vmem>>[vector<16xi32>, vector<16xi32>], vector<16xf32>,
      %get3A_990 = arith.constant 0 : i32
      %get3A_991 = arith.index_cast %get3A_990 : i32 to index
      %get3A_992 = arith.constant 80 : index
      %get3A_993 = tpu.vector_load %arg11[%get3A_991, %get3A_992] {strides = array<i32>} : memref<4x128xi32, #tpu.memory_space<vmem>>, vector<16xi32>,
      %shift_right_logical3A_994 = arith.constant 7 : i32
      %shift_right_logical3A_995 = vector.broadcast %shift_right_logical3A_994 : i32 to vector<16xi32>
      %shift_right_logical3A_996 = arith.shrui %get3A_993, %shift_right_logical3A_995 : vector<16xi32>
      %and3A_997 = arith.constant 127 : i32
      %and3A_998 = vector.broadcast %and3A_997 : i32 to vector<16xi32>
      %and3A_999 = arith.andi %get3A_993, %and3A_998 : vector<16xi32>
      tpu.vector_store_idx %arg13[%shift_right_logical3A_996, %and3A_999], %broadcast_in_dim3A_20 {add = true} : memref<80x128xf32, #tpu.memory_space<vmem>>[vector<16xi32>, vector<16xi32>], vector<16xf32>,
      %get3A_1000 = arith.constant 0 : i32
      %get3A_1001 = arith.index_cast %get3A_1000 : i32 to index
      %get3A_1002 = arith.constant 96 : index
      %get3A_1003 = tpu.vector_load %arg11[%get3A_1001, %get3A_1002] {strides = array<i32>} : memref<4x128xi32, #tpu.memory_space<vmem>>, vector<16xi32>,
      %shift_right_logical3A_1004 = arith.constant 7 : i32
      %shift_right_logical3A_1005 = vector.broadcast %shift_right_logical3A_1004 : i32 to vector<16xi32>
      %shift_right_logical3A_1006 = arith.shrui %get3A_1003, %shift_right_logical3A_1005 : vector<16xi32>
      %and3A_1007 = arith.constant 127 : i32
      %and3A_1008 = vector.broadcast %and3A_1007 : i32 to vector<16xi32>
      %and3A_1009 = arith.andi %get3A_1003, %and3A_1008 : vector<16xi32>
      tpu.vector_store_idx %arg13[%shift_right_logical3A_1006, %and3A_1009], %broadcast_in_dim3A_20 {add = true} : memref<80x128xf32, #tpu.memory_space<vmem>>[vector<16xi32>, vector<16xi32>], vector<16xf32>,
      %get3A_1010 = arith.constant 0 : i32
      %get3A_1011 = arith.index_cast %get3A_1010 : i32 to index
      %get3A_1012 = arith.constant 112 : index
      %get3A_1013 = tpu.vector_load %arg11[%get3A_1011, %get3A_1012] {strides = array<i32>} : memref<4x128xi32, #tpu.memory_space<vmem>>, vector<16xi32>,
      %shift_right_logical3A_1014 = arith.constant 7 : i32
      %shift_right_logical3A_1015 = vector.broadcast %shift_right_logical3A_1014 : i32 to vector<16xi32>
      %shift_right_logical3A_1016 = arith.shrui %get3A_1013, %shift_right_logical3A_1015 : vector<16xi32>
      %and3A_1017 = arith.constant 127 : i32
      %and3A_1018 = vector.broadcast %and3A_1017 : i32 to vector<16xi32>
      %and3A_1019 = arith.andi %get3A_1013, %and3A_1018 : vector<16xi32>
      tpu.vector_store_idx %arg13[%shift_right_logical3A_1016, %and3A_1019], %broadcast_in_dim3A_20 {add = true} : memref<80x128xf32, #tpu.memory_space<vmem>>[vector<16xi32>, vector<16xi32>], vector<16xf32>,
      %dma_wait3A_1020 = arith.constant 0 : i32
      %dma_wait3A_1021 = arith.constant 1 : i32
      %dma_wait3A_1022 = arith.constant 1 : i32
      %dma_wait3A_1023 = arith.constant 0 : i32
      %dma_wait3A_1024 = arith.constant 0 : i32
      %dma_wait3A_1025 = tpu.memref_slice %arg12[%dma_wait3A_1021, %dma_wait3A_1023, %dma_wait3A_1024] : memref<2x128x128xf32, #tpu.memory_space<vmem>> -> memref<1x128x128xf32, #tpu.memory_space<vmem>>
      %dma_wait3A_1026 = tpu.memref_squeeze %dma_wait3A_1025 : memref<1x128x128xf32, #tpu.memory_space<vmem>> -> memref<128x128xf32, #tpu.memory_space<vmem>>
      %dma_wait3A_1027 = arith.constant 0 : i32
      %dma_wait3A_1028 = tpu.memref_slice %arg10[%dma_wait3A_1020, %dma_wait3A_1027] : memref<4x128xi32, #tpu.memory_space<vmem>> -> memref<1x128xi32, #tpu.memory_space<vmem>>
      %dma_wait3A_1029 = tpu.memref_squeeze %dma_wait3A_1028 : memref<1x128xi32, #tpu.memory_space<vmem>> -> memref<128xi32, #tpu.memory_space<vmem>>
      %dma_wait3A_1030 = arith.constant 0 : i32
      %dma_wait3A_1031 = arith.constant 0 : i32
      %dma_wait3A_1032 = tpu.memref_slice %arg2[%dma_wait3A_1030, %dma_wait3A_1031] : memref<10000x128xf32, #tpu.memory_space<hbm>> -> memref<10000x128xf32, #tpu.memory_space<hbm>>
      %dma_wait3A_1033 = tpu.memref_slice %arg14[%dma_wait3A_1022] : memref<2x!tpu.dma_semaphore, #tpu.memory_space<semaphore_mem>> -> memref<1x!tpu.dma_semaphore, #tpu.memory_space<semaphore_mem>>
      %dma_wait3A_1034 = tpu.memref_squeeze %dma_wait3A_1033 : memref<1x!tpu.dma_semaphore, #tpu.memory_space<semaphore_mem>> -> memref<!tpu.dma_semaphore, #tpu.memory_space<semaphore_mem>>
      tpu.wait_indirect_dma semaphore(%dma_wait3A_1034 : memref<!tpu.dma_semaphore, #tpu.memory_space<semaphore_mem>>) src(%dma_wait3A_1032 : memref<10000x128xf32, #tpu.memory_space<hbm>>) dst(%dma_wait3A_1026 : memref<128x128xf32, #tpu.memory_space<vmem>>)
      %dma_start3A_1035 = arith.constant 1 : i32
      %dma_start3A_1036 = arith.constant 1 : i32
      %dma_start3A_1037 = arith.constant 1 : i32
      %dma_start3A_1038 = arith.constant 0 : i32
      %dma_start3A_1039 = arith.constant 0 : i32
      %dma_start3A_1040 = tpu.memref_slice %arg12[%dma_start3A_1035, %dma_start3A_1038, %dma_start3A_1039] : memref<2x128x128xf32, #tpu.memory_space<vmem>> -> memref<1x128x128xf32, #tpu.memory_space<vmem>>
      %dma_start3A_1041 = tpu.memref_squeeze %dma_start3A_1040 : memref<1x128x128xf32, #tpu.memory_space<vmem>> -> memref<128x128xf32, #tpu.memory_space<vmem>>
      %dma_start3A_1042 = arith.constant 0 : i32
      %dma_start3A_1043 = tpu.memref_slice %arg11[%dma_start3A_1036, %dma_start3A_1042] : memref<4x128xi32, #tpu.memory_space<vmem>> -> memref<1x128xi32, #tpu.memory_space<vmem>>
      %dma_start3A_1044 = tpu.memref_squeeze %dma_start3A_1043 : memref<1x128xi32, #tpu.memory_space<vmem>> -> memref<128xi32, #tpu.memory_space<vmem>>
      %dma_start3A_1045 = arith.constant 0 : i32
      %dma_start3A_1046 = arith.constant 0 : i32
      %dma_start3A_1047 = tpu.memref_slice %arg9[%dma_start3A_1045, %dma_start3A_1046] : memref<10240x128xf32, #tpu.memory_space<vmem_shared>> -> memref<10240x128xf32, #tpu.memory_space<vmem_shared>>
      %dma_start3A_1048 = tpu.memref_slice %arg15[%dma_start3A_1037] : memref<2x!tpu.dma_semaphore, #tpu.memory_space<semaphore_mem>> -> memref<1x!tpu.dma_semaphore, #tpu.memory_space<semaphore_mem>>
      %dma_start3A_1049 = tpu.memref_squeeze %dma_start3A_1048 : memref<1x!tpu.dma_semaphore, #tpu.memory_space<semaphore_mem>> -> memref<!tpu.dma_semaphore, #tpu.memory_space<semaphore_mem>>
      tpu.enqueue_indirect_dma source(%dma_start3A_1041 : memref<128x128xf32, #tpu.memory_space<vmem>>) target(%dma_start3A_1047 : memref<10240x128xf32, #tpu.memory_space<vmem_shared>>) offsets(%dma_start3A_1044 : memref<128xi32, #tpu.memory_space<vmem>>) semaphore(%dma_start3A_1049 : memref<!tpu.dma_semaphore, #tpu.memory_space<semaphore_mem>>) {add = true}
      %get3A_1050 = arith.constant 1 : i32
      %get3A_1051 = arith.index_cast %get3A_1050 : i32 to index
      %get3A_1052 = arith.constant 0 : index
      %get3A_1053 = tpu.vector_load %arg11[%get3A_1051, %get3A_1052] {strides = array<i32>} : memref<4x128xi32, #tpu.memory_space<vmem>>, vector<16xi32>,
      %shift_right_logical3A_1054 = arith.constant 7 : i32
      %shift_right_logical3A_1055 = vector.broadcast %shift_right_logical3A_1054 : i32 to vector<16xi32>
      %shift_right_logical3A_1056 = arith.shrui %get3A_1053, %shift_right_logical3A_1055 : vector<16xi32>
      %and3A_1057 = arith.constant 127 : i32
      %and3A_1058 = vector.broadcast %and3A_1057 : i32 to vector<16xi32>
      %and3A_1059 = arith.andi %get3A_1053, %and3A_1058 : vector<16xi32>
      tpu.vector_store_idx %arg13[%shift_right_logical3A_1056, %and3A_1059], %broadcast_in_dim3A_20 {add = true} : memref<80x128xf32, #tpu.memory_space<vmem>>[vector<16xi32>, vector<16xi32>], vector<16xf32>,
      %get3A_1060 = arith.constant 1 : i32
      %get3A_1061 = arith.index_cast %get3A_1060 : i32 to index
      %get3A_1062 = arith.constant 16 : index
      %get3A_1063 = tpu.vector_load %arg11[%get3A_1061, %get3A_1062] {strides = array<i32>} : memref<4x128xi32, #tpu.memory_space<vmem>>, vector<16xi32>,
      %shift_right_logical3A_1064 = arith.constant 7 : i32
      %shift_right_logical3A_1065 = vector.broadcast %shift_right_logical3A_1064 : i32 to vector<16xi32>
      %shift_right_logical3A_1066 = arith.shrui %get3A_1063, %shift_right_logical3A_1065 : vector<16xi32>
      %and3A_1067 = arith.constant 127 : i32
      %and3A_1068 = vector.broadcast %and3A_1067 : i32 to vector<16xi32>
      %and3A_1069 = arith.andi %get3A_1063, %and3A_1068 : vector<16xi32>
      tpu.vector_store_idx %arg13[%shift_right_logical3A_1066, %and3A_1069], %broadcast_in_dim3A_20 {add = true} : memref<80x128xf32, #tpu.memory_space<vmem>>[vector<16xi32>, vector<16xi32>], vector<16xf32>,
      %get3A_1070 = arith.constant 1 : i32
      %get3A_1071 = arith.index_cast %get3A_1070 : i32 to index
      %get3A_1072 = arith.constant 32 : index
      %get3A_1073 = tpu.vector_load %arg11[%get3A_1071, %get3A_1072] {strides = array<i32>} : memref<4x128xi32, #tpu.memory_space<vmem>>, vector<16xi32>,
      %shift_right_logical3A_1074 = arith.constant 7 : i32
      %shift_right_logical3A_1075 = vector.broadcast %shift_right_logical3A_1074 : i32 to vector<16xi32>
      %shift_right_logical3A_1076 = arith.shrui %get3A_1073, %shift_right_logical3A_1075 : vector<16xi32>
      %and3A_1077 = arith.constant 127 : i32
      %and3A_1078 = vector.broadcast %and3A_1077 : i32 to vector<16xi32>
      %and3A_1079 = arith.andi %get3A_1073, %and3A_1078 : vector<16xi32>
      tpu.vector_store_idx %arg13[%shift_right_logical3A_1076, %and3A_1079], %broadcast_in_dim3A_20 {add = true} : memref<80x128xf32, #tpu.memory_space<vmem>>[vector<16xi32>, vector<16xi32>], vector<16xf32>,
      %get3A_1080 = arith.constant 1 : i32
      %get3A_1081 = arith.index_cast %get3A_1080 : i32 to index
      %get3A_1082 = arith.constant 48 : index
      %get3A_1083 = tpu.vector_load %arg11[%get3A_1081, %get3A_1082] {strides = array<i32>} : memref<4x128xi32, #tpu.memory_space<vmem>>, vector<16xi32>,
      %shift_right_logical3A_1084 = arith.constant 7 : i32
      %shift_right_logical3A_1085 = vector.broadcast %shift_right_logical3A_1084 : i32 to vector<16xi32>
      %shift_right_logical3A_1086 = arith.shrui %get3A_1083, %shift_right_logical3A_1085 : vector<16xi32>
      %and3A_1087 = arith.constant 127 : i32
      %and3A_1088 = vector.broadcast %and3A_1087 : i32 to vector<16xi32>
      %and3A_1089 = arith.andi %get3A_1083, %and3A_1088 : vector<16xi32>
      tpu.vector_store_idx %arg13[%shift_right_logical3A_1086, %and3A_1089], %broadcast_in_dim3A_20 {add = true} : memref<80x128xf32, #tpu.memory_space<vmem>>[vector<16xi32>, vector<16xi32>], vector<16xf32>,
      %get3A_1090 = arith.constant 1 : i32
      %get3A_1091 = arith.index_cast %get3A_1090 : i32 to index
      %get3A_1092 = arith.constant 64 : index
      %get3A_1093 = tpu.vector_load %arg11[%get3A_1091, %get3A_1092] {strides = array<i32>} : memref<4x128xi32, #tpu.memory_space<vmem>>, vector<16xi32>,
      %shift_right_logical3A_1094 = arith.constant 7 : i32
      %shift_right_logical3A_1095 = vector.broadcast %shift_right_logical3A_1094 : i32 to vector<16xi32>
      %shift_right_logical3A_1096 = arith.shrui %get3A_1093, %shift_right_logical3A_1095 : vector<16xi32>
      %and3A_1097 = arith.constant 127 : i32
      %and3A_1098 = vector.broadcast %and3A_1097 : i32 to vector<16xi32>
      %and3A_1099 = arith.andi %get3A_1093, %and3A_1098 : vector<16xi32>
      tpu.vector_store_idx %arg13[%shift_right_logical3A_1096, %and3A_1099], %broadcast_in_dim3A_20 {add = true} : memref<80x128xf32, #tpu.memory_space<vmem>>[vector<16xi32>, vector<16xi32>], vector<16xf32>,
      %get3A_1100 = arith.constant 1 : i32
      %get3A_1101 = arith.index_cast %get3A_1100 : i32 to index
      %get3A_1102 = arith.constant 80 : index
      %get3A_1103 = tpu.vector_load %arg11[%get3A_1101, %get3A_1102] {strides = array<i32>} : memref<4x128xi32, #tpu.memory_space<vmem>>, vector<16xi32>,
      %shift_right_logical3A_1104 = arith.constant 7 : i32
      %shift_right_logical3A_1105 = vector.broadcast %shift_right_logical3A_1104 : i32 to vector<16xi32>
      %shift_right_logical3A_1106 = arith.shrui %get3A_1103, %shift_right_logical3A_1105 : vector<16xi32>
      %and3A_1107 = arith.constant 127 : i32
      %and3A_1108 = vector.broadcast %and3A_1107 : i32 to vector<16xi32>
      %and3A_1109 = arith.andi %get3A_1103, %and3A_1108 : vector<16xi32>
      tpu.vector_store_idx %arg13[%shift_right_logical3A_1106, %and3A_1109], %broadcast_in_dim3A_20 {add = true} : memref<80x128xf32, #tpu.memory_space<vmem>>[vector<16xi32>, vector<16xi32>], vector<16xf32>,
      %get3A_1110 = arith.constant 1 : i32
      %get3A_1111 = arith.index_cast %get3A_1110 : i32 to index
      %get3A_1112 = arith.constant 96 : index
      %get3A_1113 = tpu.vector_load %arg11[%get3A_1111, %get3A_1112] {strides = array<i32>} : memref<4x128xi32, #tpu.memory_space<vmem>>, vector<16xi32>,
      %shift_right_logical3A_1114 = arith.constant 7 : i32
      %shift_right_logical3A_1115 = vector.broadcast %shift_right_logical3A_1114 : i32 to vector<16xi32>
      %shift_right_logical3A_1116 = arith.shrui %get3A_1113, %shift_right_logical3A_1115 : vector<16xi32>
      %and3A_1117 = arith.constant 127 : i32
      %and3A_1118 = vector.broadcast %and3A_1117 : i32 to vector<16xi32>
      %and3A_1119 = arith.andi %get3A_1113, %and3A_1118 : vector<16xi32>
      tpu.vector_store_idx %arg13[%shift_right_logical3A_1116, %and3A_1119], %broadcast_in_dim3A_20 {add = true} : memref<80x128xf32, #tpu.memory_space<vmem>>[vector<16xi32>, vector<16xi32>], vector<16xf32>,
      %get3A_1120 = arith.constant 1 : i32
      %get3A_1121 = arith.index_cast %get3A_1120 : i32 to index
      %get3A_1122 = arith.constant 112 : index
      %get3A_1123 = tpu.vector_load %arg11[%get3A_1121, %get3A_1122] {strides = array<i32>} : memref<4x128xi32, #tpu.memory_space<vmem>>, vector<16xi32>,
      %shift_right_logical3A_1124 = arith.constant 7 : i32
      %shift_right_logical3A_1125 = vector.broadcast %shift_right_logical3A_1124 : i32 to vector<16xi32>
      %shift_right_logical3A_1126 = arith.shrui %get3A_1123, %shift_right_logical3A_1125 : vector<16xi32>
      %and3A_1127 = arith.constant 127 : i32
      %and3A_1128 = vector.broadcast %and3A_1127 : i32 to vector<16xi32>
      %and3A_1129 = arith.andi %get3A_1123, %and3A_1128 : vector<16xi32>
      tpu.vector_store_idx %arg13[%shift_right_logical3A_1126, %and3A_1129], %broadcast_in_dim3A_20 {add = true} : memref<80x128xf32, #tpu.memory_space<vmem>>[vector<16xi32>, vector<16xi32>], vector<16xf32>,
      %dma_wait3A_1130 = arith.constant 0 : i32
      %dma_wait3A_1131 = arith.constant 0 : i32
      %dma_wait3A_1132 = arith.constant 0 : i32
      %dma_wait3A_1133 = arith.constant 0 : i32
      %dma_wait3A_1134 = arith.constant 0 : i32
      %dma_wait3A_1135 = tpu.memref_slice %arg12[%dma_wait3A_1130, %dma_wait3A_1133, %dma_wait3A_1134] : memref<2x128x128xf32, #tpu.memory_space<vmem>> -> memref<1x128x128xf32, #tpu.memory_space<vmem>>
      %dma_wait3A_1136 = tpu.memref_squeeze %dma_wait3A_1135 : memref<1x128x128xf32, #tpu.memory_space<vmem>> -> memref<128x128xf32, #tpu.memory_space<vmem>>
      %dma_wait3A_1137 = arith.constant 0 : i32
      %dma_wait3A_1138 = tpu.memref_slice %arg11[%dma_wait3A_1131, %dma_wait3A_1137] : memref<4x128xi32, #tpu.memory_space<vmem>> -> memref<1x128xi32, #tpu.memory_space<vmem>>
      %dma_wait3A_1139 = tpu.memref_squeeze %dma_wait3A_1138 : memref<1x128xi32, #tpu.memory_space<vmem>> -> memref<128xi32, #tpu.memory_space<vmem>>
      %dma_wait3A_1140 = arith.constant 0 : i32
      %dma_wait3A_1141 = arith.constant 0 : i32
      %dma_wait3A_1142 = tpu.memref_slice %arg9[%dma_wait3A_1140, %dma_wait3A_1141] : memref<10240x128xf32, #tpu.memory_space<vmem_shared>> -> memref<10240x128xf32, #tpu.memory_space<vmem_shared>>
      %dma_wait3A_1143 = tpu.memref_slice %arg15[%dma_wait3A_1132] : memref<2x!tpu.dma_semaphore, #tpu.memory_space<semaphore_mem>> -> memref<1x!tpu.dma_semaphore, #tpu.memory_space<semaphore_mem>>
      %dma_wait3A_1144 = tpu.memref_squeeze %dma_wait3A_1143 : memref<1x!tpu.dma_semaphore, #tpu.memory_space<semaphore_mem>> -> memref<!tpu.dma_semaphore, #tpu.memory_space<semaphore_mem>>
      tpu.wait_indirect_dma semaphore(%dma_wait3A_1144 : memref<!tpu.dma_semaphore, #tpu.memory_space<semaphore_mem>>) src(%dma_wait3A_1136 : memref<128x128xf32, #tpu.memory_space<vmem>>) dst(%dma_wait3A_1142 : memref<10240x128xf32, #tpu.memory_space<vmem_shared>>)
      %mul3A_1145 = arith.constant 4 : i32
      %mul3A_1146 = arith.muli %mul3A_1145, %while3A_909 : i32
      %add3A_1147 = arith.constant 0 : i32
      %add3A_1148 = arith.addi %mul3A_1146, %add3A_1147 : i32
      %add3A_1149 = arith.constant 4 : i32
      %add3A_1150 = arith.addi %add3A_1148, %add3A_1149 : i32
      %dma_start3A_1151 = arith.constant 0 : i32
      %dma_start3A_1152 = arith.constant 0 : i32
      %dma_start3A_1153 = arith.constant 0 : i32
      %dma_start3A_1154 = tpu.memref_slice %arg10[%dma_start3A_1151, %dma_start3A_1153] : memref<4x128xi32, #tpu.memory_space<vmem>> -> memref<1x128xi32, #tpu.memory_space<vmem>>
      %dma_start3A_1155 = tpu.memref_squeeze %dma_start3A_1154 : memref<1x128xi32, #tpu.memory_space<vmem>> -> memref<128xi32, #tpu.memory_space<vmem>>
      %dma_start3A_1156 = arith.constant 0 : i32
      %dma_start3A_1157 = tpu.memref_slice %arg3[%add3A, %add3A_1150, %dma_start3A_1156] : memref<32x80x128xi32, #tpu.memory_space<hbm>> -> memref<1x1x128xi32, #tpu.memory_space<hbm>>
      %dma_start3A_1158 = tpu.memref_squeeze %dma_start3A_1157 : memref<1x1x128xi32, #tpu.memory_space<hbm>> -> memref<128xi32, #tpu.memory_space<hbm>>
      %dma_start3A_1159 = tpu.memref_slice %arg16[%dma_start3A_1152] : memref<4x!tpu.dma_semaphore, #tpu.memory_space<semaphore_mem>> -> memref<1x!tpu.dma_semaphore, #tpu.memory_space<semaphore_mem>>
      %dma_start3A_1160 = tpu.memref_squeeze %dma_start3A_1159 : memref<1x!tpu.dma_semaphore, #tpu.memory_space<semaphore_mem>> -> memref<!tpu.dma_semaphore, #tpu.memory_space<semaphore_mem>>
      %dma_start3A_1161 = arith.constant 0 : i32
      %dma_start3A_1162 = tpu.memref_slice %arg10[%dma_start3A_1151, %dma_start3A_1161] : memref<4x128xi32, #tpu.memory_space<vmem>> -> memref<1x128xi32, #tpu.memory_space<vmem>>
      %dma_start3A_1163 = tpu.memref_squeeze %dma_start3A_1162 : memref<1x128xi32, #tpu.memory_space<vmem>> -> memref<128xi32, #tpu.memory_space<vmem>>
      %dma_start3A_1164 = arith.constant 0 : i32
      %dma_start3A_1165 = tpu.memref_slice %arg3[%add3A, %add3A_1150, %dma_start3A_1164] : memref<32x80x128xi32, #tpu.memory_space<hbm>> -> memref<1x1x128xi32, #tpu.memory_space<hbm>>
      %dma_start3A_1166 = tpu.memref_squeeze %dma_start3A_1165 : memref<1x1x128xi32, #tpu.memory_space<hbm>> -> memref<128xi32, #tpu.memory_space<hbm>>
      tpu.enqueue_dma source(%dma_start3A_1166 : memref<128xi32, #tpu.memory_space<hbm>>) target(%dma_start3A_1163 : memref<128xi32, #tpu.memory_space<vmem>>) target_semaphore(%dma_start3A_1160 : memref<!tpu.dma_semaphore, #tpu.memory_space<semaphore_mem>>)
      %dma_start3A_1167 = arith.constant 0 : i32
      %dma_start3A_1168 = arith.constant 0 : i32
      %dma_start3A_1169 = arith.constant 0 : i32
      %dma_start3A_1170 = tpu.memref_slice %arg11[%dma_start3A_1167, %dma_start3A_1169] : memref<4x128xi32, #tpu.memory_space<vmem>> -> memref<1x128xi32, #tpu.memory_space<vmem>>
      %dma_start3A_1171 = tpu.memref_squeeze %dma_start3A_1170 : memref<1x128xi32, #tpu.memory_space<vmem>> -> memref<128xi32, #tpu.memory_space<vmem>>
      %dma_start3A_1172 = arith.constant 0 : i32
      %dma_start3A_1173 = tpu.memref_slice %arg4[%add3A, %add3A_1150, %dma_start3A_1172] : memref<32x80x128xi32, #tpu.memory_space<hbm>> -> memref<1x1x128xi32, #tpu.memory_space<hbm>>
      %dma_start3A_1174 = tpu.memref_squeeze %dma_start3A_1173 : memref<1x1x128xi32, #tpu.memory_space<hbm>> -> memref<128xi32, #tpu.memory_space<hbm>>
      %dma_start3A_1175 = tpu.memref_slice %arg17[%dma_start3A_1168] : memref<4x!tpu.dma_semaphore, #tpu.memory_space<semaphore_mem>> -> memref<1x!tpu.dma_semaphore, #tpu.memory_space<semaphore_mem>>
      %dma_start3A_1176 = tpu.memref_squeeze %dma_start3A_1175 : memref<1x!tpu.dma_semaphore, #tpu.memory_space<semaphore_mem>> -> memref<!tpu.dma_semaphore, #tpu.memory_space<semaphore_mem>>
      %dma_start3A_1177 = arith.constant 0 : i32
      %dma_start3A_1178 = tpu.memref_slice %arg11[%dma_start3A_1167, %dma_start3A_1177] : memref<4x128xi32, #tpu.memory_space<vmem>> -> memref<1x128xi32, #tpu.memory_space<vmem>>
      %dma_start3A_1179 = tpu.memref_squeeze %dma_start3A_1178 : memref<1x128xi32, #tpu.memory_space<vmem>> -> memref<128xi32, #tpu.memory_space<vmem>>
      %dma_start3A_1180 = arith.constant 0 : i32
      %dma_start3A_1181 = tpu.memref_slice %arg4[%add3A, %add3A_1150, %dma_start3A_1180] : memref<32x80x128xi32, #tpu.memory_space<hbm>> -> memref<1x1x128xi32, #tpu.memory_space<hbm>>
      %dma_start3A_1182 = tpu.memref_squeeze %dma_start3A_1181 : memref<1x1x128xi32, #tpu.memory_space<hbm>> -> memref<128xi32, #tpu.memory_space<hbm>>
      tpu.enqueue_dma source(%dma_start3A_1182 : memref<128xi32, #tpu.memory_space<hbm>>) target(%dma_start3A_1179 : memref<128xi32, #tpu.memory_space<vmem>>) target_semaphore(%dma_start3A_1176 : memref<!tpu.dma_semaphore, #tpu.memory_space<semaphore_mem>>)
      %dma_wait3A_1183 = arith.constant 0 : i32
      %dma_wait3A_1184 = arith.constant 2 : i32
      %dma_wait3A_1185 = arith.constant 2 : i32
      %dma_wait3A_1186 = arith.constant 0 : i32
      %dma_wait3A_1187 = tpu.memref_slice %arg10[%dma_wait3A_1184, %dma_wait3A_1186] : memref<4x128xi32, #tpu.memory_space<vmem>> -> memref<1x128xi32, #tpu.memory_space<vmem>>
      %dma_wait3A_1188 = tpu.memref_squeeze %dma_wait3A_1187 : memref<1x128xi32, #tpu.memory_space<vmem>> -> memref<128xi32, #tpu.memory_space<vmem>>
      %dma_wait3A_1189 = arith.constant 0 : i32
      %dma_wait3A_1190 = tpu.memref_slice %arg3[%add3A, %dma_wait3A_1183, %dma_wait3A_1189] : memref<32x80x128xi32, #tpu.memory_space<hbm>> -> memref<1x1x128xi32, #tpu.memory_space<hbm>>
      %dma_wait3A_1191 = tpu.memref_squeeze %dma_wait3A_1190 : memref<1x1x128xi32, #tpu.memory_space<hbm>> -> memref<128xi32, #tpu.memory_space<hbm>>
      %dma_wait3A_1192 = tpu.memref_slice %arg16[%dma_wait3A_1185] : memref<4x!tpu.dma_semaphore, #tpu.memory_space<semaphore_mem>> -> memref<1x!tpu.dma_semaphore, #tpu.memory_space<semaphore_mem>>
      %dma_wait3A_1193 = tpu.memref_squeeze %dma_wait3A_1192 : memref<1x!tpu.dma_semaphore, #tpu.memory_space<semaphore_mem>> -> memref<!tpu.dma_semaphore, #tpu.memory_space<semaphore_mem>>
      %dma_wait3A_1194 = arith.constant 0 : i32
      %dma_wait3A_1195 = tpu.memref_slice %arg10[%dma_wait3A_1184, %dma_wait3A_1194] : memref<4x128xi32, #tpu.memory_space<vmem>> -> memref<1x128xi32, #tpu.memory_space<vmem>>
      %dma_wait3A_1196 = tpu.memref_squeeze %dma_wait3A_1195 : memref<1x128xi32, #tpu.memory_space<vmem>> -> memref<128xi32, #tpu.memory_space<vmem>>
      %dma_wait3A_1197 = arith.constant 0 : i32
      %dma_wait3A_1198 = tpu.memref_slice %arg3[%add3A, %dma_wait3A_1183, %dma_wait3A_1197] : memref<32x80x128xi32, #tpu.memory_space<hbm>> -> memref<1x1x128xi32, #tpu.memory_space<hbm>>
      %dma_wait3A_1199 = tpu.memref_squeeze %dma_wait3A_1198 : memref<1x1x128xi32, #tpu.memory_space<hbm>> -> memref<128xi32, #tpu.memory_space<hbm>>
      tpu.wait_dma2 semaphore(%dma_wait3A_1193 : memref<!tpu.dma_semaphore, #tpu.memory_space<semaphore_mem>>) src(%dma_wait3A_1199 : memref<128xi32, #tpu.memory_space<hbm>>) dst(%dma_wait3A_1196 : memref<128xi32, #tpu.memory_space<vmem>>)
      %dma_wait3A_1200 = arith.constant 0 : i32
      %dma_wait3A_1201 = arith.constant 2 : i32
      %dma_wait3A_1202 = arith.constant 2 : i32
      %dma_wait3A_1203 = arith.constant 0 : i32
      %dma_wait3A_1204 = tpu.memref_slice %arg11[%dma_wait3A_1201, %dma_wait3A_1203] : memref<4x128xi32, #tpu.memory_space<vmem>> -> memref<1x128xi32, #tpu.memory_space<vmem>>
      %dma_wait3A_1205 = tpu.memref_squeeze %dma_wait3A_1204 : memref<1x128xi32, #tpu.memory_space<vmem>> -> memref<128xi32, #tpu.memory_space<vmem>>
      %dma_wait3A_1206 = arith.constant 0 : i32
      %dma_wait3A_1207 = tpu.memref_slice %arg4[%add3A, %dma_wait3A_1200, %dma_wait3A_1206] : memref<32x80x128xi32, #tpu.memory_space<hbm>> -> memref<1x1x128xi32, #tpu.memory_space<hbm>>
      %dma_wait3A_1208 = tpu.memref_squeeze %dma_wait3A_1207 : memref<1x1x128xi32, #tpu.memory_space<hbm>> -> memref<128xi32, #tpu.memory_space<hbm>>
      %dma_wait3A_1209 = tpu.memref_slice %arg17[%dma_wait3A_1202] : memref<4x!tpu.dma_semaphore, #tpu.memory_space<semaphore_mem>> -> memref<1x!tpu.dma_semaphore, #tpu.memory_space<semaphore_mem>>
      %dma_wait3A_1210 = tpu.memref_squeeze %dma_wait3A_1209 : memref<1x!tpu.dma_semaphore, #tpu.memory_space<semaphore_mem>> -> memref<!tpu.dma_semaphore, #tpu.memory_space<semaphore_mem>>
      %dma_wait3A_1211 = arith.constant 0 : i32
      %dma_wait3A_1212 = tpu.memref_slice %arg11[%dma_wait3A_1201, %dma_wait3A_1211] : memref<4x128xi32, #tpu.memory_space<vmem>> -> memref<1x128xi32, #tpu.memory_space<vmem>>
      %dma_wait3A_1213 = tpu.memref_squeeze %dma_wait3A_1212 : memref<1x128xi32, #tpu.memory_space<vmem>> -> memref<128xi32, #tpu.memory_space<vmem>>
      %dma_wait3A_1214 = arith.constant 0 : i32
      %dma_wait3A_1215 = tpu.memref_slice %arg4[%add3A, %dma_wait3A_1200, %dma_wait3A_1214] : memref<32x80x128xi32, #tpu.memory_space<hbm>> -> memref<1x1x128xi32, #tpu.memory_space<hbm>>
      %dma_wait3A_1216 = tpu.memref_squeeze %dma_wait3A_1215 : memref<1x1x128xi32, #tpu.memory_space<hbm>> -> memref<128xi32, #tpu.memory_space<hbm>>
      tpu.wait_dma2 semaphore(%dma_wait3A_1210 : memref<!tpu.dma_semaphore, #tpu.memory_space<semaphore_mem>>) src(%dma_wait3A_1216 : memref<128xi32, #tpu.memory_space<hbm>>) dst(%dma_wait3A_1213 : memref<128xi32, #tpu.memory_space<vmem>>)
      %dma_start3A_1217 = arith.constant 2 : i32
      %dma_start3A_1218 = arith.constant 0 : i32
      %dma_start3A_1219 = arith.constant 0 : i32
      %dma_start3A_1220 = arith.constant 0 : i32
      %dma_start3A_1221 = arith.constant 0 : i32
      %dma_start3A_1222 = tpu.memref_slice %arg12[%dma_start3A_1218, %dma_start3A_1220, %dma_start3A_1221] : memref<2x128x128xf32, #tpu.memory_space<vmem>> -> memref<1x128x128xf32, #tpu.memory_space<vmem>>
      %dma_start3A_1223 = tpu.memref_squeeze %dma_start3A_1222 : memref<1x128x128xf32, #tpu.memory_space<vmem>> -> memref<128x128xf32, #tpu.memory_space<vmem>>
      %dma_start3A_1224 = arith.constant 0 : i32
      %dma_start3A_1225 = tpu.memref_slice %arg10[%dma_start3A_1217, %dma_start3A_1224] : memref<4x128xi32, #tpu.memory_space<vmem>> -> memref<1x128xi32, #tpu.memory_space<vmem>>
      %dma_start3A_1226 = tpu.memref_squeeze %dma_start3A_1225 : memref<1x128xi32, #tpu.memory_space<vmem>> -> memref<128xi32, #tpu.memory_space<vmem>>
      %dma_start3A_1227 = arith.constant 0 : i32
      %dma_start3A_1228 = arith.constant 0 : i32
      %dma_start3A_1229 = tpu.memref_slice %arg2[%dma_start3A_1227, %dma_start3A_1228] : memref<10000x128xf32, #tpu.memory_space<hbm>> -> memref<10000x128xf32, #tpu.memory_space<hbm>>
      %dma_start3A_1230 = tpu.memref_slice %arg14[%dma_start3A_1219] : memref<2x!tpu.dma_semaphore, #tpu.memory_space<semaphore_mem>> -> memref<1x!tpu.dma_semaphore, #tpu.memory_space<semaphore_mem>>
      %dma_start3A_1231 = tpu.memref_squeeze %dma_start3A_1230 : memref<1x!tpu.dma_semaphore, #tpu.memory_space<semaphore_mem>> -> memref<!tpu.dma_semaphore, #tpu.memory_space<semaphore_mem>>
      tpu.enqueue_indirect_dma source(%dma_start3A_1229 : memref<10000x128xf32, #tpu.memory_space<hbm>>) target(%dma_start3A_1223 : memref<128x128xf32, #tpu.memory_space<vmem>>) offsets(%dma_start3A_1226 : memref<128xi32, #tpu.memory_space<vmem>>) semaphore(%dma_start3A_1231 : memref<!tpu.dma_semaphore, #tpu.memory_space<semaphore_mem>>)
      %dma_wait3A_1232 = arith.constant 1 : i32
      %dma_wait3A_1233 = arith.constant 0 : i32
      %dma_wait3A_1234 = arith.constant 1 : i32
      %dma_wait3A_1235 = arith.constant 0 : i32
      %dma_wait3A_1236 = arith.constant 0 : i32
      %dma_wait3A_1237 = tpu.memref_slice %arg12[%dma_wait3A_1232, %dma_wait3A_1235, %dma_wait3A_1236] : memref<2x128x128xf32, #tpu.memory_space<vmem>> -> memref<1x128x128xf32, #tpu.memory_space<vmem>>
      %dma_wait3A_1238 = tpu.memref_squeeze %dma_wait3A_1237 : memref<1x128x128xf32, #tpu.memory_space<vmem>> -> memref<128x128xf32, #tpu.memory_space<vmem>>
      %dma_wait3A_1239 = arith.constant 0 : i32
      %dma_wait3A_1240 = tpu.memref_slice %arg11[%dma_wait3A_1233, %dma_wait3A_1239] : memref<4x128xi32, #tpu.memory_space<vmem>> -> memref<1x128xi32, #tpu.memory_space<vmem>>
      %dma_wait3A_1241 = tpu.memref_squeeze %dma_wait3A_1240 : memref<1x128xi32, #tpu.memory_space<vmem>> -> memref<128xi32, #tpu.memory_space<vmem>>
      %dma_wait3A_1242 = arith.constant 0 : i32
      %dma_wait3A_1243 = arith.constant 0 : i32
      %dma_wait3A_1244 = tpu.memref_slice %arg9[%dma_wait3A_1242, %dma_wait3A_1243] : memref<10240x128xf32, #tpu.memory_space<vmem_shared>> -> memref<10240x128xf32, #tpu.memory_space<vmem_shared>>
      %dma_wait3A_1245 = tpu.memref_slice %arg15[%dma_wait3A_1234] : memref<2x!tpu.dma_semaphore, #tpu.memory_space<semaphore_mem>> -> memref<1x!tpu.dma_semaphore, #tpu.memory_space<semaphore_mem>>
      %dma_wait3A_1246 = tpu.memref_squeeze %dma_wait3A_1245 : memref<1x!tpu.dma_semaphore, #tpu.memory_space<semaphore_mem>> -> memref<!tpu.dma_semaphore, #tpu.memory_space<semaphore_mem>>
      tpu.wait_indirect_dma semaphore(%dma_wait3A_1246 : memref<!tpu.dma_semaphore, #tpu.memory_space<semaphore_mem>>) src(%dma_wait3A_1238 : memref<128x128xf32, #tpu.memory_space<vmem>>) dst(%dma_wait3A_1244 : memref<10240x128xf32, #tpu.memory_space<vmem_shared>>)
      %mul3A_1247 = arith.constant 4 : i32
      %mul3A_1248 = arith.muli %mul3A_1247, %while3A_909 : i32
      %add3A_1249 = arith.constant 1 : i32
      %add3A_1250 = arith.addi %mul3A_1248, %add3A_1249 : i32
      %add3A_1251 = arith.constant 4 : i32
      %add3A_1252 = arith.addi %add3A_1250, %add3A_1251 : i32
      %dma_start3A_1253 = arith.constant 1 : i32
      %dma_start3A_1254 = arith.constant 1 : i32
      %dma_start3A_1255 = arith.constant 0 : i32
      %dma_start3A_1256 = tpu.memref_slice %arg10[%dma_start3A_1253, %dma_start3A_1255] : memref<4x128xi32, #tpu.memory_space<vmem>> -> memref<1x128xi32, #tpu.memory_space<vmem>>
      %dma_start3A_1257 = tpu.memref_squeeze %dma_start3A_1256 : memref<1x128xi32, #tpu.memory_space<vmem>> -> memref<128xi32, #tpu.memory_space<vmem>>
      %dma_start3A_1258 = arith.constant 0 : i32
      %dma_start3A_1259 = tpu.memref_slice %arg3[%add3A, %add3A_1252, %dma_start3A_1258] : memref<32x80x128xi32, #tpu.memory_space<hbm>> -> memref<1x1x128xi32, #tpu.memory_space<hbm>>
      %dma_start3A_1260 = tpu.memref_squeeze %dma_start3A_1259 : memref<1x1x128xi32, #tpu.memory_space<hbm>> -> memref<128xi32, #tpu.memory_space<hbm>>
      %dma_start3A_1261 = tpu.memref_slice %arg16[%dma_start3A_1254] : memref<4x!tpu.dma_semaphore, #tpu.memory_space<semaphore_mem>> -> memref<1x!tpu.dma_semaphore, #tpu.memory_space<semaphore_mem>>
      %dma_start3A_1262 = tpu.memref_squeeze %dma_start3A_1261 : memref<1x!tpu.dma_semaphore, #tpu.memory_space<semaphore_mem>> -> memref<!tpu.dma_semaphore, #tpu.memory_space<semaphore_mem>>
      %dma_start3A_1263 = arith.constant 0 : i32
      %dma_start3A_1264 = tpu.memref_slice %arg10[%dma_start3A_1253, %dma_start3A_1263] : memref<4x128xi32, #tpu.memory_space<vmem>> -> memref<1x128xi32, #tpu.memory_space<vmem>>
      %dma_start3A_1265 = tpu.memref_squeeze %dma_start3A_1264 : memref<1x128xi32, #tpu.memory_space<vmem>> -> memref<128xi32, #tpu.memory_space<vmem>>
      %dma_start3A_1266 = arith.constant 0 : i32
      %dma_start3A_1267 = tpu.memref_slice %arg3[%add3A, %add3A_1252, %dma_start3A_1266] : memref<32x80x128xi32, #tpu.memory_space<hbm>> -> memref<1x1x128xi32, #tpu.memory_space<hbm>>
      %dma_start3A_1268 = tpu.memref_squeeze %dma_start3A_1267 : memref<1x1x128xi32, #tpu.memory_space<hbm>> -> memref<128xi32, #tpu.memory_space<hbm>>
      tpu.enqueue_dma source(%dma_start3A_1268 : memref<128xi32, #tpu.memory_space<hbm>>) target(%dma_start3A_1265 : memref<128xi32, #tpu.memory_space<vmem>>) target_semaphore(%dma_start3A_1262 : memref<!tpu.dma_semaphore, #tpu.memory_space<semaphore_mem>>)
      %dma_start3A_1269 = arith.constant 1 : i32
      %dma_start3A_1270 = arith.constant 1 : i32
      %dma_start3A_1271 = arith.constant 0 : i32
      %dma_start3A_1272 = tpu.memref_slice %arg11[%dma_start3A_1269, %dma_start3A_1271] : memref<4x128xi32, #tpu.memory_space<vmem>> -> memref<1x128xi32, #tpu.memory_space<vmem>>
      %dma_start3A_1273 = tpu.memref_squeeze %dma_start3A_1272 : memref<1x128xi32, #tpu.memory_space<vmem>> -> memref<128xi32, #tpu.memory_space<vmem>>
      %dma_start3A_1274 = arith.constant 0 : i32
      %dma_start3A_1275 = tpu.memref_slice %arg4[%add3A, %add3A_1252, %dma_start3A_1274] : memref<32x80x128xi32, #tpu.memory_space<hbm>> -> memref<1x1x128xi32, #tpu.memory_space<hbm>>
      %dma_start3A_1276 = tpu.memref_squeeze %dma_start3A_1275 : memref<1x1x128xi32, #tpu.memory_space<hbm>> -> memref<128xi32, #tpu.memory_space<hbm>>
      %dma_start3A_1277 = tpu.memref_slice %arg17[%dma_start3A_1270] : memref<4x!tpu.dma_semaphore, #tpu.memory_space<semaphore_mem>> -> memref<1x!tpu.dma_semaphore, #tpu.memory_space<semaphore_mem>>
      %dma_start3A_1278 = tpu.memref_squeeze %dma_start3A_1277 : memref<1x!tpu.dma_semaphore, #tpu.memory_space<semaphore_mem>> -> memref<!tpu.dma_semaphore, #tpu.memory_space<semaphore_mem>>
      %dma_start3A_1279 = arith.constant 0 : i32
      %dma_start3A_1280 = tpu.memref_slice %arg11[%dma_start3A_1269, %dma_start3A_1279] : memref<4x128xi32, #tpu.memory_space<vmem>> -> memref<1x128xi32, #tpu.memory_space<vmem>>
      %dma_start3A_1281 = tpu.memref_squeeze %dma_start3A_1280 : memref<1x128xi32, #tpu.memory_space<vmem>> -> memref<128xi32, #tpu.memory_space<vmem>>
      %dma_start3A_1282 = arith.constant 0 : i32
      %dma_start3A_1283 = tpu.memref_slice %arg4[%add3A, %add3A_1252, %dma_start3A_1282] : memref<32x80x128xi32, #tpu.memory_space<hbm>> -> memref<1x1x128xi32, #tpu.memory_space<hbm>>
      %dma_start3A_1284 = tpu.memref_squeeze %dma_start3A_1283 : memref<1x1x128xi32, #tpu.memory_space<hbm>> -> memref<128xi32, #tpu.memory_space<hbm>>
      tpu.enqueue_dma source(%dma_start3A_1284 : memref<128xi32, #tpu.memory_space<hbm>>) target(%dma_start3A_1281 : memref<128xi32, #tpu.memory_space<vmem>>) target_semaphore(%dma_start3A_1278 : memref<!tpu.dma_semaphore, #tpu.memory_space<semaphore_mem>>)
      %dma_wait3A_1285 = arith.constant 0 : i32
      %dma_wait3A_1286 = arith.constant 3 : i32
      %dma_wait3A_1287 = arith.constant 3 : i32
      %dma_wait3A_1288 = arith.constant 0 : i32
      %dma_wait3A_1289 = tpu.memref_slice %arg10[%dma_wait3A_1286, %dma_wait3A_1288] : memref<4x128xi32, #tpu.memory_space<vmem>> -> memref<1x128xi32, #tpu.memory_space<vmem>>
      %dma_wait3A_1290 = tpu.memref_squeeze %dma_wait3A_1289 : memref<1x128xi32, #tpu.memory_space<vmem>> -> memref<128xi32, #tpu.memory_space<vmem>>
      %dma_wait3A_1291 = arith.constant 0 : i32
      %dma_wait3A_1292 = tpu.memref_slice %arg3[%add3A, %dma_wait3A_1285, %dma_wait3A_1291] : memref<32x80x128xi32, #tpu.memory_space<hbm>> -> memref<1x1x128xi32, #tpu.memory_space<hbm>>
      %dma_wait3A_1293 = tpu.memref_squeeze %dma_wait3A_1292 : memref<1x1x128xi32, #tpu.memory_space<hbm>> -> memref<128xi32, #tpu.memory_space<hbm>>
      %dma_wait3A_1294 = tpu.memref_slice %arg16[%dma_wait3A_1287] : memref<4x!tpu.dma_semaphore, #tpu.memory_space<semaphore_mem>> -> memref<1x!tpu.dma_semaphore, #tpu.memory_space<semaphore_mem>>
      %dma_wait3A_1295 = tpu.memref_squeeze %dma_wait3A_1294 : memref<1x!tpu.dma_semaphore, #tpu.memory_space<semaphore_mem>> -> memref<!tpu.dma_semaphore, #tpu.memory_space<semaphore_mem>>
      %dma_wait3A_1296 = arith.constant 0 : i32
      %dma_wait3A_1297 = tpu.memref_slice %arg10[%dma_wait3A_1286, %dma_wait3A_1296] : memref<4x128xi32, #tpu.memory_space<vmem>> -> memref<1x128xi32, #tpu.memory_space<vmem>>
      %dma_wait3A_1298 = tpu.memref_squeeze %dma_wait3A_1297 : memref<1x128xi32, #tpu.memory_space<vmem>> -> memref<128xi32, #tpu.memory_space<vmem>>
      %dma_wait3A_1299 = arith.constant 0 : i32
      %dma_wait3A_1300 = tpu.memref_slice %arg3[%add3A, %dma_wait3A_1285, %dma_wait3A_1299] : memref<32x80x128xi32, #tpu.memory_space<hbm>> -> memref<1x1x128xi32, #tpu.memory_space<hbm>>
      %dma_wait3A_1301 = tpu.memref_squeeze %dma_wait3A_1300 : memref<1x1x128xi32, #tpu.memory_space<hbm>> -> memref<128xi32, #tpu.memory_space<hbm>>
      tpu.wait_dma2 semaphore(%dma_wait3A_1295 : memref<!tpu.dma_semaphore, #tpu.memory_space<semaphore_mem>>) src(%dma_wait3A_1301 : memref<128xi32, #tpu.memory_space<hbm>>) dst(%dma_wait3A_1298 : memref<128xi32, #tpu.memory_space<vmem>>)
      %dma_wait3A_1302 = arith.constant 0 : i32
      %dma_wait3A_1303 = arith.constant 3 : i32
      %dma_wait3A_1304 = arith.constant 3 : i32
      %dma_wait3A_1305 = arith.constant 0 : i32
      %dma_wait3A_1306 = tpu.memref_slice %arg11[%dma_wait3A_1303, %dma_wait3A_1305] : memref<4x128xi32, #tpu.memory_space<vmem>> -> memref<1x128xi32, #tpu.memory_space<vmem>>
      %dma_wait3A_1307 = tpu.memref_squeeze %dma_wait3A_1306 : memref<1x128xi32, #tpu.memory_space<vmem>> -> memref<128xi32, #tpu.memory_space<vmem>>
      %dma_wait3A_1308 = arith.constant 0 : i32
      %dma_wait3A_1309 = tpu.memref_slice %arg4[%add3A, %dma_wait3A_1302, %dma_wait3A_1308] : memref<32x80x128xi32, #tpu.memory_space<hbm>> -> memref<1x1x128xi32, #tpu.memory_space<hbm>>
      %dma_wait3A_1310 = tpu.memref_squeeze %dma_wait3A_1309 : memref<1x1x128xi32, #tpu.memory_space<hbm>> -> memref<128xi32, #tpu.memory_space<hbm>>
      %dma_wait3A_1311 = tpu.memref_slice %arg17[%dma_wait3A_1304] : memref<4x!tpu.dma_semaphore, #tpu.memory_space<semaphore_mem>> -> memref<1x!tpu.dma_semaphore, #tpu.memory_space<semaphore_mem>>
      %dma_wait3A_1312 = tpu.memref_squeeze %dma_wait3A_1311 : memref<1x!tpu.dma_semaphore, #tpu.memory_space<semaphore_mem>> -> memref<!tpu.dma_semaphore, #tpu.memory_space<semaphore_mem>>
      %dma_wait3A_1313 = arith.constant 0 : i32
      %dma_wait3A_1314 = tpu.memref_slice %arg11[%dma_wait3A_1303, %dma_wait3A_1313] : memref<4x128xi32, #tpu.memory_space<vmem>> -> memref<1x128xi32, #tpu.memory_space<vmem>>
      %dma_wait3A_1315 = tpu.memref_squeeze %dma_wait3A_1314 : memref<1x128xi32, #tpu.memory_space<vmem>> -> memref<128xi32, #tpu.memory_space<vmem>>
      %dma_wait3A_1316 = arith.constant 0 : i32
      %dma_wait3A_1317 = tpu.memref_slice %arg4[%add3A, %dma_wait3A_1302, %dma_wait3A_1316] : memref<32x80x128xi32, #tpu.memory_space<hbm>> -> memref<1x1x128xi32, #tpu.memory_space<hbm>>
      %dma_wait3A_1318 = tpu.memref_squeeze %dma_wait3A_1317 : memref<1x1x128xi32, #tpu.memory_space<hbm>> -> memref<128xi32, #tpu.memory_space<hbm>>
      tpu.wait_dma2 semaphore(%dma_wait3A_1312 : memref<!tpu.dma_semaphore, #tpu.memory_space<semaphore_mem>>) src(%dma_wait3A_1318 : memref<128xi32, #tpu.memory_space<hbm>>) dst(%dma_wait3A_1315 : memref<128xi32, #tpu.memory_space<vmem>>)
      %dma_start3A_1319 = arith.constant 3 : i32
      %dma_start3A_1320 = arith.constant 1 : i32
      %dma_start3A_1321 = arith.constant 1 : i32
      %dma_start3A_1322 = arith.constant 0 : i32
      %dma_start3A_1323 = arith.constant 0 : i32
      %dma_start3A_1324 = tpu.memref_slice %arg12[%dma_start3A_1320, %dma_start3A_1322, %dma_start3A_1323] : memref<2x128x128xf32, #tpu.memory_space<vmem>> -> memref<1x128x128xf32, #tpu.memory_space<vmem>>
      %dma_start3A_1325 = tpu.memref_squeeze %dma_start3A_1324 : memref<1x128x128xf32, #tpu.memory_space<vmem>> -> memref<128x128xf32, #tpu.memory_space<vmem>>
      %dma_start3A_1326 = arith.constant 0 : i32
      %dma_start3A_1327 = tpu.memref_slice %arg10[%dma_start3A_1319, %dma_start3A_1326] : memref<4x128xi32, #tpu.memory_space<vmem>> -> memref<1x128xi32, #tpu.memory_space<vmem>>
      %dma_start3A_1328 = tpu.memref_squeeze %dma_start3A_1327 : memref<1x128xi32, #tpu.memory_space<vmem>> -> memref<128xi32, #tpu.memory_space<vmem>>
      %dma_start3A_1329 = arith.constant 0 : i32
      %dma_start3A_1330 = arith.constant 0 : i32
      %dma_start3A_1331 = tpu.memref_slice %arg2[%dma_start3A_1329, %dma_start3A_1330] : memref<10000x128xf32, #tpu.memory_space<hbm>> -> memref<10000x128xf32, #tpu.memory_space<hbm>>
      %dma_start3A_1332 = tpu.memref_slice %arg14[%dma_start3A_1321] : memref<2x!tpu.dma_semaphore, #tpu.memory_space<semaphore_mem>> -> memref<1x!tpu.dma_semaphore, #tpu.memory_space<semaphore_mem>>
      %dma_start3A_1333 = tpu.memref_squeeze %dma_start3A_1332 : memref<1x!tpu.dma_semaphore, #tpu.memory_space<semaphore_mem>> -> memref<!tpu.dma_semaphore, #tpu.memory_space<semaphore_mem>>
      tpu.enqueue_indirect_dma source(%dma_start3A_1331 : memref<10000x128xf32, #tpu.memory_space<hbm>>) target(%dma_start3A_1325 : memref<128x128xf32, #tpu.memory_space<vmem>>) offsets(%dma_start3A_1328 : memref<128xi32, #tpu.memory_space<vmem>>) semaphore(%dma_start3A_1333 : memref<!tpu.dma_semaphore, #tpu.memory_space<semaphore_mem>>)
      %dma_wait3A_1334 = arith.constant 0 : i32
      %dma_wait3A_1335 = arith.constant 0 : i32
      %dma_wait3A_1336 = arith.constant 0 : i32
      %dma_wait3A_1337 = arith.constant 0 : i32
      %dma_wait3A_1338 = arith.constant 0 : i32
      %dma_wait3A_1339 = tpu.memref_slice %arg12[%dma_wait3A_1335, %dma_wait3A_1337, %dma_wait3A_1338] : memref<2x128x128xf32, #tpu.memory_space<vmem>> -> memref<1x128x128xf32, #tpu.memory_space<vmem>>
      %dma_wait3A_1340 = tpu.memref_squeeze %dma_wait3A_1339 : memref<1x128x128xf32, #tpu.memory_space<vmem>> -> memref<128x128xf32, #tpu.memory_space<vmem>>
      %dma_wait3A_1341 = arith.constant 0 : i32
      %dma_wait3A_1342 = tpu.memref_slice %arg10[%dma_wait3A_1334, %dma_wait3A_1341] : memref<4x128xi32, #tpu.memory_space<vmem>> -> memref<1x128xi32, #tpu.memory_space<vmem>>
      %dma_wait3A_1343 = tpu.memref_squeeze %dma_wait3A_1342 : memref<1x128xi32, #tpu.memory_space<vmem>> -> memref<128xi32, #tpu.memory_space<vmem>>
      %dma_wait3A_1344 = arith.constant 0 : i32
      %dma_wait3A_1345 = arith.constant 0 : i32
      %dma_wait3A_1346 = tpu.memref_slice %arg2[%dma_wait3A_1344, %dma_wait3A_1345] : memref<10000x128xf32, #tpu.memory_space<hbm>> -> memref<10000x128xf32, #tpu.memory_space<hbm>>
      %dma_wait3A_1347 = tpu.memref_slice %arg14[%dma_wait3A_1336] : memref<2x!tpu.dma_semaphore, #tpu.memory_space<semaphore_mem>> -> memref<1x!tpu.dma_semaphore, #tpu.memory_space<semaphore_mem>>
      %dma_wait3A_1348 = tpu.memref_squeeze %dma_wait3A_1347 : memref<1x!tpu.dma_semaphore, #tpu.memory_space<semaphore_mem>> -> memref<!tpu.dma_semaphore, #tpu.memory_space<semaphore_mem>>
      tpu.wait_indirect_dma semaphore(%dma_wait3A_1348 : memref<!tpu.dma_semaphore, #tpu.memory_space<semaphore_mem>>) src(%dma_wait3A_1346 : memref<10000x128xf32, #tpu.memory_space<hbm>>) dst(%dma_wait3A_1340 : memref<128x128xf32, #tpu.memory_space<vmem>>)
      %dma_start3A_1349 = arith.constant 0 : i32
      %dma_start3A_1350 = arith.constant 2 : i32
      %dma_start3A_1351 = arith.constant 0 : i32
      %dma_start3A_1352 = arith.constant 0 : i32
      %dma_start3A_1353 = arith.constant 0 : i32
      %dma_start3A_1354 = tpu.memref_slice %arg12[%dma_start3A_1349, %dma_start3A_1352, %dma_start3A_1353] : memref<2x128x128xf32, #tpu.memory_space<vmem>> -> memref<1x128x128xf32, #tpu.memory_space<vmem>>
      %dma_start3A_1355 = tpu.memref_squeeze %dma_start3A_1354 : memref<1x128x128xf32, #tpu.memory_space<vmem>> -> memref<128x128xf32, #tpu.memory_space<vmem>>
      %dma_start3A_1356 = arith.constant 0 : i32
      %dma_start3A_1357 = tpu.memref_slice %arg11[%dma_start3A_1350, %dma_start3A_1356] : memref<4x128xi32, #tpu.memory_space<vmem>> -> memref<1x128xi32, #tpu.memory_space<vmem>>
      %dma_start3A_1358 = tpu.memref_squeeze %dma_start3A_1357 : memref<1x128xi32, #tpu.memory_space<vmem>> -> memref<128xi32, #tpu.memory_space<vmem>>
      %dma_start3A_1359 = arith.constant 0 : i32
      %dma_start3A_1360 = arith.constant 0 : i32
      %dma_start3A_1361 = tpu.memref_slice %arg9[%dma_start3A_1359, %dma_start3A_1360] : memref<10240x128xf32, #tpu.memory_space<vmem_shared>> -> memref<10240x128xf32, #tpu.memory_space<vmem_shared>>
      %dma_start3A_1362 = tpu.memref_slice %arg15[%dma_start3A_1351] : memref<2x!tpu.dma_semaphore, #tpu.memory_space<semaphore_mem>> -> memref<1x!tpu.dma_semaphore, #tpu.memory_space<semaphore_mem>>
      %dma_start3A_1363 = tpu.memref_squeeze %dma_start3A_1362 : memref<1x!tpu.dma_semaphore, #tpu.memory_space<semaphore_mem>> -> memref<!tpu.dma_semaphore, #tpu.memory_space<semaphore_mem>>
      tpu.enqueue_indirect_dma source(%dma_start3A_1355 : memref<128x128xf32, #tpu.memory_space<vmem>>) target(%dma_start3A_1361 : memref<10240x128xf32, #tpu.memory_space<vmem_shared>>) offsets(%dma_start3A_1358 : memref<128xi32, #tpu.memory_space<vmem>>) semaphore(%dma_start3A_1363 : memref<!tpu.dma_semaphore, #tpu.memory_space<semaphore_mem>>) {add = true}
      %get3A_1364 = arith.constant 2 : i32
      %get3A_1365 = arith.index_cast %get3A_1364 : i32 to index
      %get3A_1366 = arith.constant 0 : index
      %get3A_1367 = tpu.vector_load %arg11[%get3A_1365, %get3A_1366] {strides = array<i32>} : memref<4x128xi32, #tpu.memory_space<vmem>>, vector<16xi32>,
      %shift_right_logical3A_1368 = arith.constant 7 : i32
      %shift_right_logical3A_1369 = vector.broadcast %shift_right_logical3A_1368 : i32 to vector<16xi32>
      %shift_right_logical3A_1370 = arith.shrui %get3A_1367, %shift_right_logical3A_1369 : vector<16xi32>
      %and3A_1371 = arith.constant 127 : i32
      %and3A_1372 = vector.broadcast %and3A_1371 : i32 to vector<16xi32>
      %and3A_1373 = arith.andi %get3A_1367, %and3A_1372 : vector<16xi32>
      tpu.vector_store_idx %arg13[%shift_right_logical3A_1370, %and3A_1373], %broadcast_in_dim3A_20 {add = true} : memref<80x128xf32, #tpu.memory_space<vmem>>[vector<16xi32>, vector<16xi32>], vector<16xf32>,
      %get3A_1374 = arith.constant 2 : i32
      %get3A_1375 = arith.index_cast %get3A_1374 : i32 to index
      %get3A_1376 = arith.constant 16 : index
      %get3A_1377 = tpu.vector_load %arg11[%get3A_1375, %get3A_1376] {strides = array<i32>} : memref<4x128xi32, #tpu.memory_space<vmem>>, vector<16xi32>,
      %shift_right_logical3A_1378 = arith.constant 7 : i32
      %shift_right_logical3A_1379 = vector.broadcast %shift_right_logical3A_1378 : i32 to vector<16xi32>
      %shift_right_logical3A_1380 = arith.shrui %get3A_1377, %shift_right_logical3A_1379 : vector<16xi32>
      %and3A_1381 = arith.constant 127 : i32
      %and3A_1382 = vector.broadcast %and3A_1381 : i32 to vector<16xi32>
      %and3A_1383 = arith.andi %get3A_1377, %and3A_1382 : vector<16xi32>
      tpu.vector_store_idx %arg13[%shift_right_logical3A_1380, %and3A_1383], %broadcast_in_dim3A_20 {add = true} : memref<80x128xf32, #tpu.memory_space<vmem>>[vector<16xi32>, vector<16xi32>], vector<16xf32>,
      %get3A_1384 = arith.constant 2 : i32
      %get3A_1385 = arith.index_cast %get3A_1384 : i32 to index
      %get3A_1386 = arith.constant 32 : index
      %get3A_1387 = tpu.vector_load %arg11[%get3A_1385, %get3A_1386] {strides = array<i32>} : memref<4x128xi32, #tpu.memory_space<vmem>>, vector<16xi32>,
      %shift_right_logical3A_1388 = arith.constant 7 : i32
      %shift_right_logical3A_1389 = vector.broadcast %shift_right_logical3A_1388 : i32 to vector<16xi32>
      %shift_right_logical3A_1390 = arith.shrui %get3A_1387, %shift_right_logical3A_1389 : vector<16xi32>
      %and3A_1391 = arith.constant 127 : i32
      %and3A_1392 = vector.broadcast %and3A_1391 : i32 to vector<16xi32>
      %and3A_1393 = arith.andi %get3A_1387, %and3A_1392 : vector<16xi32>
      tpu.vector_store_idx %arg13[%shift_right_logical3A_1390, %and3A_1393], %broadcast_in_dim3A_20 {add = true} : memref<80x128xf32, #tpu.memory_space<vmem>>[vector<16xi32>, vector<16xi32>], vector<16xf32>,
      %get3A_1394 = arith.constant 2 : i32
      %get3A_1395 = arith.index_cast %get3A_1394 : i32 to index
      %get3A_1396 = arith.constant 48 : index
      %get3A_1397 = tpu.vector_load %arg11[%get3A_1395, %get3A_1396] {strides = array<i32>} : memref<4x128xi32, #tpu.memory_space<vmem>>, vector<16xi32>,
      %shift_right_logical3A_1398 = arith.constant 7 : i32
      %shift_right_logical3A_1399 = vector.broadcast %shift_right_logical3A_1398 : i32 to vector<16xi32>
      %shift_right_logical3A_1400 = arith.shrui %get3A_1397, %shift_right_logical3A_1399 : vector<16xi32>
      %and3A_1401 = arith.constant 127 : i32
      %and3A_1402 = vector.broadcast %and3A_1401 : i32 to vector<16xi32>
      %and3A_1403 = arith.andi %get3A_1397, %and3A_1402 : vector<16xi32>
      tpu.vector_store_idx %arg13[%shift_right_logical3A_1400, %and3A_1403], %broadcast_in_dim3A_20 {add = true} : memref<80x128xf32, #tpu.memory_space<vmem>>[vector<16xi32>, vector<16xi32>], vector<16xf32>,
      %get3A_1404 = arith.constant 2 : i32
      %get3A_1405 = arith.index_cast %get3A_1404 : i32 to index
      %get3A_1406 = arith.constant 64 : index
      %get3A_1407 = tpu.vector_load %arg11[%get3A_1405, %get3A_1406] {strides = array<i32>} : memref<4x128xi32, #tpu.memory_space<vmem>>, vector<16xi32>,
      %shift_right_logical3A_1408 = arith.constant 7 : i32
      %shift_right_logical3A_1409 = vector.broadcast %shift_right_logical3A_1408 : i32 to vector<16xi32>
      %shift_right_logical3A_1410 = arith.shrui %get3A_1407, %shift_right_logical3A_1409 : vector<16xi32>
      %and3A_1411 = arith.constant 127 : i32
      %and3A_1412 = vector.broadcast %and3A_1411 : i32 to vector<16xi32>
      %and3A_1413 = arith.andi %get3A_1407, %and3A_1412 : vector<16xi32>
      tpu.vector_store_idx %arg13[%shift_right_logical3A_1410, %and3A_1413], %broadcast_in_dim3A_20 {add = true} : memref<80x128xf32, #tpu.memory_space<vmem>>[vector<16xi32>, vector<16xi32>], vector<16xf32>,
      %get3A_1414 = arith.constant 2 : i32
      %get3A_1415 = arith.index_cast %get3A_1414 : i32 to index
      %get3A_1416 = arith.constant 80 : index
      %get3A_1417 = tpu.vector_load %arg11[%get3A_1415, %get3A_1416] {strides = array<i32>} : memref<4x128xi32, #tpu.memory_space<vmem>>, vector<16xi32>,
      %shift_right_logical3A_1418 = arith.constant 7 : i32
      %shift_right_logical3A_1419 = vector.broadcast %shift_right_logical3A_1418 : i32 to vector<16xi32>
      %shift_right_logical3A_1420 = arith.shrui %get3A_1417, %shift_right_logical3A_1419 : vector<16xi32>
      %and3A_1421 = arith.constant 127 : i32
      %and3A_1422 = vector.broadcast %and3A_1421 : i32 to vector<16xi32>
      %and3A_1423 = arith.andi %get3A_1417, %and3A_1422 : vector<16xi32>
      tpu.vector_store_idx %arg13[%shift_right_logical3A_1420, %and3A_1423], %broadcast_in_dim3A_20 {add = true} : memref<80x128xf32, #tpu.memory_space<vmem>>[vector<16xi32>, vector<16xi32>], vector<16xf32>,
      %get3A_1424 = arith.constant 2 : i32
      %get3A_1425 = arith.index_cast %get3A_1424 : i32 to index
      %get3A_1426 = arith.constant 96 : index
      %get3A_1427 = tpu.vector_load %arg11[%get3A_1425, %get3A_1426] {strides = array<i32>} : memref<4x128xi32, #tpu.memory_space<vmem>>, vector<16xi32>,
      %shift_right_logical3A_1428 = arith.constant 7 : i32
      %shift_right_logical3A_1429 = vector.broadcast %shift_right_logical3A_1428 : i32 to vector<16xi32>
      %shift_right_logical3A_1430 = arith.shrui %get3A_1427, %shift_right_logical3A_1429 : vector<16xi32>
      %and3A_1431 = arith.constant 127 : i32
      %and3A_1432 = vector.broadcast %and3A_1431 : i32 to vector<16xi32>
      %and3A_1433 = arith.andi %get3A_1427, %and3A_1432 : vector<16xi32>
      tpu.vector_store_idx %arg13[%shift_right_logical3A_1430, %and3A_1433], %broadcast_in_dim3A_20 {add = true} : memref<80x128xf32, #tpu.memory_space<vmem>>[vector<16xi32>, vector<16xi32>], vector<16xf32>,
      %get3A_1434 = arith.constant 2 : i32
      %get3A_1435 = arith.index_cast %get3A_1434 : i32 to index
      %get3A_1436 = arith.constant 112 : index
      %get3A_1437 = tpu.vector_load %arg11[%get3A_1435, %get3A_1436] {strides = array<i32>} : memref<4x128xi32, #tpu.memory_space<vmem>>, vector<16xi32>,
      %shift_right_logical3A_1438 = arith.constant 7 : i32
      %shift_right_logical3A_1439 = vector.broadcast %shift_right_logical3A_1438 : i32 to vector<16xi32>
      %shift_right_logical3A_1440 = arith.shrui %get3A_1437, %shift_right_logical3A_1439 : vector<16xi32>
      %and3A_1441 = arith.constant 127 : i32
      %and3A_1442 = vector.broadcast %and3A_1441 : i32 to vector<16xi32>
      %and3A_1443 = arith.andi %get3A_1437, %and3A_1442 : vector<16xi32>
      tpu.vector_store_idx %arg13[%shift_right_logical3A_1440, %and3A_1443], %broadcast_in_dim3A_20 {add = true} : memref<80x128xf32, #tpu.memory_space<vmem>>[vector<16xi32>, vector<16xi32>], vector<16xf32>,
      %dma_wait3A_1444 = arith.constant 0 : i32
      %dma_wait3A_1445 = arith.constant 1 : i32
      %dma_wait3A_1446 = arith.constant 1 : i32
      %dma_wait3A_1447 = arith.constant 0 : i32
      %dma_wait3A_1448 = arith.constant 0 : i32
      %dma_wait3A_1449 = tpu.memref_slice %arg12[%dma_wait3A_1445, %dma_wait3A_1447, %dma_wait3A_1448] : memref<2x128x128xf32, #tpu.memory_space<vmem>> -> memref<1x128x128xf32, #tpu.memory_space<vmem>>
      %dma_wait3A_1450 = tpu.memref_squeeze %dma_wait3A_1449 : memref<1x128x128xf32, #tpu.memory_space<vmem>> -> memref<128x128xf32, #tpu.memory_space<vmem>>
      %dma_wait3A_1451 = arith.constant 0 : i32
      %dma_wait3A_1452 = tpu.memref_slice %arg10[%dma_wait3A_1444, %dma_wait3A_1451] : memref<4x128xi32, #tpu.memory_space<vmem>> -> memref<1x128xi32, #tpu.memory_space<vmem>>
      %dma_wait3A_1453 = tpu.memref_squeeze %dma_wait3A_1452 : memref<1x128xi32, #tpu.memory_space<vmem>> -> memref<128xi32, #tpu.memory_space<vmem>>
      %dma_wait3A_1454 = arith.constant 0 : i32
      %dma_wait3A_1455 = arith.constant 0 : i32
      %dma_wait3A_1456 = tpu.memref_slice %arg2[%dma_wait3A_1454, %dma_wait3A_1455] : memref<10000x128xf32, #tpu.memory_space<hbm>> -> memref<10000x128xf32, #tpu.memory_space<hbm>>
      %dma_wait3A_1457 = tpu.memref_slice %arg14[%dma_wait3A_1446] : memref<2x!tpu.dma_semaphore, #tpu.memory_space<semaphore_mem>> -> memref<1x!tpu.dma_semaphore, #tpu.memory_space<semaphore_mem>>
      %dma_wait3A_1458 = tpu.memref_squeeze %dma_wait3A_1457 : memref<1x!tpu.dma_semaphore, #tpu.memory_space<semaphore_mem>> -> memref<!tpu.dma_semaphore, #tpu.memory_space<semaphore_mem>>
      tpu.wait_indirect_dma semaphore(%dma_wait3A_1458 : memref<!tpu.dma_semaphore, #tpu.memory_space<semaphore_mem>>) src(%dma_wait3A_1456 : memref<10000x128xf32, #tpu.memory_space<hbm>>) dst(%dma_wait3A_1450 : memref<128x128xf32, #tpu.memory_space<vmem>>)
      %dma_start3A_1459 = arith.constant 1 : i32
      %dma_start3A_1460 = arith.constant 3 : i32
      %dma_start3A_1461 = arith.constant 1 : i32
      %dma_start3A_1462 = arith.constant 0 : i32
      %dma_start3A_1463 = arith.constant 0 : i32
      %dma_start3A_1464 = tpu.memref_slice %arg12[%dma_start3A_1459, %dma_start3A_1462, %dma_start3A_1463] : memref<2x128x128xf32, #tpu.memory_space<vmem>> -> memref<1x128x128xf32, #tpu.memory_space<vmem>>
      %dma_start3A_1465 = tpu.memref_squeeze %dma_start3A_1464 : memref<1x128x128xf32, #tpu.memory_space<vmem>> -> memref<128x128xf32, #tpu.memory_space<vmem>>
      %dma_start3A_1466 = arith.constant 0 : i32
      %dma_start3A_1467 = tpu.memref_slice %arg11[%dma_start3A_1460, %dma_start3A_1466] : memref<4x128xi32, #tpu.memory_space<vmem>> -> memref<1x128xi32, #tpu.memory_space<vmem>>
      %dma_start3A_1468 = tpu.memref_squeeze %dma_start3A_1467 : memref<1x128xi32, #tpu.memory_space<vmem>> -> memref<128xi32, #tpu.memory_space<vmem>>
      %dma_start3A_1469 = arith.constant 0 : i32
      %dma_start3A_1470 = arith.constant 0 : i32
      %dma_start3A_1471 = tpu.memref_slice %arg9[%dma_start3A_1469, %dma_start3A_1470] : memref<10240x128xf32, #tpu.memory_space<vmem_shared>> -> memref<10240x128xf32, #tpu.memory_space<vmem_shared>>
      %dma_start3A_1472 = tpu.memref_slice %arg15[%dma_start3A_1461] : memref<2x!tpu.dma_semaphore, #tpu.memory_space<semaphore_mem>> -> memref<1x!tpu.dma_semaphore, #tpu.memory_space<semaphore_mem>>
      %dma_start3A_1473 = tpu.memref_squeeze %dma_start3A_1472 : memref<1x!tpu.dma_semaphore, #tpu.memory_space<semaphore_mem>> -> memref<!tpu.dma_semaphore, #tpu.memory_space<semaphore_mem>>
      tpu.enqueue_indirect_dma source(%dma_start3A_1465 : memref<128x128xf32, #tpu.memory_space<vmem>>) target(%dma_start3A_1471 : memref<10240x128xf32, #tpu.memory_space<vmem_shared>>) offsets(%dma_start3A_1468 : memref<128xi32, #tpu.memory_space<vmem>>) semaphore(%dma_start3A_1473 : memref<!tpu.dma_semaphore, #tpu.memory_space<semaphore_mem>>) {add = true}
      %get3A_1474 = arith.constant 3 : i32
      %get3A_1475 = arith.index_cast %get3A_1474 : i32 to index
      %get3A_1476 = arith.constant 0 : index
      %get3A_1477 = tpu.vector_load %arg11[%get3A_1475, %get3A_1476] {strides = array<i32>} : memref<4x128xi32, #tpu.memory_space<vmem>>, vector<16xi32>,
      %shift_right_logical3A_1478 = arith.constant 7 : i32
      %shift_right_logical3A_1479 = vector.broadcast %shift_right_logical3A_1478 : i32 to vector<16xi32>
      %shift_right_logical3A_1480 = arith.shrui %get3A_1477, %shift_right_logical3A_1479 : vector<16xi32>
      %and3A_1481 = arith.constant 127 : i32
      %and3A_1482 = vector.broadcast %and3A_1481 : i32 to vector<16xi32>
      %and3A_1483 = arith.andi %get3A_1477, %and3A_1482 : vector<16xi32>
      tpu.vector_store_idx %arg13[%shift_right_logical3A_1480, %and3A_1483], %broadcast_in_dim3A_20 {add = true} : memref<80x128xf32, #tpu.memory_space<vmem>>[vector<16xi32>, vector<16xi32>], vector<16xf32>,
      %get3A_1484 = arith.constant 3 : i32
      %get3A_1485 = arith.index_cast %get3A_1484 : i32 to index
      %get3A_1486 = arith.constant 16 : index
      %get3A_1487 = tpu.vector_load %arg11[%get3A_1485, %get3A_1486] {strides = array<i32>} : memref<4x128xi32, #tpu.memory_space<vmem>>, vector<16xi32>,
      %shift_right_logical3A_1488 = arith.constant 7 : i32
      %shift_right_logical3A_1489 = vector.broadcast %shift_right_logical3A_1488 : i32 to vector<16xi32>
      %shift_right_logical3A_1490 = arith.shrui %get3A_1487, %shift_right_logical3A_1489 : vector<16xi32>
      %and3A_1491 = arith.constant 127 : i32
      %and3A_1492 = vector.broadcast %and3A_1491 : i32 to vector<16xi32>
      %and3A_1493 = arith.andi %get3A_1487, %and3A_1492 : vector<16xi32>
      tpu.vector_store_idx %arg13[%shift_right_logical3A_1490, %and3A_1493], %broadcast_in_dim3A_20 {add = true} : memref<80x128xf32, #tpu.memory_space<vmem>>[vector<16xi32>, vector<16xi32>], vector<16xf32>,
      %get3A_1494 = arith.constant 3 : i32
      %get3A_1495 = arith.index_cast %get3A_1494 : i32 to index
      %get3A_1496 = arith.constant 32 : index
      %get3A_1497 = tpu.vector_load %arg11[%get3A_1495, %get3A_1496] {strides = array<i32>} : memref<4x128xi32, #tpu.memory_space<vmem>>, vector<16xi32>,
      %shift_right_logical3A_1498 = arith.constant 7 : i32
      %shift_right_logical3A_1499 = vector.broadcast %shift_right_logical3A_1498 : i32 to vector<16xi32>
      %shift_right_logical3A_1500 = arith.shrui %get3A_1497, %shift_right_logical3A_1499 : vector<16xi32>
      %and3A_1501 = arith.constant 127 : i32
      %and3A_1502 = vector.broadcast %and3A_1501 : i32 to vector<16xi32>
      %and3A_1503 = arith.andi %get3A_1497, %and3A_1502 : vector<16xi32>
      tpu.vector_store_idx %arg13[%shift_right_logical3A_1500, %and3A_1503], %broadcast_in_dim3A_20 {add = true} : memref<80x128xf32, #tpu.memory_space<vmem>>[vector<16xi32>, vector<16xi32>], vector<16xf32>,
      %get3A_1504 = arith.constant 3 : i32
      %get3A_1505 = arith.index_cast %get3A_1504 : i32 to index
      %get3A_1506 = arith.constant 48 : index
      %get3A_1507 = tpu.vector_load %arg11[%get3A_1505, %get3A_1506] {strides = array<i32>} : memref<4x128xi32, #tpu.memory_space<vmem>>, vector<16xi32>,
      %shift_right_logical3A_1508 = arith.constant 7 : i32
      %shift_right_logical3A_1509 = vector.broadcast %shift_right_logical3A_1508 : i32 to vector<16xi32>
      %shift_right_logical3A_1510 = arith.shrui %get3A_1507, %shift_right_logical3A_1509 : vector<16xi32>
      %and3A_1511 = arith.constant 127 : i32
      %and3A_1512 = vector.broadcast %and3A_1511 : i32 to vector<16xi32>
      %and3A_1513 = arith.andi %get3A_1507, %and3A_1512 : vector<16xi32>
      tpu.vector_store_idx %arg13[%shift_right_logical3A_1510, %and3A_1513], %broadcast_in_dim3A_20 {add = true} : memref<80x128xf32, #tpu.memory_space<vmem>>[vector<16xi32>, vector<16xi32>], vector<16xf32>,
      %get3A_1514 = arith.constant 3 : i32
      %get3A_1515 = arith.index_cast %get3A_1514 : i32 to index
      %get3A_1516 = arith.constant 64 : index
      %get3A_1517 = tpu.vector_load %arg11[%get3A_1515, %get3A_1516] {strides = array<i32>} : memref<4x128xi32, #tpu.memory_space<vmem>>, vector<16xi32>,
      %shift_right_logical3A_1518 = arith.constant 7 : i32
      %shift_right_logical3A_1519 = vector.broadcast %shift_right_logical3A_1518 : i32 to vector<16xi32>
      %shift_right_logical3A_1520 = arith.shrui %get3A_1517, %shift_right_logical3A_1519 : vector<16xi32>
      %and3A_1521 = arith.constant 127 : i32
      %and3A_1522 = vector.broadcast %and3A_1521 : i32 to vector<16xi32>
      %and3A_1523 = arith.andi %get3A_1517, %and3A_1522 : vector<16xi32>
      tpu.vector_store_idx %arg13[%shift_right_logical3A_1520, %and3A_1523], %broadcast_in_dim3A_20 {add = true} : memref<80x128xf32, #tpu.memory_space<vmem>>[vector<16xi32>, vector<16xi32>], vector<16xf32>,
      %get3A_1524 = arith.constant 3 : i32
      %get3A_1525 = arith.index_cast %get3A_1524 : i32 to index
      %get3A_1526 = arith.constant 80 : index
      %get3A_1527 = tpu.vector_load %arg11[%get3A_1525, %get3A_1526] {strides = array<i32>} : memref<4x128xi32, #tpu.memory_space<vmem>>, vector<16xi32>,
      %shift_right_logical3A_1528 = arith.constant 7 : i32
      %shift_right_logical3A_1529 = vector.broadcast %shift_right_logical3A_1528 : i32 to vector<16xi32>
      %shift_right_logical3A_1530 = arith.shrui %get3A_1527, %shift_right_logical3A_1529 : vector<16xi32>
      %and3A_1531 = arith.constant 127 : i32
      %and3A_1532 = vector.broadcast %and3A_1531 : i32 to vector<16xi32>
      %and3A_1533 = arith.andi %get3A_1527, %and3A_1532 : vector<16xi32>
      tpu.vector_store_idx %arg13[%shift_right_logical3A_1530, %and3A_1533], %broadcast_in_dim3A_20 {add = true} : memref<80x128xf32, #tpu.memory_space<vmem>>[vector<16xi32>, vector<16xi32>], vector<16xf32>,
      %get3A_1534 = arith.constant 3 : i32
      %get3A_1535 = arith.index_cast %get3A_1534 : i32 to index
      %get3A_1536 = arith.constant 96 : index
      %get3A_1537 = tpu.vector_load %arg11[%get3A_1535, %get3A_1536] {strides = array<i32>} : memref<4x128xi32, #tpu.memory_space<vmem>>, vector<16xi32>,
      %shift_right_logical3A_1538 = arith.constant 7 : i32
      %shift_right_logical3A_1539 = vector.broadcast %shift_right_logical3A_1538 : i32 to vector<16xi32>
      %shift_right_logical3A_1540 = arith.shrui %get3A_1537, %shift_right_logical3A_1539 : vector<16xi32>
      %and3A_1541 = arith.constant 127 : i32
      %and3A_1542 = vector.broadcast %and3A_1541 : i32 to vector<16xi32>
      %and3A_1543 = arith.andi %get3A_1537, %and3A_1542 : vector<16xi32>
      tpu.vector_store_idx %arg13[%shift_right_logical3A_1540, %and3A_1543], %broadcast_in_dim3A_20 {add = true} : memref<80x128xf32, #tpu.memory_space<vmem>>[vector<16xi32>, vector<16xi32>], vector<16xf32>,
      %get3A_1544 = arith.constant 3 : i32
      %get3A_1545 = arith.index_cast %get3A_1544 : i32 to index
      %get3A_1546 = arith.constant 112 : index
      %get3A_1547 = tpu.vector_load %arg11[%get3A_1545, %get3A_1546] {strides = array<i32>} : memref<4x128xi32, #tpu.memory_space<vmem>>, vector<16xi32>,
      %shift_right_logical3A_1548 = arith.constant 7 : i32
      %shift_right_logical3A_1549 = vector.broadcast %shift_right_logical3A_1548 : i32 to vector<16xi32>
      %shift_right_logical3A_1550 = arith.shrui %get3A_1547, %shift_right_logical3A_1549 : vector<16xi32>
      %and3A_1551 = arith.constant 127 : i32
      %and3A_1552 = vector.broadcast %and3A_1551 : i32 to vector<16xi32>
      %and3A_1553 = arith.andi %get3A_1547, %and3A_1552 : vector<16xi32>
      tpu.vector_store_idx %arg13[%shift_right_logical3A_1550, %and3A_1553], %broadcast_in_dim3A_20 {add = true} : memref<80x128xf32, #tpu.memory_space<vmem>>[vector<16xi32>, vector<16xi32>], vector<16xf32>,
      %dma_wait3A_1554 = arith.constant 0 : i32
      %dma_wait3A_1555 = arith.constant 0 : i32
      %dma_wait3A_1556 = arith.constant 0 : i32
      %dma_wait3A_1557 = arith.constant 0 : i32
      %dma_wait3A_1558 = arith.constant 0 : i32
      %dma_wait3A_1559 = tpu.memref_slice %arg12[%dma_wait3A_1554, %dma_wait3A_1557, %dma_wait3A_1558] : memref<2x128x128xf32, #tpu.memory_space<vmem>> -> memref<1x128x128xf32, #tpu.memory_space<vmem>>
      %dma_wait3A_1560 = tpu.memref_squeeze %dma_wait3A_1559 : memref<1x128x128xf32, #tpu.memory_space<vmem>> -> memref<128x128xf32, #tpu.memory_space<vmem>>
      %dma_wait3A_1561 = arith.constant 0 : i32
      %dma_wait3A_1562 = tpu.memref_slice %arg11[%dma_wait3A_1555, %dma_wait3A_1561] : memref<4x128xi32, #tpu.memory_space<vmem>> -> memref<1x128xi32, #tpu.memory_space<vmem>>
      %dma_wait3A_1563 = tpu.memref_squeeze %dma_wait3A_1562 : memref<1x128xi32, #tpu.memory_space<vmem>> -> memref<128xi32, #tpu.memory_space<vmem>>
      %dma_wait3A_1564 = arith.constant 0 : i32
      %dma_wait3A_1565 = arith.constant 0 : i32
      %dma_wait3A_1566 = tpu.memref_slice %arg9[%dma_wait3A_1564, %dma_wait3A_1565] : memref<10240x128xf32, #tpu.memory_space<vmem_shared>> -> memref<10240x128xf32, #tpu.memory_space<vmem_shared>>
      %dma_wait3A_1567 = tpu.memref_slice %arg15[%dma_wait3A_1556] : memref<2x!tpu.dma_semaphore, #tpu.memory_space<semaphore_mem>> -> memref<1x!tpu.dma_semaphore, #tpu.memory_space<semaphore_mem>>
      %dma_wait3A_1568 = tpu.memref_squeeze %dma_wait3A_1567 : memref<1x!tpu.dma_semaphore, #tpu.memory_space<semaphore_mem>> -> memref<!tpu.dma_semaphore, #tpu.memory_space<semaphore_mem>>
      tpu.wait_indirect_dma semaphore(%dma_wait3A_1568 : memref<!tpu.dma_semaphore, #tpu.memory_space<semaphore_mem>>) src(%dma_wait3A_1560 : memref<128x128xf32, #tpu.memory_space<vmem>>) dst(%dma_wait3A_1566 : memref<10240x128xf32, #tpu.memory_space<vmem_shared>>)
      %mul3A_1569 = arith.constant 4 : i32
      %mul3A_1570 = arith.muli %mul3A_1569, %while3A_909 : i32
      %add3A_1571 = arith.constant 2 : i32
      %add3A_1572 = arith.addi %mul3A_1570, %add3A_1571 : i32
      %add3A_1573 = arith.constant 4 : i32
      %add3A_1574 = arith.addi %add3A_1572, %add3A_1573 : i32
      %dma_start3A_1575 = arith.constant 2 : i32
      %dma_start3A_1576 = arith.constant 2 : i32
      %dma_start3A_1577 = arith.constant 0 : i32
      %dma_start3A_1578 = tpu.memref_slice %arg10[%dma_start3A_1575, %dma_start3A_1577] : memref<4x128xi32, #tpu.memory_space<vmem>> -> memref<1x128xi32, #tpu.memory_space<vmem>>
      %dma_start3A_1579 = tpu.memref_squeeze %dma_start3A_1578 : memref<1x128xi32, #tpu.memory_space<vmem>> -> memref<128xi32, #tpu.memory_space<vmem>>
      %dma_start3A_1580 = arith.constant 0 : i32
      %dma_start3A_1581 = tpu.memref_slice %arg3[%add3A, %add3A_1574, %dma_start3A_1580] : memref<32x80x128xi32, #tpu.memory_space<hbm>> -> memref<1x1x128xi32, #tpu.memory_space<hbm>>
      %dma_start3A_1582 = tpu.memref_squeeze %dma_start3A_1581 : memref<1x1x128xi32, #tpu.memory_space<hbm>> -> memref<128xi32, #tpu.memory_space<hbm>>
      %dma_start3A_1583 = tpu.memref_slice %arg16[%dma_start3A_1576] : memref<4x!tpu.dma_semaphore, #tpu.memory_space<semaphore_mem>> -> memref<1x!tpu.dma_semaphore, #tpu.memory_space<semaphore_mem>>
      %dma_start3A_1584 = tpu.memref_squeeze %dma_start3A_1583 : memref<1x!tpu.dma_semaphore, #tpu.memory_space<semaphore_mem>> -> memref<!tpu.dma_semaphore, #tpu.memory_space<semaphore_mem>>
      %dma_start3A_1585 = arith.constant 0 : i32
      %dma_start3A_1586 = tpu.memref_slice %arg10[%dma_start3A_1575, %dma_start3A_1585] : memref<4x128xi32, #tpu.memory_space<vmem>> -> memref<1x128xi32, #tpu.memory_space<vmem>>
      %dma_start3A_1587 = tpu.memref_squeeze %dma_start3A_1586 : memref<1x128xi32, #tpu.memory_space<vmem>> -> memref<128xi32, #tpu.memory_space<vmem>>
      %dma_start3A_1588 = arith.constant 0 : i32
      %dma_start3A_1589 = tpu.memref_slice %arg3[%add3A, %add3A_1574, %dma_start3A_1588] : memref<32x80x128xi32, #tpu.memory_space<hbm>> -> memref<1x1x128xi32, #tpu.memory_space<hbm>>
      %dma_start3A_1590 = tpu.memref_squeeze %dma_start3A_1589 : memref<1x1x128xi32, #tpu.memory_space<hbm>> -> memref<128xi32, #tpu.memory_space<hbm>>
      tpu.enqueue_dma source(%dma_start3A_1590 : memref<128xi32, #tpu.memory_space<hbm>>) target(%dma_start3A_1587 : memref<128xi32, #tpu.memory_space<vmem>>) target_semaphore(%dma_start3A_1584 : memref<!tpu.dma_semaphore, #tpu.memory_space<semaphore_mem>>)
      %dma_start3A_1591 = arith.constant 2 : i32
      %dma_start3A_1592 = arith.constant 2 : i32
      %dma_start3A_1593 = arith.constant 0 : i32
      %dma_start3A_1594 = tpu.memref_slice %arg11[%dma_start3A_1591, %dma_start3A_1593] : memref<4x128xi32, #tpu.memory_space<vmem>> -> memref<1x128xi32, #tpu.memory_space<vmem>>
      %dma_start3A_1595 = tpu.memref_squeeze %dma_start3A_1594 : memref<1x128xi32, #tpu.memory_space<vmem>> -> memref<128xi32, #tpu.memory_space<vmem>>
      %dma_start3A_1596 = arith.constant 0 : i32
      %dma_start3A_1597 = tpu.memref_slice %arg4[%add3A, %add3A_1574, %dma_start3A_1596] : memref<32x80x128xi32, #tpu.memory_space<hbm>> -> memref<1x1x128xi32, #tpu.memory_space<hbm>>
      %dma_start3A_1598 = tpu.memref_squeeze %dma_start3A_1597 : memref<1x1x128xi32, #tpu.memory_space<hbm>> -> memref<128xi32, #tpu.memory_space<hbm>>
      %dma_start3A_1599 = tpu.memref_slice %arg17[%dma_start3A_1592] : memref<4x!tpu.dma_semaphore, #tpu.memory_space<semaphore_mem>> -> memref<1x!tpu.dma_semaphore, #tpu.memory_space<semaphore_mem>>
      %dma_start3A_1600 = tpu.memref_squeeze %dma_start3A_1599 : memref<1x!tpu.dma_semaphore, #tpu.memory_space<semaphore_mem>> -> memref<!tpu.dma_semaphore, #tpu.memory_space<semaphore_mem>>
      %dma_start3A_1601 = arith.constant 0 : i32
      %dma_start3A_1602 = tpu.memref_slice %arg11[%dma_start3A_1591, %dma_start3A_1601] : memref<4x128xi32, #tpu.memory_space<vmem>> -> memref<1x128xi32, #tpu.memory_space<vmem>>
      %dma_start3A_1603 = tpu.memref_squeeze %dma_start3A_1602 : memref<1x128xi32, #tpu.memory_space<vmem>> -> memref<128xi32, #tpu.memory_space<vmem>>
      %dma_start3A_1604 = arith.constant 0 : i32
      %dma_start3A_1605 = tpu.memref_slice %arg4[%add3A, %add3A_1574, %dma_start3A_1604] : memref<32x80x128xi32, #tpu.memory_space<hbm>> -> memref<1x1x128xi32, #tpu.memory_space<hbm>>
      %dma_start3A_1606 = tpu.memref_squeeze %dma_start3A_1605 : memref<1x1x128xi32, #tpu.memory_space<hbm>> -> memref<128xi32, #tpu.memory_space<hbm>>
      tpu.enqueue_dma source(%dma_start3A_1606 : memref<128xi32, #tpu.memory_space<hbm>>) target(%dma_start3A_1603 : memref<128xi32, #tpu.memory_space<vmem>>) target_semaphore(%dma_start3A_1600 : memref<!tpu.dma_semaphore, #tpu.memory_space<semaphore_mem>>)
      %dma_wait3A_1607 = arith.constant 0 : i32
      %dma_wait3A_1608 = arith.constant 0 : i32
      %dma_wait3A_1609 = arith.constant 0 : i32
      %dma_wait3A_1610 = arith.constant 0 : i32
      %dma_wait3A_1611 = tpu.memref_slice %arg10[%dma_wait3A_1608, %dma_wait3A_1610] : memref<4x128xi32, #tpu.memory_space<vmem>> -> memref<1x128xi32, #tpu.memory_space<vmem>>
      %dma_wait3A_1612 = tpu.memref_squeeze %dma_wait3A_1611 : memref<1x128xi32, #tpu.memory_space<vmem>> -> memref<128xi32, #tpu.memory_space<vmem>>
      %dma_wait3A_1613 = arith.constant 0 : i32
      %dma_wait3A_1614 = tpu.memref_slice %arg3[%add3A, %dma_wait3A_1607, %dma_wait3A_1613] : memref<32x80x128xi32, #tpu.memory_space<hbm>> -> memref<1x1x128xi32, #tpu.memory_space<hbm>>
      %dma_wait3A_1615 = tpu.memref_squeeze %dma_wait3A_1614 : memref<1x1x128xi32, #tpu.memory_space<hbm>> -> memref<128xi32, #tpu.memory_space<hbm>>
      %dma_wait3A_1616 = tpu.memref_slice %arg16[%dma_wait3A_1609] : memref<4x!tpu.dma_semaphore, #tpu.memory_space<semaphore_mem>> -> memref<1x!tpu.dma_semaphore, #tpu.memory_space<semaphore_mem>>
      %dma_wait3A_1617 = tpu.memref_squeeze %dma_wait3A_1616 : memref<1x!tpu.dma_semaphore, #tpu.memory_space<semaphore_mem>> -> memref<!tpu.dma_semaphore, #tpu.memory_space<semaphore_mem>>
      %dma_wait3A_1618 = arith.constant 0 : i32
      %dma_wait3A_1619 = tpu.memref_slice %arg10[%dma_wait3A_1608, %dma_wait3A_1618] : memref<4x128xi32, #tpu.memory_space<vmem>> -> memref<1x128xi32, #tpu.memory_space<vmem>>
      %dma_wait3A_1620 = tpu.memref_squeeze %dma_wait3A_1619 : memref<1x128xi32, #tpu.memory_space<vmem>> -> memref<128xi32, #tpu.memory_space<vmem>>
      %dma_wait3A_1621 = arith.constant 0 : i32
      %dma_wait3A_1622 = tpu.memref_slice %arg3[%add3A, %dma_wait3A_1607, %dma_wait3A_1621] : memref<32x80x128xi32, #tpu.memory_space<hbm>> -> memref<1x1x128xi32, #tpu.memory_space<hbm>>
      %dma_wait3A_1623 = tpu.memref_squeeze %dma_wait3A_1622 : memref<1x1x128xi32, #tpu.memory_space<hbm>> -> memref<128xi32, #tpu.memory_space<hbm>>
      tpu.wait_dma2 semaphore(%dma_wait3A_1617 : memref<!tpu.dma_semaphore, #tpu.memory_space<semaphore_mem>>) src(%dma_wait3A_1623 : memref<128xi32, #tpu.memory_space<hbm>>) dst(%dma_wait3A_1620 : memref<128xi32, #tpu.memory_space<vmem>>)
      %dma_wait3A_1624 = arith.constant 0 : i32
      %dma_wait3A_1625 = arith.constant 0 : i32
      %dma_wait3A_1626 = arith.constant 0 : i32
      %dma_wait3A_1627 = arith.constant 0 : i32
      %dma_wait3A_1628 = tpu.memref_slice %arg11[%dma_wait3A_1625, %dma_wait3A_1627] : memref<4x128xi32, #tpu.memory_space<vmem>> -> memref<1x128xi32, #tpu.memory_space<vmem>>
      %dma_wait3A_1629 = tpu.memref_squeeze %dma_wait3A_1628 : memref<1x128xi32, #tpu.memory_space<vmem>> -> memref<128xi32, #tpu.memory_space<vmem>>
      %dma_wait3A_1630 = arith.constant 0 : i32
      %dma_wait3A_1631 = tpu.memref_slice %arg4[%add3A, %dma_wait3A_1624, %dma_wait3A_1630] : memref<32x80x128xi32, #tpu.memory_space<hbm>> -> memref<1x1x128xi32, #tpu.memory_space<hbm>>
      %dma_wait3A_1632 = tpu.memref_squeeze %dma_wait3A_1631 : memref<1x1x128xi32, #tpu.memory_space<hbm>> -> memref<128xi32, #tpu.memory_space<hbm>>
      %dma_wait3A_1633 = tpu.memref_slice %arg17[%dma_wait3A_1626] : memref<4x!tpu.dma_semaphore, #tpu.memory_space<semaphore_mem>> -> memref<1x!tpu.dma_semaphore, #tpu.memory_space<semaphore_mem>>
      %dma_wait3A_1634 = tpu.memref_squeeze %dma_wait3A_1633 : memref<1x!tpu.dma_semaphore, #tpu.memory_space<semaphore_mem>> -> memref<!tpu.dma_semaphore, #tpu.memory_space<semaphore_mem>>
      %dma_wait3A_1635 = arith.constant 0 : i32
      %dma_wait3A_1636 = tpu.memref_slice %arg11[%dma_wait3A_1625, %dma_wait3A_1635] : memref<4x128xi32, #tpu.memory_space<vmem>> -> memref<1x128xi32, #tpu.memory_space<vmem>>
      %dma_wait3A_1637 = tpu.memref_squeeze %dma_wait3A_1636 : memref<1x128xi32, #tpu.memory_space<vmem>> -> memref<128xi32, #tpu.memory_space<vmem>>
      %dma_wait3A_1638 = arith.constant 0 : i32
      %dma_wait3A_1639 = tpu.memref_slice %arg4[%add3A, %dma_wait3A_1624, %dma_wait3A_1638] : memref<32x80x128xi32, #tpu.memory_space<hbm>> -> memref<1x1x128xi32, #tpu.memory_space<hbm>>
      %dma_wait3A_1640 = tpu.memref_squeeze %dma_wait3A_1639 : memref<1x1x128xi32, #tpu.memory_space<hbm>> -> memref<128xi32, #tpu.memory_space<hbm>>
      tpu.wait_dma2 semaphore(%dma_wait3A_1634 : memref<!tpu.dma_semaphore, #tpu.memory_space<semaphore_mem>>) src(%dma_wait3A_1640 : memref<128xi32, #tpu.memory_space<hbm>>) dst(%dma_wait3A_1637 : memref<128xi32, #tpu.memory_space<vmem>>)
      %dma_start3A_1641 = arith.constant 0 : i32
      %dma_start3A_1642 = arith.constant 0 : i32
      %dma_start3A_1643 = arith.constant 0 : i32
      %dma_start3A_1644 = arith.constant 0 : i32
      %dma_start3A_1645 = arith.constant 0 : i32
      %dma_start3A_1646 = tpu.memref_slice %arg12[%dma_start3A_1642, %dma_start3A_1644, %dma_start3A_1645] : memref<2x128x128xf32, #tpu.memory_space<vmem>> -> memref<1x128x128xf32, #tpu.memory_space<vmem>>
      %dma_start3A_1647 = tpu.memref_squeeze %dma_start3A_1646 : memref<1x128x128xf32, #tpu.memory_space<vmem>> -> memref<128x128xf32, #tpu.memory_space<vmem>>
      %dma_start3A_1648 = arith.constant 0 : i32
      %dma_start3A_1649 = tpu.memref_slice %arg10[%dma_start3A_1641, %dma_start3A_1648] : memref<4x128xi32, #tpu.memory_space<vmem>> -> memref<1x128xi32, #tpu.memory_space<vmem>>
      %dma_start3A_1650 = tpu.memref_squeeze %dma_start3A_1649 : memref<1x128xi32, #tpu.memory_space<vmem>> -> memref<128xi32, #tpu.memory_space<vmem>>
      %dma_start3A_1651 = arith.constant 0 : i32
      %dma_start3A_1652 = arith.constant 0 : i32
      %dma_start3A_1653 = tpu.memref_slice %arg2[%dma_start3A_1651, %dma_start3A_1652] : memref<10000x128xf32, #tpu.memory_space<hbm>> -> memref<10000x128xf32, #tpu.memory_space<hbm>>
      %dma_start3A_1654 = tpu.memref_slice %arg14[%dma_start3A_1643] : memref<2x!tpu.dma_semaphore, #tpu.memory_space<semaphore_mem>> -> memref<1x!tpu.dma_semaphore, #tpu.memory_space<semaphore_mem>>
      %dma_start3A_1655 = tpu.memref_squeeze %dma_start3A_1654 : memref<1x!tpu.dma_semaphore, #tpu.memory_space<semaphore_mem>> -> memref<!tpu.dma_semaphore, #tpu.memory_space<semaphore_mem>>
      tpu.enqueue_indirect_dma source(%dma_start3A_1653 : memref<10000x128xf32, #tpu.memory_space<hbm>>) target(%dma_start3A_1647 : memref<128x128xf32, #tpu.memory_space<vmem>>) offsets(%dma_start3A_1650 : memref<128xi32, #tpu.memory_space<vmem>>) semaphore(%dma_start3A_1655 : memref<!tpu.dma_semaphore, #tpu.memory_space<semaphore_mem>>)
      %dma_wait3A_1656 = arith.constant 1 : i32
      %dma_wait3A_1657 = arith.constant 0 : i32
      %dma_wait3A_1658 = arith.constant 1 : i32
      %dma_wait3A_1659 = arith.constant 0 : i32
      %dma_wait3A_1660 = arith.constant 0 : i32
      %dma_wait3A_1661 = tpu.memref_slice %arg12[%dma_wait3A_1656, %dma_wait3A_1659, %dma_wait3A_1660] : memref<2x128x128xf32, #tpu.memory_space<vmem>> -> memref<1x128x128xf32, #tpu.memory_space<vmem>>
      %dma_wait3A_1662 = tpu.memref_squeeze %dma_wait3A_1661 : memref<1x128x128xf32, #tpu.memory_space<vmem>> -> memref<128x128xf32, #tpu.memory_space<vmem>>
      %dma_wait3A_1663 = arith.constant 0 : i32
      %dma_wait3A_1664 = tpu.memref_slice %arg11[%dma_wait3A_1657, %dma_wait3A_1663] : memref<4x128xi32, #tpu.memory_space<vmem>> -> memref<1x128xi32, #tpu.memory_space<vmem>>
      %dma_wait3A_1665 = tpu.memref_squeeze %dma_wait3A_1664 : memref<1x128xi32, #tpu.memory_space<vmem>> -> memref<128xi32, #tpu.memory_space<vmem>>
      %dma_wait3A_1666 = arith.constant 0 : i32
      %dma_wait3A_1667 = arith.constant 0 : i32
      %dma_wait3A_1668 = tpu.memref_slice %arg9[%dma_wait3A_1666, %dma_wait3A_1667] : memref<10240x128xf32, #tpu.memory_space<vmem_shared>> -> memref<10240x128xf32, #tpu.memory_space<vmem_shared>>
      %dma_wait3A_1669 = tpu.memref_slice %arg15[%dma_wait3A_1658] : memref<2x!tpu.dma_semaphore, #tpu.memory_space<semaphore_mem>> -> memref<1x!tpu.dma_semaphore, #tpu.memory_space<semaphore_mem>>
      %dma_wait3A_1670 = tpu.memref_squeeze %dma_wait3A_1669 : memref<1x!tpu.dma_semaphore, #tpu.memory_space<semaphore_mem>> -> memref<!tpu.dma_semaphore, #tpu.memory_space<semaphore_mem>>
      tpu.wait_indirect_dma semaphore(%dma_wait3A_1670 : memref<!tpu.dma_semaphore, #tpu.memory_space<semaphore_mem>>) src(%dma_wait3A_1662 : memref<128x128xf32, #tpu.memory_space<vmem>>) dst(%dma_wait3A_1668 : memref<10240x128xf32, #tpu.memory_space<vmem_shared>>)
      %mul3A_1671 = arith.constant 4 : i32
      %mul3A_1672 = arith.muli %mul3A_1671, %while3A_909 : i32
      %add3A_1673 = arith.constant 3 : i32
      %add3A_1674 = arith.addi %mul3A_1672, %add3A_1673 : i32
      %add3A_1675 = arith.constant 4 : i32
      %add3A_1676 = arith.addi %add3A_1674, %add3A_1675 : i32
      %dma_start3A_1677 = arith.constant 3 : i32
      %dma_start3A_1678 = arith.constant 3 : i32
      %dma_start3A_1679 = arith.constant 0 : i32
      %dma_start3A_1680 = tpu.memref_slice %arg10[%dma_start3A_1677, %dma_start3A_1679] : memref<4x128xi32, #tpu.memory_space<vmem>> -> memref<1x128xi32, #tpu.memory_space<vmem>>
      %dma_start3A_1681 = tpu.memref_squeeze %dma_start3A_1680 : memref<1x128xi32, #tpu.memory_space<vmem>> -> memref<128xi32, #tpu.memory_space<vmem>>
      %dma_start3A_1682 = arith.constant 0 : i32
      %dma_start3A_1683 = tpu.memref_slice %arg3[%add3A, %add3A_1676, %dma_start3A_1682] : memref<32x80x128xi32, #tpu.memory_space<hbm>> -> memref<1x1x128xi32, #tpu.memory_space<hbm>>
      %dma_start3A_1684 = tpu.memref_squeeze %dma_start3A_1683 : memref<1x1x128xi32, #tpu.memory_space<hbm>> -> memref<128xi32, #tpu.memory_space<hbm>>
      %dma_start3A_1685 = tpu.memref_slice %arg16[%dma_start3A_1678] : memref<4x!tpu.dma_semaphore, #tpu.memory_space<semaphore_mem>> -> memref<1x!tpu.dma_semaphore, #tpu.memory_space<semaphore_mem>>
      %dma_start3A_1686 = tpu.memref_squeeze %dma_start3A_1685 : memref<1x!tpu.dma_semaphore, #tpu.memory_space<semaphore_mem>> -> memref<!tpu.dma_semaphore, #tpu.memory_space<semaphore_mem>>
      %dma_start3A_1687 = arith.constant 0 : i32
      %dma_start3A_1688 = tpu.memref_slice %arg10[%dma_start3A_1677, %dma_start3A_1687] : memref<4x128xi32, #tpu.memory_space<vmem>> -> memref<1x128xi32, #tpu.memory_space<vmem>>
      %dma_start3A_1689 = tpu.memref_squeeze %dma_start3A_1688 : memref<1x128xi32, #tpu.memory_space<vmem>> -> memref<128xi32, #tpu.memory_space<vmem>>
      %dma_start3A_1690 = arith.constant 0 : i32
      %dma_start3A_1691 = tpu.memref_slice %arg3[%add3A, %add3A_1676, %dma_start3A_1690] : memref<32x80x128xi32, #tpu.memory_space<hbm>> -> memref<1x1x128xi32, #tpu.memory_space<hbm>>
      %dma_start3A_1692 = tpu.memref_squeeze %dma_start3A_1691 : memref<1x1x128xi32, #tpu.memory_space<hbm>> -> memref<128xi32, #tpu.memory_space<hbm>>
      tpu.enqueue_dma source(%dma_start3A_1692 : memref<128xi32, #tpu.memory_space<hbm>>) target(%dma_start3A_1689 : memref<128xi32, #tpu.memory_space<vmem>>) target_semaphore(%dma_start3A_1686 : memref<!tpu.dma_semaphore, #tpu.memory_space<semaphore_mem>>)
      %dma_start3A_1693 = arith.constant 3 : i32
      %dma_start3A_1694 = arith.constant 3 : i32
      %dma_start3A_1695 = arith.constant 0 : i32
      %dma_start3A_1696 = tpu.memref_slice %arg11[%dma_start3A_1693, %dma_start3A_1695] : memref<4x128xi32, #tpu.memory_space<vmem>> -> memref<1x128xi32, #tpu.memory_space<vmem>>
      %dma_start3A_1697 = tpu.memref_squeeze %dma_start3A_1696 : memref<1x128xi32, #tpu.memory_space<vmem>> -> memref<128xi32, #tpu.memory_space<vmem>>
      %dma_start3A_1698 = arith.constant 0 : i32
      %dma_start3A_1699 = tpu.memref_slice %arg4[%add3A, %add3A_1676, %dma_start3A_1698] : memref<32x80x128xi32, #tpu.memory_space<hbm>> -> memref<1x1x128xi32, #tpu.memory_space<hbm>>
      %dma_start3A_1700 = tpu.memref_squeeze %dma_start3A_1699 : memref<1x1x128xi32, #tpu.memory_space<hbm>> -> memref<128xi32, #tpu.memory_space<hbm>>
      %dma_start3A_1701 = tpu.memref_slice %arg17[%dma_start3A_1694] : memref<4x!tpu.dma_semaphore, #tpu.memory_space<semaphore_mem>> -> memref<1x!tpu.dma_semaphore, #tpu.memory_space<semaphore_mem>>
      %dma_start3A_1702 = tpu.memref_squeeze %dma_start3A_1701 : memref<1x!tpu.dma_semaphore, #tpu.memory_space<semaphore_mem>> -> memref<!tpu.dma_semaphore, #tpu.memory_space<semaphore_mem>>
      %dma_start3A_1703 = arith.constant 0 : i32
      %dma_start3A_1704 = tpu.memref_slice %arg11[%dma_start3A_1693, %dma_start3A_1703] : memref<4x128xi32, #tpu.memory_space<vmem>> -> memref<1x128xi32, #tpu.memory_space<vmem>>
      %dma_start3A_1705 = tpu.memref_squeeze %dma_start3A_1704 : memref<1x128xi32, #tpu.memory_space<vmem>> -> memref<128xi32, #tpu.memory_space<vmem>>
      %dma_start3A_1706 = arith.constant 0 : i32
      %dma_start3A_1707 = tpu.memref_slice %arg4[%add3A, %add3A_1676, %dma_start3A_1706] : memref<32x80x128xi32, #tpu.memory_space<hbm>> -> memref<1x1x128xi32, #tpu.memory_space<hbm>>
      %dma_start3A_1708 = tpu.memref_squeeze %dma_start3A_1707 : memref<1x1x128xi32, #tpu.memory_space<hbm>> -> memref<128xi32, #tpu.memory_space<hbm>>
      tpu.enqueue_dma source(%dma_start3A_1708 : memref<128xi32, #tpu.memory_space<hbm>>) target(%dma_start3A_1705 : memref<128xi32, #tpu.memory_space<vmem>>) target_semaphore(%dma_start3A_1702 : memref<!tpu.dma_semaphore, #tpu.memory_space<semaphore_mem>>)
      %dma_wait3A_1709 = arith.constant 0 : i32
      %dma_wait3A_1710 = arith.constant 1 : i32
      %dma_wait3A_1711 = arith.constant 1 : i32
      %dma_wait3A_1712 = arith.constant 0 : i32
      %dma_wait3A_1713 = tpu.memref_slice %arg10[%dma_wait3A_1710, %dma_wait3A_1712] : memref<4x128xi32, #tpu.memory_space<vmem>> -> memref<1x128xi32, #tpu.memory_space<vmem>>
      %dma_wait3A_1714 = tpu.memref_squeeze %dma_wait3A_1713 : memref<1x128xi32, #tpu.memory_space<vmem>> -> memref<128xi32, #tpu.memory_space<vmem>>
      %dma_wait3A_1715 = arith.constant 0 : i32
      %dma_wait3A_1716 = tpu.memref_slice %arg3[%add3A, %dma_wait3A_1709, %dma_wait3A_1715] : memref<32x80x128xi32, #tpu.memory_space<hbm>> -> memref<1x1x128xi32, #tpu.memory_space<hbm>>
      %dma_wait3A_1717 = tpu.memref_squeeze %dma_wait3A_1716 : memref<1x1x128xi32, #tpu.memory_space<hbm>> -> memref<128xi32, #tpu.memory_space<hbm>>
      %dma_wait3A_1718 = tpu.memref_slice %arg16[%dma_wait3A_1711] : memref<4x!tpu.dma_semaphore, #tpu.memory_space<semaphore_mem>> -> memref<1x!tpu.dma_semaphore, #tpu.memory_space<semaphore_mem>>
      %dma_wait3A_1719 = tpu.memref_squeeze %dma_wait3A_1718 : memref<1x!tpu.dma_semaphore, #tpu.memory_space<semaphore_mem>> -> memref<!tpu.dma_semaphore, #tpu.memory_space<semaphore_mem>>
      %dma_wait3A_1720 = arith.constant 0 : i32
      %dma_wait3A_1721 = tpu.memref_slice %arg10[%dma_wait3A_1710, %dma_wait3A_1720] : memref<4x128xi32, #tpu.memory_space<vmem>> -> memref<1x128xi32, #tpu.memory_space<vmem>>
      %dma_wait3A_1722 = tpu.memref_squeeze %dma_wait3A_1721 : memref<1x128xi32, #tpu.memory_space<vmem>> -> memref<128xi32, #tpu.memory_space<vmem>>
      %dma_wait3A_1723 = arith.constant 0 : i32
      %dma_wait3A_1724 = tpu.memref_slice %arg3[%add3A, %dma_wait3A_1709, %dma_wait3A_1723] : memref<32x80x128xi32, #tpu.memory_space<hbm>> -> memref<1x1x128xi32, #tpu.memory_space<hbm>>
      %dma_wait3A_1725 = tpu.memref_squeeze %dma_wait3A_1724 : memref<1x1x128xi32, #tpu.memory_space<hbm>> -> memref<128xi32, #tpu.memory_space<hbm>>
      tpu.wait_dma2 semaphore(%dma_wait3A_1719 : memref<!tpu.dma_semaphore, #tpu.memory_space<semaphore_mem>>) src(%dma_wait3A_1725 : memref<128xi32, #tpu.memory_space<hbm>>) dst(%dma_wait3A_1722 : memref<128xi32, #tpu.memory_space<vmem>>)
      %dma_wait3A_1726 = arith.constant 0 : i32
      %dma_wait3A_1727 = arith.constant 1 : i32
      %dma_wait3A_1728 = arith.constant 1 : i32
      %dma_wait3A_1729 = arith.constant 0 : i32
      %dma_wait3A_1730 = tpu.memref_slice %arg11[%dma_wait3A_1727, %dma_wait3A_1729] : memref<4x128xi32, #tpu.memory_space<vmem>> -> memref<1x128xi32, #tpu.memory_space<vmem>>
      %dma_wait3A_1731 = tpu.memref_squeeze %dma_wait3A_1730 : memref<1x128xi32, #tpu.memory_space<vmem>> -> memref<128xi32, #tpu.memory_space<vmem>>
      %dma_wait3A_1732 = arith.constant 0 : i32
      %dma_wait3A_1733 = tpu.memref_slice %arg4[%add3A, %dma_wait3A_1726, %dma_wait3A_1732] : memref<32x80x128xi32, #tpu.memory_space<hbm>> -> memref<1x1x128xi32, #tpu.memory_space<hbm>>
      %dma_wait3A_1734 = tpu.memref_squeeze %dma_wait3A_1733 : memref<1x1x128xi32, #tpu.memory_space<hbm>> -> memref<128xi32, #tpu.memory_space<hbm>>
      %dma_wait3A_1735 = tpu.memref_slice %arg17[%dma_wait3A_1728] : memref<4x!tpu.dma_semaphore, #tpu.memory_space<semaphore_mem>> -> memref<1x!tpu.dma_semaphore, #tpu.memory_space<semaphore_mem>>
      %dma_wait3A_1736 = tpu.memref_squeeze %dma_wait3A_1735 : memref<1x!tpu.dma_semaphore, #tpu.memory_space<semaphore_mem>> -> memref<!tpu.dma_semaphore, #tpu.memory_space<semaphore_mem>>
      %dma_wait3A_1737 = arith.constant 0 : i32
      %dma_wait3A_1738 = tpu.memref_slice %arg11[%dma_wait3A_1727, %dma_wait3A_1737] : memref<4x128xi32, #tpu.memory_space<vmem>> -> memref<1x128xi32, #tpu.memory_space<vmem>>
      %dma_wait3A_1739 = tpu.memref_squeeze %dma_wait3A_1738 : memref<1x128xi32, #tpu.memory_space<vmem>> -> memref<128xi32, #tpu.memory_space<vmem>>
      %dma_wait3A_1740 = arith.constant 0 : i32
      %dma_wait3A_1741 = tpu.memref_slice %arg4[%add3A, %dma_wait3A_1726, %dma_wait3A_1740] : memref<32x80x128xi32, #tpu.memory_space<hbm>> -> memref<1x1x128xi32, #tpu.memory_space<hbm>>
      %dma_wait3A_1742 = tpu.memref_squeeze %dma_wait3A_1741 : memref<1x1x128xi32, #tpu.memory_space<hbm>> -> memref<128xi32, #tpu.memory_space<hbm>>
      tpu.wait_dma2 semaphore(%dma_wait3A_1736 : memref<!tpu.dma_semaphore, #tpu.memory_space<semaphore_mem>>) src(%dma_wait3A_1742 : memref<128xi32, #tpu.memory_space<hbm>>) dst(%dma_wait3A_1739 : memref<128xi32, #tpu.memory_space<vmem>>)
      %dma_start3A_1743 = arith.constant 1 : i32
      %dma_start3A_1744 = arith.constant 1 : i32
      %dma_start3A_1745 = arith.constant 1 : i32
      %dma_start3A_1746 = arith.constant 0 : i32
      %dma_start3A_1747 = arith.constant 0 : i32
      %dma_start3A_1748 = tpu.memref_slice %arg12[%dma_start3A_1744, %dma_start3A_1746, %dma_start3A_1747] : memref<2x128x128xf32, #tpu.memory_space<vmem>> -> memref<1x128x128xf32, #tpu.memory_space<vmem>>
      %dma_start3A_1749 = tpu.memref_squeeze %dma_start3A_1748 : memref<1x128x128xf32, #tpu.memory_space<vmem>> -> memref<128x128xf32, #tpu.memory_space<vmem>>
      %dma_start3A_1750 = arith.constant 0 : i32
      %dma_start3A_1751 = tpu.memref_slice %arg10[%dma_start3A_1743, %dma_start3A_1750] : memref<4x128xi32, #tpu.memory_space<vmem>> -> memref<1x128xi32, #tpu.memory_space<vmem>>
      %dma_start3A_1752 = tpu.memref_squeeze %dma_start3A_1751 : memref<1x128xi32, #tpu.memory_space<vmem>> -> memref<128xi32, #tpu.memory_space<vmem>>
      %dma_start3A_1753 = arith.constant 0 : i32
      %dma_start3A_1754 = arith.constant 0 : i32
      %dma_start3A_1755 = tpu.memref_slice %arg2[%dma_start3A_1753, %dma_start3A_1754] : memref<10000x128xf32, #tpu.memory_space<hbm>> -> memref<10000x128xf32, #tpu.memory_space<hbm>>
      %dma_start3A_1756 = tpu.memref_slice %arg14[%dma_start3A_1745] : memref<2x!tpu.dma_semaphore, #tpu.memory_space<semaphore_mem>> -> memref<1x!tpu.dma_semaphore, #tpu.memory_space<semaphore_mem>>
      %dma_start3A_1757 = tpu.memref_squeeze %dma_start3A_1756 : memref<1x!tpu.dma_semaphore, #tpu.memory_space<semaphore_mem>> -> memref<!tpu.dma_semaphore, #tpu.memory_space<semaphore_mem>>
      tpu.enqueue_indirect_dma source(%dma_start3A_1755 : memref<10000x128xf32, #tpu.memory_space<hbm>>) target(%dma_start3A_1749 : memref<128x128xf32, #tpu.memory_space<vmem>>) offsets(%dma_start3A_1752 : memref<128xi32, #tpu.memory_space<vmem>>) semaphore(%dma_start3A_1757 : memref<!tpu.dma_semaphore, #tpu.memory_space<semaphore_mem>>)
    }
    %dma_wait3A_282 = arith.constant 0 : i32
    %dma_wait3A_283 = arith.constant 0 : i32
    %dma_wait3A_284 = arith.constant 0 : i32
    %dma_wait3A_285 = arith.constant 0 : i32
    %dma_wait3A_286 = arith.constant 0 : i32
    %dma_wait3A_287 = tpu.memref_slice %arg12[%dma_wait3A_283, %dma_wait3A_285, %dma_wait3A_286] : memref<2x128x128xf32, #tpu.memory_space<vmem>> -> memref<1x128x128xf32, #tpu.memory_space<vmem>>
    %dma_wait3A_288 = tpu.memref_squeeze %dma_wait3A_287 : memref<1x128x128xf32, #tpu.memory_space<vmem>> -> memref<128x128xf32, #tpu.memory_space<vmem>>
    %dma_wait3A_289 = arith.constant 0 : i32
    %dma_wait3A_290 = tpu.memref_slice %arg10[%dma_wait3A_282, %dma_wait3A_289] : memref<4x128xi32, #tpu.memory_space<vmem>> -> memref<1x128xi32, #tpu.memory_space<vmem>>
    %dma_wait3A_291 = tpu.memref_squeeze %dma_wait3A_290 : memref<1x128xi32, #tpu.memory_space<vmem>> -> memref<128xi32, #tpu.memory_space<vmem>>
    %dma_wait3A_292 = arith.constant 0 : i32
    %dma_wait3A_293 = arith.constant 0 : i32
    %dma_wait3A_294 = tpu.memref_slice %arg2[%dma_wait3A_292, %dma_wait3A_293] : memref<10000x128xf32, #tpu.memory_space<hbm>> -> memref<10000x128xf32, #tpu.memory_space<hbm>>
    %dma_wait3A_295 = tpu.memref_slice %arg14[%dma_wait3A_284] : memref<2x!tpu.dma_semaphore, #tpu.memory_space<semaphore_mem>> -> memref<1x!tpu.dma_semaphore, #tpu.memory_space<semaphore_mem>>
    %dma_wait3A_296 = tpu.memref_squeeze %dma_wait3A_295 : memref<1x!tpu.dma_semaphore, #tpu.memory_space<semaphore_mem>> -> memref<!tpu.dma_semaphore, #tpu.memory_space<semaphore_mem>>
    tpu.wait_indirect_dma semaphore(%dma_wait3A_296 : memref<!tpu.dma_semaphore, #tpu.memory_space<semaphore_mem>>) src(%dma_wait3A_294 : memref<10000x128xf32, #tpu.memory_space<hbm>>) dst(%dma_wait3A_288 : memref<128x128xf32, #tpu.memory_space<vmem>>)
    %dma_start3A_297 = arith.constant 0 : i32
    %dma_start3A_298 = arith.constant 0 : i32
    %dma_start3A_299 = arith.constant 0 : i32
    %dma_start3A_300 = arith.constant 0 : i32
    %dma_start3A_301 = arith.constant 0 : i32
    %dma_start3A_302 = tpu.memref_slice %arg12[%dma_start3A_297, %dma_start3A_300, %dma_start3A_301] : memref<2x128x128xf32, #tpu.memory_space<vmem>> -> memref<1x128x128xf32, #tpu.memory_space<vmem>>
    %dma_start3A_303 = tpu.memref_squeeze %dma_start3A_302 : memref<1x128x128xf32, #tpu.memory_space<vmem>> -> memref<128x128xf32, #tpu.memory_space<vmem>>
    %dma_start3A_304 = arith.constant 0 : i32
    %dma_start3A_305 = tpu.memref_slice %arg11[%dma_start3A_298, %dma_start3A_304] : memref<4x128xi32, #tpu.memory_space<vmem>> -> memref<1x128xi32, #tpu.memory_space<vmem>>
    %dma_start3A_306 = tpu.memref_squeeze %dma_start3A_305 : memref<1x128xi32, #tpu.memory_space<vmem>> -> memref<128xi32, #tpu.memory_space<vmem>>
    %dma_start3A_307 = arith.constant 0 : i32
    %dma_start3A_308 = arith.constant 0 : i32
    %dma_start3A_309 = tpu.memref_slice %arg9[%dma_start3A_307, %dma_start3A_308] : memref<10240x128xf32, #tpu.memory_space<vmem_shared>> -> memref<10240x128xf32, #tpu.memory_space<vmem_shared>>
    %dma_start3A_310 = tpu.memref_slice %arg15[%dma_start3A_299] : memref<2x!tpu.dma_semaphore, #tpu.memory_space<semaphore_mem>> -> memref<1x!tpu.dma_semaphore, #tpu.memory_space<semaphore_mem>>
    %dma_start3A_311 = tpu.memref_squeeze %dma_start3A_310 : memref<1x!tpu.dma_semaphore, #tpu.memory_space<semaphore_mem>> -> memref<!tpu.dma_semaphore, #tpu.memory_space<semaphore_mem>>
    tpu.enqueue_indirect_dma source(%dma_start3A_303 : memref<128x128xf32, #tpu.memory_space<vmem>>) target(%dma_start3A_309 : memref<10240x128xf32, #tpu.memory_space<vmem_shared>>) offsets(%dma_start3A_306 : memref<128xi32, #tpu.memory_space<vmem>>) semaphore(%dma_start3A_311 : memref<!tpu.dma_semaphore, #tpu.memory_space<semaphore_mem>>) {add = true}
    %get3A = arith.constant 0 : i32
    %get3A_312 = arith.index_cast %get3A : i32 to index
    %get3A_313 = arith.constant 0 : index
    %get3A_314 = tpu.vector_load %arg11[%get3A_312, %get3A_313] {strides = array<i32>} : memref<4x128xi32, #tpu.memory_space<vmem>>, vector<16xi32>,
    %shift_right_logical3A = arith.constant 7 : i32
    %shift_right_logical3A_315 = vector.broadcast %shift_right_logical3A : i32 to vector<16xi32>
    %shift_right_logical3A_316 = arith.shrui %get3A_314, %shift_right_logical3A_315 : vector<16xi32>
    %and3A_317 = arith.constant 127 : i32
    %and3A_318 = vector.broadcast %and3A_317 : i32 to vector<16xi32>
    %and3A_319 = arith.andi %get3A_314, %and3A_318 : vector<16xi32>
    tpu.vector_store_idx %arg13[%shift_right_logical3A_316, %and3A_319], %broadcast_in_dim3A_20 {add = true} : memref<80x128xf32, #tpu.memory_space<vmem>>[vector<16xi32>, vector<16xi32>], vector<16xf32>,
    %get3A_320 = arith.constant 0 : i32
    %get3A_321 = arith.index_cast %get3A_320 : i32 to index
    %get3A_322 = arith.constant 16 : index
    %get3A_323 = tpu.vector_load %arg11[%get3A_321, %get3A_322] {strides = array<i32>} : memref<4x128xi32, #tpu.memory_space<vmem>>, vector<16xi32>,
    %shift_right_logical3A_324 = arith.constant 7 : i32
    %shift_right_logical3A_325 = vector.broadcast %shift_right_logical3A_324 : i32 to vector<16xi32>
    %shift_right_logical3A_326 = arith.shrui %get3A_323, %shift_right_logical3A_325 : vector<16xi32>
    %and3A_327 = arith.constant 127 : i32
    %and3A_328 = vector.broadcast %and3A_327 : i32 to vector<16xi32>
    %and3A_329 = arith.andi %get3A_323, %and3A_328 : vector<16xi32>
    tpu.vector_store_idx %arg13[%shift_right_logical3A_326, %and3A_329], %broadcast_in_dim3A_20 {add = true} : memref<80x128xf32, #tpu.memory_space<vmem>>[vector<16xi32>, vector<16xi32>], vector<16xf32>,
    %get3A_330 = arith.constant 0 : i32
    %get3A_331 = arith.index_cast %get3A_330 : i32 to index
    %get3A_332 = arith.constant 32 : index
    %get3A_333 = tpu.vector_load %arg11[%get3A_331, %get3A_332] {strides = array<i32>} : memref<4x128xi32, #tpu.memory_space<vmem>>, vector<16xi32>,
    %shift_right_logical3A_334 = arith.constant 7 : i32
    %shift_right_logical3A_335 = vector.broadcast %shift_right_logical3A_334 : i32 to vector<16xi32>
    %shift_right_logical3A_336 = arith.shrui %get3A_333, %shift_right_logical3A_335 : vector<16xi32>
    %and3A_337 = arith.constant 127 : i32
    %and3A_338 = vector.broadcast %and3A_337 : i32 to vector<16xi32>
    %and3A_339 = arith.andi %get3A_333, %and3A_338 : vector<16xi32>
    tpu.vector_store_idx %arg13[%shift_right_logical3A_336, %and3A_339], %broadcast_in_dim3A_20 {add = true} : memref<80x128xf32, #tpu.memory_space<vmem>>[vector<16xi32>, vector<16xi32>], vector<16xf32>,
    %get3A_340 = arith.constant 0 : i32
    %get3A_341 = arith.index_cast %get3A_340 : i32 to index
    %get3A_342 = arith.constant 48 : index
    %get3A_343 = tpu.vector_load %arg11[%get3A_341, %get3A_342] {strides = array<i32>} : memref<4x128xi32, #tpu.memory_space<vmem>>, vector<16xi32>,
    %shift_right_logical3A_344 = arith.constant 7 : i32
    %shift_right_logical3A_345 = vector.broadcast %shift_right_logical3A_344 : i32 to vector<16xi32>
    %shift_right_logical3A_346 = arith.shrui %get3A_343, %shift_right_logical3A_345 : vector<16xi32>
    %and3A_347 = arith.constant 127 : i32
    %and3A_348 = vector.broadcast %and3A_347 : i32 to vector<16xi32>
    %and3A_349 = arith.andi %get3A_343, %and3A_348 : vector<16xi32>
    tpu.vector_store_idx %arg13[%shift_right_logical3A_346, %and3A_349], %broadcast_in_dim3A_20 {add = true} : memref<80x128xf32, #tpu.memory_space<vmem>>[vector<16xi32>, vector<16xi32>], vector<16xf32>,
    %get3A_350 = arith.constant 0 : i32
    %get3A_351 = arith.index_cast %get3A_350 : i32 to index
    %get3A_352 = arith.constant 64 : index
    %get3A_353 = tpu.vector_load %arg11[%get3A_351, %get3A_352] {strides = array<i32>} : memref<4x128xi32, #tpu.memory_space<vmem>>, vector<16xi32>,
    %shift_right_logical3A_354 = arith.constant 7 : i32
    %shift_right_logical3A_355 = vector.broadcast %shift_right_logical3A_354 : i32 to vector<16xi32>
    %shift_right_logical3A_356 = arith.shrui %get3A_353, %shift_right_logical3A_355 : vector<16xi32>
    %and3A_357 = arith.constant 127 : i32
    %and3A_358 = vector.broadcast %and3A_357 : i32 to vector<16xi32>
    %and3A_359 = arith.andi %get3A_353, %and3A_358 : vector<16xi32>
    tpu.vector_store_idx %arg13[%shift_right_logical3A_356, %and3A_359], %broadcast_in_dim3A_20 {add = true} : memref<80x128xf32, #tpu.memory_space<vmem>>[vector<16xi32>, vector<16xi32>], vector<16xf32>,
    %get3A_360 = arith.constant 0 : i32
    %get3A_361 = arith.index_cast %get3A_360 : i32 to index
    %get3A_362 = arith.constant 80 : index
    %get3A_363 = tpu.vector_load %arg11[%get3A_361, %get3A_362] {strides = array<i32>} : memref<4x128xi32, #tpu.memory_space<vmem>>, vector<16xi32>,
    %shift_right_logical3A_364 = arith.constant 7 : i32
    %shift_right_logical3A_365 = vector.broadcast %shift_right_logical3A_364 : i32 to vector<16xi32>
    %shift_right_logical3A_366 = arith.shrui %get3A_363, %shift_right_logical3A_365 : vector<16xi32>
    %and3A_367 = arith.constant 127 : i32
    %and3A_368 = vector.broadcast %and3A_367 : i32 to vector<16xi32>
    %and3A_369 = arith.andi %get3A_363, %and3A_368 : vector<16xi32>
    tpu.vector_store_idx %arg13[%shift_right_logical3A_366, %and3A_369], %broadcast_in_dim3A_20 {add = true} : memref<80x128xf32, #tpu.memory_space<vmem>>[vector<16xi32>, vector<16xi32>], vector<16xf32>,
    %get3A_370 = arith.constant 0 : i32
    %get3A_371 = arith.index_cast %get3A_370 : i32 to index
    %get3A_372 = arith.constant 96 : index
    %get3A_373 = tpu.vector_load %arg11[%get3A_371, %get3A_372] {strides = array<i32>} : memref<4x128xi32, #tpu.memory_space<vmem>>, vector<16xi32>,
    %shift_right_logical3A_374 = arith.constant 7 : i32
    %shift_right_logical3A_375 = vector.broadcast %shift_right_logical3A_374 : i32 to vector<16xi32>
    %shift_right_logical3A_376 = arith.shrui %get3A_373, %shift_right_logical3A_375 : vector<16xi32>
    %and3A_377 = arith.constant 127 : i32
    %and3A_378 = vector.broadcast %and3A_377 : i32 to vector<16xi32>
    %and3A_379 = arith.andi %get3A_373, %and3A_378 : vector<16xi32>
    tpu.vector_store_idx %arg13[%shift_right_logical3A_376, %and3A_379], %broadcast_in_dim3A_20 {add = true} : memref<80x128xf32, #tpu.memory_space<vmem>>[vector<16xi32>, vector<16xi32>], vector<16xf32>,
    %get3A_380 = arith.constant 0 : i32
    %get3A_381 = arith.index_cast %get3A_380 : i32 to index
    %get3A_382 = arith.constant 112 : index
    %get3A_383 = tpu.vector_load %arg11[%get3A_381, %get3A_382] {strides = array<i32>} : memref<4x128xi32, #tpu.memory_space<vmem>>, vector<16xi32>,
    %shift_right_logical3A_384 = arith.constant 7 : i32
    %shift_right_logical3A_385 = vector.broadcast %shift_right_logical3A_384 : i32 to vector<16xi32>
    %shift_right_logical3A_386 = arith.shrui %get3A_383, %shift_right_logical3A_385 : vector<16xi32>
    %and3A_387 = arith.constant 127 : i32
    %and3A_388 = vector.broadcast %and3A_387 : i32 to vector<16xi32>
    %and3A_389 = arith.andi %get3A_383, %and3A_388 : vector<16xi32>
    tpu.vector_store_idx %arg13[%shift_right_logical3A_386, %and3A_389], %broadcast_in_dim3A_20 {add = true} : memref<80x128xf32, #tpu.memory_space<vmem>>[vector<16xi32>, vector<16xi32>], vector<16xf32>,
    %dma_wait3A_390 = arith.constant 0 : i32
    %dma_wait3A_391 = arith.constant 1 : i32
    %dma_wait3A_392 = arith.constant 1 : i32
    %dma_wait3A_393 = arith.constant 0 : i32
    %dma_wait3A_394 = arith.constant 0 : i32
    %dma_wait3A_395 = tpu.memref_slice %arg12[%dma_wait3A_391, %dma_wait3A_393, %dma_wait3A_394] : memref<2x128x128xf32, #tpu.memory_space<vmem>> -> memref<1x128x128xf32, #tpu.memory_space<vmem>>
    %dma_wait3A_396 = tpu.memref_squeeze %dma_wait3A_395 : memref<1x128x128xf32, #tpu.memory_space<vmem>> -> memref<128x128xf32, #tpu.memory_space<vmem>>
    %dma_wait3A_397 = arith.constant 0 : i32
    %dma_wait3A_398 = tpu.memref_slice %arg10[%dma_wait3A_390, %dma_wait3A_397] : memref<4x128xi32, #tpu.memory_space<vmem>> -> memref<1x128xi32, #tpu.memory_space<vmem>>
    %dma_wait3A_399 = tpu.memref_squeeze %dma_wait3A_398 : memref<1x128xi32, #tpu.memory_space<vmem>> -> memref<128xi32, #tpu.memory_space<vmem>>
    %dma_wait3A_400 = arith.constant 0 : i32
    %dma_wait3A_401 = arith.constant 0 : i32
    %dma_wait3A_402 = tpu.memref_slice %arg2[%dma_wait3A_400, %dma_wait3A_401] : memref<10000x128xf32, #tpu.memory_space<hbm>> -> memref<10000x128xf32, #tpu.memory_space<hbm>>
    %dma_wait3A_403 = tpu.memref_slice %arg14[%dma_wait3A_392] : memref<2x!tpu.dma_semaphore, #tpu.memory_space<semaphore_mem>> -> memref<1x!tpu.dma_semaphore, #tpu.memory_space<semaphore_mem>>
    %dma_wait3A_404 = tpu.memref_squeeze %dma_wait3A_403 : memref<1x!tpu.dma_semaphore, #tpu.memory_space<semaphore_mem>> -> memref<!tpu.dma_semaphore, #tpu.memory_space<semaphore_mem>>
    tpu.wait_indirect_dma semaphore(%dma_wait3A_404 : memref<!tpu.dma_semaphore, #tpu.memory_space<semaphore_mem>>) src(%dma_wait3A_402 : memref<10000x128xf32, #tpu.memory_space<hbm>>) dst(%dma_wait3A_396 : memref<128x128xf32, #tpu.memory_space<vmem>>)
    %dma_start3A_405 = arith.constant 1 : i32
    %dma_start3A_406 = arith.constant 1 : i32
    %dma_start3A_407 = arith.constant 1 : i32
    %dma_start3A_408 = arith.constant 0 : i32
    %dma_start3A_409 = arith.constant 0 : i32
    %dma_start3A_410 = tpu.memref_slice %arg12[%dma_start3A_405, %dma_start3A_408, %dma_start3A_409] : memref<2x128x128xf32, #tpu.memory_space<vmem>> -> memref<1x128x128xf32, #tpu.memory_space<vmem>>
    %dma_start3A_411 = tpu.memref_squeeze %dma_start3A_410 : memref<1x128x128xf32, #tpu.memory_space<vmem>> -> memref<128x128xf32, #tpu.memory_space<vmem>>
    %dma_start3A_412 = arith.constant 0 : i32
    %dma_start3A_413 = tpu.memref_slice %arg11[%dma_start3A_406, %dma_start3A_412] : memref<4x128xi32, #tpu.memory_space<vmem>> -> memref<1x128xi32, #tpu.memory_space<vmem>>
    %dma_start3A_414 = tpu.memref_squeeze %dma_start3A_413 : memref<1x128xi32, #tpu.memory_space<vmem>> -> memref<128xi32, #tpu.memory_space<vmem>>
    %dma_start3A_415 = arith.constant 0 : i32
    %dma_start3A_416 = arith.constant 0 : i32
    %dma_start3A_417 = tpu.memref_slice %arg9[%dma_start3A_415, %dma_start3A_416] : memref<10240x128xf32, #tpu.memory_space<vmem_shared>> -> memref<10240x128xf32, #tpu.memory_space<vmem_shared>>
    %dma_start3A_418 = tpu.memref_slice %arg15[%dma_start3A_407] : memref<2x!tpu.dma_semaphore, #tpu.memory_space<semaphore_mem>> -> memref<1x!tpu.dma_semaphore, #tpu.memory_space<semaphore_mem>>
    %dma_start3A_419 = tpu.memref_squeeze %dma_start3A_418 : memref<1x!tpu.dma_semaphore, #tpu.memory_space<semaphore_mem>> -> memref<!tpu.dma_semaphore, #tpu.memory_space<semaphore_mem>>
    tpu.enqueue_indirect_dma source(%dma_start3A_411 : memref<128x128xf32, #tpu.memory_space<vmem>>) target(%dma_start3A_417 : memref<10240x128xf32, #tpu.memory_space<vmem_shared>>) offsets(%dma_start3A_414 : memref<128xi32, #tpu.memory_space<vmem>>) semaphore(%dma_start3A_419 : memref<!tpu.dma_semaphore, #tpu.memory_space<semaphore_mem>>) {add = true}
    %get3A_420 = arith.constant 1 : i32
    %get3A_421 = arith.index_cast %get3A_420 : i32 to index
    %get3A_422 = arith.constant 0 : index
    %get3A_423 = tpu.vector_load %arg11[%get3A_421, %get3A_422] {strides = array<i32>} : memref<4x128xi32, #tpu.memory_space<vmem>>, vector<16xi32>,
    %shift_right_logical3A_424 = arith.constant 7 : i32
    %shift_right_logical3A_425 = vector.broadcast %shift_right_logical3A_424 : i32 to vector<16xi32>
    %shift_right_logical3A_426 = arith.shrui %get3A_423, %shift_right_logical3A_425 : vector<16xi32>
    %and3A_427 = arith.constant 127 : i32
    %and3A_428 = vector.broadcast %and3A_427 : i32 to vector<16xi32>
    %and3A_429 = arith.andi %get3A_423, %and3A_428 : vector<16xi32>
    tpu.vector_store_idx %arg13[%shift_right_logical3A_426, %and3A_429], %broadcast_in_dim3A_20 {add = true} : memref<80x128xf32, #tpu.memory_space<vmem>>[vector<16xi32>, vector<16xi32>], vector<16xf32>,
    %get3A_430 = arith.constant 1 : i32
    %get3A_431 = arith.index_cast %get3A_430 : i32 to index
    %get3A_432 = arith.constant 16 : index
    %get3A_433 = tpu.vector_load %arg11[%get3A_431, %get3A_432] {strides = array<i32>} : memref<4x128xi32, #tpu.memory_space<vmem>>, vector<16xi32>,
    %shift_right_logical3A_434 = arith.constant 7 : i32
    %shift_right_logical3A_435 = vector.broadcast %shift_right_logical3A_434 : i32 to vector<16xi32>
    %shift_right_logical3A_436 = arith.shrui %get3A_433, %shift_right_logical3A_435 : vector<16xi32>
    %and3A_437 = arith.constant 127 : i32
    %and3A_438 = vector.broadcast %and3A_437 : i32 to vector<16xi32>
    %and3A_439 = arith.andi %get3A_433, %and3A_438 : vector<16xi32>
    tpu.vector_store_idx %arg13[%shift_right_logical3A_436, %and3A_439], %broadcast_in_dim3A_20 {add = true} : memref<80x128xf32, #tpu.memory_space<vmem>>[vector<16xi32>, vector<16xi32>], vector<16xf32>,
    %get3A_440 = arith.constant 1 : i32
    %get3A_441 = arith.index_cast %get3A_440 : i32 to index
    %get3A_442 = arith.constant 32 : index
    %get3A_443 = tpu.vector_load %arg11[%get3A_441, %get3A_442] {strides = array<i32>} : memref<4x128xi32, #tpu.memory_space<vmem>>, vector<16xi32>,
    %shift_right_logical3A_444 = arith.constant 7 : i32
    %shift_right_logical3A_445 = vector.broadcast %shift_right_logical3A_444 : i32 to vector<16xi32>
    %shift_right_logical3A_446 = arith.shrui %get3A_443, %shift_right_logical3A_445 : vector<16xi32>
    %and3A_447 = arith.constant 127 : i32
    %and3A_448 = vector.broadcast %and3A_447 : i32 to vector<16xi32>
    %and3A_449 = arith.andi %get3A_443, %and3A_448 : vector<16xi32>
    tpu.vector_store_idx %arg13[%shift_right_logical3A_446, %and3A_449], %broadcast_in_dim3A_20 {add = true} : memref<80x128xf32, #tpu.memory_space<vmem>>[vector<16xi32>, vector<16xi32>], vector<16xf32>,
    %get3A_450 = arith.constant 1 : i32
    %get3A_451 = arith.index_cast %get3A_450 : i32 to index
    %get3A_452 = arith.constant 48 : index
    %get3A_453 = tpu.vector_load %arg11[%get3A_451, %get3A_452] {strides = array<i32>} : memref<4x128xi32, #tpu.memory_space<vmem>>, vector<16xi32>,
    %shift_right_logical3A_454 = arith.constant 7 : i32
    %shift_right_logical3A_455 = vector.broadcast %shift_right_logical3A_454 : i32 to vector<16xi32>
    %shift_right_logical3A_456 = arith.shrui %get3A_453, %shift_right_logical3A_455 : vector<16xi32>
    %and3A_457 = arith.constant 127 : i32
    %and3A_458 = vector.broadcast %and3A_457 : i32 to vector<16xi32>
    %and3A_459 = arith.andi %get3A_453, %and3A_458 : vector<16xi32>
    tpu.vector_store_idx %arg13[%shift_right_logical3A_456, %and3A_459], %broadcast_in_dim3A_20 {add = true} : memref<80x128xf32, #tpu.memory_space<vmem>>[vector<16xi32>, vector<16xi32>], vector<16xf32>,
    %get3A_460 = arith.constant 1 : i32
    %get3A_461 = arith.index_cast %get3A_460 : i32 to index
    %get3A_462 = arith.constant 64 : index
    %get3A_463 = tpu.vector_load %arg11[%get3A_461, %get3A_462] {strides = array<i32>} : memref<4x128xi32, #tpu.memory_space<vmem>>, vector<16xi32>,
    %shift_right_logical3A_464 = arith.constant 7 : i32
    %shift_right_logical3A_465 = vector.broadcast %shift_right_logical3A_464 : i32 to vector<16xi32>
    %shift_right_logical3A_466 = arith.shrui %get3A_463, %shift_right_logical3A_465 : vector<16xi32>
    %and3A_467 = arith.constant 127 : i32
    %and3A_468 = vector.broadcast %and3A_467 : i32 to vector<16xi32>
    %and3A_469 = arith.andi %get3A_463, %and3A_468 : vector<16xi32>
    tpu.vector_store_idx %arg13[%shift_right_logical3A_466, %and3A_469], %broadcast_in_dim3A_20 {add = true} : memref<80x128xf32, #tpu.memory_space<vmem>>[vector<16xi32>, vector<16xi32>], vector<16xf32>,
    %get3A_470 = arith.constant 1 : i32
    %get3A_471 = arith.index_cast %get3A_470 : i32 to index
    %get3A_472 = arith.constant 80 : index
    %get3A_473 = tpu.vector_load %arg11[%get3A_471, %get3A_472] {strides = array<i32>} : memref<4x128xi32, #tpu.memory_space<vmem>>, vector<16xi32>,
    %shift_right_logical3A_474 = arith.constant 7 : i32
    %shift_right_logical3A_475 = vector.broadcast %shift_right_logical3A_474 : i32 to vector<16xi32>
    %shift_right_logical3A_476 = arith.shrui %get3A_473, %shift_right_logical3A_475 : vector<16xi32>
    %and3A_477 = arith.constant 127 : i32
    %and3A_478 = vector.broadcast %and3A_477 : i32 to vector<16xi32>
    %and3A_479 = arith.andi %get3A_473, %and3A_478 : vector<16xi32>
    tpu.vector_store_idx %arg13[%shift_right_logical3A_476, %and3A_479], %broadcast_in_dim3A_20 {add = true} : memref<80x128xf32, #tpu.memory_space<vmem>>[vector<16xi32>, vector<16xi32>], vector<16xf32>,
    %get3A_480 = arith.constant 1 : i32
    %get3A_481 = arith.index_cast %get3A_480 : i32 to index
    %get3A_482 = arith.constant 96 : index
    %get3A_483 = tpu.vector_load %arg11[%get3A_481, %get3A_482] {strides = array<i32>} : memref<4x128xi32, #tpu.memory_space<vmem>>, vector<16xi32>,
    %shift_right_logical3A_484 = arith.constant 7 : i32
    %shift_right_logical3A_485 = vector.broadcast %shift_right_logical3A_484 : i32 to vector<16xi32>
    %shift_right_logical3A_486 = arith.shrui %get3A_483, %shift_right_logical3A_485 : vector<16xi32>
    %and3A_487 = arith.constant 127 : i32
    %and3A_488 = vector.broadcast %and3A_487 : i32 to vector<16xi32>
    %and3A_489 = arith.andi %get3A_483, %and3A_488 : vector<16xi32>
    tpu.vector_store_idx %arg13[%shift_right_logical3A_486, %and3A_489], %broadcast_in_dim3A_20 {add = true} : memref<80x128xf32, #tpu.memory_space<vmem>>[vector<16xi32>, vector<16xi32>], vector<16xf32>,
    %get3A_490 = arith.constant 1 : i32
    %get3A_491 = arith.index_cast %get3A_490 : i32 to index
    %get3A_492 = arith.constant 112 : index
    %get3A_493 = tpu.vector_load %arg11[%get3A_491, %get3A_492] {strides = array<i32>} : memref<4x128xi32, #tpu.memory_space<vmem>>, vector<16xi32>,
    %shift_right_logical3A_494 = arith.constant 7 : i32
    %shift_right_logical3A_495 = vector.broadcast %shift_right_logical3A_494 : i32 to vector<16xi32>
    %shift_right_logical3A_496 = arith.shrui %get3A_493, %shift_right_logical3A_495 : vector<16xi32>
    %and3A_497 = arith.constant 127 : i32
    %and3A_498 = vector.broadcast %and3A_497 : i32 to vector<16xi32>
    %and3A_499 = arith.andi %get3A_493, %and3A_498 : vector<16xi32>
    tpu.vector_store_idx %arg13[%shift_right_logical3A_496, %and3A_499], %broadcast_in_dim3A_20 {add = true} : memref<80x128xf32, #tpu.memory_space<vmem>>[vector<16xi32>, vector<16xi32>], vector<16xf32>,
    %dma_wait3A_500 = arith.constant 0 : i32
    %dma_wait3A_501 = arith.constant 0 : i32
    %dma_wait3A_502 = arith.constant 0 : i32
    %dma_wait3A_503 = arith.constant 0 : i32
    %dma_wait3A_504 = arith.constant 0 : i32
    %dma_wait3A_505 = tpu.memref_slice %arg12[%dma_wait3A_500, %dma_wait3A_503, %dma_wait3A_504] : memref<2x128x128xf32, #tpu.memory_space<vmem>> -> memref<1x128x128xf32, #tpu.memory_space<vmem>>
    %dma_wait3A_506 = tpu.memref_squeeze %dma_wait3A_505 : memref<1x128x128xf32, #tpu.memory_space<vmem>> -> memref<128x128xf32, #tpu.memory_space<vmem>>
    %dma_wait3A_507 = arith.constant 0 : i32
    %dma_wait3A_508 = tpu.memref_slice %arg11[%dma_wait3A_501, %dma_wait3A_507] : memref<4x128xi32, #tpu.memory_space<vmem>> -> memref<1x128xi32, #tpu.memory_space<vmem>>
    %dma_wait3A_509 = tpu.memref_squeeze %dma_wait3A_508 : memref<1x128xi32, #tpu.memory_space<vmem>> -> memref<128xi32, #tpu.memory_space<vmem>>
    %dma_wait3A_510 = arith.constant 0 : i32
    %dma_wait3A_511 = arith.constant 0 : i32
    %dma_wait3A_512 = tpu.memref_slice %arg9[%dma_wait3A_510, %dma_wait3A_511] : memref<10240x128xf32, #tpu.memory_space<vmem_shared>> -> memref<10240x128xf32, #tpu.memory_space<vmem_shared>>
    %dma_wait3A_513 = tpu.memref_slice %arg15[%dma_wait3A_502] : memref<2x!tpu.dma_semaphore, #tpu.memory_space<semaphore_mem>> -> memref<1x!tpu.dma_semaphore, #tpu.memory_space<semaphore_mem>>
    %dma_wait3A_514 = tpu.memref_squeeze %dma_wait3A_513 : memref<1x!tpu.dma_semaphore, #tpu.memory_space<semaphore_mem>> -> memref<!tpu.dma_semaphore, #tpu.memory_space<semaphore_mem>>
    tpu.wait_indirect_dma semaphore(%dma_wait3A_514 : memref<!tpu.dma_semaphore, #tpu.memory_space<semaphore_mem>>) src(%dma_wait3A_506 : memref<128x128xf32, #tpu.memory_space<vmem>>) dst(%dma_wait3A_512 : memref<10240x128xf32, #tpu.memory_space<vmem_shared>>)
    %dma_wait3A_515 = arith.constant 0 : i32
    %dma_wait3A_516 = arith.constant 2 : i32
    %dma_wait3A_517 = arith.constant 2 : i32
    %dma_wait3A_518 = arith.constant 0 : i32
    %dma_wait3A_519 = tpu.memref_slice %arg10[%dma_wait3A_516, %dma_wait3A_518] : memref<4x128xi32, #tpu.memory_space<vmem>> -> memref<1x128xi32, #tpu.memory_space<vmem>>
    %dma_wait3A_520 = tpu.memref_squeeze %dma_wait3A_519 : memref<1x128xi32, #tpu.memory_space<vmem>> -> memref<128xi32, #tpu.memory_space<vmem>>
    %dma_wait3A_521 = arith.constant 0 : i32
    %dma_wait3A_522 = tpu.memref_slice %arg3[%add3A, %dma_wait3A_515, %dma_wait3A_521] : memref<32x80x128xi32, #tpu.memory_space<hbm>> -> memref<1x1x128xi32, #tpu.memory_space<hbm>>
    %dma_wait3A_523 = tpu.memref_squeeze %dma_wait3A_522 : memref<1x1x128xi32, #tpu.memory_space<hbm>> -> memref<128xi32, #tpu.memory_space<hbm>>
    %dma_wait3A_524 = tpu.memref_slice %arg16[%dma_wait3A_517] : memref<4x!tpu.dma_semaphore, #tpu.memory_space<semaphore_mem>> -> memref<1x!tpu.dma_semaphore, #tpu.memory_space<semaphore_mem>>
    %dma_wait3A_525 = tpu.memref_squeeze %dma_wait3A_524 : memref<1x!tpu.dma_semaphore, #tpu.memory_space<semaphore_mem>> -> memref<!tpu.dma_semaphore, #tpu.memory_space<semaphore_mem>>
    %dma_wait3A_526 = arith.constant 0 : i32
    %dma_wait3A_527 = tpu.memref_slice %arg10[%dma_wait3A_516, %dma_wait3A_526] : memref<4x128xi32, #tpu.memory_space<vmem>> -> memref<1x128xi32, #tpu.memory_space<vmem>>
    %dma_wait3A_528 = tpu.memref_squeeze %dma_wait3A_527 : memref<1x128xi32, #tpu.memory_space<vmem>> -> memref<128xi32, #tpu.memory_space<vmem>>
    %dma_wait3A_529 = arith.constant 0 : i32
    %dma_wait3A_530 = tpu.memref_slice %arg3[%add3A, %dma_wait3A_515, %dma_wait3A_529] : memref<32x80x128xi32, #tpu.memory_space<hbm>> -> memref<1x1x128xi32, #tpu.memory_space<hbm>>
    %dma_wait3A_531 = tpu.memref_squeeze %dma_wait3A_530 : memref<1x1x128xi32, #tpu.memory_space<hbm>> -> memref<128xi32, #tpu.memory_space<hbm>>
    tpu.wait_dma2 semaphore(%dma_wait3A_525 : memref<!tpu.dma_semaphore, #tpu.memory_space<semaphore_mem>>) src(%dma_wait3A_531 : memref<128xi32, #tpu.memory_space<hbm>>) dst(%dma_wait3A_528 : memref<128xi32, #tpu.memory_space<vmem>>)
    %dma_wait3A_532 = arith.constant 0 : i32
    %dma_wait3A_533 = arith.constant 2 : i32
    %dma_wait3A_534 = arith.constant 2 : i32
    %dma_wait3A_535 = arith.constant 0 : i32
    %dma_wait3A_536 = tpu.memref_slice %arg11[%dma_wait3A_533, %dma_wait3A_535] : memref<4x128xi32, #tpu.memory_space<vmem>> -> memref<1x128xi32, #tpu.memory_space<vmem>>
    %dma_wait3A_537 = tpu.memref_squeeze %dma_wait3A_536 : memref<1x128xi32, #tpu.memory_space<vmem>> -> memref<128xi32, #tpu.memory_space<vmem>>
    %dma_wait3A_538 = arith.constant 0 : i32
    %dma_wait3A_539 = tpu.memref_slice %arg4[%add3A, %dma_wait3A_532, %dma_wait3A_538] : memref<32x80x128xi32, #tpu.memory_space<hbm>> -> memref<1x1x128xi32, #tpu.memory_space<hbm>>
    %dma_wait3A_540 = tpu.memref_squeeze %dma_wait3A_539 : memref<1x1x128xi32, #tpu.memory_space<hbm>> -> memref<128xi32, #tpu.memory_space<hbm>>
    %dma_wait3A_541 = tpu.memref_slice %arg17[%dma_wait3A_534] : memref<4x!tpu.dma_semaphore, #tpu.memory_space<semaphore_mem>> -> memref<1x!tpu.dma_semaphore, #tpu.memory_space<semaphore_mem>>
    %dma_wait3A_542 = tpu.memref_squeeze %dma_wait3A_541 : memref<1x!tpu.dma_semaphore, #tpu.memory_space<semaphore_mem>> -> memref<!tpu.dma_semaphore, #tpu.memory_space<semaphore_mem>>
    %dma_wait3A_543 = arith.constant 0 : i32
    %dma_wait3A_544 = tpu.memref_slice %arg11[%dma_wait3A_533, %dma_wait3A_543] : memref<4x128xi32, #tpu.memory_space<vmem>> -> memref<1x128xi32, #tpu.memory_space<vmem>>
    %dma_wait3A_545 = tpu.memref_squeeze %dma_wait3A_544 : memref<1x128xi32, #tpu.memory_space<vmem>> -> memref<128xi32, #tpu.memory_space<vmem>>
    %dma_wait3A_546 = arith.constant 0 : i32
    %dma_wait3A_547 = tpu.memref_slice %arg4[%add3A, %dma_wait3A_532, %dma_wait3A_546] : memref<32x80x128xi32, #tpu.memory_space<hbm>> -> memref<1x1x128xi32, #tpu.memory_space<hbm>>
    %dma_wait3A_548 = tpu.memref_squeeze %dma_wait3A_547 : memref<1x1x128xi32, #tpu.memory_space<hbm>> -> memref<128xi32, #tpu.memory_space<hbm>>
    tpu.wait_dma2 semaphore(%dma_wait3A_542 : memref<!tpu.dma_semaphore, #tpu.memory_space<semaphore_mem>>) src(%dma_wait3A_548 : memref<128xi32, #tpu.memory_space<hbm>>) dst(%dma_wait3A_545 : memref<128xi32, #tpu.memory_space<vmem>>)
    %dma_start3A_549 = arith.constant 2 : i32
    %dma_start3A_550 = arith.constant 0 : i32
    %dma_start3A_551 = arith.constant 0 : i32
    %dma_start3A_552 = arith.constant 0 : i32
    %dma_start3A_553 = arith.constant 0 : i32
    %dma_start3A_554 = tpu.memref_slice %arg12[%dma_start3A_550, %dma_start3A_552, %dma_start3A_553] : memref<2x128x128xf32, #tpu.memory_space<vmem>> -> memref<1x128x128xf32, #tpu.memory_space<vmem>>
    %dma_start3A_555 = tpu.memref_squeeze %dma_start3A_554 : memref<1x128x128xf32, #tpu.memory_space<vmem>> -> memref<128x128xf32, #tpu.memory_space<vmem>>
    %dma_start3A_556 = arith.constant 0 : i32
    %dma_start3A_557 = tpu.memref_slice %arg10[%dma_start3A_549, %dma_start3A_556] : memref<4x128xi32, #tpu.memory_space<vmem>> -> memref<1x128xi32, #tpu.memory_space<vmem>>
    %dma_start3A_558 = tpu.memref_squeeze %dma_start3A_557 : memref<1x128xi32, #tpu.memory_space<vmem>> -> memref<128xi32, #tpu.memory_space<vmem>>
    %dma_start3A_559 = arith.constant 0 : i32
    %dma_start3A_560 = arith.constant 0 : i32
    %dma_start3A_561 = tpu.memref_slice %arg2[%dma_start3A_559, %dma_start3A_560] : memref<10000x128xf32, #tpu.memory_space<hbm>> -> memref<10000x128xf32, #tpu.memory_space<hbm>>
    %dma_start3A_562 = tpu.memref_slice %arg14[%dma_start3A_551] : memref<2x!tpu.dma_semaphore, #tpu.memory_space<semaphore_mem>> -> memref<1x!tpu.dma_semaphore, #tpu.memory_space<semaphore_mem>>
    %dma_start3A_563 = tpu.memref_squeeze %dma_start3A_562 : memref<1x!tpu.dma_semaphore, #tpu.memory_space<semaphore_mem>> -> memref<!tpu.dma_semaphore, #tpu.memory_space<semaphore_mem>>
    tpu.enqueue_indirect_dma source(%dma_start3A_561 : memref<10000x128xf32, #tpu.memory_space<hbm>>) target(%dma_start3A_555 : memref<128x128xf32, #tpu.memory_space<vmem>>) offsets(%dma_start3A_558 : memref<128xi32, #tpu.memory_space<vmem>>) semaphore(%dma_start3A_563 : memref<!tpu.dma_semaphore, #tpu.memory_space<semaphore_mem>>)
    %dma_wait3A_564 = arith.constant 1 : i32
    %dma_wait3A_565 = arith.constant 0 : i32
    %dma_wait3A_566 = arith.constant 1 : i32
    %dma_wait3A_567 = arith.constant 0 : i32
    %dma_wait3A_568 = arith.constant 0 : i32
    %dma_wait3A_569 = tpu.memref_slice %arg12[%dma_wait3A_564, %dma_wait3A_567, %dma_wait3A_568] : memref<2x128x128xf32, #tpu.memory_space<vmem>> -> memref<1x128x128xf32, #tpu.memory_space<vmem>>
    %dma_wait3A_570 = tpu.memref_squeeze %dma_wait3A_569 : memref<1x128x128xf32, #tpu.memory_space<vmem>> -> memref<128x128xf32, #tpu.memory_space<vmem>>
    %dma_wait3A_571 = arith.constant 0 : i32
    %dma_wait3A_572 = tpu.memref_slice %arg11[%dma_wait3A_565, %dma_wait3A_571] : memref<4x128xi32, #tpu.memory_space<vmem>> -> memref<1x128xi32, #tpu.memory_space<vmem>>
    %dma_wait3A_573 = tpu.memref_squeeze %dma_wait3A_572 : memref<1x128xi32, #tpu.memory_space<vmem>> -> memref<128xi32, #tpu.memory_space<vmem>>
    %dma_wait3A_574 = arith.constant 0 : i32
    %dma_wait3A_575 = arith.constant 0 : i32
    %dma_wait3A_576 = tpu.memref_slice %arg9[%dma_wait3A_574, %dma_wait3A_575] : memref<10240x128xf32, #tpu.memory_space<vmem_shared>> -> memref<10240x128xf32, #tpu.memory_space<vmem_shared>>
    %dma_wait3A_577 = tpu.memref_slice %arg15[%dma_wait3A_566] : memref<2x!tpu.dma_semaphore, #tpu.memory_space<semaphore_mem>> -> memref<1x!tpu.dma_semaphore, #tpu.memory_space<semaphore_mem>>
    %dma_wait3A_578 = tpu.memref_squeeze %dma_wait3A_577 : memref<1x!tpu.dma_semaphore, #tpu.memory_space<semaphore_mem>> -> memref<!tpu.dma_semaphore, #tpu.memory_space<semaphore_mem>>
    tpu.wait_indirect_dma semaphore(%dma_wait3A_578 : memref<!tpu.dma_semaphore, #tpu.memory_space<semaphore_mem>>) src(%dma_wait3A_570 : memref<128x128xf32, #tpu.memory_space<vmem>>) dst(%dma_wait3A_576 : memref<10240x128xf32, #tpu.memory_space<vmem_shared>>)
    %dma_wait3A_579 = arith.constant 0 : i32
    %dma_wait3A_580 = arith.constant 3 : i32
    %dma_wait3A_581 = arith.constant 3 : i32
    %dma_wait3A_582 = arith.constant 0 : i32
    %dma_wait3A_583 = tpu.memref_slice %arg10[%dma_wait3A_580, %dma_wait3A_582] : memref<4x128xi32, #tpu.memory_space<vmem>> -> memref<1x128xi32, #tpu.memory_space<vmem>>
    %dma_wait3A_584 = tpu.memref_squeeze %dma_wait3A_583 : memref<1x128xi32, #tpu.memory_space<vmem>> -> memref<128xi32, #tpu.memory_space<vmem>>
    %dma_wait3A_585 = arith.constant 0 : i32
    %dma_wait3A_586 = tpu.memref_slice %arg3[%add3A, %dma_wait3A_579, %dma_wait3A_585] : memref<32x80x128xi32, #tpu.memory_space<hbm>> -> memref<1x1x128xi32, #tpu.memory_space<hbm>>
    %dma_wait3A_587 = tpu.memref_squeeze %dma_wait3A_586 : memref<1x1x128xi32, #tpu.memory_space<hbm>> -> memref<128xi32, #tpu.memory_space<hbm>>
    %dma_wait3A_588 = tpu.memref_slice %arg16[%dma_wait3A_581] : memref<4x!tpu.dma_semaphore, #tpu.memory_space<semaphore_mem>> -> memref<1x!tpu.dma_semaphore, #tpu.memory_space<semaphore_mem>>
    %dma_wait3A_589 = tpu.memref_squeeze %dma_wait3A_588 : memref<1x!tpu.dma_semaphore, #tpu.memory_space<semaphore_mem>> -> memref<!tpu.dma_semaphore, #tpu.memory_space<semaphore_mem>>
    %dma_wait3A_590 = arith.constant 0 : i32
    %dma_wait3A_591 = tpu.memref_slice %arg10[%dma_wait3A_580, %dma_wait3A_590] : memref<4x128xi32, #tpu.memory_space<vmem>> -> memref<1x128xi32, #tpu.memory_space<vmem>>
    %dma_wait3A_592 = tpu.memref_squeeze %dma_wait3A_591 : memref<1x128xi32, #tpu.memory_space<vmem>> -> memref<128xi32, #tpu.memory_space<vmem>>
    %dma_wait3A_593 = arith.constant 0 : i32
    %dma_wait3A_594 = tpu.memref_slice %arg3[%add3A, %dma_wait3A_579, %dma_wait3A_593] : memref<32x80x128xi32, #tpu.memory_space<hbm>> -> memref<1x1x128xi32, #tpu.memory_space<hbm>>
    %dma_wait3A_595 = tpu.memref_squeeze %dma_wait3A_594 : memref<1x1x128xi32, #tpu.memory_space<hbm>> -> memref<128xi32, #tpu.memory_space<hbm>>
    tpu.wait_dma2 semaphore(%dma_wait3A_589 : memref<!tpu.dma_semaphore, #tpu.memory_space<semaphore_mem>>) src(%dma_wait3A_595 : memref<128xi32, #tpu.memory_space<hbm>>) dst(%dma_wait3A_592 : memref<128xi32, #tpu.memory_space<vmem>>)
    %dma_wait3A_596 = arith.constant 0 : i32
    %dma_wait3A_597 = arith.constant 3 : i32
    %dma_wait3A_598 = arith.constant 3 : i32
    %dma_wait3A_599 = arith.constant 0 : i32
    %dma_wait3A_600 = tpu.memref_slice %arg11[%dma_wait3A_597, %dma_wait3A_599] : memref<4x128xi32, #tpu.memory_space<vmem>> -> memref<1x128xi32, #tpu.memory_space<vmem>>
    %dma_wait3A_601 = tpu.memref_squeeze %dma_wait3A_600 : memref<1x128xi32, #tpu.memory_space<vmem>> -> memref<128xi32, #tpu.memory_space<vmem>>
    %dma_wait3A_602 = arith.constant 0 : i32
    %dma_wait3A_603 = tpu.memref_slice %arg4[%add3A, %dma_wait3A_596, %dma_wait3A_602] : memref<32x80x128xi32, #tpu.memory_space<hbm>> -> memref<1x1x128xi32, #tpu.memory_space<hbm>>
    %dma_wait3A_604 = tpu.memref_squeeze %dma_wait3A_603 : memref<1x1x128xi32, #tpu.memory_space<hbm>> -> memref<128xi32, #tpu.memory_space<hbm>>
    %dma_wait3A_605 = tpu.memref_slice %arg17[%dma_wait3A_598] : memref<4x!tpu.dma_semaphore, #tpu.memory_space<semaphore_mem>> -> memref<1x!tpu.dma_semaphore, #tpu.memory_space<semaphore_mem>>
    %dma_wait3A_606 = tpu.memref_squeeze %dma_wait3A_605 : memref<1x!tpu.dma_semaphore, #tpu.memory_space<semaphore_mem>> -> memref<!tpu.dma_semaphore, #tpu.memory_space<semaphore_mem>>
    %dma_wait3A_607 = arith.constant 0 : i32
    %dma_wait3A_608 = tpu.memref_slice %arg11[%dma_wait3A_597, %dma_wait3A_607] : memref<4x128xi32, #tpu.memory_space<vmem>> -> memref<1x128xi32, #tpu.memory_space<vmem>>
    %dma_wait3A_609 = tpu.memref_squeeze %dma_wait3A_608 : memref<1x128xi32, #tpu.memory_space<vmem>> -> memref<128xi32, #tpu.memory_space<vmem>>
    %dma_wait3A_610 = arith.constant 0 : i32
    %dma_wait3A_611 = tpu.memref_slice %arg4[%add3A, %dma_wait3A_596, %dma_wait3A_610] : memref<32x80x128xi32, #tpu.memory_space<hbm>> -> memref<1x1x128xi32, #tpu.memory_space<hbm>>
    %dma_wait3A_612 = tpu.memref_squeeze %dma_wait3A_611 : memref<1x1x128xi32, #tpu.memory_space<hbm>> -> memref<128xi32, #tpu.memory_space<hbm>>
    tpu.wait_dma2 semaphore(%dma_wait3A_606 : memref<!tpu.dma_semaphore, #tpu.memory_space<semaphore_mem>>) src(%dma_wait3A_612 : memref<128xi32, #tpu.memory_space<hbm>>) dst(%dma_wait3A_609 : memref<128xi32, #tpu.memory_space<vmem>>)
    %dma_start3A_613 = arith.constant 3 : i32
    %dma_start3A_614 = arith.constant 1 : i32
    %dma_start3A_615 = arith.constant 1 : i32
    %dma_start3A_616 = arith.constant 0 : i32
    %dma_start3A_617 = arith.constant 0 : i32
    %dma_start3A_618 = tpu.memref_slice %arg12[%dma_start3A_614, %dma_start3A_616, %dma_start3A_617] : memref<2x128x128xf32, #tpu.memory_space<vmem>> -> memref<1x128x128xf32, #tpu.memory_space<vmem>>
    %dma_start3A_619 = tpu.memref_squeeze %dma_start3A_618 : memref<1x128x128xf32, #tpu.memory_space<vmem>> -> memref<128x128xf32, #tpu.memory_space<vmem>>
    %dma_start3A_620 = arith.constant 0 : i32
    %dma_start3A_621 = tpu.memref_slice %arg10[%dma_start3A_613, %dma_start3A_620] : memref<4x128xi32, #tpu.memory_space<vmem>> -> memref<1x128xi32, #tpu.memory_space<vmem>>
    %dma_start3A_622 = tpu.memref_squeeze %dma_start3A_621 : memref<1x128xi32, #tpu.memory_space<vmem>> -> memref<128xi32, #tpu.memory_space<vmem>>
    %dma_start3A_623 = arith.constant 0 : i32
    %dma_start3A_624 = arith.constant 0 : i32
    %dma_start3A_625 = tpu.memref_slice %arg2[%dma_start3A_623, %dma_start3A_624] : memref<10000x128xf32, #tpu.memory_space<hbm>> -> memref<10000x128xf32, #tpu.memory_space<hbm>>
    %dma_start3A_626 = tpu.memref_slice %arg14[%dma_start3A_615] : memref<2x!tpu.dma_semaphore, #tpu.memory_space<semaphore_mem>> -> memref<1x!tpu.dma_semaphore, #tpu.memory_space<semaphore_mem>>
    %dma_start3A_627 = tpu.memref_squeeze %dma_start3A_626 : memref<1x!tpu.dma_semaphore, #tpu.memory_space<semaphore_mem>> -> memref<!tpu.dma_semaphore, #tpu.memory_space<semaphore_mem>>
    tpu.enqueue_indirect_dma source(%dma_start3A_625 : memref<10000x128xf32, #tpu.memory_space<hbm>>) target(%dma_start3A_619 : memref<128x128xf32, #tpu.memory_space<vmem>>) offsets(%dma_start3A_622 : memref<128xi32, #tpu.memory_space<vmem>>) semaphore(%dma_start3A_627 : memref<!tpu.dma_semaphore, #tpu.memory_space<semaphore_mem>>)
    %dma_wait3A_628 = arith.constant 0 : i32
    %dma_wait3A_629 = arith.constant 0 : i32
    %dma_wait3A_630 = arith.constant 0 : i32
    %dma_wait3A_631 = arith.constant 0 : i32
    %dma_wait3A_632 = arith.constant 0 : i32
    %dma_wait3A_633 = tpu.memref_slice %arg12[%dma_wait3A_629, %dma_wait3A_631, %dma_wait3A_632] : memref<2x128x128xf32, #tpu.memory_space<vmem>> -> memref<1x128x128xf32, #tpu.memory_space<vmem>>
    %dma_wait3A_634 = tpu.memref_squeeze %dma_wait3A_633 : memref<1x128x128xf32, #tpu.memory_space<vmem>> -> memref<128x128xf32, #tpu.memory_space<vmem>>
    %dma_wait3A_635 = arith.constant 0 : i32
    %dma_wait3A_636 = tpu.memref_slice %arg10[%dma_wait3A_628, %dma_wait3A_635] : memref<4x128xi32, #tpu.memory_space<vmem>> -> memref<1x128xi32, #tpu.memory_space<vmem>>
    %dma_wait3A_637 = tpu.memref_squeeze %dma_wait3A_636 : memref<1x128xi32, #tpu.memory_space<vmem>> -> memref<128xi32, #tpu.memory_space<vmem>>
    %dma_wait3A_638 = arith.constant 0 : i32
    %dma_wait3A_639 = arith.constant 0 : i32
    %dma_wait3A_640 = tpu.memref_slice %arg2[%dma_wait3A_638, %dma_wait3A_639] : memref<10000x128xf32, #tpu.memory_space<hbm>> -> memref<10000x128xf32, #tpu.memory_space<hbm>>
    %dma_wait3A_641 = tpu.memref_slice %arg14[%dma_wait3A_630] : memref<2x!tpu.dma_semaphore, #tpu.memory_space<semaphore_mem>> -> memref<1x!tpu.dma_semaphore, #tpu.memory_space<semaphore_mem>>
    %dma_wait3A_642 = tpu.memref_squeeze %dma_wait3A_641 : memref<1x!tpu.dma_semaphore, #tpu.memory_space<semaphore_mem>> -> memref<!tpu.dma_semaphore, #tpu.memory_space<semaphore_mem>>
    tpu.wait_indirect_dma semaphore(%dma_wait3A_642 : memref<!tpu.dma_semaphore, #tpu.memory_space<semaphore_mem>>) src(%dma_wait3A_640 : memref<10000x128xf32, #tpu.memory_space<hbm>>) dst(%dma_wait3A_634 : memref<128x128xf32, #tpu.memory_space<vmem>>)
    %dma_start3A_643 = arith.constant 0 : i32
    %dma_start3A_644 = arith.constant 2 : i32
    %dma_start3A_645 = arith.constant 0 : i32
    %dma_start3A_646 = arith.constant 0 : i32
    %dma_start3A_647 = arith.constant 0 : i32
    %dma_start3A_648 = tpu.memref_slice %arg12[%dma_start3A_643, %dma_start3A_646, %dma_start3A_647] : memref<2x128x128xf32, #tpu.memory_space<vmem>> -> memref<1x128x128xf32, #tpu.memory_space<vmem>>
    %dma_start3A_649 = tpu.memref_squeeze %dma_start3A_648 : memref<1x128x128xf32, #tpu.memory_space<vmem>> -> memref<128x128xf32, #tpu.memory_space<vmem>>
    %dma_start3A_650 = arith.constant 0 : i32
    %dma_start3A_651 = tpu.memref_slice %arg11[%dma_start3A_644, %dma_start3A_650] : memref<4x128xi32, #tpu.memory_space<vmem>> -> memref<1x128xi32, #tpu.memory_space<vmem>>
    %dma_start3A_652 = tpu.memref_squeeze %dma_start3A_651 : memref<1x128xi32, #tpu.memory_space<vmem>> -> memref<128xi32, #tpu.memory_space<vmem>>
    %dma_start3A_653 = arith.constant 0 : i32
    %dma_start3A_654 = arith.constant 0 : i32
    %dma_start3A_655 = tpu.memref_slice %arg9[%dma_start3A_653, %dma_start3A_654] : memref<10240x128xf32, #tpu.memory_space<vmem_shared>> -> memref<10240x128xf32, #tpu.memory_space<vmem_shared>>
    %dma_start3A_656 = tpu.memref_slice %arg15[%dma_start3A_645] : memref<2x!tpu.dma_semaphore, #tpu.memory_space<semaphore_mem>> -> memref<1x!tpu.dma_semaphore, #tpu.memory_space<semaphore_mem>>
    %dma_start3A_657 = tpu.memref_squeeze %dma_start3A_656 : memref<1x!tpu.dma_semaphore, #tpu.memory_space<semaphore_mem>> -> memref<!tpu.dma_semaphore, #tpu.memory_space<semaphore_mem>>
    tpu.enqueue_indirect_dma source(%dma_start3A_649 : memref<128x128xf32, #tpu.memory_space<vmem>>) target(%dma_start3A_655 : memref<10240x128xf32, #tpu.memory_space<vmem_shared>>) offsets(%dma_start3A_652 : memref<128xi32, #tpu.memory_space<vmem>>) semaphore(%dma_start3A_657 : memref<!tpu.dma_semaphore, #tpu.memory_space<semaphore_mem>>) {add = true}
    %get3A_658 = arith.constant 2 : i32
    %get3A_659 = arith.index_cast %get3A_658 : i32 to index
    %get3A_660 = arith.constant 0 : index
    %get3A_661 = tpu.vector_load %arg11[%get3A_659, %get3A_660] {strides = array<i32>} : memref<4x128xi32, #tpu.memory_space<vmem>>, vector<16xi32>,
    %shift_right_logical3A_662 = arith.constant 7 : i32
    %shift_right_logical3A_663 = vector.broadcast %shift_right_logical3A_662 : i32 to vector<16xi32>
    %shift_right_logical3A_664 = arith.shrui %get3A_661, %shift_right_logical3A_663 : vector<16xi32>
    %and3A_665 = arith.constant 127 : i32
    %and3A_666 = vector.broadcast %and3A_665 : i32 to vector<16xi32>
    %and3A_667 = arith.andi %get3A_661, %and3A_666 : vector<16xi32>
    tpu.vector_store_idx %arg13[%shift_right_logical3A_664, %and3A_667], %broadcast_in_dim3A_20 {add = true} : memref<80x128xf32, #tpu.memory_space<vmem>>[vector<16xi32>, vector<16xi32>], vector<16xf32>,
    %get3A_668 = arith.constant 2 : i32
    %get3A_669 = arith.index_cast %get3A_668 : i32 to index
    %get3A_670 = arith.constant 16 : index
    %get3A_671 = tpu.vector_load %arg11[%get3A_669, %get3A_670] {strides = array<i32>} : memref<4x128xi32, #tpu.memory_space<vmem>>, vector<16xi32>,
    %shift_right_logical3A_672 = arith.constant 7 : i32
    %shift_right_logical3A_673 = vector.broadcast %shift_right_logical3A_672 : i32 to vector<16xi32>
    %shift_right_logical3A_674 = arith.shrui %get3A_671, %shift_right_logical3A_673 : vector<16xi32>
    %and3A_675 = arith.constant 127 : i32
    %and3A_676 = vector.broadcast %and3A_675 : i32 to vector<16xi32>
    %and3A_677 = arith.andi %get3A_671, %and3A_676 : vector<16xi32>
    tpu.vector_store_idx %arg13[%shift_right_logical3A_674, %and3A_677], %broadcast_in_dim3A_20 {add = true} : memref<80x128xf32, #tpu.memory_space<vmem>>[vector<16xi32>, vector<16xi32>], vector<16xf32>,
    %get3A_678 = arith.constant 2 : i32
    %get3A_679 = arith.index_cast %get3A_678 : i32 to index
    %get3A_680 = arith.constant 32 : index
    %get3A_681 = tpu.vector_load %arg11[%get3A_679, %get3A_680] {strides = array<i32>} : memref<4x128xi32, #tpu.memory_space<vmem>>, vector<16xi32>,
    %shift_right_logical3A_682 = arith.constant 7 : i32
    %shift_right_logical3A_683 = vector.broadcast %shift_right_logical3A_682 : i32 to vector<16xi32>
    %shift_right_logical3A_684 = arith.shrui %get3A_681, %shift_right_logical3A_683 : vector<16xi32>
    %and3A_685 = arith.constant 127 : i32
    %and3A_686 = vector.broadcast %and3A_685 : i32 to vector<16xi32>
    %and3A_687 = arith.andi %get3A_681, %and3A_686 : vector<16xi32>
    tpu.vector_store_idx %arg13[%shift_right_logical3A_684, %and3A_687], %broadcast_in_dim3A_20 {add = true} : memref<80x128xf32, #tpu.memory_space<vmem>>[vector<16xi32>, vector<16xi32>], vector<16xf32>,
    %get3A_688 = arith.constant 2 : i32
    %get3A_689 = arith.index_cast %get3A_688 : i32 to index
    %get3A_690 = arith.constant 48 : index
    %get3A_691 = tpu.vector_load %arg11[%get3A_689, %get3A_690] {strides = array<i32>} : memref<4x128xi32, #tpu.memory_space<vmem>>, vector<16xi32>,
    %shift_right_logical3A_692 = arith.constant 7 : i32
    %shift_right_logical3A_693 = vector.broadcast %shift_right_logical3A_692 : i32 to vector<16xi32>
    %shift_right_logical3A_694 = arith.shrui %get3A_691, %shift_right_logical3A_693 : vector<16xi32>
    %and3A_695 = arith.constant 127 : i32
    %and3A_696 = vector.broadcast %and3A_695 : i32 to vector<16xi32>
    %and3A_697 = arith.andi %get3A_691, %and3A_696 : vector<16xi32>
    tpu.vector_store_idx %arg13[%shift_right_logical3A_694, %and3A_697], %broadcast_in_dim3A_20 {add = true} : memref<80x128xf32, #tpu.memory_space<vmem>>[vector<16xi32>, vector<16xi32>], vector<16xf32>,
    %get3A_698 = arith.constant 2 : i32
    %get3A_699 = arith.index_cast %get3A_698 : i32 to index
    %get3A_700 = arith.constant 64 : index
    %get3A_701 = tpu.vector_load %arg11[%get3A_699, %get3A_700] {strides = array<i32>} : memref<4x128xi32, #tpu.memory_space<vmem>>, vector<16xi32>,
    %shift_right_logical3A_702 = arith.constant 7 : i32
    %shift_right_logical3A_703 = vector.broadcast %shift_right_logical3A_702 : i32 to vector<16xi32>
    %shift_right_logical3A_704 = arith.shrui %get3A_701, %shift_right_logical3A_703 : vector<16xi32>
    %and3A_705 = arith.constant 127 : i32
    %and3A_706 = vector.broadcast %and3A_705 : i32 to vector<16xi32>
    %and3A_707 = arith.andi %get3A_701, %and3A_706 : vector<16xi32>
    tpu.vector_store_idx %arg13[%shift_right_logical3A_704, %and3A_707], %broadcast_in_dim3A_20 {add = true} : memref<80x128xf32, #tpu.memory_space<vmem>>[vector<16xi32>, vector<16xi32>], vector<16xf32>,
    %get3A_708 = arith.constant 2 : i32
    %get3A_709 = arith.index_cast %get3A_708 : i32 to index
    %get3A_710 = arith.constant 80 : index
    %get3A_711 = tpu.vector_load %arg11[%get3A_709, %get3A_710] {strides = array<i32>} : memref<4x128xi32, #tpu.memory_space<vmem>>, vector<16xi32>,
    %shift_right_logical3A_712 = arith.constant 7 : i32
    %shift_right_logical3A_713 = vector.broadcast %shift_right_logical3A_712 : i32 to vector<16xi32>
    %shift_right_logical3A_714 = arith.shrui %get3A_711, %shift_right_logical3A_713 : vector<16xi32>
    %and3A_715 = arith.constant 127 : i32
    %and3A_716 = vector.broadcast %and3A_715 : i32 to vector<16xi32>
    %and3A_717 = arith.andi %get3A_711, %and3A_716 : vector<16xi32>
    tpu.vector_store_idx %arg13[%shift_right_logical3A_714, %and3A_717], %broadcast_in_dim3A_20 {add = true} : memref<80x128xf32, #tpu.memory_space<vmem>>[vector<16xi32>, vector<16xi32>], vector<16xf32>,
    %get3A_718 = arith.constant 2 : i32
    %get3A_719 = arith.index_cast %get3A_718 : i32 to index
    %get3A_720 = arith.constant 96 : index
    %get3A_721 = tpu.vector_load %arg11[%get3A_719, %get3A_720] {strides = array<i32>} : memref<4x128xi32, #tpu.memory_space<vmem>>, vector<16xi32>,
    %shift_right_logical3A_722 = arith.constant 7 : i32
    %shift_right_logical3A_723 = vector.broadcast %shift_right_logical3A_722 : i32 to vector<16xi32>
    %shift_right_logical3A_724 = arith.shrui %get3A_721, %shift_right_logical3A_723 : vector<16xi32>
    %and3A_725 = arith.constant 127 : i32
    %and3A_726 = vector.broadcast %and3A_725 : i32 to vector<16xi32>
    %and3A_727 = arith.andi %get3A_721, %and3A_726 : vector<16xi32>
    tpu.vector_store_idx %arg13[%shift_right_logical3A_724, %and3A_727], %broadcast_in_dim3A_20 {add = true} : memref<80x128xf32, #tpu.memory_space<vmem>>[vector<16xi32>, vector<16xi32>], vector<16xf32>,
    %get3A_728 = arith.constant 2 : i32
    %get3A_729 = arith.index_cast %get3A_728 : i32 to index
    %get3A_730 = arith.constant 112 : index
    %get3A_731 = tpu.vector_load %arg11[%get3A_729, %get3A_730] {strides = array<i32>} : memref<4x128xi32, #tpu.memory_space<vmem>>, vector<16xi32>,
    %shift_right_logical3A_732 = arith.constant 7 : i32
    %shift_right_logical3A_733 = vector.broadcast %shift_right_logical3A_732 : i32 to vector<16xi32>
    %shift_right_logical3A_734 = arith.shrui %get3A_731, %shift_right_logical3A_733 : vector<16xi32>
    %and3A_735 = arith.constant 127 : i32
    %and3A_736 = vector.broadcast %and3A_735 : i32 to vector<16xi32>
    %and3A_737 = arith.andi %get3A_731, %and3A_736 : vector<16xi32>
    tpu.vector_store_idx %arg13[%shift_right_logical3A_734, %and3A_737], %broadcast_in_dim3A_20 {add = true} : memref<80x128xf32, #tpu.memory_space<vmem>>[vector<16xi32>, vector<16xi32>], vector<16xf32>,
    %dma_wait3A_738 = arith.constant 0 : i32
    %dma_wait3A_739 = arith.constant 1 : i32
    %dma_wait3A_740 = arith.constant 1 : i32
    %dma_wait3A_741 = arith.constant 0 : i32
    %dma_wait3A_742 = arith.constant 0 : i32
    %dma_wait3A_743 = tpu.memref_slice %arg12[%dma_wait3A_739, %dma_wait3A_741, %dma_wait3A_742] : memref<2x128x128xf32, #tpu.memory_space<vmem>> -> memref<1x128x128xf32, #tpu.memory_space<vmem>>
    %dma_wait3A_744 = tpu.memref_squeeze %dma_wait3A_743 : memref<1x128x128xf32, #tpu.memory_space<vmem>> -> memref<128x128xf32, #tpu.memory_space<vmem>>
    %dma_wait3A_745 = arith.constant 0 : i32
    %dma_wait3A_746 = tpu.memref_slice %arg10[%dma_wait3A_738, %dma_wait3A_745] : memref<4x128xi32, #tpu.memory_space<vmem>> -> memref<1x128xi32, #tpu.memory_space<vmem>>
    %dma_wait3A_747 = tpu.memref_squeeze %dma_wait3A_746 : memref<1x128xi32, #tpu.memory_space<vmem>> -> memref<128xi32, #tpu.memory_space<vmem>>
    %dma_wait3A_748 = arith.constant 0 : i32
    %dma_wait3A_749 = arith.constant 0 : i32
    %dma_wait3A_750 = tpu.memref_slice %arg2[%dma_wait3A_748, %dma_wait3A_749] : memref<10000x128xf32, #tpu.memory_space<hbm>> -> memref<10000x128xf32, #tpu.memory_space<hbm>>
    %dma_wait3A_751 = tpu.memref_slice %arg14[%dma_wait3A_740] : memref<2x!tpu.dma_semaphore, #tpu.memory_space<semaphore_mem>> -> memref<1x!tpu.dma_semaphore, #tpu.memory_space<semaphore_mem>>
    %dma_wait3A_752 = tpu.memref_squeeze %dma_wait3A_751 : memref<1x!tpu.dma_semaphore, #tpu.memory_space<semaphore_mem>> -> memref<!tpu.dma_semaphore, #tpu.memory_space<semaphore_mem>>
    tpu.wait_indirect_dma semaphore(%dma_wait3A_752 : memref<!tpu.dma_semaphore, #tpu.memory_space<semaphore_mem>>) src(%dma_wait3A_750 : memref<10000x128xf32, #tpu.memory_space<hbm>>) dst(%dma_wait3A_744 : memref<128x128xf32, #tpu.memory_space<vmem>>)
    %dma_start3A_753 = arith.constant 1 : i32
    %dma_start3A_754 = arith.constant 3 : i32
    %dma_start3A_755 = arith.constant 1 : i32
    %dma_start3A_756 = arith.constant 0 : i32
    %dma_start3A_757 = arith.constant 0 : i32
    %dma_start3A_758 = tpu.memref_slice %arg12[%dma_start3A_753, %dma_start3A_756, %dma_start3A_757] : memref<2x128x128xf32, #tpu.memory_space<vmem>> -> memref<1x128x128xf32, #tpu.memory_space<vmem>>
    %dma_start3A_759 = tpu.memref_squeeze %dma_start3A_758 : memref<1x128x128xf32, #tpu.memory_space<vmem>> -> memref<128x128xf32, #tpu.memory_space<vmem>>
    %dma_start3A_760 = arith.constant 0 : i32
    %dma_start3A_761 = tpu.memref_slice %arg11[%dma_start3A_754, %dma_start3A_760] : memref<4x128xi32, #tpu.memory_space<vmem>> -> memref<1x128xi32, #tpu.memory_space<vmem>>
    %dma_start3A_762 = tpu.memref_squeeze %dma_start3A_761 : memref<1x128xi32, #tpu.memory_space<vmem>> -> memref<128xi32, #tpu.memory_space<vmem>>
    %dma_start3A_763 = arith.constant 0 : i32
    %dma_start3A_764 = arith.constant 0 : i32
    %dma_start3A_765 = tpu.memref_slice %arg9[%dma_start3A_763, %dma_start3A_764] : memref<10240x128xf32, #tpu.memory_space<vmem_shared>> -> memref<10240x128xf32, #tpu.memory_space<vmem_shared>>
    %dma_start3A_766 = tpu.memref_slice %arg15[%dma_start3A_755] : memref<2x!tpu.dma_semaphore, #tpu.memory_space<semaphore_mem>> -> memref<1x!tpu.dma_semaphore, #tpu.memory_space<semaphore_mem>>
    %dma_start3A_767 = tpu.memref_squeeze %dma_start3A_766 : memref<1x!tpu.dma_semaphore, #tpu.memory_space<semaphore_mem>> -> memref<!tpu.dma_semaphore, #tpu.memory_space<semaphore_mem>>
    tpu.enqueue_indirect_dma source(%dma_start3A_759 : memref<128x128xf32, #tpu.memory_space<vmem>>) target(%dma_start3A_765 : memref<10240x128xf32, #tpu.memory_space<vmem_shared>>) offsets(%dma_start3A_762 : memref<128xi32, #tpu.memory_space<vmem>>) semaphore(%dma_start3A_767 : memref<!tpu.dma_semaphore, #tpu.memory_space<semaphore_mem>>) {add = true}
    %get3A_768 = arith.constant 3 : i32
    %get3A_769 = arith.index_cast %get3A_768 : i32 to index
    %get3A_770 = arith.constant 0 : index
    %get3A_771 = tpu.vector_load %arg11[%get3A_769, %get3A_770] {strides = array<i32>} : memref<4x128xi32, #tpu.memory_space<vmem>>, vector<16xi32>,
    %shift_right_logical3A_772 = arith.constant 7 : i32
    %shift_right_logical3A_773 = vector.broadcast %shift_right_logical3A_772 : i32 to vector<16xi32>
    %shift_right_logical3A_774 = arith.shrui %get3A_771, %shift_right_logical3A_773 : vector<16xi32>
    %and3A_775 = arith.constant 127 : i32
    %and3A_776 = vector.broadcast %and3A_775 : i32 to vector<16xi32>
    %and3A_777 = arith.andi %get3A_771, %and3A_776 : vector<16xi32>
    tpu.vector_store_idx %arg13[%shift_right_logical3A_774, %and3A_777], %broadcast_in_dim3A_20 {add = true} : memref<80x128xf32, #tpu.memory_space<vmem>>[vector<16xi32>, vector<16xi32>], vector<16xf32>,
    %get3A_778 = arith.constant 3 : i32
    %get3A_779 = arith.index_cast %get3A_778 : i32 to index
    %get3A_780 = arith.constant 16 : index
    %get3A_781 = tpu.vector_load %arg11[%get3A_779, %get3A_780] {strides = array<i32>} : memref<4x128xi32, #tpu.memory_space<vmem>>, vector<16xi32>,
    %shift_right_logical3A_782 = arith.constant 7 : i32
    %shift_right_logical3A_783 = vector.broadcast %shift_right_logical3A_782 : i32 to vector<16xi32>
    %shift_right_logical3A_784 = arith.shrui %get3A_781, %shift_right_logical3A_783 : vector<16xi32>
    %and3A_785 = arith.constant 127 : i32
    %and3A_786 = vector.broadcast %and3A_785 : i32 to vector<16xi32>
    %and3A_787 = arith.andi %get3A_781, %and3A_786 : vector<16xi32>
    tpu.vector_store_idx %arg13[%shift_right_logical3A_784, %and3A_787], %broadcast_in_dim3A_20 {add = true} : memref<80x128xf32, #tpu.memory_space<vmem>>[vector<16xi32>, vector<16xi32>], vector<16xf32>,
    %get3A_788 = arith.constant 3 : i32
    %get3A_789 = arith.index_cast %get3A_788 : i32 to index
    %get3A_790 = arith.constant 32 : index
    %get3A_791 = tpu.vector_load %arg11[%get3A_789, %get3A_790] {strides = array<i32>} : memref<4x128xi32, #tpu.memory_space<vmem>>, vector<16xi32>,
    %shift_right_logical3A_792 = arith.constant 7 : i32
    %shift_right_logical3A_793 = vector.broadcast %shift_right_logical3A_792 : i32 to vector<16xi32>
    %shift_right_logical3A_794 = arith.shrui %get3A_791, %shift_right_logical3A_793 : vector<16xi32>
    %and3A_795 = arith.constant 127 : i32
    %and3A_796 = vector.broadcast %and3A_795 : i32 to vector<16xi32>
    %and3A_797 = arith.andi %get3A_791, %and3A_796 : vector<16xi32>
    tpu.vector_store_idx %arg13[%shift_right_logical3A_794, %and3A_797], %broadcast_in_dim3A_20 {add = true} : memref<80x128xf32, #tpu.memory_space<vmem>>[vector<16xi32>, vector<16xi32>], vector<16xf32>,
    %get3A_798 = arith.constant 3 : i32
    %get3A_799 = arith.index_cast %get3A_798 : i32 to index
    %get3A_800 = arith.constant 48 : index
    %get3A_801 = tpu.vector_load %arg11[%get3A_799, %get3A_800] {strides = array<i32>} : memref<4x128xi32, #tpu.memory_space<vmem>>, vector<16xi32>,
    %shift_right_logical3A_802 = arith.constant 7 : i32
    %shift_right_logical3A_803 = vector.broadcast %shift_right_logical3A_802 : i32 to vector<16xi32>
    %shift_right_logical3A_804 = arith.shrui %get3A_801, %shift_right_logical3A_803 : vector<16xi32>
    %and3A_805 = arith.constant 127 : i32
    %and3A_806 = vector.broadcast %and3A_805 : i32 to vector<16xi32>
    %and3A_807 = arith.andi %get3A_801, %and3A_806 : vector<16xi32>
    tpu.vector_store_idx %arg13[%shift_right_logical3A_804, %and3A_807], %broadcast_in_dim3A_20 {add = true} : memref<80x128xf32, #tpu.memory_space<vmem>>[vector<16xi32>, vector<16xi32>], vector<16xf32>,
    %get3A_808 = arith.constant 3 : i32
    %get3A_809 = arith.index_cast %get3A_808 : i32 to index
    %get3A_810 = arith.constant 64 : index
    %get3A_811 = tpu.vector_load %arg11[%get3A_809, %get3A_810] {strides = array<i32>} : memref<4x128xi32, #tpu.memory_space<vmem>>, vector<16xi32>,
    %shift_right_logical3A_812 = arith.constant 7 : i32
    %shift_right_logical3A_813 = vector.broadcast %shift_right_logical3A_812 : i32 to vector<16xi32>
    %shift_right_logical3A_814 = arith.shrui %get3A_811, %shift_right_logical3A_813 : vector<16xi32>
    %and3A_815 = arith.constant 127 : i32
    %and3A_816 = vector.broadcast %and3A_815 : i32 to vector<16xi32>
    %and3A_817 = arith.andi %get3A_811, %and3A_816 : vector<16xi32>
    tpu.vector_store_idx %arg13[%shift_right_logical3A_814, %and3A_817], %broadcast_in_dim3A_20 {add = true} : memref<80x128xf32, #tpu.memory_space<vmem>>[vector<16xi32>, vector<16xi32>], vector<16xf32>,
    %get3A_818 = arith.constant 3 : i32
    %get3A_819 = arith.index_cast %get3A_818 : i32 to index
    %get3A_820 = arith.constant 80 : index
    %get3A_821 = tpu.vector_load %arg11[%get3A_819, %get3A_820] {strides = array<i32>} : memref<4x128xi32, #tpu.memory_space<vmem>>, vector<16xi32>,
    %shift_right_logical3A_822 = arith.constant 7 : i32
    %shift_right_logical3A_823 = vector.broadcast %shift_right_logical3A_822 : i32 to vector<16xi32>
    %shift_right_logical3A_824 = arith.shrui %get3A_821, %shift_right_logical3A_823 : vector<16xi32>
    %and3A_825 = arith.constant 127 : i32
    %and3A_826 = vector.broadcast %and3A_825 : i32 to vector<16xi32>
    %and3A_827 = arith.andi %get3A_821, %and3A_826 : vector<16xi32>
    tpu.vector_store_idx %arg13[%shift_right_logical3A_824, %and3A_827], %broadcast_in_dim3A_20 {add = true} : memref<80x128xf32, #tpu.memory_space<vmem>>[vector<16xi32>, vector<16xi32>], vector<16xf32>,
    %get3A_828 = arith.constant 3 : i32
    %get3A_829 = arith.index_cast %get3A_828 : i32 to index
    %get3A_830 = arith.constant 96 : index
    %get3A_831 = tpu.vector_load %arg11[%get3A_829, %get3A_830] {strides = array<i32>} : memref<4x128xi32, #tpu.memory_space<vmem>>, vector<16xi32>,
    %shift_right_logical3A_832 = arith.constant 7 : i32
    %shift_right_logical3A_833 = vector.broadcast %shift_right_logical3A_832 : i32 to vector<16xi32>
    %shift_right_logical3A_834 = arith.shrui %get3A_831, %shift_right_logical3A_833 : vector<16xi32>
    %and3A_835 = arith.constant 127 : i32
    %and3A_836 = vector.broadcast %and3A_835 : i32 to vector<16xi32>
    %and3A_837 = arith.andi %get3A_831, %and3A_836 : vector<16xi32>
    tpu.vector_store_idx %arg13[%shift_right_logical3A_834, %and3A_837], %broadcast_in_dim3A_20 {add = true} : memref<80x128xf32, #tpu.memory_space<vmem>>[vector<16xi32>, vector<16xi32>], vector<16xf32>,
    %get3A_838 = arith.constant 3 : i32
    %get3A_839 = arith.index_cast %get3A_838 : i32 to index
    %get3A_840 = arith.constant 112 : index
    %get3A_841 = tpu.vector_load %arg11[%get3A_839, %get3A_840] {strides = array<i32>} : memref<4x128xi32, #tpu.memory_space<vmem>>, vector<16xi32>,
    %shift_right_logical3A_842 = arith.constant 7 : i32
    %shift_right_logical3A_843 = vector.broadcast %shift_right_logical3A_842 : i32 to vector<16xi32>
    %shift_right_logical3A_844 = arith.shrui %get3A_841, %shift_right_logical3A_843 : vector<16xi32>
    %and3A_845 = arith.constant 127 : i32
    %and3A_846 = vector.broadcast %and3A_845 : i32 to vector<16xi32>
    %and3A_847 = arith.andi %get3A_841, %and3A_846 : vector<16xi32>
    tpu.vector_store_idx %arg13[%shift_right_logical3A_844, %and3A_847], %broadcast_in_dim3A_20 {add = true} : memref<80x128xf32, #tpu.memory_space<vmem>>[vector<16xi32>, vector<16xi32>], vector<16xf32>,
    %dma_wait3A_848 = arith.constant 0 : i32
    %dma_wait3A_849 = arith.constant 0 : i32
    %dma_wait3A_850 = arith.constant 0 : i32
    %dma_wait3A_851 = arith.constant 0 : i32
    %dma_wait3A_852 = arith.constant 0 : i32
    %dma_wait3A_853 = tpu.memref_slice %arg12[%dma_wait3A_848, %dma_wait3A_851, %dma_wait3A_852] : memref<2x128x128xf32, #tpu.memory_space<vmem>> -> memref<1x128x128xf32, #tpu.memory_space<vmem>>
    %dma_wait3A_854 = tpu.memref_squeeze %dma_wait3A_853 : memref<1x128x128xf32, #tpu.memory_space<vmem>> -> memref<128x128xf32, #tpu.memory_space<vmem>>
    %dma_wait3A_855 = arith.constant 0 : i32
    %dma_wait3A_856 = tpu.memref_slice %arg11[%dma_wait3A_849, %dma_wait3A_855] : memref<4x128xi32, #tpu.memory_space<vmem>> -> memref<1x128xi32, #tpu.memory_space<vmem>>
    %dma_wait3A_857 = tpu.memref_squeeze %dma_wait3A_856 : memref<1x128xi32, #tpu.memory_space<vmem>> -> memref<128xi32, #tpu.memory_space<vmem>>
    %dma_wait3A_858 = arith.constant 0 : i32
    %dma_wait3A_859 = arith.constant 0 : i32
    %dma_wait3A_860 = tpu.memref_slice %arg9[%dma_wait3A_858, %dma_wait3A_859] : memref<10240x128xf32, #tpu.memory_space<vmem_shared>> -> memref<10240x128xf32, #tpu.memory_space<vmem_shared>>
    %dma_wait3A_861 = tpu.memref_slice %arg15[%dma_wait3A_850] : memref<2x!tpu.dma_semaphore, #tpu.memory_space<semaphore_mem>> -> memref<1x!tpu.dma_semaphore, #tpu.memory_space<semaphore_mem>>
    %dma_wait3A_862 = tpu.memref_squeeze %dma_wait3A_861 : memref<1x!tpu.dma_semaphore, #tpu.memory_space<semaphore_mem>> -> memref<!tpu.dma_semaphore, #tpu.memory_space<semaphore_mem>>
    tpu.wait_indirect_dma semaphore(%dma_wait3A_862 : memref<!tpu.dma_semaphore, #tpu.memory_space<semaphore_mem>>) src(%dma_wait3A_854 : memref<128x128xf32, #tpu.memory_space<vmem>>) dst(%dma_wait3A_860 : memref<10240x128xf32, #tpu.memory_space<vmem_shared>>)
    %dma_wait3A_863 = arith.constant 1 : i32
    %dma_wait3A_864 = arith.constant 0 : i32
    %dma_wait3A_865 = arith.constant 1 : i32
    %dma_wait3A_866 = arith.constant 0 : i32
    %dma_wait3A_867 = arith.constant 0 : i32
    %dma_wait3A_868 = tpu.memref_slice %arg12[%dma_wait3A_863, %dma_wait3A_866, %dma_wait3A_867] : memref<2x128x128xf32, #tpu.memory_space<vmem>> -> memref<1x128x128xf32, #tpu.memory_space<vmem>>
    %dma_wait3A_869 = tpu.memref_squeeze %dma_wait3A_868 : memref<1x128x128xf32, #tpu.memory_space<vmem>> -> memref<128x128xf32, #tpu.memory_space<vmem>>
    %dma_wait3A_870 = arith.constant 0 : i32
    %dma_wait3A_871 = tpu.memref_slice %arg11[%dma_wait3A_864, %dma_wait3A_870] : memref<4x128xi32, #tpu.memory_space<vmem>> -> memref<1x128xi32, #tpu.memory_space<vmem>>
    %dma_wait3A_872 = tpu.memref_squeeze %dma_wait3A_871 : memref<1x128xi32, #tpu.memory_space<vmem>> -> memref<128xi32, #tpu.memory_space<vmem>>
    %dma_wait3A_873 = arith.constant 0 : i32
    %dma_wait3A_874 = arith.constant 0 : i32
    %dma_wait3A_875 = tpu.memref_slice %arg9[%dma_wait3A_873, %dma_wait3A_874] : memref<10240x128xf32, #tpu.memory_space<vmem_shared>> -> memref<10240x128xf32, #tpu.memory_space<vmem_shared>>
    %dma_wait3A_876 = tpu.memref_slice %arg15[%dma_wait3A_865] : memref<2x!tpu.dma_semaphore, #tpu.memory_space<semaphore_mem>> -> memref<1x!tpu.dma_semaphore, #tpu.memory_space<semaphore_mem>>
    %dma_wait3A_877 = tpu.memref_squeeze %dma_wait3A_876 : memref<1x!tpu.dma_semaphore, #tpu.memory_space<semaphore_mem>> -> memref<!tpu.dma_semaphore, #tpu.memory_space<semaphore_mem>>
    tpu.wait_indirect_dma semaphore(%dma_wait3A_877 : memref<!tpu.dma_semaphore, #tpu.memory_space<semaphore_mem>>) src(%dma_wait3A_869 : memref<128x128xf32, #tpu.memory_space<vmem>>) dst(%dma_wait3A_875 : memref<10240x128xf32, #tpu.memory_space<vmem_shared>>)
    %barrier3A_878 = arith.constant 0 : index
    tpu.barrier barrier_id(%barrier3A_878)
    %add3A_879 = arith.constant 0 : i32
    %add3A_880 = arith.addi %mul3A_4, %add3A_879 : i32
    %run_scoped3A_881 = arith.constant 0 : i32
    "tpu.region"() ({
      %run_scoped3A_909 = tpu.sem_alloc : memref<!tpu.dma_semaphore, #tpu.memory_space<semaphore_mem>>
      %dma_start3A_910 = arith.constant 0 : i32
      %dma_start3A_911 = arith.constant 0 : i32
      %dma_start3A_912 = tpu.memref_slice %arg12[%run_scoped3A_881, %dma_start3A_910, %dma_start3A_911] : memref<2x128x128xf32, #tpu.memory_space<vmem>> -> memref<1x128x128xf32, #tpu.memory_space<vmem>>
      %dma_start3A_913 = tpu.memref_squeeze %dma_start3A_912 : memref<1x128x128xf32, #tpu.memory_space<vmem>> -> memref<128x128xf32, #tpu.memory_space<vmem>>
      %dma_start3A_914 = arith.constant 0 : i32
      %dma_start3A_915 = tpu.memref_slice %arg9[%add3A_880, %dma_start3A_914] : memref<10240x128xf32, #tpu.memory_space<vmem_shared>> -> memref<128x128xf32, #tpu.memory_space<vmem_shared>>
      %dma_start3A_916 = arith.constant 0 : i32
      %dma_start3A_917 = arith.constant 0 : i32
      %dma_start3A_918 = tpu.memref_slice %arg12[%run_scoped3A_881, %dma_start3A_916, %dma_start3A_917] : memref<2x128x128xf32, #tpu.memory_space<vmem>> -> memref<1x128x128xf32, #tpu.memory_space<vmem>>
      %dma_start3A_919 = tpu.memref_squeeze %dma_start3A_918 : memref<1x128x128xf32, #tpu.memory_space<vmem>> -> memref<128x128xf32, #tpu.memory_space<vmem>>
      %dma_start3A_920 = arith.constant 0 : i32
      %dma_start3A_921 = tpu.memref_slice %arg9[%add3A_880, %dma_start3A_920] : memref<10240x128xf32, #tpu.memory_space<vmem_shared>> -> memref<128x128xf32, #tpu.memory_space<vmem_shared>>
      tpu.enqueue_dma source(%dma_start3A_921 : memref<128x128xf32, #tpu.memory_space<vmem_shared>>) target(%dma_start3A_919 : memref<128x128xf32, #tpu.memory_space<vmem>>) target_semaphore(%run_scoped3A_909 : memref<!tpu.dma_semaphore, #tpu.memory_space<semaphore_mem>>)
      %dma_wait3A_922 = arith.constant 0 : i32
      %dma_wait3A_923 = arith.constant 0 : i32
      %dma_wait3A_924 = tpu.memref_slice %arg12[%run_scoped3A_881, %dma_wait3A_922, %dma_wait3A_923] : memref<2x128x128xf32, #tpu.memory_space<vmem>> -> memref<1x128x128xf32, #tpu.memory_space<vmem>>
      %dma_wait3A_925 = tpu.memref_squeeze %dma_wait3A_924 : memref<1x128x128xf32, #tpu.memory_space<vmem>> -> memref<128x128xf32, #tpu.memory_space<vmem>>
      %dma_wait3A_926 = arith.constant 0 : i32
      %dma_wait3A_927 = tpu.memref_slice %arg9[%add3A_880, %dma_wait3A_926] : memref<10240x128xf32, #tpu.memory_space<vmem_shared>> -> memref<128x128xf32, #tpu.memory_space<vmem_shared>>
      %dma_wait3A_928 = arith.constant 0 : i32
      %dma_wait3A_929 = arith.constant 0 : i32
      %dma_wait3A_930 = tpu.memref_slice %arg12[%run_scoped3A_881, %dma_wait3A_928, %dma_wait3A_929] : memref<2x128x128xf32, #tpu.memory_space<vmem>> -> memref<1x128x128xf32, #tpu.memory_space<vmem>>
      %dma_wait3A_931 = tpu.memref_squeeze %dma_wait3A_930 : memref<1x128x128xf32, #tpu.memory_space<vmem>> -> memref<128x128xf32, #tpu.memory_space<vmem>>
      %dma_wait3A_932 = arith.constant 0 : i32
      %dma_wait3A_933 = tpu.memref_slice %arg9[%add3A_880, %dma_wait3A_932] : memref<10240x128xf32, #tpu.memory_space<vmem_shared>> -> memref<128x128xf32, #tpu.memory_space<vmem_shared>>
      tpu.wait_dma2 semaphore(%run_scoped3A_909 : memref<!tpu.dma_semaphore, #tpu.memory_space<semaphore_mem>>) src(%dma_wait3A_933 : memref<128x128xf32, #tpu.memory_space<vmem_shared>>) dst(%dma_wait3A_931 : memref<128x128xf32, #tpu.memory_space<vmem>>)
      tpu.yield
    }) : () -> ()
    %add3A_882 = arith.constant 0 : i32
    %add3A_883 = arith.addi %mul3A_4, %add3A_882 : i32
    %run_scoped3A_884 = arith.constant 0 : i32
    "tpu.region"() ({
      %run_scoped3A_909 = tpu.sem_alloc : memref<!tpu.dma_semaphore, #tpu.memory_space<semaphore_mem>>
      %dma_start3A_910 = arith.constant 0 : i32
      %dma_start3A_911 = arith.constant 0 : i32
      %dma_start3A_912 = tpu.memref_slice %arg12[%run_scoped3A_884, %dma_start3A_910, %dma_start3A_911] : memref<2x128x128xf32, #tpu.memory_space<vmem>> -> memref<1x128x128xf32, #tpu.memory_space<vmem>>
      %dma_start3A_913 = tpu.memref_squeeze %dma_start3A_912 : memref<1x128x128xf32, #tpu.memory_space<vmem>> -> memref<128x128xf32, #tpu.memory_space<vmem>>
      %dma_start3A_914 = arith.constant 0 : i32
      %dma_start3A_915 = tpu.memref_slice %arg7[%arg0, %add3A_883, %dma_start3A_914] : memref<2x10240x128xf32, #tpu.memory_space<hbm>> -> memref<1x128x128xf32, #tpu.memory_space<hbm>>
      %dma_start3A_916 = tpu.memref_squeeze %dma_start3A_915 : memref<1x128x128xf32, #tpu.memory_space<hbm>> -> memref<128x128xf32, #tpu.memory_space<hbm>>
      %dma_start3A_917 = arith.constant 0 : i32
      %dma_start3A_918 = tpu.memref_slice %arg7[%arg0, %add3A_883, %dma_start3A_917] : memref<2x10240x128xf32, #tpu.memory_space<hbm>> -> memref<1x128x128xf32, #tpu.memory_space<hbm>>
      %dma_start3A_919 = tpu.memref_squeeze %dma_start3A_918 : memref<1x128x128xf32, #tpu.memory_space<hbm>> -> memref<128x128xf32, #tpu.memory_space<hbm>>
      %dma_start3A_920 = arith.constant 0 : i32
      %dma_start3A_921 = arith.constant 0 : i32
      %dma_start3A_922 = tpu.memref_slice %arg12[%run_scoped3A_884, %dma_start3A_920, %dma_start3A_921] : memref<2x128x128xf32, #tpu.memory_space<vmem>> -> memref<1x128x128xf32, #tpu.memory_space<vmem>>
      %dma_start3A_923 = tpu.memref_squeeze %dma_start3A_922 : memref<1x128x128xf32, #tpu.memory_space<vmem>> -> memref<128x128xf32, #tpu.memory_space<vmem>>
      tpu.enqueue_dma source(%dma_start3A_923 : memref<128x128xf32, #tpu.memory_space<vmem>>) target(%dma_start3A_919 : memref<128x128xf32, #tpu.memory_space<hbm>>) target_semaphore(%run_scoped3A_909 : memref<!tpu.dma_semaphore, #tpu.memory_space<semaphore_mem>>)
      %dma_wait3A_924 = arith.constant 0 : i32
      %dma_wait3A_925 = arith.constant 0 : i32
      %dma_wait3A_926 = tpu.memref_slice %arg12[%run_scoped3A_884, %dma_wait3A_924, %dma_wait3A_925] : memref<2x128x128xf32, #tpu.memory_space<vmem>> -> memref<1x128x128xf32, #tpu.memory_space<vmem>>
      %dma_wait3A_927 = tpu.memref_squeeze %dma_wait3A_926 : memref<1x128x128xf32, #tpu.memory_space<vmem>> -> memref<128x128xf32, #tpu.memory_space<vmem>>
      %dma_wait3A_928 = arith.constant 0 : i32
      %dma_wait3A_929 = tpu.memref_slice %arg7[%arg0, %add3A_883, %dma_wait3A_928] : memref<2x10240x128xf32, #tpu.memory_space<hbm>> -> memref<1x128x128xf32, #tpu.memory_space<hbm>>
      %dma_wait3A_930 = tpu.memref_squeeze %dma_wait3A_929 : memref<1x128x128xf32, #tpu.memory_space<hbm>> -> memref<128x128xf32, #tpu.memory_space<hbm>>
      %dma_wait3A_931 = arith.constant 0 : i32
      %dma_wait3A_932 = tpu.memref_slice %arg7[%arg0, %add3A_883, %dma_wait3A_931] : memref<2x10240x128xf32, #tpu.memory_space<hbm>> -> memref<1x128x128xf32, #tpu.memory_space<hbm>>
      %dma_wait3A_933 = tpu.memref_squeeze %dma_wait3A_932 : memref<1x128x128xf32, #tpu.memory_space<hbm>> -> memref<128x128xf32, #tpu.memory_space<hbm>>
      %dma_wait3A_934 = arith.constant 0 : i32
      %dma_wait3A_935 = arith.constant 0 : i32
      %dma_wait3A_936 = tpu.memref_slice %arg12[%run_scoped3A_884, %dma_wait3A_934, %dma_wait3A_935] : memref<2x128x128xf32, #tpu.memory_space<vmem>> -> memref<1x128x128xf32, #tpu.memory_space<vmem>>
      %dma_wait3A_937 = tpu.memref_squeeze %dma_wait3A_936 : memref<1x128x128xf32, #tpu.memory_space<vmem>> -> memref<128x128xf32, #tpu.memory_space<vmem>>
      tpu.wait_dma2 semaphore(%run_scoped3A_909 : memref<!tpu.dma_semaphore, #tpu.memory_space<semaphore_mem>>) src(%dma_wait3A_937 : memref<128x128xf32, #tpu.memory_space<vmem>>) dst(%dma_wait3A_933 : memref<128x128xf32, #tpu.memory_space<hbm>>)
      tpu.yield
    }) : () -> ()
    %add3A_885 = arith.constant 128 : i32
    %add3A_886 = arith.addi %mul3A_4, %add3A_885 : i32
    %run_scoped3A_887 = arith.constant 0 : i32
    "tpu.region"() ({
      %run_scoped3A_909 = tpu.sem_alloc : memref<!tpu.dma_semaphore, #tpu.memory_space<semaphore_mem>>
      %dma_start3A_910 = arith.constant 0 : i32
      %dma_start3A_911 = arith.constant 0 : i32
      %dma_start3A_912 = tpu.memref_slice %arg12[%run_scoped3A_887, %dma_start3A_910, %dma_start3A_911] : memref<2x128x128xf32, #tpu.memory_space<vmem>> -> memref<1x128x128xf32, #tpu.memory_space<vmem>>
      %dma_start3A_913 = tpu.memref_squeeze %dma_start3A_912 : memref<1x128x128xf32, #tpu.memory_space<vmem>> -> memref<128x128xf32, #tpu.memory_space<vmem>>
      %dma_start3A_914 = arith.constant 0 : i32
      %dma_start3A_915 = tpu.memref_slice %arg9[%add3A_886, %dma_start3A_914] : memref<10240x128xf32, #tpu.memory_space<vmem_shared>> -> memref<128x128xf32, #tpu.memory_space<vmem_shared>>
      %dma_start3A_916 = arith.constant 0 : i32
      %dma_start3A_917 = arith.constant 0 : i32
      %dma_start3A_918 = tpu.memref_slice %arg12[%run_scoped3A_887, %dma_start3A_916, %dma_start3A_917] : memref<2x128x128xf32, #tpu.memory_space<vmem>> -> memref<1x128x128xf32, #tpu.memory_space<vmem>>
      %dma_start3A_919 = tpu.memref_squeeze %dma_start3A_918 : memref<1x128x128xf32, #tpu.memory_space<vmem>> -> memref<128x128xf32, #tpu.memory_space<vmem>>
      %dma_start3A_920 = arith.constant 0 : i32
      %dma_start3A_921 = tpu.memref_slice %arg9[%add3A_886, %dma_start3A_920] : memref<10240x128xf32, #tpu.memory_space<vmem_shared>> -> memref<128x128xf32, #tpu.memory_space<vmem_shared>>
      tpu.enqueue_dma source(%dma_start3A_921 : memref<128x128xf32, #tpu.memory_space<vmem_shared>>) target(%dma_start3A_919 : memref<128x128xf32, #tpu.memory_space<vmem>>) target_semaphore(%run_scoped3A_909 : memref<!tpu.dma_semaphore, #tpu.memory_space<semaphore_mem>>)
      %dma_wait3A_922 = arith.constant 0 : i32
      %dma_wait3A_923 = arith.constant 0 : i32
      %dma_wait3A_924 = tpu.memref_slice %arg12[%run_scoped3A_887, %dma_wait3A_922, %dma_wait3A_923] : memref<2x128x128xf32, #tpu.memory_space<vmem>> -> memref<1x128x128xf32, #tpu.memory_space<vmem>>
      %dma_wait3A_925 = tpu.memref_squeeze %dma_wait3A_924 : memref<1x128x128xf32, #tpu.memory_space<vmem>> -> memref<128x128xf32, #tpu.memory_space<vmem>>
      %dma_wait3A_926 = arith.constant 0 : i32
      %dma_wait3A_927 = tpu.memref_slice %arg9[%add3A_886, %dma_wait3A_926] : memref<10240x128xf32, #tpu.memory_space<vmem_shared>> -> memref<128x128xf32, #tpu.memory_space<vmem_shared>>
      %dma_wait3A_928 = arith.constant 0 : i32
      %dma_wait3A_929 = arith.constant 0 : i32
      %dma_wait3A_930 = tpu.memref_slice %arg12[%run_scoped3A_887, %dma_wait3A_928, %dma_wait3A_929] : memref<2x128x128xf32, #tpu.memory_space<vmem>> -> memref<1x128x128xf32, #tpu.memory_space<vmem>>
      %dma_wait3A_931 = tpu.memref_squeeze %dma_wait3A_930 : memref<1x128x128xf32, #tpu.memory_space<vmem>> -> memref<128x128xf32, #tpu.memory_space<vmem>>
      %dma_wait3A_932 = arith.constant 0 : i32
      %dma_wait3A_933 = tpu.memref_slice %arg9[%add3A_886, %dma_wait3A_932] : memref<10240x128xf32, #tpu.memory_space<vmem_shared>> -> memref<128x128xf32, #tpu.memory_space<vmem_shared>>
      tpu.wait_dma2 semaphore(%run_scoped3A_909 : memref<!tpu.dma_semaphore, #tpu.memory_space<semaphore_mem>>) src(%dma_wait3A_933 : memref<128x128xf32, #tpu.memory_space<vmem_shared>>) dst(%dma_wait3A_931 : memref<128x128xf32, #tpu.memory_space<vmem>>)
      tpu.yield
    }) : () -> ()
    %add3A_888 = arith.constant 128 : i32
    %add3A_889 = arith.addi %mul3A_4, %add3A_888 : i32
    %run_scoped3A_890 = arith.constant 0 : i32
    "tpu.region"() ({
      %run_scoped3A_909 = tpu.sem_alloc : memref<!tpu.dma_semaphore, #tpu.memory_space<semaphore_mem>>
      %dma_start3A_910 = arith.constant 0 : i32
      %dma_start3A_911 = arith.constant 0 : i32
      %dma_start3A_912 = tpu.memref_slice %arg12[%run_scoped3A_890, %dma_start3A_910, %dma_start3A_911] : memref<2x128x128xf32, #tpu.memory_space<vmem>> -> memref<1x128x128xf32, #tpu.memory_space<vmem>>
      %dma_start3A_913 = tpu.memref_squeeze %dma_start3A_912 : memref<1x128x128xf32, #tpu.memory_space<vmem>> -> memref<128x128xf32, #tpu.memory_space<vmem>>
      %dma_start3A_914 = arith.constant 0 : i32
      %dma_start3A_915 = tpu.memref_slice %arg7[%arg0, %add3A_889, %dma_start3A_914] : memref<2x10240x128xf32, #tpu.memory_space<hbm>> -> memref<1x128x128xf32, #tpu.memory_space<hbm>>
      %dma_start3A_916 = tpu.memref_squeeze %dma_start3A_915 : memref<1x128x128xf32, #tpu.memory_space<hbm>> -> memref<128x128xf32, #tpu.memory_space<hbm>>
      %dma_start3A_917 = arith.constant 0 : i32
      %dma_start3A_918 = tpu.memref_slice %arg7[%arg0, %add3A_889, %dma_start3A_917] : memref<2x10240x128xf32, #tpu.memory_space<hbm>> -> memref<1x128x128xf32, #tpu.memory_space<hbm>>
      %dma_start3A_919 = tpu.memref_squeeze %dma_start3A_918 : memref<1x128x128xf32, #tpu.memory_space<hbm>> -> memref<128x128xf32, #tpu.memory_space<hbm>>
      %dma_start3A_920 = arith.constant 0 : i32
      %dma_start3A_921 = arith.constant 0 : i32
      %dma_start3A_922 = tpu.memref_slice %arg12[%run_scoped3A_890, %dma_start3A_920, %dma_start3A_921] : memref<2x128x128xf32, #tpu.memory_space<vmem>> -> memref<1x128x128xf32, #tpu.memory_space<vmem>>
      %dma_start3A_923 = tpu.memref_squeeze %dma_start3A_922 : memref<1x128x128xf32, #tpu.memory_space<vmem>> -> memref<128x128xf32, #tpu.memory_space<vmem>>
      tpu.enqueue_dma source(%dma_start3A_923 : memref<128x128xf32, #tpu.memory_space<vmem>>) target(%dma_start3A_919 : memref<128x128xf32, #tpu.memory_space<hbm>>) target_semaphore(%run_scoped3A_909 : memref<!tpu.dma_semaphore, #tpu.memory_space<semaphore_mem>>)
      %dma_wait3A_924 = arith.constant 0 : i32
      %dma_wait3A_925 = arith.constant 0 : i32
      %dma_wait3A_926 = tpu.memref_slice %arg12[%run_scoped3A_890, %dma_wait3A_924, %dma_wait3A_925] : memref<2x128x128xf32, #tpu.memory_space<vmem>> -> memref<1x128x128xf32, #tpu.memory_space<vmem>>
      %dma_wait3A_927 = tpu.memref_squeeze %dma_wait3A_926 : memref<1x128x128xf32, #tpu.memory_space<vmem>> -> memref<128x128xf32, #tpu.memory_space<vmem>>
      %dma_wait3A_928 = arith.constant 0 : i32
      %dma_wait3A_929 = tpu.memref_slice %arg7[%arg0, %add3A_889, %dma_wait3A_928] : memref<2x10240x128xf32, #tpu.memory_space<hbm>> -> memref<1x128x128xf32, #tpu.memory_space<hbm>>
      %dma_wait3A_930 = tpu.memref_squeeze %dma_wait3A_929 : memref<1x128x128xf32, #tpu.memory_space<hbm>> -> memref<128x128xf32, #tpu.memory_space<hbm>>
      %dma_wait3A_931 = arith.constant 0 : i32
      %dma_wait3A_932 = tpu.memref_slice %arg7[%arg0, %add3A_889, %dma_wait3A_931] : memref<2x10240x128xf32, #tpu.memory_space<hbm>> -> memref<1x128x128xf32, #tpu.memory_space<hbm>>
      %dma_wait3A_933 = tpu.memref_squeeze %dma_wait3A_932 : memref<1x128x128xf32, #tpu.memory_space<hbm>> -> memref<128x128xf32, #tpu.memory_space<hbm>>
      %dma_wait3A_934 = arith.constant 0 : i32
      %dma_wait3A_935 = arith.constant 0 : i32
      %dma_wait3A_936 = tpu.memref_slice %arg12[%run_scoped3A_890, %dma_wait3A_934, %dma_wait3A_935] : memref<2x128x128xf32, #tpu.memory_space<vmem>> -> memref<1x128x128xf32, #tpu.memory_space<vmem>>
      %dma_wait3A_937 = tpu.memref_squeeze %dma_wait3A_936 : memref<1x128x128xf32, #tpu.memory_space<vmem>> -> memref<128x128xf32, #tpu.memory_space<vmem>>
      tpu.wait_dma2 semaphore(%run_scoped3A_909 : memref<!tpu.dma_semaphore, #tpu.memory_space<semaphore_mem>>) src(%dma_wait3A_937 : memref<128x128xf32, #tpu.memory_space<vmem>>) dst(%dma_wait3A_933 : memref<128x128xf32, #tpu.memory_space<hbm>>)
      tpu.yield
    }) : () -> ()
    %add3A_891 = arith.constant 256 : i32
    %add3A_892 = arith.addi %mul3A_4, %add3A_891 : i32
    %run_scoped3A_893 = arith.constant 0 : i32
    "tpu.region"() ({
      %run_scoped3A_909 = tpu.sem_alloc : memref<!tpu.dma_semaphore, #tpu.memory_space<semaphore_mem>>
      %dma_start3A_910 = arith.constant 0 : i32
      %dma_start3A_911 = arith.constant 0 : i32
      %dma_start3A_912 = tpu.memref_slice %arg12[%run_scoped3A_893, %dma_start3A_910, %dma_start3A_911] : memref<2x128x128xf32, #tpu.memory_space<vmem>> -> memref<1x128x128xf32, #tpu.memory_space<vmem>>
      %dma_start3A_913 = tpu.memref_squeeze %dma_start3A_912 : memref<1x128x128xf32, #tpu.memory_space<vmem>> -> memref<128x128xf32, #tpu.memory_space<vmem>>
      %dma_start3A_914 = arith.constant 0 : i32
      %dma_start3A_915 = tpu.memref_slice %arg9[%add3A_892, %dma_start3A_914] : memref<10240x128xf32, #tpu.memory_space<vmem_shared>> -> memref<128x128xf32, #tpu.memory_space<vmem_shared>>
      %dma_start3A_916 = arith.constant 0 : i32
      %dma_start3A_917 = arith.constant 0 : i32
      %dma_start3A_918 = tpu.memref_slice %arg12[%run_scoped3A_893, %dma_start3A_916, %dma_start3A_917] : memref<2x128x128xf32, #tpu.memory_space<vmem>> -> memref<1x128x128xf32, #tpu.memory_space<vmem>>
      %dma_start3A_919 = tpu.memref_squeeze %dma_start3A_918 : memref<1x128x128xf32, #tpu.memory_space<vmem>> -> memref<128x128xf32, #tpu.memory_space<vmem>>
      %dma_start3A_920 = arith.constant 0 : i32
      %dma_start3A_921 = tpu.memref_slice %arg9[%add3A_892, %dma_start3A_920] : memref<10240x128xf32, #tpu.memory_space<vmem_shared>> -> memref<128x128xf32, #tpu.memory_space<vmem_shared>>
      tpu.enqueue_dma source(%dma_start3A_921 : memref<128x128xf32, #tpu.memory_space<vmem_shared>>) target(%dma_start3A_919 : memref<128x128xf32, #tpu.memory_space<vmem>>) target_semaphore(%run_scoped3A_909 : memref<!tpu.dma_semaphore, #tpu.memory_space<semaphore_mem>>)
      %dma_wait3A_922 = arith.constant 0 : i32
      %dma_wait3A_923 = arith.constant 0 : i32
      %dma_wait3A_924 = tpu.memref_slice %arg12[%run_scoped3A_893, %dma_wait3A_922, %dma_wait3A_923] : memref<2x128x128xf32, #tpu.memory_space<vmem>> -> memref<1x128x128xf32, #tpu.memory_space<vmem>>
      %dma_wait3A_925 = tpu.memref_squeeze %dma_wait3A_924 : memref<1x128x128xf32, #tpu.memory_space<vmem>> -> memref<128x128xf32, #tpu.memory_space<vmem>>
      %dma_wait3A_926 = arith.constant 0 : i32
      %dma_wait3A_927 = tpu.memref_slice %arg9[%add3A_892, %dma_wait3A_926] : memref<10240x128xf32, #tpu.memory_space<vmem_shared>> -> memref<128x128xf32, #tpu.memory_space<vmem_shared>>
      %dma_wait3A_928 = arith.constant 0 : i32
      %dma_wait3A_929 = arith.constant 0 : i32
      %dma_wait3A_930 = tpu.memref_slice %arg12[%run_scoped3A_893, %dma_wait3A_928, %dma_wait3A_929] : memref<2x128x128xf32, #tpu.memory_space<vmem>> -> memref<1x128x128xf32, #tpu.memory_space<vmem>>
      %dma_wait3A_931 = tpu.memref_squeeze %dma_wait3A_930 : memref<1x128x128xf32, #tpu.memory_space<vmem>> -> memref<128x128xf32, #tpu.memory_space<vmem>>
      %dma_wait3A_932 = arith.constant 0 : i32
      %dma_wait3A_933 = tpu.memref_slice %arg9[%add3A_892, %dma_wait3A_932] : memref<10240x128xf32, #tpu.memory_space<vmem_shared>> -> memref<128x128xf32, #tpu.memory_space<vmem_shared>>
      tpu.wait_dma2 semaphore(%run_scoped3A_909 : memref<!tpu.dma_semaphore, #tpu.memory_space<semaphore_mem>>) src(%dma_wait3A_933 : memref<128x128xf32, #tpu.memory_space<vmem_shared>>) dst(%dma_wait3A_931 : memref<128x128xf32, #tpu.memory_space<vmem>>)
      tpu.yield
    }) : () -> ()
    %add3A_894 = arith.constant 256 : i32
    %add3A_895 = arith.addi %mul3A_4, %add3A_894 : i32
    %run_scoped3A_896 = arith.constant 0 : i32
    "tpu.region"() ({
      %run_scoped3A_909 = tpu.sem_alloc : memref<!tpu.dma_semaphore, #tpu.memory_space<semaphore_mem>>
      %dma_start3A_910 = arith.constant 0 : i32
      %dma_start3A_911 = arith.constant 0 : i32
      %dma_start3A_912 = tpu.memref_slice %arg12[%run_scoped3A_896, %dma_start3A_910, %dma_start3A_911] : memref<2x128x128xf32, #tpu.memory_space<vmem>> -> memref<1x128x128xf32, #tpu.memory_space<vmem>>
      %dma_start3A_913 = tpu.memref_squeeze %dma_start3A_912 : memref<1x128x128xf32, #tpu.memory_space<vmem>> -> memref<128x128xf32, #tpu.memory_space<vmem>>
      %dma_start3A_914 = arith.constant 0 : i32
      %dma_start3A_915 = tpu.memref_slice %arg7[%arg0, %add3A_895, %dma_start3A_914] : memref<2x10240x128xf32, #tpu.memory_space<hbm>> -> memref<1x128x128xf32, #tpu.memory_space<hbm>>
      %dma_start3A_916 = tpu.memref_squeeze %dma_start3A_915 : memref<1x128x128xf32, #tpu.memory_space<hbm>> -> memref<128x128xf32, #tpu.memory_space<hbm>>
      %dma_start3A_917 = arith.constant 0 : i32
      %dma_start3A_918 = tpu.memref_slice %arg7[%arg0, %add3A_895, %dma_start3A_917] : memref<2x10240x128xf32, #tpu.memory_space<hbm>> -> memref<1x128x128xf32, #tpu.memory_space<hbm>>
      %dma_start3A_919 = tpu.memref_squeeze %dma_start3A_918 : memref<1x128x128xf32, #tpu.memory_space<hbm>> -> memref<128x128xf32, #tpu.memory_space<hbm>>
      %dma_start3A_920 = arith.constant 0 : i32
      %dma_start3A_921 = arith.constant 0 : i32
      %dma_start3A_922 = tpu.memref_slice %arg12[%run_scoped3A_896, %dma_start3A_920, %dma_start3A_921] : memref<2x128x128xf32, #tpu.memory_space<vmem>> -> memref<1x128x128xf32, #tpu.memory_space<vmem>>
      %dma_start3A_923 = tpu.memref_squeeze %dma_start3A_922 : memref<1x128x128xf32, #tpu.memory_space<vmem>> -> memref<128x128xf32, #tpu.memory_space<vmem>>
      tpu.enqueue_dma source(%dma_start3A_923 : memref<128x128xf32, #tpu.memory_space<vmem>>) target(%dma_start3A_919 : memref<128x128xf32, #tpu.memory_space<hbm>>) target_semaphore(%run_scoped3A_909 : memref<!tpu.dma_semaphore, #tpu.memory_space<semaphore_mem>>)
      %dma_wait3A_924 = arith.constant 0 : i32
      %dma_wait3A_925 = arith.constant 0 : i32
      %dma_wait3A_926 = tpu.memref_slice %arg12[%run_scoped3A_896, %dma_wait3A_924, %dma_wait3A_925] : memref<2x128x128xf32, #tpu.memory_space<vmem>> -> memref<1x128x128xf32, #tpu.memory_space<vmem>>
      %dma_wait3A_927 = tpu.memref_squeeze %dma_wait3A_926 : memref<1x128x128xf32, #tpu.memory_space<vmem>> -> memref<128x128xf32, #tpu.memory_space<vmem>>
      %dma_wait3A_928 = arith.constant 0 : i32
      %dma_wait3A_929 = tpu.memref_slice %arg7[%arg0, %add3A_895, %dma_wait3A_928] : memref<2x10240x128xf32, #tpu.memory_space<hbm>> -> memref<1x128x128xf32, #tpu.memory_space<hbm>>
      %dma_wait3A_930 = tpu.memref_squeeze %dma_wait3A_929 : memref<1x128x128xf32, #tpu.memory_space<hbm>> -> memref<128x128xf32, #tpu.memory_space<hbm>>
      %dma_wait3A_931 = arith.constant 0 : i32
      %dma_wait3A_932 = tpu.memref_slice %arg7[%arg0, %add3A_895, %dma_wait3A_931] : memref<2x10240x128xf32, #tpu.memory_space<hbm>> -> memref<1x128x128xf32, #tpu.memory_space<hbm>>
      %dma_wait3A_933 = tpu.memref_squeeze %dma_wait3A_932 : memref<1x128x128xf32, #tpu.memory_space<hbm>> -> memref<128x128xf32, #tpu.memory_space<hbm>>
      %dma_wait3A_934 = arith.constant 0 : i32
      %dma_wait3A_935 = arith.constant 0 : i32
      %dma_wait3A_936 = tpu.memref_slice %arg12[%run_scoped3A_896, %dma_wait3A_934, %dma_wait3A_935] : memref<2x128x128xf32, #tpu.memory_space<vmem>> -> memref<1x128x128xf32, #tpu.memory_space<vmem>>
      %dma_wait3A_937 = tpu.memref_squeeze %dma_wait3A_936 : memref<1x128x128xf32, #tpu.memory_space<vmem>> -> memref<128x128xf32, #tpu.memory_space<vmem>>
      tpu.wait_dma2 semaphore(%run_scoped3A_909 : memref<!tpu.dma_semaphore, #tpu.memory_space<semaphore_mem>>) src(%dma_wait3A_937 : memref<128x128xf32, #tpu.memory_space<vmem>>) dst(%dma_wait3A_933 : memref<128x128xf32, #tpu.memory_space<hbm>>)
      tpu.yield
    }) : () -> ()
    %add3A_897 = arith.constant 384 : i32
    %add3A_898 = arith.addi %mul3A_4, %add3A_897 : i32
    %run_scoped3A_899 = arith.constant 0 : i32
    "tpu.region"() ({
      %run_scoped3A_909 = tpu.sem_alloc : memref<!tpu.dma_semaphore, #tpu.memory_space<semaphore_mem>>
      %dma_start3A_910 = arith.constant 0 : i32
      %dma_start3A_911 = arith.constant 0 : i32
      %dma_start3A_912 = tpu.memref_slice %arg12[%run_scoped3A_899, %dma_start3A_910, %dma_start3A_911] : memref<2x128x128xf32, #tpu.memory_space<vmem>> -> memref<1x128x128xf32, #tpu.memory_space<vmem>>
      %dma_start3A_913 = tpu.memref_squeeze %dma_start3A_912 : memref<1x128x128xf32, #tpu.memory_space<vmem>> -> memref<128x128xf32, #tpu.memory_space<vmem>>
      %dma_start3A_914 = arith.constant 0 : i32
      %dma_start3A_915 = tpu.memref_slice %arg9[%add3A_898, %dma_start3A_914] : memref<10240x128xf32, #tpu.memory_space<vmem_shared>> -> memref<128x128xf32, #tpu.memory_space<vmem_shared>>
      %dma_start3A_916 = arith.constant 0 : i32
      %dma_start3A_917 = arith.constant 0 : i32
      %dma_start3A_918 = tpu.memref_slice %arg12[%run_scoped3A_899, %dma_start3A_916, %dma_start3A_917] : memref<2x128x128xf32, #tpu.memory_space<vmem>> -> memref<1x128x128xf32, #tpu.memory_space<vmem>>
      %dma_start3A_919 = tpu.memref_squeeze %dma_start3A_918 : memref<1x128x128xf32, #tpu.memory_space<vmem>> -> memref<128x128xf32, #tpu.memory_space<vmem>>
      %dma_start3A_920 = arith.constant 0 : i32
      %dma_start3A_921 = tpu.memref_slice %arg9[%add3A_898, %dma_start3A_920] : memref<10240x128xf32, #tpu.memory_space<vmem_shared>> -> memref<128x128xf32, #tpu.memory_space<vmem_shared>>
      tpu.enqueue_dma source(%dma_start3A_921 : memref<128x128xf32, #tpu.memory_space<vmem_shared>>) target(%dma_start3A_919 : memref<128x128xf32, #tpu.memory_space<vmem>>) target_semaphore(%run_scoped3A_909 : memref<!tpu.dma_semaphore, #tpu.memory_space<semaphore_mem>>)
      %dma_wait3A_922 = arith.constant 0 : i32
      %dma_wait3A_923 = arith.constant 0 : i32
      %dma_wait3A_924 = tpu.memref_slice %arg12[%run_scoped3A_899, %dma_wait3A_922, %dma_wait3A_923] : memref<2x128x128xf32, #tpu.memory_space<vmem>> -> memref<1x128x128xf32, #tpu.memory_space<vmem>>
      %dma_wait3A_925 = tpu.memref_squeeze %dma_wait3A_924 : memref<1x128x128xf32, #tpu.memory_space<vmem>> -> memref<128x128xf32, #tpu.memory_space<vmem>>
      %dma_wait3A_926 = arith.constant 0 : i32
      %dma_wait3A_927 = tpu.memref_slice %arg9[%add3A_898, %dma_wait3A_926] : memref<10240x128xf32, #tpu.memory_space<vmem_shared>> -> memref<128x128xf32, #tpu.memory_space<vmem_shared>>
      %dma_wait3A_928 = arith.constant 0 : i32
      %dma_wait3A_929 = arith.constant 0 : i32
      %dma_wait3A_930 = tpu.memref_slice %arg12[%run_scoped3A_899, %dma_wait3A_928, %dma_wait3A_929] : memref<2x128x128xf32, #tpu.memory_space<vmem>> -> memref<1x128x128xf32, #tpu.memory_space<vmem>>
      %dma_wait3A_931 = tpu.memref_squeeze %dma_wait3A_930 : memref<1x128x128xf32, #tpu.memory_space<vmem>> -> memref<128x128xf32, #tpu.memory_space<vmem>>
      %dma_wait3A_932 = arith.constant 0 : i32
      %dma_wait3A_933 = tpu.memref_slice %arg9[%add3A_898, %dma_wait3A_932] : memref<10240x128xf32, #tpu.memory_space<vmem_shared>> -> memref<128x128xf32, #tpu.memory_space<vmem_shared>>
      tpu.wait_dma2 semaphore(%run_scoped3A_909 : memref<!tpu.dma_semaphore, #tpu.memory_space<semaphore_mem>>) src(%dma_wait3A_933 : memref<128x128xf32, #tpu.memory_space<vmem_shared>>) dst(%dma_wait3A_931 : memref<128x128xf32, #tpu.memory_space<vmem>>)
      tpu.yield
    }) : () -> ()
    %add3A_900 = arith.constant 384 : i32
    %add3A_901 = arith.addi %mul3A_4, %add3A_900 : i32
    %run_scoped3A_902 = arith.constant 0 : i32
    "tpu.region"() ({
      %run_scoped3A_909 = tpu.sem_alloc : memref<!tpu.dma_semaphore, #tpu.memory_space<semaphore_mem>>
      %dma_start3A_910 = arith.constant 0 : i32
      %dma_start3A_911 = arith.constant 0 : i32
      %dma_start3A_912 = tpu.memref_slice %arg12[%run_scoped3A_902, %dma_start3A_910, %dma_start3A_911] : memref<2x128x128xf32, #tpu.memory_space<vmem>> -> memref<1x128x128xf32, #tpu.memory_space<vmem>>
      %dma_start3A_913 = tpu.memref_squeeze %dma_start3A_912 : memref<1x128x128xf32, #tpu.memory_space<vmem>> -> memref<128x128xf32, #tpu.memory_space<vmem>>
      %dma_start3A_914 = arith.constant 0 : i32
      %dma_start3A_915 = tpu.memref_slice %arg7[%arg0, %add3A_901, %dma_start3A_914] : memref<2x10240x128xf32, #tpu.memory_space<hbm>> -> memref<1x128x128xf32, #tpu.memory_space<hbm>>
      %dma_start3A_916 = tpu.memref_squeeze %dma_start3A_915 : memref<1x128x128xf32, #tpu.memory_space<hbm>> -> memref<128x128xf32, #tpu.memory_space<hbm>>
      %dma_start3A_917 = arith.constant 0 : i32
      %dma_start3A_918 = tpu.memref_slice %arg7[%arg0, %add3A_901, %dma_start3A_917] : memref<2x10240x128xf32, #tpu.memory_space<hbm>> -> memref<1x128x128xf32, #tpu.memory_space<hbm>>
      %dma_start3A_919 = tpu.memref_squeeze %dma_start3A_918 : memref<1x128x128xf32, #tpu.memory_space<hbm>> -> memref<128x128xf32, #tpu.memory_space<hbm>>
      %dma_start3A_920 = arith.constant 0 : i32
      %dma_start3A_921 = arith.constant 0 : i32
      %dma_start3A_922 = tpu.memref_slice %arg12[%run_scoped3A_902, %dma_start3A_920, %dma_start3A_921] : memref<2x128x128xf32, #tpu.memory_space<vmem>> -> memref<1x128x128xf32, #tpu.memory_space<vmem>>
      %dma_start3A_923 = tpu.memref_squeeze %dma_start3A_922 : memref<1x128x128xf32, #tpu.memory_space<vmem>> -> memref<128x128xf32, #tpu.memory_space<vmem>>
      tpu.enqueue_dma source(%dma_start3A_923 : memref<128x128xf32, #tpu.memory_space<vmem>>) target(%dma_start3A_919 : memref<128x128xf32, #tpu.memory_space<hbm>>) target_semaphore(%run_scoped3A_909 : memref<!tpu.dma_semaphore, #tpu.memory_space<semaphore_mem>>)
      %dma_wait3A_924 = arith.constant 0 : i32
      %dma_wait3A_925 = arith.constant 0 : i32
      %dma_wait3A_926 = tpu.memref_slice %arg12[%run_scoped3A_902, %dma_wait3A_924, %dma_wait3A_925] : memref<2x128x128xf32, #tpu.memory_space<vmem>> -> memref<1x128x128xf32, #tpu.memory_space<vmem>>
      %dma_wait3A_927 = tpu.memref_squeeze %dma_wait3A_926 : memref<1x128x128xf32, #tpu.memory_space<vmem>> -> memref<128x128xf32, #tpu.memory_space<vmem>>
      %dma_wait3A_928 = arith.constant 0 : i32
      %dma_wait3A_929 = tpu.memref_slice %arg7[%arg0, %add3A_901, %dma_wait3A_928] : memref<2x10240x128xf32, #tpu.memory_space<hbm>> -> memref<1x128x128xf32, #tpu.memory_space<hbm>>
      %dma_wait3A_930 = tpu.memref_squeeze %dma_wait3A_929 : memref<1x128x128xf32, #tpu.memory_space<hbm>> -> memref<128x128xf32, #tpu.memory_space<hbm>>
      %dma_wait3A_931 = arith.constant 0 : i32
      %dma_wait3A_932 = tpu.memref_slice %arg7[%arg0, %add3A_901, %dma_wait3A_931] : memref<2x10240x128xf32, #tpu.memory_space<hbm>> -> memref<1x128x128xf32, #tpu.memory_space<hbm>>
      %dma_wait3A_933 = tpu.memref_squeeze %dma_wait3A_932 : memref<1x128x128xf32, #tpu.memory_space<hbm>> -> memref<128x128xf32, #tpu.memory_space<hbm>>
      %dma_wait3A_934 = arith.constant 0 : i32
      %dma_wait3A_935 = arith.constant 0 : i32
      %dma_wait3A_936 = tpu.memref_slice %arg12[%run_scoped3A_902, %dma_wait3A_934, %dma_wait3A_935] : memref<2x128x128xf32, #tpu.memory_space<vmem>> -> memref<1x128x128xf32, #tpu.memory_space<vmem>>
      %dma_wait3A_937 = tpu.memref_squeeze %dma_wait3A_936 : memref<1x128x128xf32, #tpu.memory_space<vmem>> -> memref<128x128xf32, #tpu.memory_space<vmem>>
      tpu.wait_dma2 semaphore(%run_scoped3A_909 : memref<!tpu.dma_semaphore, #tpu.memory_space<semaphore_mem>>) src(%dma_wait3A_937 : memref<128x128xf32, #tpu.memory_space<vmem>>) dst(%dma_wait3A_933 : memref<128x128xf32, #tpu.memory_space<hbm>>)
      tpu.yield
    }) : () -> ()
    %add3A_903 = arith.constant 512 : i32
    %add3A_904 = arith.addi %mul3A_4, %add3A_903 : i32
    %run_scoped3A_905 = arith.constant 0 : i32
    "tpu.region"() ({
      %run_scoped3A_909 = tpu.sem_alloc : memref<!tpu.dma_semaphore, #tpu.memory_space<semaphore_mem>>
      %dma_start3A_910 = arith.constant 0 : i32
      %dma_start3A_911 = arith.constant 0 : i32
      %dma_start3A_912 = tpu.memref_slice %arg12[%run_scoped3A_905, %dma_start3A_910, %dma_start3A_911] : memref<2x128x128xf32, #tpu.memory_space<vmem>> -> memref<1x128x128xf32, #tpu.memory_space<vmem>>
      %dma_start3A_913 = tpu.memref_squeeze %dma_start3A_912 : memref<1x128x128xf32, #tpu.memory_space<vmem>> -> memref<128x128xf32, #tpu.memory_space<vmem>>
      %dma_start3A_914 = arith.constant 0 : i32
      %dma_start3A_915 = tpu.memref_slice %arg9[%add3A_904, %dma_start3A_914] : memref<10240x128xf32, #tpu.memory_space<vmem_shared>> -> memref<128x128xf32, #tpu.memory_space<vmem_shared>>
      %dma_start3A_916 = arith.constant 0 : i32
      %dma_start3A_917 = arith.constant 0 : i32
      %dma_start3A_918 = tpu.memref_slice %arg12[%run_scoped3A_905, %dma_start3A_916, %dma_start3A_917] : memref<2x128x128xf32, #tpu.memory_space<vmem>> -> memref<1x128x128xf32, #tpu.memory_space<vmem>>
      %dma_start3A_919 = tpu.memref_squeeze %dma_start3A_918 : memref<1x128x128xf32, #tpu.memory_space<vmem>> -> memref<128x128xf32, #tpu.memory_space<vmem>>
      %dma_start3A_920 = arith.constant 0 : i32
      %dma_start3A_921 = tpu.memref_slice %arg9[%add3A_904, %dma_start3A_920] : memref<10240x128xf32, #tpu.memory_space<vmem_shared>> -> memref<128x128xf32, #tpu.memory_space<vmem_shared>>
      tpu.enqueue_dma source(%dma_start3A_921 : memref<128x128xf32, #tpu.memory_space<vmem_shared>>) target(%dma_start3A_919 : memref<128x128xf32, #tpu.memory_space<vmem>>) target_semaphore(%run_scoped3A_909 : memref<!tpu.dma_semaphore, #tpu.memory_space<semaphore_mem>>)
      %dma_wait3A_922 = arith.constant 0 : i32
      %dma_wait3A_923 = arith.constant 0 : i32
      %dma_wait3A_924 = tpu.memref_slice %arg12[%run_scoped3A_905, %dma_wait3A_922, %dma_wait3A_923] : memref<2x128x128xf32, #tpu.memory_space<vmem>> -> memref<1x128x128xf32, #tpu.memory_space<vmem>>
      %dma_wait3A_925 = tpu.memref_squeeze %dma_wait3A_924 : memref<1x128x128xf32, #tpu.memory_space<vmem>> -> memref<128x128xf32, #tpu.memory_space<vmem>>
      %dma_wait3A_926 = arith.constant 0 : i32
      %dma_wait3A_927 = tpu.memref_slice %arg9[%add3A_904, %dma_wait3A_926] : memref<10240x128xf32, #tpu.memory_space<vmem_shared>> -> memref<128x128xf32, #tpu.memory_space<vmem_shared>>
      %dma_wait3A_928 = arith.constant 0 : i32
      %dma_wait3A_929 = arith.constant 0 : i32
      %dma_wait3A_930 = tpu.memref_slice %arg12[%run_scoped3A_905, %dma_wait3A_928, %dma_wait3A_929] : memref<2x128x128xf32, #tpu.memory_space<vmem>> -> memref<1x128x128xf32, #tpu.memory_space<vmem>>
      %dma_wait3A_931 = tpu.memref_squeeze %dma_wait3A_930 : memref<1x128x128xf32, #tpu.memory_space<vmem>> -> memref<128x128xf32, #tpu.memory_space<vmem>>
      %dma_wait3A_932 = arith.constant 0 : i32
      %dma_wait3A_933 = tpu.memref_slice %arg9[%add3A_904, %dma_wait3A_932] : memref<10240x128xf32, #tpu.memory_space<vmem_shared>> -> memref<128x128xf32, #tpu.memory_space<vmem_shared>>
      tpu.wait_dma2 semaphore(%run_scoped3A_909 : memref<!tpu.dma_semaphore, #tpu.memory_space<semaphore_mem>>) src(%dma_wait3A_933 : memref<128x128xf32, #tpu.memory_space<vmem_shared>>) dst(%dma_wait3A_931 : memref<128x128xf32, #tpu.memory_space<vmem>>)
      tpu.yield
    }) : () -> ()
    %add3A_906 = arith.constant 512 : i32
    %add3A_907 = arith.addi %mul3A_4, %add3A_906 : i32
    %run_scoped3A_908 = arith.constant 0 : i32
    "tpu.region"() ({
      %run_scoped3A_909 = tpu.sem_alloc : memref<!tpu.dma_semaphore, #tpu.memory_space<semaphore_mem>>
      %dma_start3A_910 = arith.constant 0 : i32
      %dma_start3A_911 = arith.constant 0 : i32
      %dma_start3A_912 = tpu.memref_slice %arg12[%run_scoped3A_908, %dma_start3A_910, %dma_start3A_911] : memref<2x128x128xf32, #tpu.memory_space<vmem>> -> memref<1x128x128xf32, #tpu.memory_space<vmem>>
      %dma_start3A_913 = tpu.memref_squeeze %dma_start3A_912 : memref<1x128x128xf32, #tpu.memory_space<vmem>> -> memref<128x128xf32, #tpu.memory_space<vmem>>
      %dma_start3A_914 = arith.constant 0 : i32
      %dma_start3A_915 = tpu.memref_slice %arg7[%arg0, %add3A_907, %dma_start3A_914] : memref<2x10240x128xf32, #tpu.memory_space<hbm>> -> memref<1x128x128xf32, #tpu.memory_space<hbm>>
      %dma_start3A_916 = tpu.memref_squeeze %dma_start3A_915 : memref<1x128x128xf32, #tpu.memory_space<hbm>> -> memref<128x128xf32, #tpu.memory_space<hbm>>
      %dma_start3A_917 = arith.constant 0 : i32
      %dma_start3A_918 = tpu.memref_slice %arg7[%arg0, %add3A_907, %dma_start3A_917] : memref<2x10240x128xf32, #tpu.memory_space<hbm>> -> memref<1x128x128xf32, #tpu.memory_space<hbm>>
      %dma_start3A_919 = tpu.memref_squeeze %dma_start3A_918 : memref<1x128x128xf32, #tpu.memory_space<hbm>> -> memref<128x128xf32, #tpu.memory_space<hbm>>
      %dma_start3A_920 = arith.constant 0 : i32
      %dma_start3A_921 = arith.constant 0 : i32
      %dma_start3A_922 = tpu.memref_slice %arg12[%run_scoped3A_908, %dma_start3A_920, %dma_start3A_921] : memref<2x128x128xf32, #tpu.memory_space<vmem>> -> memref<1x128x128xf32, #tpu.memory_space<vmem>>
      %dma_start3A_923 = tpu.memref_squeeze %dma_start3A_922 : memref<1x128x128xf32, #tpu.memory_space<vmem>> -> memref<128x128xf32, #tpu.memory_space<vmem>>
      tpu.enqueue_dma source(%dma_start3A_923 : memref<128x128xf32, #tpu.memory_space<vmem>>) target(%dma_start3A_919 : memref<128x128xf32, #tpu.memory_space<hbm>>) target_semaphore(%run_scoped3A_909 : memref<!tpu.dma_semaphore, #tpu.memory_space<semaphore_mem>>)
      %dma_wait3A_924 = arith.constant 0 : i32
      %dma_wait3A_925 = arith.constant 0 : i32
      %dma_wait3A_926 = tpu.memref_slice %arg12[%run_scoped3A_908, %dma_wait3A_924, %dma_wait3A_925] : memref<2x128x128xf32, #tpu.memory_space<vmem>> -> memref<1x128x128xf32, #tpu.memory_space<vmem>>
      %dma_wait3A_927 = tpu.memref_squeeze %dma_wait3A_926 : memref<1x128x128xf32, #tpu.memory_space<vmem>> -> memref<128x128xf32, #tpu.memory_space<vmem>>
      %dma_wait3A_928 = arith.constant 0 : i32
      %dma_wait3A_929 = tpu.memref_slice %arg7[%arg0, %add3A_907, %dma_wait3A_928] : memref<2x10240x128xf32, #tpu.memory_space<hbm>> -> memref<1x128x128xf32, #tpu.memory_space<hbm>>
      %dma_wait3A_930 = tpu.memref_squeeze %dma_wait3A_929 : memref<1x128x128xf32, #tpu.memory_space<hbm>> -> memref<128x128xf32, #tpu.memory_space<hbm>>
      %dma_wait3A_931 = arith.constant 0 : i32
      %dma_wait3A_932 = tpu.memref_slice %arg7[%arg0, %add3A_907, %dma_wait3A_931] : memref<2x10240x128xf32, #tpu.memory_space<hbm>> -> memref<1x128x128xf32, #tpu.memory_space<hbm>>
      %dma_wait3A_933 = tpu.memref_squeeze %dma_wait3A_932 : memref<1x128x128xf32, #tpu.memory_space<hbm>> -> memref<128x128xf32, #tpu.memory_space<hbm>>
      %dma_wait3A_934 = arith.constant 0 : i32
      %dma_wait3A_935 = arith.constant 0 : i32
      %dma_wait3A_936 = tpu.memref_slice %arg12[%run_scoped3A_908, %dma_wait3A_934, %dma_wait3A_935] : memref<2x128x128xf32, #tpu.memory_space<vmem>> -> memref<1x128x128xf32, #tpu.memory_space<vmem>>
      %dma_wait3A_937 = tpu.memref_squeeze %dma_wait3A_936 : memref<1x128x128xf32, #tpu.memory_space<vmem>> -> memref<128x128xf32, #tpu.memory_space<vmem>>
      tpu.wait_dma2 semaphore(%run_scoped3A_909 : memref<!tpu.dma_semaphore, #tpu.memory_space<semaphore_mem>>) src(%dma_wait3A_937 : memref<128x128xf32, #tpu.memory_space<vmem>>) dst(%dma_wait3A_933 : memref<128x128xf32, #tpu.memory_space<hbm>>)
      tpu.yield
    }) : () -> ()
    "tpu.region"() ({
      %run_scoped3A_909 = tpu.sem_alloc : memref<!tpu.dma_semaphore, #tpu.memory_space<semaphore_mem>>
      %dma_start3A_910 = arith.constant 0 : i32
      %dma_start3A_911 = arith.constant 0 : i32
      %dma_start3A_912 = tpu.memref_slice %arg8[%add3A, %dma_start3A_910, %dma_start3A_911] : memref<32x80x128xf32, #tpu.memory_space<hbm>> -> memref<1x80x128xf32, #tpu.memory_space<hbm>>
      %dma_start3A_913 = tpu.memref_squeeze %dma_start3A_912 : memref<1x80x128xf32, #tpu.memory_space<hbm>> -> memref<80x128xf32, #tpu.memory_space<hbm>>
      %dma_start3A_914 = arith.constant 0 : i32
      %dma_start3A_915 = arith.constant 0 : i32
      %dma_start3A_916 = tpu.memref_slice %arg8[%add3A, %dma_start3A_914, %dma_start3A_915] : memref<32x80x128xf32, #tpu.memory_space<hbm>> -> memref<1x80x128xf32, #tpu.memory_space<hbm>>
      %dma_start3A_917 = tpu.memref_squeeze %dma_start3A_916 : memref<1x80x128xf32, #tpu.memory_space<hbm>> -> memref<80x128xf32, #tpu.memory_space<hbm>>
      tpu.enqueue_dma source(%arg13 : memref<80x128xf32, #tpu.memory_space<vmem>>) target(%dma_start3A_917 : memref<80x128xf32, #tpu.memory_space<hbm>>) target_semaphore(%run_scoped3A_909 : memref<!tpu.dma_semaphore, #tpu.memory_space<semaphore_mem>>)
      %dma_wait3A_918 = arith.constant 0 : i32
      %dma_wait3A_919 = arith.constant 0 : i32
      %dma_wait3A_920 = tpu.memref_slice %arg8[%add3A, %dma_wait3A_918, %dma_wait3A_919] : memref<32x80x128xf32, #tpu.memory_space<hbm>> -> memref<1x80x128xf32, #tpu.memory_space<hbm>>
      %dma_wait3A_921 = tpu.memref_squeeze %dma_wait3A_920 : memref<1x80x128xf32, #tpu.memory_space<hbm>> -> memref<80x128xf32, #tpu.memory_space<hbm>>
      %dma_wait3A_922 = arith.constant 0 : i32
      %dma_wait3A_923 = arith.constant 0 : i32
      %dma_wait3A_924 = tpu.memref_slice %arg8[%add3A, %dma_wait3A_922, %dma_wait3A_923] : memref<32x80x128xf32, #tpu.memory_space<hbm>> -> memref<1x80x128xf32, #tpu.memory_space<hbm>>
      %dma_wait3A_925 = tpu.memref_squeeze %dma_wait3A_924 : memref<1x80x128xf32, #tpu.memory_space<hbm>> -> memref<80x128xf32, #tpu.memory_space<hbm>>
      tpu.wait_dma2 semaphore(%run_scoped3A_909 : memref<!tpu.dma_semaphore, #tpu.memory_space<semaphore_mem>>) src(%arg13 : memref<80x128xf32, #tpu.memory_space<vmem>>) dst(%dma_wait3A_925 : memref<80x128xf32, #tpu.memory_space<hbm>>)
      tpu.yield
    }) : () -> ()
    return
  }
}

module attributes {stable_mosaic.version = 14 : i64} {
  func.func @_finish_body(%arg0: memref<2x10240x128xf32, #tpu.memory_space<vmem>>, %arg1: memref<32x80x128xf32, #tpu.memory_space<vmem>>, %arg2: memref<128x128xf32, #tpu.memory_space<vmem>>, %arg3: memref<10000x128xf32, #tpu.memory_space<vmem>>) attributes {dimension_semantics = [], scalar_prefetch = 0 : i64, scratch_operands = 0 : i64, tpu.core_type = #tpu.core_type<tc>} {
    %get3A = arith.constant 0 : index
    %get3A_0 = arith.constant 0 : index
    %get3A_1 = arith.constant 0 : index
    %get3A_2 = vector.load %arg0[%get3A, %get3A_0, %get3A_1] : memref<2x10240x128xf32, #tpu.memory_space<vmem>>, vector<1x10000x128xf32>
    %get3A_3 = vector.shape_cast %get3A_2 : vector<1x10000x128xf32> to vector<10000x128xf32>
    %get3A_4 = arith.constant 1 : index
    %get3A_5 = arith.constant 0 : index
    %get3A_6 = arith.constant 0 : index
    %get3A_7 = vector.load %arg0[%get3A_4, %get3A_5, %get3A_6] : memref<2x10240x128xf32, #tpu.memory_space<vmem>>, vector<1x10000x128xf32>
    %get3A_8 = vector.shape_cast %get3A_7 : vector<1x10000x128xf32> to vector<10000x128xf32>
    %add3A = arith.addf %get3A_3, %get3A_8 : vector<10000x128xf32>
    %get3A_9 = arith.constant 0 : index
    %get3A_10 = arith.constant 0 : index
    %get3A_11 = arith.constant 0 : index
    %get3A_12 = vector.load %arg1[%get3A_9, %get3A_10, %get3A_11] : memref<32x80x128xf32, #tpu.memory_space<vmem>>, vector<32x80x128xf32>
    %reduce_sum3A = arith.constant dense<0.000000e+00> : vector<80x128xf32>
    %reduce_sum3A_13 = vector.multi_reduction <add>, %get3A_12, %reduce_sum3A [0] : vector<32x80x128xf32> to vector<80x128xf32>
    %reshape3A = vector.shape_cast %reduce_sum3A_13 : vector<80x128xf32> to vector<10240xf32>
    %slice3A = vector.extract_strided_slice %reshape3A {offsets = [0], sizes = [10000], strides = [1]} : vector<10240xf32> to vector<10000xf32>
    %get3A_14 = arith.constant 0 : index
    %get3A_15 = arith.constant 0 : index
    %get3A_16 = vector.load %arg2[%get3A_14, %get3A_15] : memref<128x128xf32, #tpu.memory_space<vmem>>, vector<128x128xf32>
    %dot_general3A = arith.constant dense<0.000000e+00> : vector<10000x128xf32>
    %dot_general3A_17 = tpu.matmul %add3A, %get3A_16, %dot_general3A {dimension_numbers = #tpu.dot_dimension_numbers<[1], [0], [0], [1], [0, 0, 1, 1], [], []>, transpose_lhs_hint = false} : vector<10000x128xf32>, vector<128x128xf32>, vector<10000x128xf32> -> vector<10000x128xf32>
    %max3A = arith.constant 1.000000e+00 : f32
    %max3A_18 = vector.broadcast %max3A : f32 to vector<10000xf32>
    %max3A_19 = arith.maximumf %slice3A, %max3A_18 : vector<10000xf32>
    %div3A = arith.constant 1.000000e+00 : f32
    %div3A_20 = vector.broadcast %div3A : f32 to vector<10000xf32>
    %div3A_21 = arith.divf %div3A_20, %max3A_19 : vector<10000xf32>
    %broadcast_in_dim3A = vector.shape_cast %div3A_21 : vector<10000xf32> to vector<10000x1xf32>
    %mul3A = vector.broadcast %broadcast_in_dim3A : vector<10000x1xf32> to vector<10000x128xf32>
    %mul3A_22 = arith.mulf %dot_general3A_17, %mul3A : vector<10000x128xf32>
    %reduce_sum3A_23 = arith.constant dense<0.000000e+00> : vector<128xf32>
    %reduce_sum3A_24 = vector.multi_reduction <add>, %mul3A_22, %reduce_sum3A_23 [0] : vector<10000x128xf32> to vector<128xf32>
    %broadcast_in_dim3A_25 = vector.shape_cast %reduce_sum3A_24 : vector<128xf32> to vector<1x128xf32>
    %div3A_26 = arith.constant 1.000000e+04 : f32
    %div3A_27 = vector.broadcast %div3A_26 : f32 to vector<1x128xf32>
    %div3A_28 = arith.divf %broadcast_in_dim3A_25, %div3A_27 : vector<1x128xf32>
    %sub3A = vector.broadcast %div3A_28 : vector<1x128xf32> to vector<10000x128xf32>
    %sub3A_29 = arith.subf %mul3A_22, %sub3A : vector<10000x128xf32>
    %integer_pow3A = arith.mulf %sub3A_29, %sub3A_29 : vector<10000x128xf32>
    %reduce_sum3A_30 = arith.constant dense<0.000000e+00> : vector<128xf32>
    %reduce_sum3A_31 = vector.multi_reduction <add>, %integer_pow3A, %reduce_sum3A_30 [0] : vector<10000x128xf32> to vector<128xf32>
    %broadcast_in_dim3A_32 = vector.shape_cast %reduce_sum3A_31 : vector<128xf32> to vector<1x128xf32>
    %div3A_33 = arith.constant 1.000000e+04 : f32
    %div3A_34 = vector.broadcast %div3A_33 : f32 to vector<1x128xf32>
    %div3A_35 = arith.divf %broadcast_in_dim3A_32, %div3A_34 : vector<1x128xf32>
    %sub3A_36 = vector.broadcast %div3A_28 : vector<1x128xf32> to vector<10000x128xf32>
    %sub3A_37 = arith.subf %mul3A_22, %sub3A_36 : vector<10000x128xf32>
    %add3A_38 = arith.constant 9.99999974E-6 : f32
    %add3A_39 = vector.broadcast %add3A_38 : f32 to vector<1x128xf32>
    %add3A_40 = arith.addf %div3A_35, %add3A_39 : vector<1x128xf32>
    %rsqrt3A = math.rsqrt %add3A_40 : vector<1x128xf32>
    %mul3A_41 = vector.broadcast %rsqrt3A : vector<1x128xf32> to vector<10000x128xf32>
    %mul3A_42 = arith.mulf %sub3A_37, %mul3A_41 : vector<10000x128xf32>
    %max3A_43 = arith.constant 0.000000e+00 : f32
    %max3A_44 = vector.broadcast %max3A_43 : f32 to vector<10000x128xf32>
    %max3A_45 = arith.maximumf %mul3A_42, %max3A_44 : vector<10000x128xf32>
    %swap3A = arith.constant 0 : index
    %swap3A_46 = arith.constant 0 : index
    %swap3A_47 = vector.load %arg3[%swap3A, %swap3A_46] : memref<10000x128xf32, #tpu.memory_space<vmem>>, vector<10000x128xf32>
    tpu.vector_store %arg3[%swap3A, %swap3A_46], %max3A_45 {strides = array<i32>} : memref<10000x128xf32, #tpu.memory_space<vmem>>, vector<10000x128xf32>,
    return
  }
}

</mosaic_0001>

<sc_bundles>
// kernel: kernel.4.cloned.1.call-start
scs
__scs_entry_jumppad:
0x0: {  	(pc) =	sbr.rel $0x88, $3  }
0x1: {  	(tag) =	ssettag $0x0;
	lr =	simm.s32 $0x1  }
0x2: {  	[smem:$0x3F9E] =	sst lr;
	_ =	strace $0xD0000000  }
0x3: {  	_ = 	snop  }
0x4: {  	_ = 	snop  }
0x5: {  	_ = 	snop  }
0x6: {  	_ = 	snop  }
0x7: {  	_ = 	snop  }
__scs_overlays_trampoline_lowered:
0x8: {  	[smem:$0x3FAD] =	sst s0  }
0x9: {  	[smem:$0x3FAE] =	sst s1  }
0xa: {  	[smem:$0x3FAF] =	sst s2  }
0xb: {  	[smem:$0x3FB0] =	sst s3  }
0xc: {  	[smem:$0x3FB1] =	sst s4  }
0xd: {  	[smem:$0x3FB2] =	sst s5  }
0xe: {  	[smem:$0x3FB3] =	sst s6  }
0xf: {  	[smem:$0x3FB4] =	sst s7  }
0x10: {  	[smem:$0x3FB5] =	sst s8  }
0x11: {  	[smem:$0x3FB6] =	sst s9;
	s0 =	simm.s32 @!p0 $0x0  }
0x12: {  	s1 =	sld [smem:$0x3F9C];
	s0 =	simm.s32 @p0 $0x1  }
0x13: {  	[smem:$0x3FB7] =	sst s0;
	s0 =	simm.s32 @!p1 $0x0  }
0x14: {  	s2 =	sld [smem:$0x3F9B];
	s0 =	simm.s32 @p1 $0x1  }
0x15: {  	[smem:$0x3FB8] =	sst s0;
	s0 =	simm.s32 @!p2 $0x0  }
0x16: {  	s3 =	sld [smem:$0x3FDB];
	s0 =	simm.s32 @p2 $0x1  }
0x17: {  	s4 =	simm.s32 $0x1BF5;
	[smem:$0x3FBA] =	sst s0  }
0x18: {  	s0 =	sld [smem:$0x3F9D];
	_ =	swait.ge [sflag:s4], $0x0  }
0x19: {  	s7 =	sld [smem:$0x3F9E]  }
0x1a: {  	s8 =	sadd.s32 $0xFFFFE003, lr  }
0x1b: {  	s9 =	sadd.s32 $0xFFFFFEF7, lr;
	s5 =	simm.s32 $0xFFFFFFFF;
	p2 =	slt.u32 s8, $0xFFFFF086  }
0x1c: {  	p1 =	slt.u32 s9, $0xF7A;
	s5 =	simm.s32 @!p2 $0x0  }
0x1d: {  	s5 =	simm.s32 @p1 $0x1;
	p0 =	seq.s32 s7, s2  }
0x1e: {  	s7 =	smul.u32 @!p0 $0xF7A, s2;
	p2 =	seq.s32 @!p0 s5, $0x0  }
0x1f: {  	s9 =	smul.u32 $0xF7A, s1;
	s8 =	simm.s32 @!p0 $0x1BF5;
	p2 =	por !p2, p0  }
0x20: {  	[sflag:s8] =	ssyncset.s32 @!p0 $0xFFFFF086;
	s6 =	sadd.s32 @!p0 s3, s7;
	s7 =	simm.s32 @!p0 $0x108  }
0x21: {  	s3 =	sadd.s32 s3, s9;
	s6 =	sadd.s32 @!p0 $0x88, s6;
	s7 =	simm.s32 @p2 $0x1082  }
0x22: {  	[simem:s7], [sflag:s8] =	dma.local @!p0 [hbm:s6], $0xF7A  }
0x23: {  	s9 =	sor.u32 $0xD0000000, s2;
	s6 =	simm.s32 $0x108;
	_ =	swait.ge @!p0 [sflag:s8], $0x0  }
0x24: {  	s3 =	sadd.s32 $0x88, s3;
	s6 =	simm.s32 @!p1 $0x1082;
	[sflag:s4] =	ssyncset.s32 $0xFFFFF086  }
0x25: {  	[simem:s6], [sflag:s4] =	dma.local [hbm:s3], $0xF7A  }
0x26: {  	[smem:$0x3F9E] =	sst s1;
	(tag) =	ssettag s2;
	_ =	strace s9  }
0x27: {  	s1 =	sld [smem:$0x3FAE]  }
0x28: {  	s2 =	sld [smem:$0x3FAF]  }
0x29: {  	s4 =	sld [smem:$0x3FB1]  }
0x2a: {  	p0 =	seq.s32 s5, $0x0;
	s5 =	sld [smem:$0x3FB2]  }
0x2b: {  	s6 =	sld [smem:$0x3FB3]  }
0x2c: {  	s7 =	sld [smem:$0x3FB4]  }
0x2d: {  	s3 =	simm.s32 $0x108;
	s8 =	sld [smem:$0x3FB5]  }
0x2e: {  	s3 =	simm.s32 @!p0 $0x1082;
	s9 =	sld [smem:$0x3FB6]  }
0x2f: {  	lr =	sadd.s32 s0, s3;
	s0 =	sld [smem:$0x3FAD]  }
0x30: {  	s3 =	sld [smem:$0x3FB0]  }
0x31: {  	[smem:$0x3FB9] =	sst s10  }
0x32: {  	s10 =	sld [smem:$0x3FB7];
	_ =	sdelay $0x3  }
0x33: {  	p0 =	seq.s32 s10, $0x1;
	s10 =	sld [smem:$0x3FB9];
	_ =	sdelay $0x3  }
0x34: {  	[smem:$0x3FB9] =	sst s10  }
0x35: {  	s10 =	sld [smem:$0x3FB8];
	_ =	sdelay $0x3  }
0x36: {  	p1 =	seq.s32 s10, $0x1;
	s10 =	sld [smem:$0x3FB9];
	_ =	sdelay $0x3  }
0x37: {  	[smem:$0x3FB9] =	sst s10  }
0x38: {  	s10 =	sld [smem:$0x3FBA]  }
0x39: {  	_ = 	snop;
	(pc) =	sbr.ind lr, $3  }
0x3a: {  	_ = 	snop  }
0x3b: {  	_ = 	snop  }
0x3c: {  	p2 =	seq.s32 s10, $0x1;
	s10 =	sld [smem:$0x3FB9]  }
0x3d: {  	_ =	shalt  }
0x3e: {  	_ =	shalt  }
0x3f: {  	_ =	shalt  }
0x40: {  	_ =	shalt  }
0x41: {  	_ =	shalt  }
0x42: {  	_ =	shalt  }
0x43: {  	_ =	shalt  }
0x44: {  	_ =	shalt  }
0x45: {  	_ =	shalt  }
0x46: {  	_ =	shalt  }
0x47: {  	_ =	shalt  }
0x48: {  	_ =	shalt  }
0x49: {  	_ =	shalt  }
0x4a: {  	_ =	shalt  }
0x4b: {  	_ =	shalt  }
0x4c: {  	_ =	shalt  }
0x4d: {  	_ =	shalt  }
0x4e: {  	_ =	shalt  }
0x4f: {  	_ =	shalt  }
0x50: {  	_ =	shalt  }
0x51: {  	_ =	shalt  }
0x52: {  	_ =	shalt  }
0x53: {  	_ =	shalt  }
0x54: {  	_ =	shalt  }
0x55: {  	_ =	shalt  }
0x56: {  	_ =	shalt  }
0x57: {  	_ =	shalt  }
0x58: {  	_ =	shalt  }
0x59: {  	_ =	shalt  }
0x5a: {  	_ =	shalt  }
0x5b: {  	_ =	shalt  }
0x5c: {  	_ =	shalt  }
0x5d: {  	_ =	shalt  }
0x5e: {  	_ =	shalt  }
0x5f: {  	_ =	shalt  }
0x60: {  	_ =	shalt  }
0x61: {  	_ =	shalt  }
0x62: {  	_ =	shalt  }
0x63: {  	_ =	shalt  }
0x64: {  	_ =	shalt  }
0x65: {  	_ =	shalt  }
0x66: {  	_ =	shalt  }
0x67: {  	_ =	shalt  }
0x68: {  	_ =	shalt  }
0x69: {  	_ =	shalt  }
0x6a: {  	_ =	shalt  }
0x6b: {  	_ =	shalt  }
0x6c: {  	_ =	shalt  }
0x6d: {  	_ =	shalt  }
0x6e: {  	_ =	shalt  }
0x6f: {  	_ =	shalt  }
0x70: {  	_ =	shalt  }
0x71: {  	_ =	shalt  }
0x72: {  	_ =	shalt  }
0x73: {  	_ =	shalt  }
0x74: {  	_ =	shalt  }
0x75: {  	_ =	shalt  }
0x76: {  	_ =	shalt  }
0x77: {  	_ =	shalt  }
0x78: {  	_ =	shalt  }
0x79: {  	_ =	shalt  }
0x7a: {  	_ =	shalt  }
0x7b: {  	_ =	shalt  }
0x7c: {  	_ =	shalt  }
0x7d: {  	_ =	shalt  }
0x7e: {  	_ =	shalt  }
0x7f: {  	_ =	shalt  }
0x80: {  	_ =	shalt  }
0x81: {  	_ =	shalt  }
0x82: {  	_ =	shalt  }
0x83: {  	_ =	shalt  }
0x84: {  	_ =	shalt  }
0x85: {  	_ =	shalt  }
0x86: {  	_ =	shalt  }
0x87: {  	_ =	shalt  }
.Lfunc_end0:
.L_simem_size_0:
called_computation_lowered:
.L_overlay_start_0:
0x88: {  	s2 =	sld [smem:$0x3FD9]  }
0x89: {  	s3 =	sld [smem:$0x3FFE];
	_ =	sdelay $0x1  }
0x8a: {  	s1 =	srdreg.scid  }
0x8b: {  	s0 =	sand.u32 $0x1, s1  }
0x8c: {  	s17 =	sshll.u32 s0, $0xA;
	s2 =	sadd.s32 s3, s2  }
0x8d: {  	s2 =	sadd.s32 s2, s17  }
0x8e: {  	[smem:$0x3FC5] =	sst s2  }
0x8f: {  	_ = 	snop  }
0x90: {  	s2 =	sld [smem:$0x3FC9]  }
0x91: {  	s18 =	sld [smem:$0x3FD0];
	(tm) =	ssettm $0x1  }
0x92: {  	s4 =	sld [smem:$0x3FFB];
	_ =	sdelay $0x3  }
0x93: {  	_ =	strace s4  }
0x94: {  	s4 =	sld [smem:$0x3FFC];
	_ =	sdelay $0x3  }
0x95: {  	_ =	strace s4  }
0x96: {  	s4 =	sld [smem:$0x3FFD];
	_ =	sdelay $0x3  }
0x97: {  	_ =	strace s4  }
0x98: {  	_ =	strace $0x8FFFFFFF  }
0x99: {  	s19 =	sld [smem:$0x3FDB];
	_ =	sdelay $0x1  }
0x9a: {  	s5 =	simm.s32 $_scs_section_size  }
0x9b: {  	s6 =	simm.s32 $_size__tile_overlayer_lowered;
	s7 =	simm.s32 $_tile_overlayer_lowered  }
0x9c: {  	s22 =	simm.s32 $0x1BFF;
	s21 =	sshll.u32 s7, $0x1;
	s4 =	sadd.s32 s5, s19  }
0x9d: {  	s8 =	simm.s32 $0x0;
	s20 =	sshll.u32 s6, $0x1;
	s6 =	sadd.s32 s21, s4  }
0x9e: {  	[timem:s8], [sflag:s22] =	dma.local [hbm:s6], s20  }
0x9f: {  	_ =	swait.ge [sflag:s22], s20  }
0xa0: {  	s5 =	ssub.s32 $0x0, s20;
	[sflag:s22] =	ssyncset.done $0x0  }
0xa1: {  	[sflag:s22] =	ssyncadd.s32 s5;
	_ =	sdelay $0x1  }
0xa2: {  	s23 =	simm.s32 $0x1B8B  }
0xa3: {  	_ =	swait.ge [sflag:s23], $0x1  }
0xa4: {  	[sflag:s23] =	ssyncset.done $0x0  }
0xa5: {  	s25 =	simm.s32 $0x1B8E;
	s24 =	sld [smem:$0x3FFE];
	[sflag:s23] =	ssyncadd.s32 $0xFFFFFFFF  }
0xa6: {  	s26 =	simm.s32 $execute0_lowered;
	[smem:$0x3FD2] =	sst s25  }
0xa7: {  	s6 =	sshll.u32 s26, $0x1;
	_ =	strace $0x80000046;
	[dreg:$0x1] =	wrdreg $0xFFFFFFFF  }
0xa8: {  	s28 =	simm.s32 $_size_execute0_lowered;
	s4 =	sadd.s32 s4, s6;
	[dreg:$0x0] =	wrdreg $0x0  }
0xa9: {  	s6 =	sshll.u32 s28, $0x1;
	[dreg:$0x2] =	wrdreg s4  }
0xaa: {  	[dreg:$0x3] =	wrdreg s6  }
0xab: {  	[dreg:$0x4] =	wrdreg $0xC0  }
0xac: {  	_ =	task [dreg:s8], $0x5FFFF  }
0xad: {  	[dreg:$0x1] =	wrdreg $0xFFFFFFFF  }
0xae: {  	[dreg:$0x0] =	wrdreg $0x60  }
0xaf: {  	[dreg:$0x2] =	wrdreg s2  }
0xb0: {  	[dreg:$0x3] =	wrdreg s18  }
0xb1: {  	[dreg:$0x4] =	wrdreg s24  }
0xb2: {  	[dreg:$0x5] =	wrdreg $0x0  }
0xb3: {  	[dreg:$0x6] =	wrdreg $0x9  }
0xb4: {  	_ =	task.clear_ibuf [dreg:s8], $0x7FFFF;
	_ =	strace $0x90000046  }
0xb5: {  	s29 =	simm.s32 $0x9;
	_ =	strace $0x80000048  }
0xb6: {  	_ =	swait.ge [sflag:s29], $0x1  }
0xb7: {  	[sflag:s29] =	ssyncadd.s32 $0xFFFFFFFF  }
0xb8: {  	_ =	strace $0x90000048  }
0xb9: {  	_ =	sfence  }
0xba: {  	s30 =	sld [smem:$0x0];
	_ =	sdelay $0x2  }
0xbb: {  	s31 =	sshll.u32 s1, $0xD;
	s1 =	sshrl.u32 s1, $0x2  }
0xbc: {  	s3 =	sand.u32 $0x4000, s31;
	s1 =	sadd.s32 s1, s30  }
0xbd: {  	s0 =	sor.u32 s3, s0;
	s1 =	sshll.u32 s1, $0x11  }
0xbe: {  	s0 =	sor.u32 s1, s0  }
0xbf: {  	s0 =	sadd.s32 $0x8F2B, s0  }
0xc0: {  	[sflag:s0] =	ssyncadd.remote.s32 $0x1  }
0xc1: {  	_ =	sfence.sel $0xFFFF  }
0xc2: {  	[dreg:$0x0] =	wrdreg $0xFFFFFFFF;
	(pc) =	sbr.abs _section_cstart, $3  }
0xc3: {  	[dreg:$0x1] =	wrdreg $0xFFFFFFFF  }
0xc4: {  	_ =	task.clear_ibuf [dreg:s8], $0x2FFFF;
	_ =	strace $0x9FFFFFFF  }
0xc5: {  	(tm) =	ssettm $0x7FFFFFFF  }
tec
execute0_lowered:
.L_overlay_start_1:
0x0: {  	(tag) =	ssettag $0x1  }
0x1: {  	s1 =	rddreg [dreg:$0x1]  }
0x2: {  	s0 =	rddreg [dreg:$0x2]  }
0x3: {  	s3 =	rddreg [dreg:$0x3]  }
0x4: {  	s4 =	srdreg.scid;
	s5 =	simm.s32 $0x0;
	s11 =	stileid.u32  }
0x5: {  	s31 =	simm.s32 $0x1C400;
	s28 =	simm.s32 $0x1;
	s29 =	simm.s32 $0x2  }
0x6: {  	s30 =	simm.s32 $0x3;
	s4 =	sand.u32 $0x1, s4;
	[smem:$0x7FF] =	sst s5  }
0x7: {  	s8 =	sadd.s32 $0xB200, s0;
	s19 =	sadd.s32 $0xAC00, s0;
	s20 =	smul.u32 $0x50000, s11  }
0x8: {  	s12 =	sadd.s32 $0xBA00, s0;
	_ =	strace $0x80000047;
	[dreg:$0x5] =	wrdreg s8  }
0x9: {  	s6 =	sshll.u32 s4, $0x4;
	[dreg:$0x6] =	wrdreg s19;
	s10 =	ssub.s32 $0x2, s4  }
0xa: {  	s4 =	smul.u32 $0x140000, s4;
	s7 =	sor.u32 s11, s6;
	s6 =	sadd.s32 $0xC00, s0  }
0xb: {  	s11 =	smul.u32 $0x14000, s11;
	s13 =	sshrl.u32 s10, $0x1;
	s8 =	sshrl.u32 s20, $0x2  }
0xc: {  	s7 =	smul.u32 $0x2800, s7;
	s10 =	ssub.s32 s10, s13;
	s17 =	sadd.s32 s8, s3  }
0xd: {  	s21 =	sadd.s32 $0x4000, s11;
	s22 =	sadd.s32 $0x8000, s11;
	s14 =	sadd.s32 $0xC000, s11  }
0xe: {  	s15 =	sadd.s32 $0x10000, s11;
	s11 =	sadd.s32 s11, s4;
	s9 =	sshrl.u32 s7, $0x3  }
0xf: {  	s18 =	sadd.s32 s21, s3;
	s25 =	sadd.s32 s22, s3;
	s26 =	sadd.s32 s14, s3  }
0x10: {  	s2 =	sadd.s32 s15, s3;
	s13 =	sadd.s32 s4, s21;
	s8 =	sadd.s32 s4, s22  }
0x11: {  	s14 =	sadd.s32 s4, s14;
	s4 =	sadd.s32 s4, s15;
	s15 =	smov.u32 s17  }
0x12: {  	s11 =	sshrl.u32 s11, $0x3;
	s0 =	sadd.s32 s9, s0;
	[dreg:$0x7] =	wrdreg s15  }
0x13: {  	s16 =	sor.u32 $0x10, s9;
	s13 =	sshrl.u32 s13, $0x3;
	[dreg:$0x9] =	wrdreg s25  }
0x14: {  	s11 =	sadd.s32 s12, s11;
	s8 =	sshrl.u32 s8, $0x3;
	[dreg:$0xa] =	wrdreg s26  }
0x15: {  	s4 =	sshrl.u32 s4, $0x3;
	s20 =	sadd.s32 s1, s9;
	[dreg:$0xd] =	wrdreg s11  }
0x16: {  	s21 =	sadd.s32 s6, s9;
	s22 =	sor.u32 $0x30, s9;
	[dreg:$0x15] =	wrdreg s20  }
0x17: {  	s23 =	sadd.s32 s1, s16;
	s24 =	sadd.s32 s12, s13;
	[dreg:$0x16] =	wrdreg s21  }
0x18: {  	s8 =	sadd.s32 s12, s8;
	s11 =	sshrl.u32 s14, $0x3;
	[dreg:$0xc] =	wrdreg s23  }
0x19: {  	s14 =	smov.u32 s2;
	s4 =	sadd.s32 s12, s4;
	[dreg:$0xe] =	wrdreg s24  }
0x1a: {  	s13 =	sor.u32 $0x20, s9;
	s17 =	sadd.s32 s6, s16;
	[dreg:$0xf] =	wrdreg s8  }
0x1b: {  	s9 =	smov.u32 s18;
	s0 =	sadd.s32 $0x5BA00, s0;
	[dreg:$0x11] =	wrdreg s4  }
0x1c: {  	s16 =	simm.s32 $0x14200;
	s18 =	simm.s32 $0x14280;
	[dreg:$0x12] =	wrdreg s17  }
0x1d: {  	s20 =	simm.s32 $0x14300;
	s21 =	simm.s32 $0x14180;
	[dreg:$0x19] =	wrdreg s0  }
0x1e: {  	s2 =	simm.s32 $0x0;
	s8 =	sadd.s32 s12, s11;
	[dreg:$0x8] =	wrdreg s9  }
0x1f: {  	s19 =	sadd.s32 s1, s13;
	s4 =	sadd.s32 s6, s13;
	[dreg:$0xb] =	wrdreg s14  }
0x20: {  	s23 =	sadd.s32 s1, s22;
	s24 =	smax.u32 s10, $0x1;
	[dreg:$0x10] =	wrdreg s8  }
0x21: {  	s17 =	simm.s32 $0x14080;
	s10 =	simm.s32 $0x9;
	[dreg:$0x13] =	wrdreg s19  }
0x22: {  	s11 =	simm.s32 $0x6;
	s13 =	simm.s32 $0xA;
	[dreg:$0x14] =	wrdreg s4  }
0x23: {  	s12 =	simm.s32 $0x4;
	[dreg:$0x17] =	wrdreg s23;
	s4 =	sadd.s32 s6, s22  }
0x24: {  	[dreg:$0x1a] =	wrdreg s24;
	s19 =	simm.s32 $0x14100;
	s22 =	simm.s32 $0x14380  }
0x25: {  	v0 =	vimm.f32 $1.000000000e+00;
	s24 =	simm.s32 $0x5;
	s23 =	simm.s32 $0x80;
	[dreg:$0x18] =	wrdreg s4  }
.LBB2_1:
0x26: {  	[dreg:$0x1b] =	wrdreg s2  }
0x27: {  	s8 =	simm.s32 $0xD;
	s0 =	rddreg [dreg:$0x6]  }
0x28: {  	[tilespmem:s31], [sflag:$0xD] =	stream.linear.gather [hbm4b:s0+s5], $0x2800, $0x38;
	[tilespmem:$0x1EC00] =	vst v63  }
0x29: {  	_ =	swait.ge [sflag:s8], $0x2800  }
0x2a: {  	[sflag:s8] =	ssyncset.done $0x0  }
0x2b: {  	s1 =	simm.s32 $0x14400;
	s4 =	rddreg [dreg:$0x5];
	[sflag:s8] =	ssyncadd.s32 $0xFFFFD800  }
0x2c: {  	[tilespmem:s1], [sflag:$0xD] =	stream.linear.gather [hbm4b:s4+s5], $0x4000, $0x38;
	[tilespmem:$0x1EC00] =	vst v63  }
0x2d: {  	_ =	swait.ge [sflag:s8], $0x4000  }
0x2e: {  	[sflag:s8] =	ssyncset.done $0x0  }
0x2f: {  	[sflag:s8] =	ssyncadd.s32 $0xFFFFC000  }
0x30: {  	[spmem:s15] =	stream.linear.scatter [tilespmem:s1], [sflag:$0xD], $0x4000, $0x38;
	[tilespmem:$0x1EC00] =	vst v63  }
0x31: {  	_ =	swait.ge [sflag:s8], $0x4000  }
0x32: {  	[sflag:s8] =	ssyncset.done $0x0  }
0x33: {  	[sflag:s8] =	ssyncadd.s32 $0xFFFFC000  }
0x34: {  	[spmem:s9] =	stream.linear.scatter [tilespmem:s1], [sflag:$0xD], $0x4000, $0x38;
	[tilespmem:$0x1EC00] =	vst v63  }
0x35: {  	_ =	swait.ge [sflag:s8], $0x4000  }
0x36: {  	[sflag:s8] =	ssyncset.done $0x0  }
0x37: {  	[sflag:s8] =	ssyncadd.s32 $0xFFFFC000  }
0x38: {  	[spmem:s25] =	stream.linear.scatter [tilespmem:s1], [sflag:$0xD], $0x4000, $0x38;
	[tilespmem:$0x1EC00] =	vst v63  }
0x39: {  	_ =	swait.ge [sflag:s8], $0x4000  }
0x3a: {  	[sflag:s8] =	ssyncset.done $0x0  }
0x3b: {  	[sflag:s8] =	ssyncadd.s32 $0xFFFFC000  }
0x3c: {  	[spmem:s26] =	stream.linear.scatter [tilespmem:s1], [sflag:$0xD], $0x4000, $0x38;
	[tilespmem:$0x1EC00] =	vst v63  }
0x3d: {  	_ =	swait.ge [sflag:s8], $0x4000  }
0x3e: {  	[sflag:s8] =	ssyncset.done $0x0  }
0x3f: {  	[sflag:s8] =	ssyncadd.s32 $0xFFFFC000  }
0x40: {  	[spmem:s14] =	stream.linear.scatter [tilespmem:s1], [sflag:$0xD], $0x4000, $0x38;
	[tilespmem:$0x1EC00] =	vst v63  }
0x41: {  	_ =	swait.ge [sflag:s8], $0x4000  }
0x42: {  	[sflag:s8] =	ssyncset.done $0x0  }
0x43: {  	[sflag:s8] =	ssyncadd.s32 $0xFFFFC000  }
0x44: {  	[bflag:$0x0] =	sbarrier.arrive $0xFFFF  }
0x45: {  	s4 =	simm.s32 $0x14000;
	s9 =	rddreg [dreg:$0x15]  }
0x46: {  	[tilespmem:s4], [sflag:$0x5] =	stream.linear.gather [hbm4b:s9+s5], $0x80, $0x38;
	[tilespmem:$0x1EC00] =	vst v63  }
0x47: {  	s14 =	rddreg [dreg:$0x16]  }
0x48: {  	[tilespmem:s16], [sflag:$0x9] =	stream.linear.gather [hbm4b:s14+s5], $0x80, $0x38;
	[tilespmem:$0x1EC00] =	vst v63  }
0x49: {  	s15 =	rddreg [dreg:$0xc]  }
0x4a: {  	[tilespmem:s17], [sflag:$0x6] =	stream.linear.gather [hbm4b:s15+s5], $0x80, $0x38;
	[tilespmem:$0x1EC00] =	vst v63  }
0x4b: {  	s16 =	rddreg [dreg:$0x12]  }
0x4c: {  	[tilespmem:s18], [sflag:$0xA] =	stream.linear.gather [hbm4b:s16+s5], $0x80, $0x38;
	[tilespmem:$0x1EC00] =	vst v63  }
0x4d: {  	s18 =	rddreg [dreg:$0x13]  }
0x4e: {  	[tilespmem:s19], [sflag:$0x7] =	stream.linear.gather [hbm4b:s18+s5], $0x80, $0x38;
	[tilespmem:$0x1EC00] =	vst v63  }
0x4f: {  	s19 =	rddreg [dreg:$0x14]  }
0x50: {  	[tilespmem:s20], [sflag:$0xB] =	stream.linear.gather [hbm4b:s19+s5], $0x80, $0x38;
	[tilespmem:$0x1EC00] =	vst v63  }
0x51: {  	s20 =	rddreg [dreg:$0x17]  }
0x52: {  	[tilespmem:s21], [sflag:$0x8] =	stream.linear.gather [hbm4b:s20+s5], $0x80, $0x38;
	[tilespmem:$0x1EC00] =	vst v63  }
0x53: {  	s25 =	rddreg [dreg:$0x18]  }
0x54: {  	[tilespmem:s22], [sflag:$0xC] =	stream.linear.gather [hbm4b:s25+s5], $0x80, $0x38;
	[tilespmem:$0x1EC00] =	vst v63  }
0x55: {  	_ =	swait.ge [sflag:s24], $0x80  }
0x56: {  	[sflag:s24] =	ssyncset.done $0x0  }
0x57: {  	[sflag:s24] =	ssyncadd.s32 $0xFFFFFF80  }
0x58: {  	_ =	swait.ge [sflag:s10], $0x80  }
0x59: {  	[sflag:s10] =	ssyncset.done $0x0  }
0x5a: {  	[sflag:s10] =	ssyncadd.s32 $0xFFFFFF80  }
0x5b: {  	s26 =	rddreg [dreg:$0x0]  }
0x5c: {  	[tilespmem:s1], [sflag:$0x1] =	stream.indirect.gather [hbm4b:s26+s23], $0x80, s4, s23, $0xb8;
	[tilespmem:$0x1EC00] =	vst v63  }
0x5d: {  	_ =	swait.ge [sflag:s11], $0x80  }
0x5e: {  	[sflag:s11] =	ssyncset.done $0x0  }
0x5f: {  	[sflag:s11] =	ssyncadd.s32 $0xFFFFFF80  }
0x60: {  	s0 =	simm.s32 $0x380;
	s15 =	smov.u32 s3;
	_ =	swait.ge [sflag:s13], $0x80  }
0x61: {  	s25 =	simm.s32 $0x5;
	s10 =	simm.s32 $0x9;
	[sflag:s13] =	ssyncset.done $0x0  }
0x62: {  	s1 =	simm.s32 $0x18400;
	s11 =	simm.s32 $0x6;
	[sflag:s13] =	ssyncadd.s32 $0xFFFFFF80  }
0x63: {  	[tilespmem:s1], [sflag:$0x2] =	stream.indirect.gather [hbm4b:s26+s23], $0x80, s17, s23, $0xb8;
	[tilespmem:$0x1EC00] =	vst v63  }
0x64: {  	s13 =	simm.s32 $0xA;
	s26 =	simm.s32 $0x8;
	s1 =	rddreg [dreg:$0x1]  }
.LBB2_2:
0x65: {  	_ =	swait.ge [sflag:s28], $0x4000  }
0x66: {  	[sflag:s28] =	ssyncset.done $0x0  }
0x67: {  	s17 =	simm.s32 $0x14200;
	s2 =	simm.s32 $0x14400;
	[sflag:s28] =	ssyncadd.s32 $0xFFFFC000  }
0x68: {  	[spmem:s15] =	stream.indirect.scatter.add.f32 [tilespmem:s2], [sflag:$0x3], $0x80, s17, s23, $0xb8;
	[tilespmem:$0x1EC00] =	vst v63  }
0x69: {  	v1 =	vld [tilespmem:$0x14200];
	_ =	sdelay $0x7  }
0x6a: {  	[tilespmem:v1+s31+$0x0] =	vst.idx.add.f32.msk $0xffff, v0  }
0x6b: {  	v1 =	vld [tilespmem:$0x14210];
	_ =	sdelay $0x7  }
0x6c: {  	[tilespmem:v1+s31+$0x0] =	vst.idx.add.f32.msk $0xffff, v0  }
0x6d: {  	v1 =	vld [tilespmem:$0x14220];
	_ =	sdelay $0x7  }
0x6e: {  	[tilespmem:v1+s31+$0x0] =	vst.idx.add.f32.msk $0xffff, v0  }
0x6f: {  	v1 =	vld [tilespmem:$0x14230];
	_ =	sdelay $0x7  }
0x70: {  	[tilespmem:v1+s31+$0x0] =	vst.idx.add.f32.msk $0xffff, v0  }
0x71: {  	v1 =	vld [tilespmem:$0x14240];
	_ =	sdelay $0x7  }
0x72: {  	[tilespmem:v1+s31+$0x0] =	vst.idx.add.f32.msk $0xffff, v0  }
0x73: {  	v1 =	vld [tilespmem:$0x14250];
	_ =	sdelay $0x7  }
0x74: {  	[tilespmem:v1+s31+$0x0] =	vst.idx.add.f32.msk $0xffff, v0  }
0x75: {  	v1 =	vld [tilespmem:$0x14260];
	_ =	sdelay $0x7  }
0x76: {  	[tilespmem:v1+s31+$0x0] =	vst.idx.add.f32.msk $0xffff, v0  }
0x77: {  	v1 =	vld [tilespmem:$0x14270];
	_ =	sdelay $0x7  }
0x78: {  	[tilespmem:v1+s31+$0x0] =	vst.idx.add.f32.msk $0xffff, v0  }
0x79: {  	_ =	swait.ge [sflag:s29], $0x4000  }
0x7a: {  	[sflag:s29] =	ssyncset.done $0x0  }
0x7b: {  	s19 =	simm.s32 $0x14280;
	s4 =	simm.s32 $0x18400;
	[sflag:s29] =	ssyncadd.s32 $0xFFFFC000  }
0x7c: {  	[spmem:s15] =	stream.indirect.scatter.add.f32 [tilespmem:s4], [sflag:$0x4], $0x80, s19, s23, $0xb8;
	[tilespmem:$0x1EC00] =	vst v63  }
0x7d: {  	v1 =	vld [tilespmem:$0x14280];
	_ =	sdelay $0x7  }
0x7e: {  	[tilespmem:v1+s31+$0x0] =	vst.idx.add.f32.msk $0xffff, v0  }
0x7f: {  	v1 =	vld [tilespmem:$0x14290];
	_ =	sdelay $0x7  }
0x80: {  	[tilespmem:v1+s31+$0x0] =	vst.idx.add.f32.msk $0xffff, v0  }
0x81: {  	v1 =	vld [tilespmem:$0x142A0];
	_ =	sdelay $0x7  }
0x82: {  	[tilespmem:v1+s31+$0x0] =	vst.idx.add.f32.msk $0xffff, v0  }
0x83: {  	v1 =	vld [tilespmem:$0x142B0];
	_ =	sdelay $0x7  }
0x84: {  	[tilespmem:v1+s31+$0x0] =	vst.idx.add.f32.msk $0xffff, v0  }
0x85: {  	v1 =	vld [tilespmem:$0x142C0];
	_ =	sdelay $0x7  }
0x86: {  	[tilespmem:v1+s31+$0x0] =	vst.idx.add.f32.msk $0xffff, v0  }
0x87: {  	v1 =	vld [tilespmem:$0x142D0];
	_ =	sdelay $0x7  }
0x88: {  	[tilespmem:v1+s31+$0x0] =	vst.idx.add.f32.msk $0xffff, v0  }
0x89: {  	v1 =	vld [tilespmem:$0x142E0];
	_ =	sdelay $0x7  }
0x8a: {  	[tilespmem:v1+s31+$0x0] =	vst.idx.add.f32.msk $0xffff, v0  }
0x8b: {  	v1 =	vld [tilespmem:$0x142F0];
	_ =	sdelay $0x5  }
0x8c: {  	s8 =	sadd.s32 $0xFFFFFE80, s0  }
0x8d: {  	s9 =	sand.u32 $0x7C00, s8  }
0x8e: {  	s8 =	sand.u32 $0x200, s8;
	s9 =	sadd.s32 s7, s9;
	[tilespmem:v1+s31+$0x0] =	vst.idx.add.f32.msk $0xffff, v0  }
0x8f: {  	s8 =	sor.u32 s8, s9;
	_ =	swait.ge [sflag:s30], $0x4000  }
0x90: {  	s8 =	sshrl.u32 s8, $0x3;
	[sflag:s30] =	ssyncset.done $0x0  }
0x91: {  	s14 =	simm.s32 $0x14000;
	s18 =	sadd.s32 s1, s8;
	[sflag:s30] =	ssyncadd.s32 $0xFFFFC000  }
0x92: {  	[tilespmem:s14], [sflag:$0x5] =	stream.linear.gather [hbm4b:s18+s5], $0x80, $0x38;
	[tilespmem:$0x1EC00] =	vst v63  }
0x93: {  	s3 =	simm.s32 $0x7;
	s8 =	sadd.s32 s6, s8  }
0x94: {  	[tilespmem:s17], [sflag:$0x9] =	stream.linear.gather [hbm4b:s8+s5], $0x80, $0x38;
	[tilespmem:$0x1EC00] =	vst v63  }
0x95: {  	_ =	swait.ge [sflag:s3], $0x80  }
0x96: {  	[sflag:s3] =	ssyncset.done $0x0  }
0x97: {  	s20 =	simm.s32 $0xB;
	[sflag:s3] =	ssyncadd.s32 $0xFFFFFF80  }
0x98: {  	s21 =	sadd.s32 $0xFFFFFF00, s0;
	_ =	swait.ge [sflag:s20], $0x80  }
0x99: {  	s22 =	sand.u32 $0x7C00, s21;
	[sflag:s20] =	ssyncset.done $0x0  }
0x9a: {  	s9 =	sadd.s32 s7, s22;
	[sflag:s20] =	ssyncadd.s32 $0xFFFFFF80  }
0x9b: {  	s8 =	sand.u32 $0x280, s21;
	s20 =	simm.s32 $0x14100;
	s3 =	rddreg [dreg:$0x0]  }
0x9c: {  	[tilespmem:s2], [sflag:$0x1] =	stream.indirect.gather [hbm4b:s3+s23], $0x80, s20, s23, $0xb8;
	[tilespmem:$0x1EC00] =	vst v63  }
0x9d: {  	s8 =	sor.u32 s8, s9;
	_ =	swait.ge [sflag:s12], $0x4000  }
0x9e: {  	s8 =	sshrl.u32 s8, $0x3;
	[sflag:s12] =	ssyncset.done $0x0  }
0x9f: {  	s17 =	simm.s32 $0x14080;
	s24 =	sadd.s32 s1, s8;
	[sflag:s12] =	ssyncadd.s32 $0xFFFFC000  }
0xa0: {  	[tilespmem:s17], [sflag:$0x6] =	stream.linear.gather [hbm4b:s24+s5], $0x80, $0x38;
	[tilespmem:$0x1EC00] =	vst v63  }
0xa1: {  	s8 =	sadd.s32 s6, s8  }
0xa2: {  	[tilespmem:s19], [sflag:$0xA] =	stream.linear.gather [hbm4b:s8+s5], $0x80, $0x38;
	[tilespmem:$0x1EC00] =	vst v63  }
0xa3: {  	_ =	swait.ge [sflag:s26], $0x80  }
0xa4: {  	[sflag:s26] =	ssyncset.done $0x0  }
0xa5: {  	s9 =	simm.s32 $0xC;
	[sflag:s26] =	ssyncadd.s32 $0xFFFFFF80  }
0xa6: {  	_ =	swait.ge [sflag:s9], $0x80  }
0xa7: {  	[sflag:s9] =	ssyncset.done $0x0  }
0xa8: {  	s22 =	simm.s32 $0x14180;
	[sflag:s9] =	ssyncadd.s32 $0xFFFFFF80  }
0xa9: {  	[tilespmem:s4], [sflag:$0x2] =	stream.indirect.gather [hbm4b:s3+s23], $0x80, s22, s23, $0xb8;
	[tilespmem:$0x1EC00] =	vst v63  }
0xaa: {  	_ =	swait.ge [sflag:s28], $0x4000  }
0xab: {  	[sflag:s28] =	ssyncset.done $0x0  }
0xac: {  	s21 =	simm.s32 $0x14300;
	[sflag:s28] =	ssyncadd.s32 $0xFFFFC000  }
0xad: {  	[spmem:s15] =	stream.indirect.scatter.add.f32 [tilespmem:s2], [sflag:$0x3], $0x80, s21, s23, $0xb8;
	[tilespmem:$0x1EC00] =	vst v63  }
0xae: {  	v1 =	vld [tilespmem:$0x14300];
	_ =	sdelay $0x7  }
0xaf: {  	[tilespmem:v1+s31+$0x0] =	vst.idx.add.f32.msk $0xffff, v0  }
0xb0: {  	v1 =	vld [tilespmem:$0x14310];
	_ =	sdelay $0x7  }
0xb1: {  	[tilespmem:v1+s31+$0x0] =	vst.idx.add.f32.msk $0xffff, v0  }
0xb2: {  	v1 =	vld [tilespmem:$0x14320];
	_ =	sdelay $0x7  }
0xb3: {  	[tilespmem:v1+s31+$0x0] =	vst.idx.add.f32.msk $0xffff, v0  }
0xb4: {  	v1 =	vld [tilespmem:$0x14330];
	_ =	sdelay $0x7  }
0xb5: {  	[tilespmem:v1+s31+$0x0] =	vst.idx.add.f32.msk $0xffff, v0  }
0xb6: {  	v1 =	vld [tilespmem:$0x14340];
	_ =	sdelay $0x7  }
0xb7: {  	[tilespmem:v1+s31+$0x0] =	vst.idx.add.f32.msk $0xffff, v0  }
0xb8: {  	v1 =	vld [tilespmem:$0x14350];
	_ =	sdelay $0x7  }
0xb9: {  	[tilespmem:v1+s31+$0x0] =	vst.idx.add.f32.msk $0xffff, v0  }
0xba: {  	v1 =	vld [tilespmem:$0x14360];
	_ =	sdelay $0x7  }
0xbb: {  	[tilespmem:v1+s31+$0x0] =	vst.idx.add.f32.msk $0xffff, v0  }
0xbc: {  	v1 =	vld [tilespmem:$0x14370];
	_ =	sdelay $0x7  }
0xbd: {  	[tilespmem:v1+s31+$0x0] =	vst.idx.add.f32.msk $0xffff, v0  }
0xbe: {  	_ =	swait.ge [sflag:s29], $0x4000  }
0xbf: {  	[sflag:s29] =	ssyncset.done $0x0  }
0xc0: {  	s24 =	simm.s32 $0x14380;
	[sflag:s29] =	ssyncadd.s32 $0xFFFFC000  }
0xc1: {  	[spmem:s15] =	stream.indirect.scatter.add.f32 [tilespmem:s4], [sflag:$0x4], $0x80, s24, s23, $0xb8;
	[tilespmem:$0x1EC00] =	vst v63  }
0xc2: {  	v1 =	vld [tilespmem:$0x14380];
	_ =	sdelay $0x7  }
0xc3: {  	[tilespmem:v1+s31+$0x0] =	vst.idx.add.f32.msk $0xffff, v0  }
0xc4: {  	v1 =	vld [tilespmem:$0x14390];
	_ =	sdelay $0x7  }
0xc5: {  	[tilespmem:v1+s31+$0x0] =	vst.idx.add.f32.msk $0xffff, v0  }
0xc6: {  	v1 =	vld [tilespmem:$0x143A0];
	_ =	sdelay $0x7  }
0xc7: {  	[tilespmem:v1+s31+$0x0] =	vst.idx.add.f32.msk $0xffff, v0  }
0xc8: {  	v1 =	vld [tilespmem:$0x143B0];
	_ =	sdelay $0x7  }
0xc9: {  	[tilespmem:v1+s31+$0x0] =	vst.idx.add.f32.msk $0xffff, v0  }
0xca: {  	v1 =	vld [tilespmem:$0x143C0];
	_ =	sdelay $0x7  }
0xcb: {  	[tilespmem:v1+s31+$0x0] =	vst.idx.add.f32.msk $0xffff, v0  }
0xcc: {  	v1 =	vld [tilespmem:$0x143D0];
	_ =	sdelay $0x7  }
0xcd: {  	[tilespmem:v1+s31+$0x0] =	vst.idx.add.f32.msk $0xffff, v0  }
0xce: {  	v1 =	vld [tilespmem:$0x143E0];
	_ =	sdelay $0x7  }
0xcf: {  	[tilespmem:v1+s31+$0x0] =	vst.idx.add.f32.msk $0xffff, v0  }
0xd0: {  	v1 =	vld [tilespmem:$0x143F0];
	_ =	sdelay $0x5  }
0xd1: {  	s8 =	sadd.s32 $0xFFFFFF80, s0  }
0xd2: {  	s19 =	sand.u32 $0x7C00, s8  }
0xd3: {  	s8 =	sand.u32 $0x300, s8;
	s9 =	sadd.s32 s7, s19;
	[tilespmem:v1+s31+$0x0] =	vst.idx.add.f32.msk $0xffff, v0  }
0xd4: {  	s8 =	sor.u32 s8, s9;
	_ =	swait.ge [sflag:s30], $0x4000  }
0xd5: {  	s8 =	sshrl.u32 s8, $0x3;
	[sflag:s30] =	ssyncset.done $0x0  }
0xd6: {  	s9 =	sadd.s32 s1, s8;
	[sflag:s30] =	ssyncadd.s32 $0xFFFFC000  }
0xd7: {  	[tilespmem:s20], [sflag:$0x7] =	stream.linear.gather [hbm4b:s9+s5], $0x80, $0x38;
	[tilespmem:$0x1EC00] =	vst v63  }
0xd8: {  	s8 =	sadd.s32 s6, s8  }
0xd9: {  	[tilespmem:s21], [sflag:$0xB] =	stream.linear.gather [hbm4b:s8+s5], $0x80, $0x38;
	[tilespmem:$0x1EC00] =	vst v63  }
0xda: {  	_ =	swait.ge [sflag:s25], $0x80  }
0xdb: {  	[sflag:s25] =	ssyncset.done $0x0  }
0xdc: {  	[sflag:s25] =	ssyncadd.s32 $0xFFFFFF80  }
0xdd: {  	_ =	swait.ge [sflag:s10], $0x80  }
0xde: {  	[sflag:s10] =	ssyncset.done $0x0  }
0xdf: {  	s21 =	sand.u32 $0x7C00, s0;
	[sflag:s10] =	ssyncadd.s32 $0xFFFFFF80  }
0xe0: {  	[tilespmem:s2], [sflag:$0x1] =	stream.indirect.gather [hbm4b:s3+s23], $0x80, s14, s23, $0xb8;
	[tilespmem:$0x1EC00] =	vst v63  }
0xe1: {  	s8 =	sadd.s32 s7, s21;
	s2 =	sand.u32 $0x380, s0  }
0xe2: {  	_ =	swait.ge [sflag:s12], $0x4000;
	s8 =	sor.u32 s2, s8  }
0xe3: {  	[sflag:s12] =	ssyncset.done $0x0;
	s8 =	sshrl.u32 s8, $0x3  }
0xe4: {  	[sflag:s12] =	ssyncadd.s32 $0xFFFFC000;
	s14 =	sadd.s32 s1, s8  }
0xe5: {  	[tilespmem:s22], [sflag:$0x8] =	stream.linear.gather [hbm4b:s14+s5], $0x80, $0x38;
	[tilespmem:$0x1EC00] =	vst v63  }
0xe6: {  	s8 =	sadd.s32 s6, s8  }
0xe7: {  	[tilespmem:s24], [sflag:$0xC] =	stream.linear.gather [hbm4b:s8+s5], $0x80, $0x38;
	[tilespmem:$0x1EC00] =	vst v63  }
0xe8: {  	_ =	swait.ge [sflag:s11], $0x80  }
0xe9: {  	p0 =	sne.s32 s0, $0x2780;
	[sflag:s11] =	ssyncset.done $0x0  }
.Ltmp0:
0xea: {  	s16 =	simm.s32 $0x14200;
	[sflag:s11] =	ssyncadd.s32 $0xFFFFFF80;
	(pc) =	sbr.rel @p0 .LBB2_2-.Ltmp0, $4  }
0xeb: {  	s18 =	simm.s32 $0x14280;
	s19 =	simm.s32 $0x14100;
	_ =	swait.ge [sflag:s13], $0x80  }
0xec: {  	s20 =	simm.s32 $0x14300;
	s21 =	simm.s32 $0x14180;
	[sflag:s13] =	ssyncset.done $0x0  }
0xed: {  	s0 =	sadd.s32 $0x200, s0;
	s22 =	simm.s32 $0x14380;
	[sflag:s13] =	ssyncadd.s32 $0xFFFFFF80  }
0xee: {  	[tilespmem:s4], [sflag:$0x2] =	stream.indirect.gather [hbm4b:s3+s23], $0x80, s17, s23, $0xb8;
	[tilespmem:$0x1EC00] =	vst v63  }
0xef: {  	_ =	swait.ge [sflag:s28], $0x4000  }
0xf0: {  	[sflag:s28] =	ssyncset.done $0x0  }
0xf1: {  	s4 =	simm.s32 $0x14400;
	[sflag:s28] =	ssyncadd.s32 $0xFFFFC000  }
0xf2: {  	[spmem:s15] =	stream.indirect.scatter.add.f32 [tilespmem:s4], [sflag:$0x3], $0x80, s16, s23, $0xb8;
	[tilespmem:$0x1EC00] =	vst v63  }
0xf3: {  	v1 =	vld [tilespmem:$0x14200];
	_ =	sdelay $0x7  }
0xf4: {  	[tilespmem:v1+s31+$0x0] =	vst.idx.add.f32.msk $0xffff, v0  }
0xf5: {  	v1 =	vld [tilespmem:$0x14210];
	_ =	sdelay $0x7  }
0xf6: {  	[tilespmem:v1+s31+$0x0] =	vst.idx.add.f32.msk $0xffff, v0  }
0xf7: {  	v1 =	vld [tilespmem:$0x14220];
	_ =	sdelay $0x7  }
0xf8: {  	[tilespmem:v1+s31+$0x0] =	vst.idx.add.f32.msk $0xffff, v0  }
0xf9: {  	v1 =	vld [tilespmem:$0x14230];
	_ =	sdelay $0x7  }
0xfa: {  	[tilespmem:v1+s31+$0x0] =	vst.idx.add.f32.msk $0xffff, v0  }
0xfb: {  	v1 =	vld [tilespmem:$0x14240];
	_ =	sdelay $0x7  }
0xfc: {  	[tilespmem:v1+s31+$0x0] =	vst.idx.add.f32.msk $0xffff, v0  }
0xfd: {  	v1 =	vld [tilespmem:$0x14250];
	_ =	sdelay $0x7  }
0xfe: {  	[tilespmem:v1+s31+$0x0] =	vst.idx.add.f32.msk $0xffff, v0  }
0xff: {  	v1 =	vld [tilespmem:$0x14260];
	_ =	sdelay $0x7  }
0x100: {  	[tilespmem:v1+s31+$0x0] =	vst.idx.add.f32.msk $0xffff, v0  }
0x101: {  	v1 =	vld [tilespmem:$0x14270];
	_ =	sdelay $0x7  }
0x102: {  	[tilespmem:v1+s31+$0x0] =	vst.idx.add.f32.msk $0xffff, v0  }
0x103: {  	_ =	swait.ge [sflag:s29], $0x4000  }
0x104: {  	[sflag:s29] =	ssyncset.done $0x0  }
0x105: {  	s3 =	simm.s32 $0x18400;
	[sflag:s29] =	ssyncadd.s32 $0xFFFFC000  }
0x106: {  	[spmem:s15] =	stream.indirect.scatter.add.f32 [tilespmem:s3], [sflag:$0x4], $0x80, s18, s23, $0xb8;
	[tilespmem:$0x1EC00] =	vst v63  }
0x107: {  	v1 =	vld [tilespmem:$0x14280];
	_ =	sdelay $0x7  }
0x108: {  	[tilespmem:v1+s31+$0x0] =	vst.idx.add.f32.msk $0xffff, v0  }
0x109: {  	v1 =	vld [tilespmem:$0x14290];
	_ =	sdelay $0x7  }
0x10a: {  	[tilespmem:v1+s31+$0x0] =	vst.idx.add.f32.msk $0xffff, v0  }
0x10b: {  	v1 =	vld [tilespmem:$0x142A0];
	_ =	sdelay $0x7  }
0x10c: {  	[tilespmem:v1+s31+$0x0] =	vst.idx.add.f32.msk $0xffff, v0  }
0x10d: {  	v1 =	vld [tilespmem:$0x142B0];
	_ =	sdelay $0x7  }
0x10e: {  	[tilespmem:v1+s31+$0x0] =	vst.idx.add.f32.msk $0xffff, v0  }
0x10f: {  	v1 =	vld [tilespmem:$0x142C0];
	_ =	sdelay $0x7  }
0x110: {  	[tilespmem:v1+s31+$0x0] =	vst.idx.add.f32.msk $0xffff, v0  }
0x111: {  	v1 =	vld [tilespmem:$0x142D0];
	_ =	sdelay $0x7  }
0x112: {  	[tilespmem:v1+s31+$0x0] =	vst.idx.add.f32.msk $0xffff, v0  }
0x113: {  	v1 =	vld [tilespmem:$0x142E0];
	_ =	sdelay $0x7  }
0x114: {  	[tilespmem:v1+s31+$0x0] =	vst.idx.add.f32.msk $0xffff, v0  }
0x115: {  	v1 =	vld [tilespmem:$0x142F0];
	_ =	sdelay $0x7  }
0x116: {  	[tilespmem:v1+s31+$0x0] =	vst.idx.add.f32.msk $0xffff, v0  }
0x117: {  	_ =	swait.ge [sflag:s30], $0x4000  }
0x118: {  	[sflag:s30] =	ssyncset.done $0x0  }
0x119: {  	s0 =	simm.s32 $0x7;
	[sflag:s30] =	ssyncadd.s32 $0xFFFFC000  }
0x11a: {  	_ =	swait.ge [sflag:s0], $0x80  }
0x11b: {  	[sflag:s0] =	ssyncset.done $0x0  }
0x11c: {  	s24 =	simm.s32 $0xB;
	[sflag:s0] =	ssyncadd.s32 $0xFFFFFF80  }
0x11d: {  	_ =	swait.ge [sflag:s24], $0x80  }
0x11e: {  	[sflag:s24] =	ssyncset.done $0x0  }
0x11f: {  	[sflag:s24] =	ssyncadd.s32 $0xFFFFFF80  }
0x120: {  	s0 =	rddreg [dreg:$0x0]  }
0x121: {  	[tilespmem:s4], [sflag:$0x1] =	stream.indirect.gather [hbm4b:s0+s23], $0x80, s19, s23, $0xb8;
	[tilespmem:$0x1EC00] =	vst v63  }
0x122: {  	_ =	swait.ge [sflag:s12], $0x4000  }
0x123: {  	[sflag:s12] =	ssyncset.done $0x0  }
0x124: {  	[sflag:s12] =	ssyncadd.s32 $0xFFFFC000  }
0x125: {  	_ =	swait.ge [sflag:s26], $0x80  }
0x126: {  	[sflag:s26] =	ssyncset.done $0x0  }
0x127: {  	s1 =	simm.s32 $0xC;
	[sflag:s26] =	ssyncadd.s32 $0xFFFFFF80  }
0x128: {  	_ =	swait.ge [sflag:s1], $0x80  }
0x129: {  	[sflag:s1] =	ssyncset.done $0x0  }
0x12a: {  	[sflag:s1] =	ssyncadd.s32 $0xFFFFFF80  }
0x12b: {  	[tilespmem:s3], [sflag:$0x2] =	stream.indirect.gather [hbm4b:s0+s23], $0x80, s21, s23, $0xb8;
	[tilespmem:$0x1EC00] =	vst v63  }
0x12c: {  	_ =	swait.ge [sflag:s28], $0x4000  }
0x12d: {  	[sflag:s28] =	ssyncset.done $0x0  }
0x12e: {  	[sflag:s28] =	ssyncadd.s32 $0xFFFFC000  }
0x12f: {  	[spmem:s15] =	stream.indirect.scatter.add.f32 [tilespmem:s4], [sflag:$0x3], $0x80, s20, s23, $0xb8;
	[tilespmem:$0x1EC00] =	vst v63  }
0x130: {  	v1 =	vld [tilespmem:$0x14300];
	_ =	sdelay $0x7  }
0x131: {  	[tilespmem:v1+s31+$0x0] =	vst.idx.add.f32.msk $0xffff, v0  }
0x132: {  	v1 =	vld [tilespmem:$0x14310];
	_ =	sdelay $0x7  }
0x133: {  	[tilespmem:v1+s31+$0x0] =	vst.idx.add.f32.msk $0xffff, v0  }
0x134: {  	v1 =	vld [tilespmem:$0x14320];
	_ =	sdelay $0x7  }
0x135: {  	[tilespmem:v1+s31+$0x0] =	vst.idx.add.f32.msk $0xffff, v0  }
0x136: {  	v1 =	vld [tilespmem:$0x14330];
	_ =	sdelay $0x7  }
0x137: {  	[tilespmem:v1+s31+$0x0] =	vst.idx.add.f32.msk $0xffff, v0  }
0x138: {  	v1 =	vld [tilespmem:$0x14340];
	_ =	sdelay $0x7  }
0x139: {  	[tilespmem:v1+s31+$0x0] =	vst.idx.add.f32.msk $0xffff, v0  }
0x13a: {  	v1 =	vld [tilespmem:$0x14350];
	_ =	sdelay $0x7  }
0x13b: {  	[tilespmem:v1+s31+$0x0] =	vst.idx.add.f32.msk $0xffff, v0  }
0x13c: {  	v1 =	vld [tilespmem:$0x14360];
	_ =	sdelay $0x7  }
0x13d: {  	[tilespmem:v1+s31+$0x0] =	vst.idx.add.f32.msk $0xffff, v0  }
0x13e: {  	v1 =	vld [tilespmem:$0x14370];
	_ =	sdelay $0x7  }
0x13f: {  	[tilespmem:v1+s31+$0x0] =	vst.idx.add.f32.msk $0xffff, v0  }
0x140: {  	_ =	swait.ge [sflag:s29], $0x4000  }
0x141: {  	[sflag:s29] =	ssyncset.done $0x0  }
0x142: {  	[sflag:s29] =	ssyncadd.s32 $0xFFFFC000  }
0x143: {  	[spmem:s15] =	stream.indirect.scatter.add.f32 [tilespmem:s3], [sflag:$0x4], $0x80, s22, s23, $0xb8;
	[tilespmem:$0x1EC00] =	vst v63  }
0x144: {  	v1 =	vld [tilespmem:$0x14380];
	_ =	sdelay $0x7  }
0x145: {  	[tilespmem:v1+s31+$0x0] =	vst.idx.add.f32.msk $0xffff, v0  }
0x146: {  	v1 =	vld [tilespmem:$0x14390];
	_ =	sdelay $0x7  }
0x147: {  	[tilespmem:v1+s31+$0x0] =	vst.idx.add.f32.msk $0xffff, v0  }
0x148: {  	v1 =	vld [tilespmem:$0x143A0];
	_ =	sdelay $0x7  }
0x149: {  	[tilespmem:v1+s31+$0x0] =	vst.idx.add.f32.msk $0xffff, v0  }
0x14a: {  	v1 =	vld [tilespmem:$0x143B0];
	_ =	sdelay $0x7  }
0x14b: {  	[tilespmem:v1+s31+$0x0] =	vst.idx.add.f32.msk $0xffff, v0  }
0x14c: {  	v1 =	vld [tilespmem:$0x143C0];
	_ =	sdelay $0x7  }
0x14d: {  	[tilespmem:v1+s31+$0x0] =	vst.idx.add.f32.msk $0xffff, v0  }
0x14e: {  	v1 =	vld [tilespmem:$0x143D0];
	_ =	sdelay $0x7  }
0x14f: {  	[tilespmem:v1+s31+$0x0] =	vst.idx.add.f32.msk $0xffff, v0  }
0x150: {  	v1 =	vld [tilespmem:$0x143E0];
	_ =	sdelay $0x7  }
0x151: {  	[tilespmem:v1+s31+$0x0] =	vst.idx.add.f32.msk $0xffff, v0  }
0x152: {  	v1 =	vld [tilespmem:$0x143F0];
	_ =	sdelay $0x7  }
0x153: {  	[tilespmem:v1+s31+$0x0] =	vst.idx.add.f32.msk $0xffff, v0  }
0x154: {  	_ =	swait.ge [sflag:s30], $0x4000  }
0x155: {  	[sflag:s30] =	ssyncset.done $0x0  }
0x156: {  	[sflag:s30] =	ssyncadd.s32 $0xFFFFC000  }
0x157: {  	_ =	swait.ge [sflag:s12], $0x4000  }
0x158: {  	[sflag:s12] =	ssyncset.done $0x0  }
0x159: {  	[sflag:s12] =	ssyncadd.s32 $0xFFFFC000  }
0x15a: {  	[bflag:$0x0] =	sbarrier.arrive $0xFFFF  }
0x15b: {  	s8 =	simm.s32 $0xD;
	s1 =	rddreg [dreg:$0x7]  }
0x15c: {  	[tilespmem:s4], [sflag:$0xD] =	stream.linear.gather [spmem:s1], $0x4000, $0x38;
	[tilespmem:$0x1EC00] =	vst v63  }
0x15d: {  	_ =	swait.ge [sflag:s8], $0x4000  }
0x15e: {  	[sflag:s8] =	ssyncset.done $0x0  }
0x15f: {  	s25 =	rddreg [dreg:$0xd];
	[sflag:s8] =	ssyncadd.s32 $0xFFFFC000  }
0x160: {  	[hbm4b:s25+s5] =	stream.linear.scatter [tilespmem:s4], [sflag:$0xD], $0x4000, $0x38;
	[tilespmem:$0x1EC00] =	vst v63  }
0x161: {  	_ =	swait.ge [sflag:s8], $0x4000  }
0x162: {  	[sflag:s8] =	ssyncset.done $0x0  }
0x163: {  	s9 =	rddreg [dreg:$0x8];
	[sflag:s8] =	ssyncadd.s32 $0xFFFFC000  }
0x164: {  	[tilespmem:s4], [sflag:$0xD] =	stream.linear.gather [spmem:s9], $0x4000, $0x38;
	[tilespmem:$0x1EC00] =	vst v63  }
0x165: {  	_ =	swait.ge [sflag:s8], $0x4000  }
0x166: {  	[sflag:s8] =	ssyncset.done $0x0  }
0x167: {  	s26 =	rddreg [dreg:$0xe];
	[sflag:s8] =	ssyncadd.s32 $0xFFFFC000  }
0x168: {  	[hbm4b:s26+s5] =	stream.linear.scatter [tilespmem:s4], [sflag:$0xD], $0x4000, $0x38;
	[tilespmem:$0x1EC00] =	vst v63  }
0x169: {  	_ =	swait.ge [sflag:s8], $0x4000  }
0x16a: {  	[sflag:s8] =	ssyncset.done $0x0  }
0x16b: {  	s25 =	rddreg [dreg:$0x9];
	[sflag:s8] =	ssyncadd.s32 $0xFFFFC000  }
0x16c: {  	[tilespmem:s4], [sflag:$0xD] =	stream.linear.gather [spmem:s25], $0x4000, $0x38;
	[tilespmem:$0x1EC00] =	vst v63  }
0x16d: {  	_ =	swait.ge [sflag:s8], $0x4000  }
0x16e: {  	[sflag:s8] =	ssyncset.done $0x0  }
0x16f: {  	s2 =	rddreg [dreg:$0xf];
	[sflag:s8] =	ssyncadd.s32 $0xFFFFC000  }
0x170: {  	[hbm4b:s2+s5] =	stream.linear.scatter [tilespmem:s4], [sflag:$0xD], $0x4000, $0x38;
	[tilespmem:$0x1EC00] =	vst v63  }
0x171: {  	_ =	swait.ge [sflag:s8], $0x4000  }
0x172: {  	[sflag:s8] =	ssyncset.done $0x0  }
0x173: {  	s26 =	rddreg [dreg:$0xa];
	[sflag:s8] =	ssyncadd.s32 $0xFFFFC000  }
0x174: {  	[tilespmem:s4], [sflag:$0xD] =	stream.linear.gather [spmem:s26], $0x4000, $0x38;
	[tilespmem:$0x1EC00] =	vst v63  }
0x175: {  	_ =	swait.ge [sflag:s8], $0x4000  }
0x176: {  	[sflag:s8] =	ssyncset.done $0x0  }
0x177: {  	s3 =	rddreg [dreg:$0x10];
	[sflag:s8] =	ssyncadd.s32 $0xFFFFC000  }
0x178: {  	[hbm4b:s3+s5] =	stream.linear.scatter [tilespmem:s4], [sflag:$0xD], $0x4000, $0x38;
	[tilespmem:$0x1EC00] =	vst v63  }
0x179: {  	_ =	swait.ge [sflag:s8], $0x4000  }
0x17a: {  	[sflag:s8] =	ssyncset.done $0x0  }
0x17b: {  	s14 =	rddreg [dreg:$0xb];
	[sflag:s8] =	ssyncadd.s32 $0xFFFFC000  }
0x17c: {  	[tilespmem:s4], [sflag:$0xD] =	stream.linear.gather [spmem:s14], $0x4000, $0x38;
	[tilespmem:$0x1EC00] =	vst v63  }
0x17d: {  	_ =	swait.ge [sflag:s8], $0x4000  }
0x17e: {  	[sflag:s8] =	ssyncset.done $0x0  }
0x17f: {  	s10 =	rddreg [dreg:$0x11];
	[sflag:s8] =	ssyncadd.s32 $0xFFFFC000  }
0x180: {  	[hbm4b:s10+s5] =	stream.linear.scatter [tilespmem:s4], [sflag:$0xD], $0x4000, $0x38;
	[tilespmem:$0x1EC00] =	vst v63  }
0x181: {  	_ =	swait.ge [sflag:s8], $0x4000  }
0x182: {  	[sflag:s8] =	ssyncset.done $0x0  }
0x183: {  	s11 =	rddreg [dreg:$0x19];
	[sflag:s8] =	ssyncadd.s32 $0xFFFFC000  }
0x184: {  	[hbm4b:s11+s5] =	stream.linear.scatter [tilespmem:s31], [sflag:$0xD], $0x2800, $0x38;
	[tilespmem:$0x1EC00] =	vst v63  }
0x185: {  	_ =	swait.ge [sflag:s8], $0x2800  }
0x186: {  	s2 =	rddreg [dreg:$0x1b]  }
0x187: {  	s13 =	rddreg [dreg:$0x1a];
	s2 =	sadd.s32 $0x1, s2  }
0x188: {  	p0 =	sne.s32 s2, s13  }
.Ltmp1:
0x189: {  	_ = 	snop;
	(pc) =	sbr.rel @p0 .LBB2_1-.Ltmp1, $4  }
0x18a: {  	_ = 	snop  }
0x18b: {  	s24 =	simm.s32 $0xD;
	s3 =	smov.u32 s15;
	s15 =	smov.u32 s1  }
0x18c: {  	s10 =	simm.s32 $0x9;
	s11 =	simm.s32 $0x6;
	[sflag:s8] =	ssyncset.done $0x0  }
0x18d: {  	[sflag:s24] =	ssyncadd.s32 $0xFFFFD800;
	s24 =	simm.s32 $0x5;
	s13 =	simm.s32 $0xA  }
0x18e: {  	_ =	sfence.sel $0x180000  }
0x18f: {  	[bflag:$0x0] =	sbarrier.arrive $0xFFFF  }
0x190: {  	_ =	strace $0x90000047  }
0x191: {  	s0 =	stileid.u32;
	[bflag:$0x2] =	sbarrier.arrive $0xFFFF  }
0x192: {  	p0 =	sne.s32 s0, $0x0;
	s0 =	rddreg [dreg:$0x4]  }
0x193: {  	s0 =	sadd.s32 @!p0 $0x100000, s0  }
0x194: {  	[sflag:s0] =	ssyncadd.tile.s32 @!p0 $0x1;
	_ =	shalt  }
.Lfunc_end2:
_tile_overlayer_lowered:
.L_overlay_start_2:
0x195: {  	(tag) =	ssettag $0x2  }
0x196: {  	s0 =	rddreg [dreg:$0x0];
	s2 =	stileid.u32  }
0x197: {  	s1 =	rddreg [dreg:$0x1];
	p0 =	sne.s32 s2, $0x0  }
0x198: {  	s3 =	rddreg [dreg:$0x2];
	[bflag:$0x3] =	sbarrier.arrive $0xFFFF;
	s2 =	simm.s32 @!p0 $0x1C0D  }
0x199: {  	[timem:s3], [sflag:s2] =	dma.local @!p0 [hbm:s0], s1  }
0x19a: {  	s0 =	simm.s32 @!p0 $0xD  }
0x19b: {  	_ =	swait.ge @!p0 [sflag:s0], s1  }
0x19c: {  	s1 =	ssub.s32 @!p0 $0x0, s1;
	[sflag:s0] =	ssyncset.done @!p0 $0x0  }
0x19d: {  	[sflag:s0] =	ssyncadd.s32 @!p0 s1  }
0x19e: {  	[bflag:$0x3] =	sbarrier.arrive $0xFFFF  }
0x19f: {  	_ =	shalt  }

</sc_bundles>
